<compile_context>
chip_gen: v7x
topology: tpu7x:2x2x1
jax: 0.10.2.dev20260603
libtpu: 0.0.44.dev20260713+nightly
codegen_flags: <defaults>
</compile_context>

<pallas_src>
import jax
import jax.numpy as jnp
from jax import lax
from jax.experimental import pallas as pl
from jax.experimental.pallas import tpu as pltpu
from jax.experimental.pallas import tpu_sc as plsc

_B = 16
_E = 16
_P = 64 * 64
_L = 16
_NW = 32
_CHUNK = _P * _B // _NW
_HALF = _CHUNK // 2

_C = (
    9.083786833841145e-08,
    0.9999914545717467,
    -0.4998011632037291,
    0.3313340057250358,
    -0.23919071732133312,
    0.1647834972986793,
    -0.0923137686699194,
    0.03441859352056854,
    -0.006074877643740236,
)

import numpy as _np


def _rotl(x, r):
    return ((x << _np.uint32(r)) | (x >> _np.uint32(32 - r))).astype(_np.uint32)


def _threefry2x32(k0, k1, x0, x1):
    rot_a = (13, 15, 26, 6)
    rot_b = (17, 29, 16, 24)
    ks = [k0, k1, _np.uint32(0x1BD11BDA) ^ k0 ^ k1]
    x0 = (x0 + ks[0]).astype(_np.uint32)
    x1 = (x1 + ks[1]).astype(_np.uint32)
    for i in range(5):
        for r in (rot_a if i % 2 == 0 else rot_b):
            x0 = (x0 + x1).astype(_np.uint32)
            x1 = _rotl(x1, r) ^ x0
        x0 = (x0 + ks[(i + 1) % 3]).astype(_np.uint32)
        x1 = (x1 + ks[(i + 2) % 3] + _np.uint32(i + 1)).astype(_np.uint32)
    return x0, x1


def _erfinv_f32(x):
    w = (-_np.log1p((-x * x).astype(_np.float64))).astype(_np.float32)
    wc = (w - _np.float32(2.5)).astype(_np.float32)
    pc = _np.float32(2.81022636e-08)
    for c in (3.43273939e-07, -3.5233877e-06, -4.39150654e-06, 0.00021858087,
              -0.00125372503, -0.00417768164, 0.246640727, 1.50140941):
        pc = (pc * wc + _np.float32(c)).astype(_np.float32)
    wt = (_np.sqrt(_np.maximum(w, _np.float32(5.0))) - _np.float32(3.0)).astype(_np.float32)
    pt = _np.float32(-0.000200214257)
    for c in (0.000100950558, 0.00134934322, -0.00367342844, 0.00573950773,
              -0.0076224613, 0.00943887047, 1.00167406, 2.83297682):
        pt = (pt * wt + _np.float32(c)).astype(_np.float32)
    p = _np.where(w < _np.float32(5.0), pc, pt)
    return (p * x).astype(_np.float32)


def _np_normal(seed, shape):
    n = int(_np.prod(shape))
    b0, b1 = _threefry2x32(_np.uint32(seed >> 32), _np.uint32(seed & 0xFFFFFFFF),
                           _np.zeros(n, dtype=_np.uint32),
                           _np.arange(n, dtype=_np.uint32))
    bits = b0 ^ b1
    f = ((bits >> _np.uint32(9)) | _np.uint32(0x3F800000)).view(_np.float32) \
        - _np.float32(1.0)
    lo = _np.nextafter(_np.float32(-1.0), _np.float32(0.0)).astype(_np.float32)
    hi = _np.float32(1.0)
    u = _np.maximum(lo, (f * (hi - lo) + lo).astype(_np.float32))
    return (_np.float32(_np.sqrt(2.0)) * _erfinv_f32(u)).reshape(shape)


_NOISE_FLAT = _np_normal(42, (_B, _E, _P))


def _softplus(z):
    t = jnp.exp(-jnp.abs(z))
    p = jnp.float32(_C[8])
    for c in _C[7::-1]:
        p = p * t + jnp.float32(c)
    return jnp.maximum(z, jnp.float32(0.0)) + p


def _sc_body(x_hbm, n_hbm, wg_hbm, wn_hbm, out_hbm,
             xbuf, nbuf, obuf, wtab, sx0, sn0, sx1, sn1, so0, so1):
    wid = lax.axis_index("s") * 2 + lax.axis_index("c")
    b = wid // 2
    base = (wid % 2) * _CHUNK

    def in_copy(k, sem_x, sem_n):
        src = pl.ds(base + k * _HALF, _HALF)
        return (pltpu.async_copy(x_hbm.at[b, :, src], xbuf.at[k], sem_x),
                pltpu.async_copy(n_hbm.at[b, :, src], nbuf.at[k], sem_n))

    cx0, cn0 = in_copy(0, sx0, sn0)
    cx1, cn1 = in_copy(1, sx1, sn1)
    pltpu.sync_copy(wg_hbm, wtab.at[0])
    pltpu.sync_copy(wn_hbm, wtab.at[1])

    def compute(k):
        @plsc.parallel_loop(0, _HALF // _L, unroll=2)
        def _(g):
            sl = pl.ds(g * _L, _L)
            hs = []
            m = None
            for e in range(_E):
                xv = xbuf[k, e, sl]
                nv = nbuf[k, e, sl]
                hv = xv * wtab[0, e, :] + nv * _softplus(xv * wtab[1, e, :])
                hs.append(hv)
                m = hv if m is None else jnp.maximum(m, hv)
            denom = jnp.exp(hs[0] - m)
            for e in range(1, _E):
                denom = denom + jnp.exp(hs[e] - m)
            r = jnp.float32(1.0) / denom
            zero = jnp.zeros((_L,), jnp.float32)
            for e in range(_E):
                obuf[k, e, sl] = jnp.where(hs[e] == m, r, zero)

    def out_copy(k, sem):
        dst = pl.ds(base + k * _HALF, _HALF)
        return pltpu.async_copy(obuf.at[k], out_hbm.at[b, :, dst], sem)

    cx0.wait()
    cn0.wait()
    compute(0)
    co0 = out_copy(0, so0)
    cx1.wait()
    cn1.wait()
    compute(1)
    co1 = out_copy(1, so1)
    co0.wait()
    co1.wait()


def kernel(x, wg, wnoise):
    xr = x.reshape(_B, _E, _P)
    wgb = jnp.broadcast_to(wg.reshape(_E, 1), (_E, _L))
    wnb = jnp.broadcast_to(wnoise.reshape(_E, 1), (_E, _L))
    f = pl.kernel(
        _sc_body,
        out_type=jax.ShapeDtypeStruct((_B, _E, _P), jnp.float32),
        mesh=plsc.VectorSubcoreMesh(core_axis_name="c", subcore_axis_name="s"),
        scratch_types=[
            pltpu.VMEM((2, _E, _HALF), jnp.float32),
            pltpu.VMEM((2, _E, _HALF), jnp.float32),
            pltpu.VMEM((2, _E, _HALF), jnp.float32),
            pltpu.VMEM((2, _E, _L), jnp.float32),
            pltpu.SemaphoreType.DMA,
            pltpu.SemaphoreType.DMA,
            pltpu.SemaphoreType.DMA,
            pltpu.SemaphoreType.DMA,
            pltpu.SemaphoreType.DMA,
            pltpu.SemaphoreType.DMA,
        ],
    )
    return f(xr, _NOISE_FLAT, wgb, wnb).reshape(x.shape)

# --- scband reference (transcript-rebuilt; emitter-appended) ---
"""Pipeline reference for scband-mixture-of-experts2d-router-15599321219671 (READ-ONLY COPY).

The authoritative reference and input builder live on the scoring server;
editing this copy changes nothing except your own understanding.
"""

import jax, jax.numpy as jnp
import numpy as np

NUM_EXPERTS = 16

def setup_inputs(seed: int = 0) -> dict:
    key = jax.random.key(seed)
    k1, k2, k3 = jax.random.split(key, 3)
    x = jax.random.normal(k1, (16, NUM_EXPERTS, 64, 64), dtype=jnp.float32)
    # learned parameters (nn.Parameter in torch; init to small random instead of zeros
    # so softplus/erf branches are exercised non-trivially)
    wg = jax.random.normal(k2, (1, NUM_EXPERTS, 1, 1), dtype=jnp.float32) * 0.1
    wnoise = jax.random.normal(k3, (1, NUM_EXPERTS, 1, 1), dtype=jnp.float32) * 0.1
    return {"x": x, "wg": wg, "wnoise": wnoise}

def _route_top1(s):
    # RouteTop1.apply: hard top-1 over expert dim (dim=1), keeping the softmax value
    # at the argmax position; straight-through masked gradient (mask is constant).
    mask = (s == jnp.max(s, axis=1, keepdims=True)).astype(s.dtype)
    return s * jax.lax.stop_gradient(mask)

def reference(x, wg, wnoise):
    E = NUM_EXPERTS
    # randn_like noise: fixed key for determinism, constant w.r.t. params
    noise = jax.random.normal(jax.random.key(42), x.shape, dtype=x.dtype)
    wg_x = x * wg
    wn = jax.nn.softplus(x * wnoise)
    H = wg_x + noise * wn
    # load-loss side computation (stored as attribute in torch forward, not returned)
    eye = jnp.eye(E, dtype=x.dtype).reshape(1, E, E, 1, 1)
    mask = jnp.abs(1.0 - eye)
    b, c, h, w = H.shape
    ninf = jnp.where(eye == 1, -jnp.inf, 0.0).astype(x.dtype)
    H_masked = H.reshape(b, c, 1, h, w) * mask + ninf
    max_excluding = jnp.max(H_masked, axis=2)
    load_loss = jax.scipy.special.erf((wg_x - max_excluding) / wn)
    _ = load_loss  # side effect in torch (self.load_loss); not part of forward output
    G = _route_top1(jax.nn.softmax(H, axis=1))
    return G

if __name__ == "__main__":
    import jax
    _d = setup_inputs()
    print(jax.jit(kernel)(*tuple(_d.values())))

</pallas_src>

<mosaic_0001>
#map = affine_map<(d0, d1) -> (0, 0, 0)>
#map1 = affine_map<(d0, d1) -> (0, 0)>
module attributes {stable_mosaic.version = 14 : i64} {
  func.func @_sc_body(%arg0: i32, %arg1: i32, %arg2: memref<16x16x4096xf32, #tpu.memory_space<hbm>>, %arg3: memref<16x16x4096xf32, #tpu.memory_space<hbm>>, %arg4: memref<16x16xf32, #tpu.memory_space<hbm>>, %arg5: memref<16x16xf32, #tpu.memory_space<hbm>>, %arg6: memref<16x16x4096xf32, #tpu.memory_space<hbm>>, %arg7: memref<2x16x1024xf32, #tpu.memory_space<vmem>>, %arg8: memref<2x16x1024xf32, #tpu.memory_space<vmem>>, %arg9: memref<2x16x1024xf32, #tpu.memory_space<vmem>>, %arg10: memref<2x16x16xf32, #tpu.memory_space<vmem>>, %arg11: memref<!tpu.dma_semaphore, #tpu.memory_space<semaphore_mem>>, %arg12: memref<!tpu.dma_semaphore, #tpu.memory_space<semaphore_mem>>, %arg13: memref<!tpu.dma_semaphore, #tpu.memory_space<semaphore_mem>>, %arg14: memref<!tpu.dma_semaphore, #tpu.memory_space<semaphore_mem>>, %arg15: memref<!tpu.dma_semaphore, #tpu.memory_space<semaphore_mem>>, %arg16: memref<!tpu.dma_semaphore, #tpu.memory_space<semaphore_mem>>) attributes {dimension_semantics = [#tpu.dimension_semantics<core_parallel>, #tpu.dimension_semantics<subcore_parallel>], iteration_bounds = array<i64: 2, 16>, scalar_prefetch = 0 : i64, scratch_operands = 10 : i64, tpu.core_type = #tpu.core_type<sc_vector_subcore>, window_params = [{transform_indices = #map}, {transform_indices = #map}, {transform_indices = #map1}, {transform_indices = #map1}, {transform_indices = #map}]} {
    %mul3A = arith.constant 2 : i32
    %mul3A_0 = arith.muli %arg1, %mul3A : i32
    %add3A = arith.addi %mul3A_0, %arg0 : i32
    %jit3A = arith.constant 2 : i32
    %div3A = arith.divsi %add3A, %jit3A : i32
    %sign3A = arith.constant 0 : i32
    %sign3A_1 = arith.cmpi sgt, %add3A, %sign3A : i32
    %sign3A_2 = arith.extui %sign3A_1 : i1 to i32
    %sign3A_3 = arith.constant 0 : i32
    %sign3A_4 = arith.cmpi slt, %add3A, %sign3A_3 : i32
    %sign3A_5 = arith.extui %sign3A_4 : i1 to i32
    %sign3A_6 = arith.subi %sign3A_2, %sign3A_5 : i32
    %sign3A_7 = arith.constant 0 : i32
    %sign3A_8 = arith.cmpi sgt, %jit3A, %sign3A_7 : i32
    %sign3A_9 = arith.extui %sign3A_8 : i1 to i32
    %sign3A_10 = arith.constant 0 : i32
    %sign3A_11 = arith.cmpi slt, %jit3A, %sign3A_10 : i32
    %sign3A_12 = arith.extui %sign3A_11 : i1 to i32
    %sign3A_13 = arith.subi %sign3A_9, %sign3A_12 : i32
    %ne3A = arith.cmpi ne, %sign3A_6, %sign3A_13 : i32
    %rem3A = arith.remsi %add3A, %jit3A : i32
    %ne3A_14 = arith.constant 0 : i32
    %ne3A_15 = arith.cmpi ne, %rem3A, %ne3A_14 : i32
    %and3A = arith.andi %ne3A, %ne3A_15 : i1
    %sub3A = arith.constant 1 : i32
    %sub3A_16 = arith.subi %div3A, %sub3A : i32
    %select_n3A = arith.select %and3A, %sub3A_16, %div3A : i32
    %jit3A_17 = arith.constant 2 : i32
    %eq3A = arith.constant 0 : i32
    %eq3A_18 = arith.cmpi eq, %jit3A_17, %eq3A : i32
    %jit3A_19 = arith.constant 1 : i32
    %select_n3A_20 = arith.select %eq3A_18, %jit3A_19, %jit3A_17 : i32
    %rem3A_21 = arith.remsi %add3A, %select_n3A_20 : i32
    %ne3A_22 = arith.constant 0 : i32
    %ne3A_23 = arith.cmpi ne, %rem3A_21, %ne3A_22 : i32
    %lt3A = arith.constant 0 : i32
    %lt3A_24 = arith.cmpi slt, %rem3A_21, %lt3A : i32
    %lt3A_25 = arith.constant 0 : i32
    %lt3A_26 = arith.cmpi slt, %select_n3A_20, %lt3A_25 : i32
    %ne3A_27 = arith.xori %lt3A_24, %lt3A_26 : i1
    %and3A_28 = arith.andi %ne3A_27, %ne3A_23 : i1
    %add3A_29 = arith.addi %rem3A_21, %select_n3A_20 : i32
    %select_n3A_30 = arith.select %and3A_28, %add3A_29, %rem3A_21 : i32
    %mul3A_31 = arith.constant 2048 : i32
    %mul3A_32 = arith.muli %select_n3A_30, %mul3A_31 : i32
    %add3A_33 = arith.constant 0 : i32
    %add3A_34 = arith.addi %mul3A_32, %add3A_33 : i32
    %dma_start3A = arith.constant 0 : i32
    %dma_start3A_35 = arith.constant 0 : i32
    %dma_start3A_36 = arith.constant 0 : i32
    %dma_start3A_37 = tpu.memref_slice %arg7[%dma_start3A, %dma_start3A_35, %dma_start3A_36] : memref<2x16x1024xf32, #tpu.memory_space<vmem>> -> memref<1x16x1024xf32, #tpu.memory_space<vmem>>
    %dma_start3A_38 = tpu.memref_squeeze %dma_start3A_37 : memref<1x16x1024xf32, #tpu.memory_space<vmem>> -> memref<16x1024xf32, #tpu.memory_space<vmem>>
    %dma_start3A_39 = arith.constant 0 : i32
    %dma_start3A_40 = tpu.memref_slice %arg2[%select_n3A, %dma_start3A_39, %add3A_34] : memref<16x16x4096xf32, #tpu.memory_space<hbm>> -> memref<1x16x1024xf32, #tpu.memory_space<hbm>>
    %dma_start3A_41 = tpu.memref_squeeze %dma_start3A_40 : memref<1x16x1024xf32, #tpu.memory_space<hbm>> -> memref<16x1024xf32, #tpu.memory_space<hbm>>
    %dma_start3A_42 = arith.constant 0 : i32
    %dma_start3A_43 = arith.constant 0 : i32
    %dma_start3A_44 = tpu.memref_slice %arg7[%dma_start3A, %dma_start3A_42, %dma_start3A_43] : memref<2x16x1024xf32, #tpu.memory_space<vmem>> -> memref<1x16x1024xf32, #tpu.memory_space<vmem>>
    %dma_start3A_45 = tpu.memref_squeeze %dma_start3A_44 : memref<1x16x1024xf32, #tpu.memory_space<vmem>> -> memref<16x1024xf32, #tpu.memory_space<vmem>>
    %dma_start3A_46 = arith.constant 0 : i32
    %dma_start3A_47 = tpu.memref_slice %arg2[%select_n3A, %dma_start3A_46, %add3A_34] : memref<16x16x4096xf32, #tpu.memory_space<hbm>> -> memref<1x16x1024xf32, #tpu.memory_space<hbm>>
    %dma_start3A_48 = tpu.memref_squeeze %dma_start3A_47 : memref<1x16x1024xf32, #tpu.memory_space<hbm>> -> memref<16x1024xf32, #tpu.memory_space<hbm>>
    tpu.enqueue_dma source(%dma_start3A_48 : memref<16x1024xf32, #tpu.memory_space<hbm>>) target(%dma_start3A_45 : memref<16x1024xf32, #tpu.memory_space<vmem>>) target_semaphore(%arg11 : memref<!tpu.dma_semaphore, #tpu.memory_space<semaphore_mem>>)
    %dma_start3A_49 = arith.constant 0 : i32
    %dma_start3A_50 = arith.constant 0 : i32
    %dma_start3A_51 = arith.constant 0 : i32
    %dma_start3A_52 = tpu.memref_slice %arg8[%dma_start3A_49, %dma_start3A_50, %dma_start3A_51] : memref<2x16x1024xf32, #tpu.memory_space<vmem>> -> memref<1x16x1024xf32, #tpu.memory_space<vmem>>
    %dma_start3A_53 = tpu.memref_squeeze %dma_start3A_52 : memref<1x16x1024xf32, #tpu.memory_space<vmem>> -> memref<16x1024xf32, #tpu.memory_space<vmem>>
    %dma_start3A_54 = arith.constant 0 : i32
    %dma_start3A_55 = tpu.memref_slice %arg3[%select_n3A, %dma_start3A_54, %add3A_34] : memref<16x16x4096xf32, #tpu.memory_space<hbm>> -> memref<1x16x1024xf32, #tpu.memory_space<hbm>>
    %dma_start3A_56 = tpu.memref_squeeze %dma_start3A_55 : memref<1x16x1024xf32, #tpu.memory_space<hbm>> -> memref<16x1024xf32, #tpu.memory_space<hbm>>
    %dma_start3A_57 = arith.constant 0 : i32
    %dma_start3A_58 = arith.constant 0 : i32
    %dma_start3A_59 = tpu.memref_slice %arg8[%dma_start3A_49, %dma_start3A_57, %dma_start3A_58] : memref<2x16x1024xf32, #tpu.memory_space<vmem>> -> memref<1x16x1024xf32, #tpu.memory_space<vmem>>
    %dma_start3A_60 = tpu.memref_squeeze %dma_start3A_59 : memref<1x16x1024xf32, #tpu.memory_space<vmem>> -> memref<16x1024xf32, #tpu.memory_space<vmem>>
    %dma_start3A_61 = arith.constant 0 : i32
    %dma_start3A_62 = tpu.memref_slice %arg3[%select_n3A, %dma_start3A_61, %add3A_34] : memref<16x16x4096xf32, #tpu.memory_space<hbm>> -> memref<1x16x1024xf32, #tpu.memory_space<hbm>>
    %dma_start3A_63 = tpu.memref_squeeze %dma_start3A_62 : memref<1x16x1024xf32, #tpu.memory_space<hbm>> -> memref<16x1024xf32, #tpu.memory_space<hbm>>
    tpu.enqueue_dma source(%dma_start3A_63 : memref<16x1024xf32, #tpu.memory_space<hbm>>) target(%dma_start3A_60 : memref<16x1024xf32, #tpu.memory_space<vmem>>) target_semaphore(%arg12 : memref<!tpu.dma_semaphore, #tpu.memory_space<semaphore_mem>>)
    %add3A_64 = arith.constant 1024 : i32
    %add3A_65 = arith.addi %mul3A_32, %add3A_64 : i32
    %dma_start3A_66 = arith.constant 1 : i32
    %dma_start3A_67 = arith.constant 0 : i32
    %dma_start3A_68 = arith.constant 0 : i32
    %dma_start3A_69 = tpu.memref_slice %arg7[%dma_start3A_66, %dma_start3A_67, %dma_start3A_68] : memref<2x16x1024xf32, #tpu.memory_space<vmem>> -> memref<1x16x1024xf32, #tpu.memory_space<vmem>>
    %dma_start3A_70 = tpu.memref_squeeze %dma_start3A_69 : memref<1x16x1024xf32, #tpu.memory_space<vmem>> -> memref<16x1024xf32, #tpu.memory_space<vmem>>
    %dma_start3A_71 = arith.constant 0 : i32
    %dma_start3A_72 = tpu.memref_slice %arg2[%select_n3A, %dma_start3A_71, %add3A_65] : memref<16x16x4096xf32, #tpu.memory_space<hbm>> -> memref<1x16x1024xf32, #tpu.memory_space<hbm>>
    %dma_start3A_73 = tpu.memref_squeeze %dma_start3A_72 : memref<1x16x1024xf32, #tpu.memory_space<hbm>> -> memref<16x1024xf32, #tpu.memory_space<hbm>>
    %dma_start3A_74 = arith.constant 0 : i32
    %dma_start3A_75 = arith.constant 0 : i32
    %dma_start3A_76 = tpu.memref_slice %arg7[%dma_start3A_66, %dma_start3A_74, %dma_start3A_75] : memref<2x16x1024xf32, #tpu.memory_space<vmem>> -> memref<1x16x1024xf32, #tpu.memory_space<vmem>>
    %dma_start3A_77 = tpu.memref_squeeze %dma_start3A_76 : memref<1x16x1024xf32, #tpu.memory_space<vmem>> -> memref<16x1024xf32, #tpu.memory_space<vmem>>
    %dma_start3A_78 = arith.constant 0 : i32
    %dma_start3A_79 = tpu.memref_slice %arg2[%select_n3A, %dma_start3A_78, %add3A_65] : memref<16x16x4096xf32, #tpu.memory_space<hbm>> -> memref<1x16x1024xf32, #tpu.memory_space<hbm>>
    %dma_start3A_80 = tpu.memref_squeeze %dma_start3A_79 : memref<1x16x1024xf32, #tpu.memory_space<hbm>> -> memref<16x1024xf32, #tpu.memory_space<hbm>>
    tpu.enqueue_dma source(%dma_start3A_80 : memref<16x1024xf32, #tpu.memory_space<hbm>>) target(%dma_start3A_77 : memref<16x1024xf32, #tpu.memory_space<vmem>>) target_semaphore(%arg13 : memref<!tpu.dma_semaphore, #tpu.memory_space<semaphore_mem>>)
    %dma_start3A_81 = arith.constant 1 : i32
    %dma_start3A_82 = arith.constant 0 : i32
    %dma_start3A_83 = arith.constant 0 : i32
    %dma_start3A_84 = tpu.memref_slice %arg8[%dma_start3A_81, %dma_start3A_82, %dma_start3A_83] : memref<2x16x1024xf32, #tpu.memory_space<vmem>> -> memref<1x16x1024xf32, #tpu.memory_space<vmem>>
    %dma_start3A_85 = tpu.memref_squeeze %dma_start3A_84 : memref<1x16x1024xf32, #tpu.memory_space<vmem>> -> memref<16x1024xf32, #tpu.memory_space<vmem>>
    %dma_start3A_86 = arith.constant 0 : i32
    %dma_start3A_87 = tpu.memref_slice %arg3[%select_n3A, %dma_start3A_86, %add3A_65] : memref<16x16x4096xf32, #tpu.memory_space<hbm>> -> memref<1x16x1024xf32, #tpu.memory_space<hbm>>
    %dma_start3A_88 = tpu.memref_squeeze %dma_start3A_87 : memref<1x16x1024xf32, #tpu.memory_space<hbm>> -> memref<16x1024xf32, #tpu.memory_space<hbm>>
    %dma_start3A_89 = arith.constant 0 : i32
    %dma_start3A_90 = arith.constant 0 : i32
    %dma_start3A_91 = tpu.memref_slice %arg8[%dma_start3A_81, %dma_start3A_89, %dma_start3A_90] : memref<2x16x1024xf32, #tpu.memory_space<vmem>> -> memref<1x16x1024xf32, #tpu.memory_space<vmem>>
    %dma_start3A_92 = tpu.memref_squeeze %dma_start3A_91 : memref<1x16x1024xf32, #tpu.memory_space<vmem>> -> memref<16x1024xf32, #tpu.memory_space<vmem>>
    %dma_start3A_93 = arith.constant 0 : i32
    %dma_start3A_94 = tpu.memref_slice %arg3[%select_n3A, %dma_start3A_93, %add3A_65] : memref<16x16x4096xf32, #tpu.memory_space<hbm>> -> memref<1x16x1024xf32, #tpu.memory_space<hbm>>
    %dma_start3A_95 = tpu.memref_squeeze %dma_start3A_94 : memref<1x16x1024xf32, #tpu.memory_space<hbm>> -> memref<16x1024xf32, #tpu.memory_space<hbm>>
    tpu.enqueue_dma source(%dma_start3A_95 : memref<16x1024xf32, #tpu.memory_space<hbm>>) target(%dma_start3A_92 : memref<16x1024xf32, #tpu.memory_space<vmem>>) target_semaphore(%arg14 : memref<!tpu.dma_semaphore, #tpu.memory_space<semaphore_mem>>)
    %run_scoped3A = arith.constant 0 : i32
    "tpu.region"() ({
      %run_scoped3A_225 = tpu.sem_alloc : memref<!tpu.dma_semaphore, #tpu.memory_space<semaphore_mem>>
      %dma_start3A_226 = arith.constant 0 : i32
      %dma_start3A_227 = arith.constant 0 : i32
      %dma_start3A_228 = tpu.memref_slice %arg10[%run_scoped3A, %dma_start3A_226, %dma_start3A_227] : memref<2x16x16xf32, #tpu.memory_space<vmem>> -> memref<1x16x16xf32, #tpu.memory_space<vmem>>
      %dma_start3A_229 = tpu.memref_squeeze %dma_start3A_228 : memref<1x16x16xf32, #tpu.memory_space<vmem>> -> memref<16x16xf32, #tpu.memory_space<vmem>>
      %dma_start3A_230 = arith.constant 0 : i32
      %dma_start3A_231 = arith.constant 0 : i32
      %dma_start3A_232 = tpu.memref_slice %arg10[%run_scoped3A, %dma_start3A_230, %dma_start3A_231] : memref<2x16x16xf32, #tpu.memory_space<vmem>> -> memref<1x16x16xf32, #tpu.memory_space<vmem>>
      %dma_start3A_233 = tpu.memref_squeeze %dma_start3A_232 : memref<1x16x16xf32, #tpu.memory_space<vmem>> -> memref<16x16xf32, #tpu.memory_space<vmem>>
      tpu.enqueue_dma source(%arg4 : memref<16x16xf32, #tpu.memory_space<hbm>>) target(%dma_start3A_233 : memref<16x16xf32, #tpu.memory_space<vmem>>) target_semaphore(%run_scoped3A_225 : memref<!tpu.dma_semaphore, #tpu.memory_space<semaphore_mem>>)
      %dma_wait3A_234 = arith.constant 0 : i32
      %dma_wait3A_235 = arith.constant 0 : i32
      %dma_wait3A_236 = tpu.memref_slice %arg10[%run_scoped3A, %dma_wait3A_234, %dma_wait3A_235] : memref<2x16x16xf32, #tpu.memory_space<vmem>> -> memref<1x16x16xf32, #tpu.memory_space<vmem>>
      %dma_wait3A_237 = tpu.memref_squeeze %dma_wait3A_236 : memref<1x16x16xf32, #tpu.memory_space<vmem>> -> memref<16x16xf32, #tpu.memory_space<vmem>>
      %dma_wait3A_238 = arith.constant 0 : i32
      %dma_wait3A_239 = arith.constant 0 : i32
      %dma_wait3A_240 = tpu.memref_slice %arg10[%run_scoped3A, %dma_wait3A_238, %dma_wait3A_239] : memref<2x16x16xf32, #tpu.memory_space<vmem>> -> memref<1x16x16xf32, #tpu.memory_space<vmem>>
      %dma_wait3A_241 = tpu.memref_squeeze %dma_wait3A_240 : memref<1x16x16xf32, #tpu.memory_space<vmem>> -> memref<16x16xf32, #tpu.memory_space<vmem>>
      tpu.wait_dma2 semaphore(%run_scoped3A_225 : memref<!tpu.dma_semaphore, #tpu.memory_space<semaphore_mem>>) src(%arg4 : memref<16x16xf32, #tpu.memory_space<hbm>>) dst(%dma_wait3A_241 : memref<16x16xf32, #tpu.memory_space<vmem>>)
      tpu.yield
    }) : () -> ()
    %run_scoped3A_96 = arith.constant 1 : i32
    "tpu.region"() ({
      %run_scoped3A_225 = tpu.sem_alloc : memref<!tpu.dma_semaphore, #tpu.memory_space<semaphore_mem>>
      %dma_start3A_226 = arith.constant 0 : i32
      %dma_start3A_227 = arith.constant 0 : i32
      %dma_start3A_228 = tpu.memref_slice %arg10[%run_scoped3A_96, %dma_start3A_226, %dma_start3A_227] : memref<2x16x16xf32, #tpu.memory_space<vmem>> -> memref<1x16x16xf32, #tpu.memory_space<vmem>>
      %dma_start3A_229 = tpu.memref_squeeze %dma_start3A_228 : memref<1x16x16xf32, #tpu.memory_space<vmem>> -> memref<16x16xf32, #tpu.memory_space<vmem>>
      %dma_start3A_230 = arith.constant 0 : i32
      %dma_start3A_231 = arith.constant 0 : i32
      %dma_start3A_232 = tpu.memref_slice %arg10[%run_scoped3A_96, %dma_start3A_230, %dma_start3A_231] : memref<2x16x16xf32, #tpu.memory_space<vmem>> -> memref<1x16x16xf32, #tpu.memory_space<vmem>>
      %dma_start3A_233 = tpu.memref_squeeze %dma_start3A_232 : memref<1x16x16xf32, #tpu.memory_space<vmem>> -> memref<16x16xf32, #tpu.memory_space<vmem>>
      tpu.enqueue_dma source(%arg5 : memref<16x16xf32, #tpu.memory_space<hbm>>) target(%dma_start3A_233 : memref<16x16xf32, #tpu.memory_space<vmem>>) target_semaphore(%run_scoped3A_225 : memref<!tpu.dma_semaphore, #tpu.memory_space<semaphore_mem>>)
      %dma_wait3A_234 = arith.constant 0 : i32
      %dma_wait3A_235 = arith.constant 0 : i32
      %dma_wait3A_236 = tpu.memref_slice %arg10[%run_scoped3A_96, %dma_wait3A_234, %dma_wait3A_235] : memref<2x16x16xf32, #tpu.memory_space<vmem>> -> memref<1x16x16xf32, #tpu.memory_space<vmem>>
      %dma_wait3A_237 = tpu.memref_squeeze %dma_wait3A_236 : memref<1x16x16xf32, #tpu.memory_space<vmem>> -> memref<16x16xf32, #tpu.memory_space<vmem>>
      %dma_wait3A_238 = arith.constant 0 : i32
      %dma_wait3A_239 = arith.constant 0 : i32
      %dma_wait3A_240 = tpu.memref_slice %arg10[%run_scoped3A_96, %dma_wait3A_238, %dma_wait3A_239] : memref<2x16x16xf32, #tpu.memory_space<vmem>> -> memref<1x16x16xf32, #tpu.memory_space<vmem>>
      %dma_wait3A_241 = tpu.memref_squeeze %dma_wait3A_240 : memref<1x16x16xf32, #tpu.memory_space<vmem>> -> memref<16x16xf32, #tpu.memory_space<vmem>>
      tpu.wait_dma2 semaphore(%run_scoped3A_225 : memref<!tpu.dma_semaphore, #tpu.memory_space<semaphore_mem>>) src(%arg5 : memref<16x16xf32, #tpu.memory_space<hbm>>) dst(%dma_wait3A_241 : memref<16x16xf32, #tpu.memory_space<vmem>>)
      tpu.yield
    }) : () -> ()
    %dma_wait3A = arith.constant 0 : i32
    %dma_wait3A_97 = arith.constant 0 : i32
    %dma_wait3A_98 = arith.constant 0 : i32
    %dma_wait3A_99 = tpu.memref_slice %arg7[%dma_wait3A, %dma_wait3A_97, %dma_wait3A_98] : memref<2x16x1024xf32, #tpu.memory_space<vmem>> -> memref<1x16x1024xf32, #tpu.memory_space<vmem>>
    %dma_wait3A_100 = tpu.memref_squeeze %dma_wait3A_99 : memref<1x16x1024xf32, #tpu.memory_space<vmem>> -> memref<16x1024xf32, #tpu.memory_space<vmem>>
    %dma_wait3A_101 = arith.constant 0 : i32
    %dma_wait3A_102 = tpu.memref_slice %arg2[%select_n3A, %dma_wait3A_101, %add3A_34] : memref<16x16x4096xf32, #tpu.memory_space<hbm>> -> memref<1x16x1024xf32, #tpu.memory_space<hbm>>
    %dma_wait3A_103 = tpu.memref_squeeze %dma_wait3A_102 : memref<1x16x1024xf32, #tpu.memory_space<hbm>> -> memref<16x1024xf32, #tpu.memory_space<hbm>>
    %dma_wait3A_104 = arith.constant 0 : i32
    %dma_wait3A_105 = arith.constant 0 : i32
    %dma_wait3A_106 = tpu.memref_slice %arg7[%dma_wait3A, %dma_wait3A_104, %dma_wait3A_105] : memref<2x16x1024xf32, #tpu.memory_space<vmem>> -> memref<1x16x1024xf32, #tpu.memory_space<vmem>>
    %dma_wait3A_107 = tpu.memref_squeeze %dma_wait3A_106 : memref<1x16x1024xf32, #tpu.memory_space<vmem>> -> memref<16x1024xf32, #tpu.memory_space<vmem>>
    %dma_wait3A_108 = arith.constant 0 : i32
    %dma_wait3A_109 = tpu.memref_slice %arg2[%select_n3A, %dma_wait3A_108, %add3A_34] : memref<16x16x4096xf32, #tpu.memory_space<hbm>> -> memref<1x16x1024xf32, #tpu.memory_space<hbm>>
    %dma_wait3A_110 = tpu.memref_squeeze %dma_wait3A_109 : memref<1x16x1024xf32, #tpu.memory_space<hbm>> -> memref<16x1024xf32, #tpu.memory_space<hbm>>
    tpu.wait_dma2 semaphore(%arg11 : memref<!tpu.dma_semaphore, #tpu.memory_space<semaphore_mem>>) src(%dma_wait3A_110 : memref<16x1024xf32, #tpu.memory_space<hbm>>) dst(%dma_wait3A_107 : memref<16x1024xf32, #tpu.memory_space<vmem>>)
    %dma_wait3A_111 = arith.constant 0 : i32
    %dma_wait3A_112 = arith.constant 0 : i32
    %dma_wait3A_113 = arith.constant 0 : i32
    %dma_wait3A_114 = tpu.memref_slice %arg8[%dma_wait3A_111, %dma_wait3A_112, %dma_wait3A_113] : memref<2x16x1024xf32, #tpu.memory_space<vmem>> -> memref<1x16x1024xf32, #tpu.memory_space<vmem>>
    %dma_wait3A_115 = tpu.memref_squeeze %dma_wait3A_114 : memref<1x16x1024xf32, #tpu.memory_space<vmem>> -> memref<16x1024xf32, #tpu.memory_space<vmem>>
    %dma_wait3A_116 = arith.constant 0 : i32
    %dma_wait3A_117 = tpu.memref_slice %arg3[%select_n3A, %dma_wait3A_116, %add3A_34] : memref<16x16x4096xf32, #tpu.memory_space<hbm>> -> memref<1x16x1024xf32, #tpu.memory_space<hbm>>
    %dma_wait3A_118 = tpu.memref_squeeze %dma_wait3A_117 : memref<1x16x1024xf32, #tpu.memory_space<hbm>> -> memref<16x1024xf32, #tpu.memory_space<hbm>>
    %dma_wait3A_119 = arith.constant 0 : i32
    %dma_wait3A_120 = arith.constant 0 : i32
    %dma_wait3A_121 = tpu.memref_slice %arg8[%dma_wait3A_111, %dma_wait3A_119, %dma_wait3A_120] : memref<2x16x1024xf32, #tpu.memory_space<vmem>> -> memref<1x16x1024xf32, #tpu.memory_space<vmem>>
    %dma_wait3A_122 = tpu.memref_squeeze %dma_wait3A_121 : memref<1x16x1024xf32, #tpu.memory_space<vmem>> -> memref<16x1024xf32, #tpu.memory_space<vmem>>
    %dma_wait3A_123 = arith.constant 0 : i32
    %dma_wait3A_124 = tpu.memref_slice %arg3[%select_n3A, %dma_wait3A_123, %add3A_34] : memref<16x16x4096xf32, #tpu.memory_space<hbm>> -> memref<1x16x1024xf32, #tpu.memory_space<hbm>>
    %dma_wait3A_125 = tpu.memref_squeeze %dma_wait3A_124 : memref<1x16x1024xf32, #tpu.memory_space<hbm>> -> memref<16x1024xf32, #tpu.memory_space<hbm>>
    tpu.wait_dma2 semaphore(%arg12 : memref<!tpu.dma_semaphore, #tpu.memory_space<semaphore_mem>>) src(%dma_wait3A_125 : memref<16x1024xf32, #tpu.memory_space<hbm>>) dst(%dma_wait3A_122 : memref<16x1024xf32, #tpu.memory_space<vmem>>)
    %parallel_loop3A = arith.constant 0 : i32
    %parallel_loop3A_126 = arith.constant 64 : i32
    %parallel_loop3A_127 = arith.constant 1 : i32
    scf.for %parallel_loop3A_225 = %parallel_loop3A to %parallel_loop3A_126 step %parallel_loop3A_127  : i32 {
      %parallel_loop3A_226 = arith.constant 16 : i32
      %parallel_loop3A_227 = arith.muli %parallel_loop3A_225, %parallel_loop3A_226 : i32
      %parallel_loop3A_228 = arith.constant 0 : i32
      %parallel_loop3A_229 = arith.constant 0 : i32
      %parallel_loop3A_230 = arith.index_cast %parallel_loop3A_228 : i32 to index
      %parallel_loop3A_231 = arith.index_cast %parallel_loop3A_229 : i32 to index
      %parallel_loop3A_232 = arith.index_cast %parallel_loop3A_227 : i32 to index
      %parallel_loop3A_233 = tpu.vector_load %arg7[%parallel_loop3A_230, %parallel_loop3A_231, %parallel_loop3A_232] {strides = array<i32>} : memref<2x16x1024xf32, #tpu.memory_space<vmem>>, vector<1x1x16xf32>,
      %parallel_loop3A_234 = vector.shape_cast %parallel_loop3A_233 : vector<1x1x16xf32> to vector<16xf32>
      %parallel_loop3A_235 = arith.constant 0 : i32
      %parallel_loop3A_236 = arith.constant 0 : i32
      %parallel_loop3A_237 = arith.index_cast %parallel_loop3A_235 : i32 to index
      %parallel_loop3A_238 = arith.index_cast %parallel_loop3A_236 : i32 to index
      %parallel_loop3A_239 = arith.index_cast %parallel_loop3A_227 : i32 to index
      %parallel_loop3A_240 = tpu.vector_load %arg8[%parallel_loop3A_237, %parallel_loop3A_238, %parallel_loop3A_239] {strides = array<i32>} : memref<2x16x1024xf32, #tpu.memory_space<vmem>>, vector<1x1x16xf32>,
      %parallel_loop3A_241 = vector.shape_cast %parallel_loop3A_240 : vector<1x1x16xf32> to vector<16xf32>
      %parallel_loop3A_242 = arith.constant 0 : i32
      %parallel_loop3A_243 = arith.constant 0 : i32
      %parallel_loop3A_244 = arith.index_cast %parallel_loop3A_242 : i32 to index
      %parallel_loop3A_245 = arith.index_cast %parallel_loop3A_243 : i32 to index
      %parallel_loop3A_246 = arith.constant 0 : index
      %parallel_loop3A_247 = tpu.vector_load %arg10[%parallel_loop3A_244, %parallel_loop3A_245, %parallel_loop3A_246] {strides = array<i32>} : memref<2x16x16xf32, #tpu.memory_space<vmem>>, vector<1x1x16xf32>,
      %parallel_loop3A_248 = vector.shape_cast %parallel_loop3A_247 : vector<1x1x16xf32> to vector<16xf32>
      %parallel_loop3A_249 = arith.mulf %parallel_loop3A_234, %parallel_loop3A_248 : vector<16xf32>
      %parallel_loop3A_250 = arith.constant 1 : i32
      %parallel_loop3A_251 = arith.constant 0 : i32
      %parallel_loop3A_252 = arith.index_cast %parallel_loop3A_250 : i32 to index
      %parallel_loop3A_253 = arith.index_cast %parallel_loop3A_251 : i32 to index
      %parallel_loop3A_254 = arith.constant 0 : index
      %parallel_loop3A_255 = tpu.vector_load %arg10[%parallel_loop3A_252, %parallel_loop3A_253, %parallel_loop3A_254] {strides = array<i32>} : memref<2x16x16xf32, #tpu.memory_space<vmem>>, vector<1x1x16xf32>,
      %parallel_loop3A_256 = vector.shape_cast %parallel_loop3A_255 : vector<1x1x16xf32> to vector<16xf32>
      %parallel_loop3A_257 = arith.mulf %parallel_loop3A_234, %parallel_loop3A_256 : vector<16xf32>
      %parallel_loop3A_258 = math.absf %parallel_loop3A_257 : vector<16xf32>
      %parallel_loop3A_259 = arith.constant 0.000000e+00 : f32
      %parallel_loop3A_260 = vector.broadcast %parallel_loop3A_259 : f32 to vector<16xf32>
      %parallel_loop3A_261 = arith.subf %parallel_loop3A_260, %parallel_loop3A_258 : vector<16xf32>
      %parallel_loop3A_262 = math.exp %parallel_loop3A_261 : vector<16xf32>
      %parallel_loop3A_263 = arith.constant -0.00607487746 : f32
      %parallel_loop3A_264 = vector.broadcast %parallel_loop3A_263 : f32 to vector<16xf32>
      %parallel_loop3A_265 = arith.mulf %parallel_loop3A_264, %parallel_loop3A_262 : vector<16xf32>
      %parallel_loop3A_266 = arith.constant 0.0344185941 : f32
      %parallel_loop3A_267 = vector.broadcast %parallel_loop3A_266 : f32 to vector<16xf32>
      %parallel_loop3A_268 = arith.addf %parallel_loop3A_265, %parallel_loop3A_267 : vector<16xf32>
      %parallel_loop3A_269 = arith.mulf %parallel_loop3A_268, %parallel_loop3A_262 : vector<16xf32>
      %parallel_loop3A_270 = arith.constant -0.0923137664 : f32
      %parallel_loop3A_271 = vector.broadcast %parallel_loop3A_270 : f32 to vector<16xf32>
      %parallel_loop3A_272 = arith.addf %parallel_loop3A_269, %parallel_loop3A_271 : vector<16xf32>
      %parallel_loop3A_273 = arith.mulf %parallel_loop3A_272, %parallel_loop3A_262 : vector<16xf32>
      %parallel_loop3A_274 = arith.constant 0.164783493 : f32
      %parallel_loop3A_275 = vector.broadcast %parallel_loop3A_274 : f32 to vector<16xf32>
      %parallel_loop3A_276 = arith.addf %parallel_loop3A_273, %parallel_loop3A_275 : vector<16xf32>
      %parallel_loop3A_277 = arith.mulf %parallel_loop3A_276, %parallel_loop3A_262 : vector<16xf32>
      %parallel_loop3A_278 = arith.constant -0.239190713 : f32
      %parallel_loop3A_279 = vector.broadcast %parallel_loop3A_278 : f32 to vector<16xf32>
      %parallel_loop3A_280 = arith.addf %parallel_loop3A_277, %parallel_loop3A_279 : vector<16xf32>
      %parallel_loop3A_281 = arith.mulf %parallel_loop3A_280, %parallel_loop3A_262 : vector<16xf32>
      %parallel_loop3A_282 = arith.constant 3.313340e-01 : f32
      %parallel_loop3A_283 = vector.broadcast %parallel_loop3A_282 : f32 to vector<16xf32>
      %parallel_loop3A_284 = arith.addf %parallel_loop3A_281, %parallel_loop3A_283 : vector<16xf32>
      %parallel_loop3A_285 = arith.mulf %parallel_loop3A_284, %parallel_loop3A_262 : vector<16xf32>
      %parallel_loop3A_286 = arith.constant -0.499801159 : f32
      %parallel_loop3A_287 = vector.broadcast %parallel_loop3A_286 : f32 to vector<16xf32>
      %parallel_loop3A_288 = arith.addf %parallel_loop3A_285, %parallel_loop3A_287 : vector<16xf32>
      %parallel_loop3A_289 = arith.mulf %parallel_loop3A_288, %parallel_loop3A_262 : vector<16xf32>
      %parallel_loop3A_290 = arith.constant 0.999991476 : f32
      %parallel_loop3A_291 = vector.broadcast %parallel_loop3A_290 : f32 to vector<16xf32>
      %parallel_loop3A_292 = arith.addf %parallel_loop3A_289, %parallel_loop3A_291 : vector<16xf32>
      %parallel_loop3A_293 = arith.mulf %parallel_loop3A_292, %parallel_loop3A_262 : vector<16xf32>
      %parallel_loop3A_294 = arith.constant 9.08378652E-8 : f32
      %parallel_loop3A_295 = vector.broadcast %parallel_loop3A_294 : f32 to vector<16xf32>
      %parallel_loop3A_296 = arith.addf %parallel_loop3A_293, %parallel_loop3A_295 : vector<16xf32>
      %parallel_loop3A_297 = arith.constant 0.000000e+00 : f32
      %parallel_loop3A_298 = vector.broadcast %parallel_loop3A_297 : f32 to vector<16xf32>
      %parallel_loop3A_299 = arith.maximumf %parallel_loop3A_257, %parallel_loop3A_298 : vector<16xf32>
      %parallel_loop3A_300 = arith.addf %parallel_loop3A_299, %parallel_loop3A_296 : vector<16xf32>
      %parallel_loop3A_301 = arith.mulf %parallel_loop3A_241, %parallel_loop3A_300 : vector<16xf32>
      %parallel_loop3A_302 = arith.addf %parallel_loop3A_249, %parallel_loop3A_301 : vector<16xf32>
      %parallel_loop3A_303 = arith.constant 0 : i32
      %parallel_loop3A_304 = arith.constant 1 : i32
      %parallel_loop3A_305 = arith.index_cast %parallel_loop3A_303 : i32 to index
      %parallel_loop3A_306 = arith.index_cast %parallel_loop3A_304 : i32 to index
      %parallel_loop3A_307 = arith.index_cast %parallel_loop3A_227 : i32 to index
      %parallel_loop3A_308 = tpu.vector_load %arg7[%parallel_loop3A_305, %parallel_loop3A_306, %parallel_loop3A_307] {strides = array<i32>} : memref<2x16x1024xf32, #tpu.memory_space<vmem>>, vector<1x1x16xf32>,
      %parallel_loop3A_309 = vector.shape_cast %parallel_loop3A_308 : vector<1x1x16xf32> to vector<16xf32>
      %parallel_loop3A_310 = arith.constant 0 : i32
      %parallel_loop3A_311 = arith.constant 1 : i32
      %parallel_loop3A_312 = arith.index_cast %parallel_loop3A_310 : i32 to index
      %parallel_loop3A_313 = arith.index_cast %parallel_loop3A_311 : i32 to index
      %parallel_loop3A_314 = arith.index_cast %parallel_loop3A_227 : i32 to index
      %parallel_loop3A_315 = tpu.vector_load %arg8[%parallel_loop3A_312, %parallel_loop3A_313, %parallel_loop3A_314] {strides = array<i32>} : memref<2x16x1024xf32, #tpu.memory_space<vmem>>, vector<1x1x16xf32>,
      %parallel_loop3A_316 = vector.shape_cast %parallel_loop3A_315 : vector<1x1x16xf32> to vector<16xf32>
      %parallel_loop3A_317 = arith.constant 0 : i32
      %parallel_loop3A_318 = arith.constant 1 : i32
      %parallel_loop3A_319 = arith.index_cast %parallel_loop3A_317 : i32 to index
      %parallel_loop3A_320 = arith.index_cast %parallel_loop3A_318 : i32 to index
      %parallel_loop3A_321 = arith.constant 0 : index
      %parallel_loop3A_322 = tpu.vector_load %arg10[%parallel_loop3A_319, %parallel_loop3A_320, %parallel_loop3A_321] {strides = array<i32>} : memref<2x16x16xf32, #tpu.memory_space<vmem>>, vector<1x1x16xf32>,
      %parallel_loop3A_323 = vector.shape_cast %parallel_loop3A_322 : vector<1x1x16xf32> to vector<16xf32>
      %parallel_loop3A_324 = arith.mulf %parallel_loop3A_309, %parallel_loop3A_323 : vector<16xf32>
      %parallel_loop3A_325 = arith.constant 1 : i32
      %parallel_loop3A_326 = arith.constant 1 : i32
      %parallel_loop3A_327 = arith.index_cast %parallel_loop3A_325 : i32 to index
      %parallel_loop3A_328 = arith.index_cast %parallel_loop3A_326 : i32 to index
      %parallel_loop3A_329 = arith.constant 0 : index
      %parallel_loop3A_330 = tpu.vector_load %arg10[%parallel_loop3A_327, %parallel_loop3A_328, %parallel_loop3A_329] {strides = array<i32>} : memref<2x16x16xf32, #tpu.memory_space<vmem>>, vector<1x1x16xf32>,
      %parallel_loop3A_331 = vector.shape_cast %parallel_loop3A_330 : vector<1x1x16xf32> to vector<16xf32>
      %parallel_loop3A_332 = arith.mulf %parallel_loop3A_309, %parallel_loop3A_331 : vector<16xf32>
      %parallel_loop3A_333 = math.absf %parallel_loop3A_332 : vector<16xf32>
      %parallel_loop3A_334 = arith.constant 0.000000e+00 : f32
      %parallel_loop3A_335 = vector.broadcast %parallel_loop3A_334 : f32 to vector<16xf32>
      %parallel_loop3A_336 = arith.subf %parallel_loop3A_335, %parallel_loop3A_333 : vector<16xf32>
      %parallel_loop3A_337 = math.exp %parallel_loop3A_336 : vector<16xf32>
      %parallel_loop3A_338 = arith.constant -0.00607487746 : f32
      %parallel_loop3A_339 = vector.broadcast %parallel_loop3A_338 : f32 to vector<16xf32>
      %parallel_loop3A_340 = arith.mulf %parallel_loop3A_339, %parallel_loop3A_337 : vector<16xf32>
      %parallel_loop3A_341 = arith.constant 0.0344185941 : f32
      %parallel_loop3A_342 = vector.broadcast %parallel_loop3A_341 : f32 to vector<16xf32>
      %parallel_loop3A_343 = arith.addf %parallel_loop3A_340, %parallel_loop3A_342 : vector<16xf32>
      %parallel_loop3A_344 = arith.mulf %parallel_loop3A_343, %parallel_loop3A_337 : vector<16xf32>
      %parallel_loop3A_345 = arith.constant -0.0923137664 : f32
      %parallel_loop3A_346 = vector.broadcast %parallel_loop3A_345 : f32 to vector<16xf32>
      %parallel_loop3A_347 = arith.addf %parallel_loop3A_344, %parallel_loop3A_346 : vector<16xf32>
      %parallel_loop3A_348 = arith.mulf %parallel_loop3A_347, %parallel_loop3A_337 : vector<16xf32>
      %parallel_loop3A_349 = arith.constant 0.164783493 : f32
      %parallel_loop3A_350 = vector.broadcast %parallel_loop3A_349 : f32 to vector<16xf32>
      %parallel_loop3A_351 = arith.addf %parallel_loop3A_348, %parallel_loop3A_350 : vector<16xf32>
      %parallel_loop3A_352 = arith.mulf %parallel_loop3A_351, %parallel_loop3A_337 : vector<16xf32>
      %parallel_loop3A_353 = arith.constant -0.239190713 : f32
      %parallel_loop3A_354 = vector.broadcast %parallel_loop3A_353 : f32 to vector<16xf32>
      %parallel_loop3A_355 = arith.addf %parallel_loop3A_352, %parallel_loop3A_354 : vector<16xf32>
      %parallel_loop3A_356 = arith.mulf %parallel_loop3A_355, %parallel_loop3A_337 : vector<16xf32>
      %parallel_loop3A_357 = arith.constant 3.313340e-01 : f32
      %parallel_loop3A_358 = vector.broadcast %parallel_loop3A_357 : f32 to vector<16xf32>
      %parallel_loop3A_359 = arith.addf %parallel_loop3A_356, %parallel_loop3A_358 : vector<16xf32>
      %parallel_loop3A_360 = arith.mulf %parallel_loop3A_359, %parallel_loop3A_337 : vector<16xf32>
      %parallel_loop3A_361 = arith.constant -0.499801159 : f32
      %parallel_loop3A_362 = vector.broadcast %parallel_loop3A_361 : f32 to vector<16xf32>
      %parallel_loop3A_363 = arith.addf %parallel_loop3A_360, %parallel_loop3A_362 : vector<16xf32>
      %parallel_loop3A_364 = arith.mulf %parallel_loop3A_363, %parallel_loop3A_337 : vector<16xf32>
      %parallel_loop3A_365 = arith.constant 0.999991476 : f32
      %parallel_loop3A_366 = vector.broadcast %parallel_loop3A_365 : f32 to vector<16xf32>
      %parallel_loop3A_367 = arith.addf %parallel_loop3A_364, %parallel_loop3A_366 : vector<16xf32>
      %parallel_loop3A_368 = arith.mulf %parallel_loop3A_367, %parallel_loop3A_337 : vector<16xf32>
      %parallel_loop3A_369 = arith.constant 9.08378652E-8 : f32
      %parallel_loop3A_370 = vector.broadcast %parallel_loop3A_369 : f32 to vector<16xf32>
      %parallel_loop3A_371 = arith.addf %parallel_loop3A_368, %parallel_loop3A_370 : vector<16xf32>
      %parallel_loop3A_372 = arith.constant 0.000000e+00 : f32
      %parallel_loop3A_373 = vector.broadcast %parallel_loop3A_372 : f32 to vector<16xf32>
      %parallel_loop3A_374 = arith.maximumf %parallel_loop3A_332, %parallel_loop3A_373 : vector<16xf32>
      %parallel_loop3A_375 = arith.addf %parallel_loop3A_374, %parallel_loop3A_371 : vector<16xf32>
      %parallel_loop3A_376 = arith.mulf %parallel_loop3A_316, %parallel_loop3A_375 : vector<16xf32>
      %parallel_loop3A_377 = arith.addf %parallel_loop3A_324, %parallel_loop3A_376 : vector<16xf32>
      %parallel_loop3A_378 = arith.maximumf %parallel_loop3A_302, %parallel_loop3A_377 : vector<16xf32>
      %parallel_loop3A_379 = arith.constant 0 : i32
      %parallel_loop3A_380 = arith.constant 2 : i32
      %parallel_loop3A_381 = arith.index_cast %parallel_loop3A_379 : i32 to index
      %parallel_loop3A_382 = arith.index_cast %parallel_loop3A_380 : i32 to index
      %parallel_loop3A_383 = arith.index_cast %parallel_loop3A_227 : i32 to index
      %parallel_loop3A_384 = tpu.vector_load %arg7[%parallel_loop3A_381, %parallel_loop3A_382, %parallel_loop3A_383] {strides = array<i32>} : memref<2x16x1024xf32, #tpu.memory_space<vmem>>, vector<1x1x16xf32>,
      %parallel_loop3A_385 = vector.shape_cast %parallel_loop3A_384 : vector<1x1x16xf32> to vector<16xf32>
      %parallel_loop3A_386 = arith.constant 0 : i32
      %parallel_loop3A_387 = arith.constant 2 : i32
      %parallel_loop3A_388 = arith.index_cast %parallel_loop3A_386 : i32 to index
      %parallel_loop3A_389 = arith.index_cast %parallel_loop3A_387 : i32 to index
      %parallel_loop3A_390 = arith.index_cast %parallel_loop3A_227 : i32 to index
      %parallel_loop3A_391 = tpu.vector_load %arg8[%parallel_loop3A_388, %parallel_loop3A_389, %parallel_loop3A_390] {strides = array<i32>} : memref<2x16x1024xf32, #tpu.memory_space<vmem>>, vector<1x1x16xf32>,
      %parallel_loop3A_392 = vector.shape_cast %parallel_loop3A_391 : vector<1x1x16xf32> to vector<16xf32>
      %parallel_loop3A_393 = arith.constant 0 : i32
      %parallel_loop3A_394 = arith.constant 2 : i32
      %parallel_loop3A_395 = arith.index_cast %parallel_loop3A_393 : i32 to index
      %parallel_loop3A_396 = arith.index_cast %parallel_loop3A_394 : i32 to index
      %parallel_loop3A_397 = arith.constant 0 : index
      %parallel_loop3A_398 = tpu.vector_load %arg10[%parallel_loop3A_395, %parallel_loop3A_396, %parallel_loop3A_397] {strides = array<i32>} : memref<2x16x16xf32, #tpu.memory_space<vmem>>, vector<1x1x16xf32>,
      %parallel_loop3A_399 = vector.shape_cast %parallel_loop3A_398 : vector<1x1x16xf32> to vector<16xf32>
      %parallel_loop3A_400 = arith.mulf %parallel_loop3A_385, %parallel_loop3A_399 : vector<16xf32>
      %parallel_loop3A_401 = arith.constant 1 : i32
      %parallel_loop3A_402 = arith.constant 2 : i32
      %parallel_loop3A_403 = arith.index_cast %parallel_loop3A_401 : i32 to index
      %parallel_loop3A_404 = arith.index_cast %parallel_loop3A_402 : i32 to index
      %parallel_loop3A_405 = arith.constant 0 : index
      %parallel_loop3A_406 = tpu.vector_load %arg10[%parallel_loop3A_403, %parallel_loop3A_404, %parallel_loop3A_405] {strides = array<i32>} : memref<2x16x16xf32, #tpu.memory_space<vmem>>, vector<1x1x16xf32>,
      %parallel_loop3A_407 = vector.shape_cast %parallel_loop3A_406 : vector<1x1x16xf32> to vector<16xf32>
      %parallel_loop3A_408 = arith.mulf %parallel_loop3A_385, %parallel_loop3A_407 : vector<16xf32>
      %parallel_loop3A_409 = math.absf %parallel_loop3A_408 : vector<16xf32>
      %parallel_loop3A_410 = arith.constant 0.000000e+00 : f32
      %parallel_loop3A_411 = vector.broadcast %parallel_loop3A_410 : f32 to vector<16xf32>
      %parallel_loop3A_412 = arith.subf %parallel_loop3A_411, %parallel_loop3A_409 : vector<16xf32>
      %parallel_loop3A_413 = math.exp %parallel_loop3A_412 : vector<16xf32>
      %parallel_loop3A_414 = arith.constant -0.00607487746 : f32
      %parallel_loop3A_415 = vector.broadcast %parallel_loop3A_414 : f32 to vector<16xf32>
      %parallel_loop3A_416 = arith.mulf %parallel_loop3A_415, %parallel_loop3A_413 : vector<16xf32>
      %parallel_loop3A_417 = arith.constant 0.0344185941 : f32
      %parallel_loop3A_418 = vector.broadcast %parallel_loop3A_417 : f32 to vector<16xf32>
      %parallel_loop3A_419 = arith.addf %parallel_loop3A_416, %parallel_loop3A_418 : vector<16xf32>
      %parallel_loop3A_420 = arith.mulf %parallel_loop3A_419, %parallel_loop3A_413 : vector<16xf32>
      %parallel_loop3A_421 = arith.constant -0.0923137664 : f32
      %parallel_loop3A_422 = vector.broadcast %parallel_loop3A_421 : f32 to vector<16xf32>
      %parallel_loop3A_423 = arith.addf %parallel_loop3A_420, %parallel_loop3A_422 : vector<16xf32>
      %parallel_loop3A_424 = arith.mulf %parallel_loop3A_423, %parallel_loop3A_413 : vector<16xf32>
      %parallel_loop3A_425 = arith.constant 0.164783493 : f32
      %parallel_loop3A_426 = vector.broadcast %parallel_loop3A_425 : f32 to vector<16xf32>
      %parallel_loop3A_427 = arith.addf %parallel_loop3A_424, %parallel_loop3A_426 : vector<16xf32>
      %parallel_loop3A_428 = arith.mulf %parallel_loop3A_427, %parallel_loop3A_413 : vector<16xf32>
      %parallel_loop3A_429 = arith.constant -0.239190713 : f32
      %parallel_loop3A_430 = vector.broadcast %parallel_loop3A_429 : f32 to vector<16xf32>
      %parallel_loop3A_431 = arith.addf %parallel_loop3A_428, %parallel_loop3A_430 : vector<16xf32>
      %parallel_loop3A_432 = arith.mulf %parallel_loop3A_431, %parallel_loop3A_413 : vector<16xf32>
      %parallel_loop3A_433 = arith.constant 3.313340e-01 : f32
      %parallel_loop3A_434 = vector.broadcast %parallel_loop3A_433 : f32 to vector<16xf32>
      %parallel_loop3A_435 = arith.addf %parallel_loop3A_432, %parallel_loop3A_434 : vector<16xf32>
      %parallel_loop3A_436 = arith.mulf %parallel_loop3A_435, %parallel_loop3A_413 : vector<16xf32>
      %parallel_loop3A_437 = arith.constant -0.499801159 : f32
      %parallel_loop3A_438 = vector.broadcast %parallel_loop3A_437 : f32 to vector<16xf32>
      %parallel_loop3A_439 = arith.addf %parallel_loop3A_436, %parallel_loop3A_438 : vector<16xf32>
      %parallel_loop3A_440 = arith.mulf %parallel_loop3A_439, %parallel_loop3A_413 : vector<16xf32>
      %parallel_loop3A_441 = arith.constant 0.999991476 : f32
      %parallel_loop3A_442 = vector.broadcast %parallel_loop3A_441 : f32 to vector<16xf32>
      %parallel_loop3A_443 = arith.addf %parallel_loop3A_440, %parallel_loop3A_442 : vector<16xf32>
      %parallel_loop3A_444 = arith.mulf %parallel_loop3A_443, %parallel_loop3A_413 : vector<16xf32>
      %parallel_loop3A_445 = arith.constant 9.08378652E-8 : f32
      %parallel_loop3A_446 = vector.broadcast %parallel_loop3A_445 : f32 to vector<16xf32>
      %parallel_loop3A_447 = arith.addf %parallel_loop3A_444, %parallel_loop3A_446 : vector<16xf32>
      %parallel_loop3A_448 = arith.constant 0.000000e+00 : f32
      %parallel_loop3A_449 = vector.broadcast %parallel_loop3A_448 : f32 to vector<16xf32>
      %parallel_loop3A_450 = arith.maximumf %parallel_loop3A_408, %parallel_loop3A_449 : vector<16xf32>
      %parallel_loop3A_451 = arith.addf %parallel_loop3A_450, %parallel_loop3A_447 : vector<16xf32>
      %parallel_loop3A_452 = arith.mulf %parallel_loop3A_392, %parallel_loop3A_451 : vector<16xf32>
      %parallel_loop3A_453 = arith.addf %parallel_loop3A_400, %parallel_loop3A_452 : vector<16xf32>
      %parallel_loop3A_454 = arith.maximumf %parallel_loop3A_378, %parallel_loop3A_453 : vector<16xf32>
      %parallel_loop3A_455 = arith.constant 0 : i32
      %parallel_loop3A_456 = arith.constant 3 : i32
      %parallel_loop3A_457 = arith.index_cast %parallel_loop3A_455 : i32 to index
      %parallel_loop3A_458 = arith.index_cast %parallel_loop3A_456 : i32 to index
      %parallel_loop3A_459 = arith.index_cast %parallel_loop3A_227 : i32 to index
      %parallel_loop3A_460 = tpu.vector_load %arg7[%parallel_loop3A_457, %parallel_loop3A_458, %parallel_loop3A_459] {strides = array<i32>} : memref<2x16x1024xf32, #tpu.memory_space<vmem>>, vector<1x1x16xf32>,
      %parallel_loop3A_461 = vector.shape_cast %parallel_loop3A_460 : vector<1x1x16xf32> to vector<16xf32>
      %parallel_loop3A_462 = arith.constant 0 : i32
      %parallel_loop3A_463 = arith.constant 3 : i32
      %parallel_loop3A_464 = arith.index_cast %parallel_loop3A_462 : i32 to index
      %parallel_loop3A_465 = arith.index_cast %parallel_loop3A_463 : i32 to index
      %parallel_loop3A_466 = arith.index_cast %parallel_loop3A_227 : i32 to index
      %parallel_loop3A_467 = tpu.vector_load %arg8[%parallel_loop3A_464, %parallel_loop3A_465, %parallel_loop3A_466] {strides = array<i32>} : memref<2x16x1024xf32, #tpu.memory_space<vmem>>, vector<1x1x16xf32>,
      %parallel_loop3A_468 = vector.shape_cast %parallel_loop3A_467 : vector<1x1x16xf32> to vector<16xf32>
      %parallel_loop3A_469 = arith.constant 0 : i32
      %parallel_loop3A_470 = arith.constant 3 : i32
      %parallel_loop3A_471 = arith.index_cast %parallel_loop3A_469 : i32 to index
      %parallel_loop3A_472 = arith.index_cast %parallel_loop3A_470 : i32 to index
      %parallel_loop3A_473 = arith.constant 0 : index
      %parallel_loop3A_474 = tpu.vector_load %arg10[%parallel_loop3A_471, %parallel_loop3A_472, %parallel_loop3A_473] {strides = array<i32>} : memref<2x16x16xf32, #tpu.memory_space<vmem>>, vector<1x1x16xf32>,
      %parallel_loop3A_475 = vector.shape_cast %parallel_loop3A_474 : vector<1x1x16xf32> to vector<16xf32>
      %parallel_loop3A_476 = arith.mulf %parallel_loop3A_461, %parallel_loop3A_475 : vector<16xf32>
      %parallel_loop3A_477 = arith.constant 1 : i32
      %parallel_loop3A_478 = arith.constant 3 : i32
      %parallel_loop3A_479 = arith.index_cast %parallel_loop3A_477 : i32 to index
      %parallel_loop3A_480 = arith.index_cast %parallel_loop3A_478 : i32 to index
      %parallel_loop3A_481 = arith.constant 0 : index
      %parallel_loop3A_482 = tpu.vector_load %arg10[%parallel_loop3A_479, %parallel_loop3A_480, %parallel_loop3A_481] {strides = array<i32>} : memref<2x16x16xf32, #tpu.memory_space<vmem>>, vector<1x1x16xf32>,
      %parallel_loop3A_483 = vector.shape_cast %parallel_loop3A_482 : vector<1x1x16xf32> to vector<16xf32>
      %parallel_loop3A_484 = arith.mulf %parallel_loop3A_461, %parallel_loop3A_483 : vector<16xf32>
      %parallel_loop3A_485 = math.absf %parallel_loop3A_484 : vector<16xf32>
      %parallel_loop3A_486 = arith.constant 0.000000e+00 : f32
      %parallel_loop3A_487 = vector.broadcast %parallel_loop3A_486 : f32 to vector<16xf32>
      %parallel_loop3A_488 = arith.subf %parallel_loop3A_487, %parallel_loop3A_485 : vector<16xf32>
      %parallel_loop3A_489 = math.exp %parallel_loop3A_488 : vector<16xf32>
      %parallel_loop3A_490 = arith.constant -0.00607487746 : f32
      %parallel_loop3A_491 = vector.broadcast %parallel_loop3A_490 : f32 to vector<16xf32>
      %parallel_loop3A_492 = arith.mulf %parallel_loop3A_491, %parallel_loop3A_489 : vector<16xf32>
      %parallel_loop3A_493 = arith.constant 0.0344185941 : f32
      %parallel_loop3A_494 = vector.broadcast %parallel_loop3A_493 : f32 to vector<16xf32>
      %parallel_loop3A_495 = arith.addf %parallel_loop3A_492, %parallel_loop3A_494 : vector<16xf32>
      %parallel_loop3A_496 = arith.mulf %parallel_loop3A_495, %parallel_loop3A_489 : vector<16xf32>
      %parallel_loop3A_497 = arith.constant -0.0923137664 : f32
      %parallel_loop3A_498 = vector.broadcast %parallel_loop3A_497 : f32 to vector<16xf32>
      %parallel_loop3A_499 = arith.addf %parallel_loop3A_496, %parallel_loop3A_498 : vector<16xf32>
      %parallel_loop3A_500 = arith.mulf %parallel_loop3A_499, %parallel_loop3A_489 : vector<16xf32>
      %parallel_loop3A_501 = arith.constant 0.164783493 : f32
      %parallel_loop3A_502 = vector.broadcast %parallel_loop3A_501 : f32 to vector<16xf32>
      %parallel_loop3A_503 = arith.addf %parallel_loop3A_500, %parallel_loop3A_502 : vector<16xf32>
      %parallel_loop3A_504 = arith.mulf %parallel_loop3A_503, %parallel_loop3A_489 : vector<16xf32>
      %parallel_loop3A_505 = arith.constant -0.239190713 : f32
      %parallel_loop3A_506 = vector.broadcast %parallel_loop3A_505 : f32 to vector<16xf32>
      %parallel_loop3A_507 = arith.addf %parallel_loop3A_504, %parallel_loop3A_506 : vector<16xf32>
      %parallel_loop3A_508 = arith.mulf %parallel_loop3A_507, %parallel_loop3A_489 : vector<16xf32>
      %parallel_loop3A_509 = arith.constant 3.313340e-01 : f32
      %parallel_loop3A_510 = vector.broadcast %parallel_loop3A_509 : f32 to vector<16xf32>
      %parallel_loop3A_511 = arith.addf %parallel_loop3A_508, %parallel_loop3A_510 : vector<16xf32>
      %parallel_loop3A_512 = arith.mulf %parallel_loop3A_511, %parallel_loop3A_489 : vector<16xf32>
      %parallel_loop3A_513 = arith.constant -0.499801159 : f32
      %parallel_loop3A_514 = vector.broadcast %parallel_loop3A_513 : f32 to vector<16xf32>
      %parallel_loop3A_515 = arith.addf %parallel_loop3A_512, %parallel_loop3A_514 : vector<16xf32>
      %parallel_loop3A_516 = arith.mulf %parallel_loop3A_515, %parallel_loop3A_489 : vector<16xf32>
      %parallel_loop3A_517 = arith.constant 0.999991476 : f32
      %parallel_loop3A_518 = vector.broadcast %parallel_loop3A_517 : f32 to vector<16xf32>
      %parallel_loop3A_519 = arith.addf %parallel_loop3A_516, %parallel_loop3A_518 : vector<16xf32>
      %parallel_loop3A_520 = arith.mulf %parallel_loop3A_519, %parallel_loop3A_489 : vector<16xf32>
      %parallel_loop3A_521 = arith.constant 9.08378652E-8 : f32
      %parallel_loop3A_522 = vector.broadcast %parallel_loop3A_521 : f32 to vector<16xf32>
      %parallel_loop3A_523 = arith.addf %parallel_loop3A_520, %parallel_loop3A_522 : vector<16xf32>
      %parallel_loop3A_524 = arith.constant 0.000000e+00 : f32
      %parallel_loop3A_525 = vector.broadcast %parallel_loop3A_524 : f32 to vector<16xf32>
      %parallel_loop3A_526 = arith.maximumf %parallel_loop3A_484, %parallel_loop3A_525 : vector<16xf32>
      %parallel_loop3A_527 = arith.addf %parallel_loop3A_526, %parallel_loop3A_523 : vector<16xf32>
      %parallel_loop3A_528 = arith.mulf %parallel_loop3A_468, %parallel_loop3A_527 : vector<16xf32>
      %parallel_loop3A_529 = arith.addf %parallel_loop3A_476, %parallel_loop3A_528 : vector<16xf32>
      %parallel_loop3A_530 = arith.maximumf %parallel_loop3A_454, %parallel_loop3A_529 : vector<16xf32>
      %parallel_loop3A_531 = arith.constant 0 : i32
      %parallel_loop3A_532 = arith.constant 4 : i32
      %parallel_loop3A_533 = arith.index_cast %parallel_loop3A_531 : i32 to index
      %parallel_loop3A_534 = arith.index_cast %parallel_loop3A_532 : i32 to index
      %parallel_loop3A_535 = arith.index_cast %parallel_loop3A_227 : i32 to index
      %parallel_loop3A_536 = tpu.vector_load %arg7[%parallel_loop3A_533, %parallel_loop3A_534, %parallel_loop3A_535] {strides = array<i32>} : memref<2x16x1024xf32, #tpu.memory_space<vmem>>, vector<1x1x16xf32>,
      %parallel_loop3A_537 = vector.shape_cast %parallel_loop3A_536 : vector<1x1x16xf32> to vector<16xf32>
      %parallel_loop3A_538 = arith.constant 0 : i32
      %parallel_loop3A_539 = arith.constant 4 : i32
      %parallel_loop3A_540 = arith.index_cast %parallel_loop3A_538 : i32 to index
      %parallel_loop3A_541 = arith.index_cast %parallel_loop3A_539 : i32 to index
      %parallel_loop3A_542 = arith.index_cast %parallel_loop3A_227 : i32 to index
      %parallel_loop3A_543 = tpu.vector_load %arg8[%parallel_loop3A_540, %parallel_loop3A_541, %parallel_loop3A_542] {strides = array<i32>} : memref<2x16x1024xf32, #tpu.memory_space<vmem>>, vector<1x1x16xf32>,
      %parallel_loop3A_544 = vector.shape_cast %parallel_loop3A_543 : vector<1x1x16xf32> to vector<16xf32>
      %parallel_loop3A_545 = arith.constant 0 : i32
      %parallel_loop3A_546 = arith.constant 4 : i32
      %parallel_loop3A_547 = arith.index_cast %parallel_loop3A_545 : i32 to index
      %parallel_loop3A_548 = arith.index_cast %parallel_loop3A_546 : i32 to index
      %parallel_loop3A_549 = arith.constant 0 : index
      %parallel_loop3A_550 = tpu.vector_load %arg10[%parallel_loop3A_547, %parallel_loop3A_548, %parallel_loop3A_549] {strides = array<i32>} : memref<2x16x16xf32, #tpu.memory_space<vmem>>, vector<1x1x16xf32>,
      %parallel_loop3A_551 = vector.shape_cast %parallel_loop3A_550 : vector<1x1x16xf32> to vector<16xf32>
      %parallel_loop3A_552 = arith.mulf %parallel_loop3A_537, %parallel_loop3A_551 : vector<16xf32>
      %parallel_loop3A_553 = arith.constant 1 : i32
      %parallel_loop3A_554 = arith.constant 4 : i32
      %parallel_loop3A_555 = arith.index_cast %parallel_loop3A_553 : i32 to index
      %parallel_loop3A_556 = arith.index_cast %parallel_loop3A_554 : i32 to index
      %parallel_loop3A_557 = arith.constant 0 : index
      %parallel_loop3A_558 = tpu.vector_load %arg10[%parallel_loop3A_555, %parallel_loop3A_556, %parallel_loop3A_557] {strides = array<i32>} : memref<2x16x16xf32, #tpu.memory_space<vmem>>, vector<1x1x16xf32>,
      %parallel_loop3A_559 = vector.shape_cast %parallel_loop3A_558 : vector<1x1x16xf32> to vector<16xf32>
      %parallel_loop3A_560 = arith.mulf %parallel_loop3A_537, %parallel_loop3A_559 : vector<16xf32>
      %parallel_loop3A_561 = math.absf %parallel_loop3A_560 : vector<16xf32>
      %parallel_loop3A_562 = arith.constant 0.000000e+00 : f32
      %parallel_loop3A_563 = vector.broadcast %parallel_loop3A_562 : f32 to vector<16xf32>
      %parallel_loop3A_564 = arith.subf %parallel_loop3A_563, %parallel_loop3A_561 : vector<16xf32>
      %parallel_loop3A_565 = math.exp %parallel_loop3A_564 : vector<16xf32>
      %parallel_loop3A_566 = arith.constant -0.00607487746 : f32
      %parallel_loop3A_567 = vector.broadcast %parallel_loop3A_566 : f32 to vector<16xf32>
      %parallel_loop3A_568 = arith.mulf %parallel_loop3A_567, %parallel_loop3A_565 : vector<16xf32>
      %parallel_loop3A_569 = arith.constant 0.0344185941 : f32
      %parallel_loop3A_570 = vector.broadcast %parallel_loop3A_569 : f32 to vector<16xf32>
      %parallel_loop3A_571 = arith.addf %parallel_loop3A_568, %parallel_loop3A_570 : vector<16xf32>
      %parallel_loop3A_572 = arith.mulf %parallel_loop3A_571, %parallel_loop3A_565 : vector<16xf32>
      %parallel_loop3A_573 = arith.constant -0.0923137664 : f32
      %parallel_loop3A_574 = vector.broadcast %parallel_loop3A_573 : f32 to vector<16xf32>
      %parallel_loop3A_575 = arith.addf %parallel_loop3A_572, %parallel_loop3A_574 : vector<16xf32>
      %parallel_loop3A_576 = arith.mulf %parallel_loop3A_575, %parallel_loop3A_565 : vector<16xf32>
      %parallel_loop3A_577 = arith.constant 0.164783493 : f32
      %parallel_loop3A_578 = vector.broadcast %parallel_loop3A_577 : f32 to vector<16xf32>
      %parallel_loop3A_579 = arith.addf %parallel_loop3A_576, %parallel_loop3A_578 : vector<16xf32>
      %parallel_loop3A_580 = arith.mulf %parallel_loop3A_579, %parallel_loop3A_565 : vector<16xf32>
      %parallel_loop3A_581 = arith.constant -0.239190713 : f32
      %parallel_loop3A_582 = vector.broadcast %parallel_loop3A_581 : f32 to vector<16xf32>
      %parallel_loop3A_583 = arith.addf %parallel_loop3A_580, %parallel_loop3A_582 : vector<16xf32>
      %parallel_loop3A_584 = arith.mulf %parallel_loop3A_583, %parallel_loop3A_565 : vector<16xf32>
      %parallel_loop3A_585 = arith.constant 3.313340e-01 : f32
      %parallel_loop3A_586 = vector.broadcast %parallel_loop3A_585 : f32 to vector<16xf32>
      %parallel_loop3A_587 = arith.addf %parallel_loop3A_584, %parallel_loop3A_586 : vector<16xf32>
      %parallel_loop3A_588 = arith.mulf %parallel_loop3A_587, %parallel_loop3A_565 : vector<16xf32>
      %parallel_loop3A_589 = arith.constant -0.499801159 : f32
      %parallel_loop3A_590 = vector.broadcast %parallel_loop3A_589 : f32 to vector<16xf32>
      %parallel_loop3A_591 = arith.addf %parallel_loop3A_588, %parallel_loop3A_590 : vector<16xf32>
      %parallel_loop3A_592 = arith.mulf %parallel_loop3A_591, %parallel_loop3A_565 : vector<16xf32>
      %parallel_loop3A_593 = arith.constant 0.999991476 : f32
      %parallel_loop3A_594 = vector.broadcast %parallel_loop3A_593 : f32 to vector<16xf32>
      %parallel_loop3A_595 = arith.addf %parallel_loop3A_592, %parallel_loop3A_594 : vector<16xf32>
      %parallel_loop3A_596 = arith.mulf %parallel_loop3A_595, %parallel_loop3A_565 : vector<16xf32>
      %parallel_loop3A_597 = arith.constant 9.08378652E-8 : f32
      %parallel_loop3A_598 = vector.broadcast %parallel_loop3A_597 : f32 to vector<16xf32>
      %parallel_loop3A_599 = arith.addf %parallel_loop3A_596, %parallel_loop3A_598 : vector<16xf32>
      %parallel_loop3A_600 = arith.constant 0.000000e+00 : f32
      %parallel_loop3A_601 = vector.broadcast %parallel_loop3A_600 : f32 to vector<16xf32>
      %parallel_loop3A_602 = arith.maximumf %parallel_loop3A_560, %parallel_loop3A_601 : vector<16xf32>
      %parallel_loop3A_603 = arith.addf %parallel_loop3A_602, %parallel_loop3A_599 : vector<16xf32>
      %parallel_loop3A_604 = arith.mulf %parallel_loop3A_544, %parallel_loop3A_603 : vector<16xf32>
      %parallel_loop3A_605 = arith.addf %parallel_loop3A_552, %parallel_loop3A_604 : vector<16xf32>
      %parallel_loop3A_606 = arith.maximumf %parallel_loop3A_530, %parallel_loop3A_605 : vector<16xf32>
      %parallel_loop3A_607 = arith.constant 0 : i32
      %parallel_loop3A_608 = arith.constant 5 : i32
      %parallel_loop3A_609 = arith.index_cast %parallel_loop3A_607 : i32 to index
      %parallel_loop3A_610 = arith.index_cast %parallel_loop3A_608 : i32 to index
      %parallel_loop3A_611 = arith.index_cast %parallel_loop3A_227 : i32 to index
      %parallel_loop3A_612 = tpu.vector_load %arg7[%parallel_loop3A_609, %parallel_loop3A_610, %parallel_loop3A_611] {strides = array<i32>} : memref<2x16x1024xf32, #tpu.memory_space<vmem>>, vector<1x1x16xf32>,
      %parallel_loop3A_613 = vector.shape_cast %parallel_loop3A_612 : vector<1x1x16xf32> to vector<16xf32>
      %parallel_loop3A_614 = arith.constant 0 : i32
      %parallel_loop3A_615 = arith.constant 5 : i32
      %parallel_loop3A_616 = arith.index_cast %parallel_loop3A_614 : i32 to index
      %parallel_loop3A_617 = arith.index_cast %parallel_loop3A_615 : i32 to index
      %parallel_loop3A_618 = arith.index_cast %parallel_loop3A_227 : i32 to index
      %parallel_loop3A_619 = tpu.vector_load %arg8[%parallel_loop3A_616, %parallel_loop3A_617, %parallel_loop3A_618] {strides = array<i32>} : memref<2x16x1024xf32, #tpu.memory_space<vmem>>, vector<1x1x16xf32>,
      %parallel_loop3A_620 = vector.shape_cast %parallel_loop3A_619 : vector<1x1x16xf32> to vector<16xf32>
      %parallel_loop3A_621 = arith.constant 0 : i32
      %parallel_loop3A_622 = arith.constant 5 : i32
      %parallel_loop3A_623 = arith.index_cast %parallel_loop3A_621 : i32 to index
      %parallel_loop3A_624 = arith.index_cast %parallel_loop3A_622 : i32 to index
      %parallel_loop3A_625 = arith.constant 0 : index
      %parallel_loop3A_626 = tpu.vector_load %arg10[%parallel_loop3A_623, %parallel_loop3A_624, %parallel_loop3A_625] {strides = array<i32>} : memref<2x16x16xf32, #tpu.memory_space<vmem>>, vector<1x1x16xf32>,
      %parallel_loop3A_627 = vector.shape_cast %parallel_loop3A_626 : vector<1x1x16xf32> to vector<16xf32>
      %parallel_loop3A_628 = arith.mulf %parallel_loop3A_613, %parallel_loop3A_627 : vector<16xf32>
      %parallel_loop3A_629 = arith.constant 1 : i32
      %parallel_loop3A_630 = arith.constant 5 : i32
      %parallel_loop3A_631 = arith.index_cast %parallel_loop3A_629 : i32 to index
      %parallel_loop3A_632 = arith.index_cast %parallel_loop3A_630 : i32 to index
      %parallel_loop3A_633 = arith.constant 0 : index
      %parallel_loop3A_634 = tpu.vector_load %arg10[%parallel_loop3A_631, %parallel_loop3A_632, %parallel_loop3A_633] {strides = array<i32>} : memref<2x16x16xf32, #tpu.memory_space<vmem>>, vector<1x1x16xf32>,
      %parallel_loop3A_635 = vector.shape_cast %parallel_loop3A_634 : vector<1x1x16xf32> to vector<16xf32>
      %parallel_loop3A_636 = arith.mulf %parallel_loop3A_613, %parallel_loop3A_635 : vector<16xf32>
      %parallel_loop3A_637 = math.absf %parallel_loop3A_636 : vector<16xf32>
      %parallel_loop3A_638 = arith.constant 0.000000e+00 : f32
      %parallel_loop3A_639 = vector.broadcast %parallel_loop3A_638 : f32 to vector<16xf32>
      %parallel_loop3A_640 = arith.subf %parallel_loop3A_639, %parallel_loop3A_637 : vector<16xf32>
      %parallel_loop3A_641 = math.exp %parallel_loop3A_640 : vector<16xf32>
      %parallel_loop3A_642 = arith.constant -0.00607487746 : f32
      %parallel_loop3A_643 = vector.broadcast %parallel_loop3A_642 : f32 to vector<16xf32>
      %parallel_loop3A_644 = arith.mulf %parallel_loop3A_643, %parallel_loop3A_641 : vector<16xf32>
      %parallel_loop3A_645 = arith.constant 0.0344185941 : f32
      %parallel_loop3A_646 = vector.broadcast %parallel_loop3A_645 : f32 to vector<16xf32>
      %parallel_loop3A_647 = arith.addf %parallel_loop3A_644, %parallel_loop3A_646 : vector<16xf32>
      %parallel_loop3A_648 = arith.mulf %parallel_loop3A_647, %parallel_loop3A_641 : vector<16xf32>
      %parallel_loop3A_649 = arith.constant -0.0923137664 : f32
      %parallel_loop3A_650 = vector.broadcast %parallel_loop3A_649 : f32 to vector<16xf32>
      %parallel_loop3A_651 = arith.addf %parallel_loop3A_648, %parallel_loop3A_650 : vector<16xf32>
      %parallel_loop3A_652 = arith.mulf %parallel_loop3A_651, %parallel_loop3A_641 : vector<16xf32>
      %parallel_loop3A_653 = arith.constant 0.164783493 : f32
      %parallel_loop3A_654 = vector.broadcast %parallel_loop3A_653 : f32 to vector<16xf32>
      %parallel_loop3A_655 = arith.addf %parallel_loop3A_652, %parallel_loop3A_654 : vector<16xf32>
      %parallel_loop3A_656 = arith.mulf %parallel_loop3A_655, %parallel_loop3A_641 : vector<16xf32>
      %parallel_loop3A_657 = arith.constant -0.239190713 : f32
      %parallel_loop3A_658 = vector.broadcast %parallel_loop3A_657 : f32 to vector<16xf32>
      %parallel_loop3A_659 = arith.addf %parallel_loop3A_656, %parallel_loop3A_658 : vector<16xf32>
      %parallel_loop3A_660 = arith.mulf %parallel_loop3A_659, %parallel_loop3A_641 : vector<16xf32>
      %parallel_loop3A_661 = arith.constant 3.313340e-01 : f32
      %parallel_loop3A_662 = vector.broadcast %parallel_loop3A_661 : f32 to vector<16xf32>
      %parallel_loop3A_663 = arith.addf %parallel_loop3A_660, %parallel_loop3A_662 : vector<16xf32>
      %parallel_loop3A_664 = arith.mulf %parallel_loop3A_663, %parallel_loop3A_641 : vector<16xf32>
      %parallel_loop3A_665 = arith.constant -0.499801159 : f32
      %parallel_loop3A_666 = vector.broadcast %parallel_loop3A_665 : f32 to vector<16xf32>
      %parallel_loop3A_667 = arith.addf %parallel_loop3A_664, %parallel_loop3A_666 : vector<16xf32>
      %parallel_loop3A_668 = arith.mulf %parallel_loop3A_667, %parallel_loop3A_641 : vector<16xf32>
      %parallel_loop3A_669 = arith.constant 0.999991476 : f32
      %parallel_loop3A_670 = vector.broadcast %parallel_loop3A_669 : f32 to vector<16xf32>
      %parallel_loop3A_671 = arith.addf %parallel_loop3A_668, %parallel_loop3A_670 : vector<16xf32>
      %parallel_loop3A_672 = arith.mulf %parallel_loop3A_671, %parallel_loop3A_641 : vector<16xf32>
      %parallel_loop3A_673 = arith.constant 9.08378652E-8 : f32
      %parallel_loop3A_674 = vector.broadcast %parallel_loop3A_673 : f32 to vector<16xf32>
      %parallel_loop3A_675 = arith.addf %parallel_loop3A_672, %parallel_loop3A_674 : vector<16xf32>
      %parallel_loop3A_676 = arith.constant 0.000000e+00 : f32
      %parallel_loop3A_677 = vector.broadcast %parallel_loop3A_676 : f32 to vector<16xf32>
      %parallel_loop3A_678 = arith.maximumf %parallel_loop3A_636, %parallel_loop3A_677 : vector<16xf32>
      %parallel_loop3A_679 = arith.addf %parallel_loop3A_678, %parallel_loop3A_675 : vector<16xf32>
      %parallel_loop3A_680 = arith.mulf %parallel_loop3A_620, %parallel_loop3A_679 : vector<16xf32>
      %parallel_loop3A_681 = arith.addf %parallel_loop3A_628, %parallel_loop3A_680 : vector<16xf32>
      %parallel_loop3A_682 = arith.maximumf %parallel_loop3A_606, %parallel_loop3A_681 : vector<16xf32>
      %parallel_loop3A_683 = arith.constant 0 : i32
      %parallel_loop3A_684 = arith.constant 6 : i32
      %parallel_loop3A_685 = arith.index_cast %parallel_loop3A_683 : i32 to index
      %parallel_loop3A_686 = arith.index_cast %parallel_loop3A_684 : i32 to index
      %parallel_loop3A_687 = arith.index_cast %parallel_loop3A_227 : i32 to index
      %parallel_loop3A_688 = tpu.vector_load %arg7[%parallel_loop3A_685, %parallel_loop3A_686, %parallel_loop3A_687] {strides = array<i32>} : memref<2x16x1024xf32, #tpu.memory_space<vmem>>, vector<1x1x16xf32>,
      %parallel_loop3A_689 = vector.shape_cast %parallel_loop3A_688 : vector<1x1x16xf32> to vector<16xf32>
      %parallel_loop3A_690 = arith.constant 0 : i32
      %parallel_loop3A_691 = arith.constant 6 : i32
      %parallel_loop3A_692 = arith.index_cast %parallel_loop3A_690 : i32 to index
      %parallel_loop3A_693 = arith.index_cast %parallel_loop3A_691 : i32 to index
      %parallel_loop3A_694 = arith.index_cast %parallel_loop3A_227 : i32 to index
      %parallel_loop3A_695 = tpu.vector_load %arg8[%parallel_loop3A_692, %parallel_loop3A_693, %parallel_loop3A_694] {strides = array<i32>} : memref<2x16x1024xf32, #tpu.memory_space<vmem>>, vector<1x1x16xf32>,
      %parallel_loop3A_696 = vector.shape_cast %parallel_loop3A_695 : vector<1x1x16xf32> to vector<16xf32>
      %parallel_loop3A_697 = arith.constant 0 : i32
      %parallel_loop3A_698 = arith.constant 6 : i32
      %parallel_loop3A_699 = arith.index_cast %parallel_loop3A_697 : i32 to index
      %parallel_loop3A_700 = arith.index_cast %parallel_loop3A_698 : i32 to index
      %parallel_loop3A_701 = arith.constant 0 : index
      %parallel_loop3A_702 = tpu.vector_load %arg10[%parallel_loop3A_699, %parallel_loop3A_700, %parallel_loop3A_701] {strides = array<i32>} : memref<2x16x16xf32, #tpu.memory_space<vmem>>, vector<1x1x16xf32>,
      %parallel_loop3A_703 = vector.shape_cast %parallel_loop3A_702 : vector<1x1x16xf32> to vector<16xf32>
      %parallel_loop3A_704 = arith.mulf %parallel_loop3A_689, %parallel_loop3A_703 : vector<16xf32>
      %parallel_loop3A_705 = arith.constant 1 : i32
      %parallel_loop3A_706 = arith.constant 6 : i32
      %parallel_loop3A_707 = arith.index_cast %parallel_loop3A_705 : i32 to index
      %parallel_loop3A_708 = arith.index_cast %parallel_loop3A_706 : i32 to index
      %parallel_loop3A_709 = arith.constant 0 : index
      %parallel_loop3A_710 = tpu.vector_load %arg10[%parallel_loop3A_707, %parallel_loop3A_708, %parallel_loop3A_709] {strides = array<i32>} : memref<2x16x16xf32, #tpu.memory_space<vmem>>, vector<1x1x16xf32>,
      %parallel_loop3A_711 = vector.shape_cast %parallel_loop3A_710 : vector<1x1x16xf32> to vector<16xf32>
      %parallel_loop3A_712 = arith.mulf %parallel_loop3A_689, %parallel_loop3A_711 : vector<16xf32>
      %parallel_loop3A_713 = math.absf %parallel_loop3A_712 : vector<16xf32>
      %parallel_loop3A_714 = arith.constant 0.000000e+00 : f32
      %parallel_loop3A_715 = vector.broadcast %parallel_loop3A_714 : f32 to vector<16xf32>
      %parallel_loop3A_716 = arith.subf %parallel_loop3A_715, %parallel_loop3A_713 : vector<16xf32>
      %parallel_loop3A_717 = math.exp %parallel_loop3A_716 : vector<16xf32>
      %parallel_loop3A_718 = arith.constant -0.00607487746 : f32
      %parallel_loop3A_719 = vector.broadcast %parallel_loop3A_718 : f32 to vector<16xf32>
      %parallel_loop3A_720 = arith.mulf %parallel_loop3A_719, %parallel_loop3A_717 : vector<16xf32>
      %parallel_loop3A_721 = arith.constant 0.0344185941 : f32
      %parallel_loop3A_722 = vector.broadcast %parallel_loop3A_721 : f32 to vector<16xf32>
      %parallel_loop3A_723 = arith.addf %parallel_loop3A_720, %parallel_loop3A_722 : vector<16xf32>
      %parallel_loop3A_724 = arith.mulf %parallel_loop3A_723, %parallel_loop3A_717 : vector<16xf32>
      %parallel_loop3A_725 = arith.constant -0.0923137664 : f32
      %parallel_loop3A_726 = vector.broadcast %parallel_loop3A_725 : f32 to vector<16xf32>
      %parallel_loop3A_727 = arith.addf %parallel_loop3A_724, %parallel_loop3A_726 : vector<16xf32>
      %parallel_loop3A_728 = arith.mulf %parallel_loop3A_727, %parallel_loop3A_717 : vector<16xf32>
      %parallel_loop3A_729 = arith.constant 0.164783493 : f32
      %parallel_loop3A_730 = vector.broadcast %parallel_loop3A_729 : f32 to vector<16xf32>
      %parallel_loop3A_731 = arith.addf %parallel_loop3A_728, %parallel_loop3A_730 : vector<16xf32>
      %parallel_loop3A_732 = arith.mulf %parallel_loop3A_731, %parallel_loop3A_717 : vector<16xf32>
      %parallel_loop3A_733 = arith.constant -0.239190713 : f32
      %parallel_loop3A_734 = vector.broadcast %parallel_loop3A_733 : f32 to vector<16xf32>
      %parallel_loop3A_735 = arith.addf %parallel_loop3A_732, %parallel_loop3A_734 : vector<16xf32>
      %parallel_loop3A_736 = arith.mulf %parallel_loop3A_735, %parallel_loop3A_717 : vector<16xf32>
      %parallel_loop3A_737 = arith.constant 3.313340e-01 : f32
      %parallel_loop3A_738 = vector.broadcast %parallel_loop3A_737 : f32 to vector<16xf32>
      %parallel_loop3A_739 = arith.addf %parallel_loop3A_736, %parallel_loop3A_738 : vector<16xf32>
      %parallel_loop3A_740 = arith.mulf %parallel_loop3A_739, %parallel_loop3A_717 : vector<16xf32>
      %parallel_loop3A_741 = arith.constant -0.499801159 : f32
      %parallel_loop3A_742 = vector.broadcast %parallel_loop3A_741 : f32 to vector<16xf32>
      %parallel_loop3A_743 = arith.addf %parallel_loop3A_740, %parallel_loop3A_742 : vector<16xf32>
      %parallel_loop3A_744 = arith.mulf %parallel_loop3A_743, %parallel_loop3A_717 : vector<16xf32>
      %parallel_loop3A_745 = arith.constant 0.999991476 : f32
      %parallel_loop3A_746 = vector.broadcast %parallel_loop3A_745 : f32 to vector<16xf32>
      %parallel_loop3A_747 = arith.addf %parallel_loop3A_744, %parallel_loop3A_746 : vector<16xf32>
      %parallel_loop3A_748 = arith.mulf %parallel_loop3A_747, %parallel_loop3A_717 : vector<16xf32>
      %parallel_loop3A_749 = arith.constant 9.08378652E-8 : f32
      %parallel_loop3A_750 = vector.broadcast %parallel_loop3A_749 : f32 to vector<16xf32>
      %parallel_loop3A_751 = arith.addf %parallel_loop3A_748, %parallel_loop3A_750 : vector<16xf32>
      %parallel_loop3A_752 = arith.constant 0.000000e+00 : f32
      %parallel_loop3A_753 = vector.broadcast %parallel_loop3A_752 : f32 to vector<16xf32>
      %parallel_loop3A_754 = arith.maximumf %parallel_loop3A_712, %parallel_loop3A_753 : vector<16xf32>
      %parallel_loop3A_755 = arith.addf %parallel_loop3A_754, %parallel_loop3A_751 : vector<16xf32>
      %parallel_loop3A_756 = arith.mulf %parallel_loop3A_696, %parallel_loop3A_755 : vector<16xf32>
      %parallel_loop3A_757 = arith.addf %parallel_loop3A_704, %parallel_loop3A_756 : vector<16xf32>
      %parallel_loop3A_758 = arith.maximumf %parallel_loop3A_682, %parallel_loop3A_757 : vector<16xf32>
      %parallel_loop3A_759 = arith.constant 0 : i32
      %parallel_loop3A_760 = arith.constant 7 : i32
      %parallel_loop3A_761 = arith.index_cast %parallel_loop3A_759 : i32 to index
      %parallel_loop3A_762 = arith.index_cast %parallel_loop3A_760 : i32 to index
      %parallel_loop3A_763 = arith.index_cast %parallel_loop3A_227 : i32 to index
      %parallel_loop3A_764 = tpu.vector_load %arg7[%parallel_loop3A_761, %parallel_loop3A_762, %parallel_loop3A_763] {strides = array<i32>} : memref<2x16x1024xf32, #tpu.memory_space<vmem>>, vector<1x1x16xf32>,
      %parallel_loop3A_765 = vector.shape_cast %parallel_loop3A_764 : vector<1x1x16xf32> to vector<16xf32>
      %parallel_loop3A_766 = arith.constant 0 : i32
      %parallel_loop3A_767 = arith.constant 7 : i32
      %parallel_loop3A_768 = arith.index_cast %parallel_loop3A_766 : i32 to index
      %parallel_loop3A_769 = arith.index_cast %parallel_loop3A_767 : i32 to index
      %parallel_loop3A_770 = arith.index_cast %parallel_loop3A_227 : i32 to index
      %parallel_loop3A_771 = tpu.vector_load %arg8[%parallel_loop3A_768, %parallel_loop3A_769, %parallel_loop3A_770] {strides = array<i32>} : memref<2x16x1024xf32, #tpu.memory_space<vmem>>, vector<1x1x16xf32>,
      %parallel_loop3A_772 = vector.shape_cast %parallel_loop3A_771 : vector<1x1x16xf32> to vector<16xf32>
      %parallel_loop3A_773 = arith.constant 0 : i32
      %parallel_loop3A_774 = arith.constant 7 : i32
      %parallel_loop3A_775 = arith.index_cast %parallel_loop3A_773 : i32 to index
      %parallel_loop3A_776 = arith.index_cast %parallel_loop3A_774 : i32 to index
      %parallel_loop3A_777 = arith.constant 0 : index
      %parallel_loop3A_778 = tpu.vector_load %arg10[%parallel_loop3A_775, %parallel_loop3A_776, %parallel_loop3A_777] {strides = array<i32>} : memref<2x16x16xf32, #tpu.memory_space<vmem>>, vector<1x1x16xf32>,
      %parallel_loop3A_779 = vector.shape_cast %parallel_loop3A_778 : vector<1x1x16xf32> to vector<16xf32>
      %parallel_loop3A_780 = arith.mulf %parallel_loop3A_765, %parallel_loop3A_779 : vector<16xf32>
      %parallel_loop3A_781 = arith.constant 1 : i32
      %parallel_loop3A_782 = arith.constant 7 : i32
      %parallel_loop3A_783 = arith.index_cast %parallel_loop3A_781 : i32 to index
      %parallel_loop3A_784 = arith.index_cast %parallel_loop3A_782 : i32 to index
      %parallel_loop3A_785 = arith.constant 0 : index
      %parallel_loop3A_786 = tpu.vector_load %arg10[%parallel_loop3A_783, %parallel_loop3A_784, %parallel_loop3A_785] {strides = array<i32>} : memref<2x16x16xf32, #tpu.memory_space<vmem>>, vector<1x1x16xf32>,
      %parallel_loop3A_787 = vector.shape_cast %parallel_loop3A_786 : vector<1x1x16xf32> to vector<16xf32>
      %parallel_loop3A_788 = arith.mulf %parallel_loop3A_765, %parallel_loop3A_787 : vector<16xf32>
      %parallel_loop3A_789 = math.absf %parallel_loop3A_788 : vector<16xf32>
      %parallel_loop3A_790 = arith.constant 0.000000e+00 : f32
      %parallel_loop3A_791 = vector.broadcast %parallel_loop3A_790 : f32 to vector<16xf32>
      %parallel_loop3A_792 = arith.subf %parallel_loop3A_791, %parallel_loop3A_789 : vector<16xf32>
      %parallel_loop3A_793 = math.exp %parallel_loop3A_792 : vector<16xf32>
      %parallel_loop3A_794 = arith.constant -0.00607487746 : f32
      %parallel_loop3A_795 = vector.broadcast %parallel_loop3A_794 : f32 to vector<16xf32>
      %parallel_loop3A_796 = arith.mulf %parallel_loop3A_795, %parallel_loop3A_793 : vector<16xf32>
      %parallel_loop3A_797 = arith.constant 0.0344185941 : f32
      %parallel_loop3A_798 = vector.broadcast %parallel_loop3A_797 : f32 to vector<16xf32>
      %parallel_loop3A_799 = arith.addf %parallel_loop3A_796, %parallel_loop3A_798 : vector<16xf32>
      %parallel_loop3A_800 = arith.mulf %parallel_loop3A_799, %parallel_loop3A_793 : vector<16xf32>
      %parallel_loop3A_801 = arith.constant -0.0923137664 : f32
      %parallel_loop3A_802 = vector.broadcast %parallel_loop3A_801 : f32 to vector<16xf32>
      %parallel_loop3A_803 = arith.addf %parallel_loop3A_800, %parallel_loop3A_802 : vector<16xf32>
      %parallel_loop3A_804 = arith.mulf %parallel_loop3A_803, %parallel_loop3A_793 : vector<16xf32>
      %parallel_loop3A_805 = arith.constant 0.164783493 : f32
      %parallel_loop3A_806 = vector.broadcast %parallel_loop3A_805 : f32 to vector<16xf32>
      %parallel_loop3A_807 = arith.addf %parallel_loop3A_804, %parallel_loop3A_806 : vector<16xf32>
      %parallel_loop3A_808 = arith.mulf %parallel_loop3A_807, %parallel_loop3A_793 : vector<16xf32>
      %parallel_loop3A_809 = arith.constant -0.239190713 : f32
      %parallel_loop3A_810 = vector.broadcast %parallel_loop3A_809 : f32 to vector<16xf32>
      %parallel_loop3A_811 = arith.addf %parallel_loop3A_808, %parallel_loop3A_810 : vector<16xf32>
      %parallel_loop3A_812 = arith.mulf %parallel_loop3A_811, %parallel_loop3A_793 : vector<16xf32>
      %parallel_loop3A_813 = arith.constant 3.313340e-01 : f32
      %parallel_loop3A_814 = vector.broadcast %parallel_loop3A_813 : f32 to vector<16xf32>
      %parallel_loop3A_815 = arith.addf %parallel_loop3A_812, %parallel_loop3A_814 : vector<16xf32>
      %parallel_loop3A_816 = arith.mulf %parallel_loop3A_815, %parallel_loop3A_793 : vector<16xf32>
      %parallel_loop3A_817 = arith.constant -0.499801159 : f32
      %parallel_loop3A_818 = vector.broadcast %parallel_loop3A_817 : f32 to vector<16xf32>
      %parallel_loop3A_819 = arith.addf %parallel_loop3A_816, %parallel_loop3A_818 : vector<16xf32>
      %parallel_loop3A_820 = arith.mulf %parallel_loop3A_819, %parallel_loop3A_793 : vector<16xf32>
      %parallel_loop3A_821 = arith.constant 0.999991476 : f32
      %parallel_loop3A_822 = vector.broadcast %parallel_loop3A_821 : f32 to vector<16xf32>
      %parallel_loop3A_823 = arith.addf %parallel_loop3A_820, %parallel_loop3A_822 : vector<16xf32>
      %parallel_loop3A_824 = arith.mulf %parallel_loop3A_823, %parallel_loop3A_793 : vector<16xf32>
      %parallel_loop3A_825 = arith.constant 9.08378652E-8 : f32
      %parallel_loop3A_826 = vector.broadcast %parallel_loop3A_825 : f32 to vector<16xf32>
      %parallel_loop3A_827 = arith.addf %parallel_loop3A_824, %parallel_loop3A_826 : vector<16xf32>
      %parallel_loop3A_828 = arith.constant 0.000000e+00 : f32
      %parallel_loop3A_829 = vector.broadcast %parallel_loop3A_828 : f32 to vector<16xf32>
      %parallel_loop3A_830 = arith.maximumf %parallel_loop3A_788, %parallel_loop3A_829 : vector<16xf32>
      %parallel_loop3A_831 = arith.addf %parallel_loop3A_830, %parallel_loop3A_827 : vector<16xf32>
      %parallel_loop3A_832 = arith.mulf %parallel_loop3A_772, %parallel_loop3A_831 : vector<16xf32>
      %parallel_loop3A_833 = arith.addf %parallel_loop3A_780, %parallel_loop3A_832 : vector<16xf32>
      %parallel_loop3A_834 = arith.maximumf %parallel_loop3A_758, %parallel_loop3A_833 : vector<16xf32>
      %parallel_loop3A_835 = arith.constant 0 : i32
      %parallel_loop3A_836 = arith.constant 8 : i32
      %parallel_loop3A_837 = arith.index_cast %parallel_loop3A_835 : i32 to index
      %parallel_loop3A_838 = arith.index_cast %parallel_loop3A_836 : i32 to index
      %parallel_loop3A_839 = arith.index_cast %parallel_loop3A_227 : i32 to index
      %parallel_loop3A_840 = tpu.vector_load %arg7[%parallel_loop3A_837, %parallel_loop3A_838, %parallel_loop3A_839] {strides = array<i32>} : memref<2x16x1024xf32, #tpu.memory_space<vmem>>, vector<1x1x16xf32>,
      %parallel_loop3A_841 = vector.shape_cast %parallel_loop3A_840 : vector<1x1x16xf32> to vector<16xf32>
      %parallel_loop3A_842 = arith.constant 0 : i32
      %parallel_loop3A_843 = arith.constant 8 : i32
      %parallel_loop3A_844 = arith.index_cast %parallel_loop3A_842 : i32 to index
      %parallel_loop3A_845 = arith.index_cast %parallel_loop3A_843 : i32 to index
      %parallel_loop3A_846 = arith.index_cast %parallel_loop3A_227 : i32 to index
      %parallel_loop3A_847 = tpu.vector_load %arg8[%parallel_loop3A_844, %parallel_loop3A_845, %parallel_loop3A_846] {strides = array<i32>} : memref<2x16x1024xf32, #tpu.memory_space<vmem>>, vector<1x1x16xf32>,
      %parallel_loop3A_848 = vector.shape_cast %parallel_loop3A_847 : vector<1x1x16xf32> to vector<16xf32>
      %parallel_loop3A_849 = arith.constant 0 : i32
      %parallel_loop3A_850 = arith.constant 8 : i32
      %parallel_loop3A_851 = arith.index_cast %parallel_loop3A_849 : i32 to index
      %parallel_loop3A_852 = arith.index_cast %parallel_loop3A_850 : i32 to index
      %parallel_loop3A_853 = arith.constant 0 : index
      %parallel_loop3A_854 = tpu.vector_load %arg10[%parallel_loop3A_851, %parallel_loop3A_852, %parallel_loop3A_853] {strides = array<i32>} : memref<2x16x16xf32, #tpu.memory_space<vmem>>, vector<1x1x16xf32>,
      %parallel_loop3A_855 = vector.shape_cast %parallel_loop3A_854 : vector<1x1x16xf32> to vector<16xf32>
      %parallel_loop3A_856 = arith.mulf %parallel_loop3A_841, %parallel_loop3A_855 : vector<16xf32>
      %parallel_loop3A_857 = arith.constant 1 : i32
      %parallel_loop3A_858 = arith.constant 8 : i32
      %parallel_loop3A_859 = arith.index_cast %parallel_loop3A_857 : i32 to index
      %parallel_loop3A_860 = arith.index_cast %parallel_loop3A_858 : i32 to index
      %parallel_loop3A_861 = arith.constant 0 : index
      %parallel_loop3A_862 = tpu.vector_load %arg10[%parallel_loop3A_859, %parallel_loop3A_860, %parallel_loop3A_861] {strides = array<i32>} : memref<2x16x16xf32, #tpu.memory_space<vmem>>, vector<1x1x16xf32>,
      %parallel_loop3A_863 = vector.shape_cast %parallel_loop3A_862 : vector<1x1x16xf32> to vector<16xf32>
      %parallel_loop3A_864 = arith.mulf %parallel_loop3A_841, %parallel_loop3A_863 : vector<16xf32>
      %parallel_loop3A_865 = math.absf %parallel_loop3A_864 : vector<16xf32>
      %parallel_loop3A_866 = arith.constant 0.000000e+00 : f32
      %parallel_loop3A_867 = vector.broadcast %parallel_loop3A_866 : f32 to vector<16xf32>
      %parallel_loop3A_868 = arith.subf %parallel_loop3A_867, %parallel_loop3A_865 : vector<16xf32>
      %parallel_loop3A_869 = math.exp %parallel_loop3A_868 : vector<16xf32>
      %parallel_loop3A_870 = arith.constant -0.00607487746 : f32
      %parallel_loop3A_871 = vector.broadcast %parallel_loop3A_870 : f32 to vector<16xf32>
      %parallel_loop3A_872 = arith.mulf %parallel_loop3A_871, %parallel_loop3A_869 : vector<16xf32>
      %parallel_loop3A_873 = arith.constant 0.0344185941 : f32
      %parallel_loop3A_874 = vector.broadcast %parallel_loop3A_873 : f32 to vector<16xf32>
      %parallel_loop3A_875 = arith.addf %parallel_loop3A_872, %parallel_loop3A_874 : vector<16xf32>
      %parallel_loop3A_876 = arith.mulf %parallel_loop3A_875, %parallel_loop3A_869 : vector<16xf32>
      %parallel_loop3A_877 = arith.constant -0.0923137664 : f32
      %parallel_loop3A_878 = vector.broadcast %parallel_loop3A_877 : f32 to vector<16xf32>
      %parallel_loop3A_879 = arith.addf %parallel_loop3A_876, %parallel_loop3A_878 : vector<16xf32>
      %parallel_loop3A_880 = arith.mulf %parallel_loop3A_879, %parallel_loop3A_869 : vector<16xf32>
      %parallel_loop3A_881 = arith.constant 0.164783493 : f32
      %parallel_loop3A_882 = vector.broadcast %parallel_loop3A_881 : f32 to vector<16xf32>
      %parallel_loop3A_883 = arith.addf %parallel_loop3A_880, %parallel_loop3A_882 : vector<16xf32>
      %parallel_loop3A_884 = arith.mulf %parallel_loop3A_883, %parallel_loop3A_869 : vector<16xf32>
      %parallel_loop3A_885 = arith.constant -0.239190713 : f32
      %parallel_loop3A_886 = vector.broadcast %parallel_loop3A_885 : f32 to vector<16xf32>
      %parallel_loop3A_887 = arith.addf %parallel_loop3A_884, %parallel_loop3A_886 : vector<16xf32>
      %parallel_loop3A_888 = arith.mulf %parallel_loop3A_887, %parallel_loop3A_869 : vector<16xf32>
      %parallel_loop3A_889 = arith.constant 3.313340e-01 : f32
      %parallel_loop3A_890 = vector.broadcast %parallel_loop3A_889 : f32 to vector<16xf32>
      %parallel_loop3A_891 = arith.addf %parallel_loop3A_888, %parallel_loop3A_890 : vector<16xf32>
      %parallel_loop3A_892 = arith.mulf %parallel_loop3A_891, %parallel_loop3A_869 : vector<16xf32>
      %parallel_loop3A_893 = arith.constant -0.499801159 : f32
      %parallel_loop3A_894 = vector.broadcast %parallel_loop3A_893 : f32 to vector<16xf32>
      %parallel_loop3A_895 = arith.addf %parallel_loop3A_892, %parallel_loop3A_894 : vector<16xf32>
      %parallel_loop3A_896 = arith.mulf %parallel_loop3A_895, %parallel_loop3A_869 : vector<16xf32>
      %parallel_loop3A_897 = arith.constant 0.999991476 : f32
      %parallel_loop3A_898 = vector.broadcast %parallel_loop3A_897 : f32 to vector<16xf32>
      %parallel_loop3A_899 = arith.addf %parallel_loop3A_896, %parallel_loop3A_898 : vector<16xf32>
      %parallel_loop3A_900 = arith.mulf %parallel_loop3A_899, %parallel_loop3A_869 : vector<16xf32>
      %parallel_loop3A_901 = arith.constant 9.08378652E-8 : f32
      %parallel_loop3A_902 = vector.broadcast %parallel_loop3A_901 : f32 to vector<16xf32>
      %parallel_loop3A_903 = arith.addf %parallel_loop3A_900, %parallel_loop3A_902 : vector<16xf32>
      %parallel_loop3A_904 = arith.constant 0.000000e+00 : f32
      %parallel_loop3A_905 = vector.broadcast %parallel_loop3A_904 : f32 to vector<16xf32>
      %parallel_loop3A_906 = arith.maximumf %parallel_loop3A_864, %parallel_loop3A_905 : vector<16xf32>
      %parallel_loop3A_907 = arith.addf %parallel_loop3A_906, %parallel_loop3A_903 : vector<16xf32>
      %parallel_loop3A_908 = arith.mulf %parallel_loop3A_848, %parallel_loop3A_907 : vector<16xf32>
      %parallel_loop3A_909 = arith.addf %parallel_loop3A_856, %parallel_loop3A_908 : vector<16xf32>
      %parallel_loop3A_910 = arith.maximumf %parallel_loop3A_834, %parallel_loop3A_909 : vector<16xf32>
      %parallel_loop3A_911 = arith.constant 0 : i32
      %parallel_loop3A_912 = arith.constant 9 : i32
      %parallel_loop3A_913 = arith.index_cast %parallel_loop3A_911 : i32 to index
      %parallel_loop3A_914 = arith.index_cast %parallel_loop3A_912 : i32 to index
      %parallel_loop3A_915 = arith.index_cast %parallel_loop3A_227 : i32 to index
      %parallel_loop3A_916 = tpu.vector_load %arg7[%parallel_loop3A_913, %parallel_loop3A_914, %parallel_loop3A_915] {strides = array<i32>} : memref<2x16x1024xf32, #tpu.memory_space<vmem>>, vector<1x1x16xf32>,
      %parallel_loop3A_917 = vector.shape_cast %parallel_loop3A_916 : vector<1x1x16xf32> to vector<16xf32>
      %parallel_loop3A_918 = arith.constant 0 : i32
      %parallel_loop3A_919 = arith.constant 9 : i32
      %parallel_loop3A_920 = arith.index_cast %parallel_loop3A_918 : i32 to index
      %parallel_loop3A_921 = arith.index_cast %parallel_loop3A_919 : i32 to index
      %parallel_loop3A_922 = arith.index_cast %parallel_loop3A_227 : i32 to index
      %parallel_loop3A_923 = tpu.vector_load %arg8[%parallel_loop3A_920, %parallel_loop3A_921, %parallel_loop3A_922] {strides = array<i32>} : memref<2x16x1024xf32, #tpu.memory_space<vmem>>, vector<1x1x16xf32>,
      %parallel_loop3A_924 = vector.shape_cast %parallel_loop3A_923 : vector<1x1x16xf32> to vector<16xf32>
      %parallel_loop3A_925 = arith.constant 0 : i32
      %parallel_loop3A_926 = arith.constant 9 : i32
      %parallel_loop3A_927 = arith.index_cast %parallel_loop3A_925 : i32 to index
      %parallel_loop3A_928 = arith.index_cast %parallel_loop3A_926 : i32 to index
      %parallel_loop3A_929 = arith.constant 0 : index
      %parallel_loop3A_930 = tpu.vector_load %arg10[%parallel_loop3A_927, %parallel_loop3A_928, %parallel_loop3A_929] {strides = array<i32>} : memref<2x16x16xf32, #tpu.memory_space<vmem>>, vector<1x1x16xf32>,
      %parallel_loop3A_931 = vector.shape_cast %parallel_loop3A_930 : vector<1x1x16xf32> to vector<16xf32>
      %parallel_loop3A_932 = arith.mulf %parallel_loop3A_917, %parallel_loop3A_931 : vector<16xf32>
      %parallel_loop3A_933 = arith.constant 1 : i32
      %parallel_loop3A_934 = arith.constant 9 : i32
      %parallel_loop3A_935 = arith.index_cast %parallel_loop3A_933 : i32 to index
      %parallel_loop3A_936 = arith.index_cast %parallel_loop3A_934 : i32 to index
      %parallel_loop3A_937 = arith.constant 0 : index
      %parallel_loop3A_938 = tpu.vector_load %arg10[%parallel_loop3A_935, %parallel_loop3A_936, %parallel_loop3A_937] {strides = array<i32>} : memref<2x16x16xf32, #tpu.memory_space<vmem>>, vector<1x1x16xf32>,
      %parallel_loop3A_939 = vector.shape_cast %parallel_loop3A_938 : vector<1x1x16xf32> to vector<16xf32>
      %parallel_loop3A_940 = arith.mulf %parallel_loop3A_917, %parallel_loop3A_939 : vector<16xf32>
      %parallel_loop3A_941 = math.absf %parallel_loop3A_940 : vector<16xf32>
      %parallel_loop3A_942 = arith.constant 0.000000e+00 : f32
      %parallel_loop3A_943 = vector.broadcast %parallel_loop3A_942 : f32 to vector<16xf32>
      %parallel_loop3A_944 = arith.subf %parallel_loop3A_943, %parallel_loop3A_941 : vector<16xf32>
      %parallel_loop3A_945 = math.exp %parallel_loop3A_944 : vector<16xf32>
      %parallel_loop3A_946 = arith.constant -0.00607487746 : f32
      %parallel_loop3A_947 = vector.broadcast %parallel_loop3A_946 : f32 to vector<16xf32>
      %parallel_loop3A_948 = arith.mulf %parallel_loop3A_947, %parallel_loop3A_945 : vector<16xf32>
      %parallel_loop3A_949 = arith.constant 0.0344185941 : f32
      %parallel_loop3A_950 = vector.broadcast %parallel_loop3A_949 : f32 to vector<16xf32>
      %parallel_loop3A_951 = arith.addf %parallel_loop3A_948, %parallel_loop3A_950 : vector<16xf32>
      %parallel_loop3A_952 = arith.mulf %parallel_loop3A_951, %parallel_loop3A_945 : vector<16xf32>
      %parallel_loop3A_953 = arith.constant -0.0923137664 : f32
      %parallel_loop3A_954 = vector.broadcast %parallel_loop3A_953 : f32 to vector<16xf32>
      %parallel_loop3A_955 = arith.addf %parallel_loop3A_952, %parallel_loop3A_954 : vector<16xf32>
      %parallel_loop3A_956 = arith.mulf %parallel_loop3A_955, %parallel_loop3A_945 : vector<16xf32>
      %parallel_loop3A_957 = arith.constant 0.164783493 : f32
      %parallel_loop3A_958 = vector.broadcast %parallel_loop3A_957 : f32 to vector<16xf32>
      %parallel_loop3A_959 = arith.addf %parallel_loop3A_956, %parallel_loop3A_958 : vector<16xf32>
      %parallel_loop3A_960 = arith.mulf %parallel_loop3A_959, %parallel_loop3A_945 : vector<16xf32>
      %parallel_loop3A_961 = arith.constant -0.239190713 : f32
      %parallel_loop3A_962 = vector.broadcast %parallel_loop3A_961 : f32 to vector<16xf32>
      %parallel_loop3A_963 = arith.addf %parallel_loop3A_960, %parallel_loop3A_962 : vector<16xf32>
      %parallel_loop3A_964 = arith.mulf %parallel_loop3A_963, %parallel_loop3A_945 : vector<16xf32>
      %parallel_loop3A_965 = arith.constant 3.313340e-01 : f32
      %parallel_loop3A_966 = vector.broadcast %parallel_loop3A_965 : f32 to vector<16xf32>
      %parallel_loop3A_967 = arith.addf %parallel_loop3A_964, %parallel_loop3A_966 : vector<16xf32>
      %parallel_loop3A_968 = arith.mulf %parallel_loop3A_967, %parallel_loop3A_945 : vector<16xf32>
      %parallel_loop3A_969 = arith.constant -0.499801159 : f32
      %parallel_loop3A_970 = vector.broadcast %parallel_loop3A_969 : f32 to vector<16xf32>
      %parallel_loop3A_971 = arith.addf %parallel_loop3A_968, %parallel_loop3A_970 : vector<16xf32>
      %parallel_loop3A_972 = arith.mulf %parallel_loop3A_971, %parallel_loop3A_945 : vector<16xf32>
      %parallel_loop3A_973 = arith.constant 0.999991476 : f32
      %parallel_loop3A_974 = vector.broadcast %parallel_loop3A_973 : f32 to vector<16xf32>
      %parallel_loop3A_975 = arith.addf %parallel_loop3A_972, %parallel_loop3A_974 : vector<16xf32>
      %parallel_loop3A_976 = arith.mulf %parallel_loop3A_975, %parallel_loop3A_945 : vector<16xf32>
      %parallel_loop3A_977 = arith.constant 9.08378652E-8 : f32
      %parallel_loop3A_978 = vector.broadcast %parallel_loop3A_977 : f32 to vector<16xf32>
      %parallel_loop3A_979 = arith.addf %parallel_loop3A_976, %parallel_loop3A_978 : vector<16xf32>
      %parallel_loop3A_980 = arith.constant 0.000000e+00 : f32
      %parallel_loop3A_981 = vector.broadcast %parallel_loop3A_980 : f32 to vector<16xf32>
      %parallel_loop3A_982 = arith.maximumf %parallel_loop3A_940, %parallel_loop3A_981 : vector<16xf32>
      %parallel_loop3A_983 = arith.addf %parallel_loop3A_982, %parallel_loop3A_979 : vector<16xf32>
      %parallel_loop3A_984 = arith.mulf %parallel_loop3A_924, %parallel_loop3A_983 : vector<16xf32>
      %parallel_loop3A_985 = arith.addf %parallel_loop3A_932, %parallel_loop3A_984 : vector<16xf32>
      %parallel_loop3A_986 = arith.maximumf %parallel_loop3A_910, %parallel_loop3A_985 : vector<16xf32>
      %parallel_loop3A_987 = arith.constant 0 : i32
      %parallel_loop3A_988 = arith.constant 10 : i32
      %parallel_loop3A_989 = arith.index_cast %parallel_loop3A_987 : i32 to index
      %parallel_loop3A_990 = arith.index_cast %parallel_loop3A_988 : i32 to index
      %parallel_loop3A_991 = arith.index_cast %parallel_loop3A_227 : i32 to index
      %parallel_loop3A_992 = tpu.vector_load %arg7[%parallel_loop3A_989, %parallel_loop3A_990, %parallel_loop3A_991] {strides = array<i32>} : memref<2x16x1024xf32, #tpu.memory_space<vmem>>, vector<1x1x16xf32>,
      %parallel_loop3A_993 = vector.shape_cast %parallel_loop3A_992 : vector<1x1x16xf32> to vector<16xf32>
      %parallel_loop3A_994 = arith.constant 0 : i32
      %parallel_loop3A_995 = arith.constant 10 : i32
      %parallel_loop3A_996 = arith.index_cast %parallel_loop3A_994 : i32 to index
      %parallel_loop3A_997 = arith.index_cast %parallel_loop3A_995 : i32 to index
      %parallel_loop3A_998 = arith.index_cast %parallel_loop3A_227 : i32 to index
      %parallel_loop3A_999 = tpu.vector_load %arg8[%parallel_loop3A_996, %parallel_loop3A_997, %parallel_loop3A_998] {strides = array<i32>} : memref<2x16x1024xf32, #tpu.memory_space<vmem>>, vector<1x1x16xf32>,
      %parallel_loop3A_1000 = vector.shape_cast %parallel_loop3A_999 : vector<1x1x16xf32> to vector<16xf32>
      %parallel_loop3A_1001 = arith.constant 0 : i32
      %parallel_loop3A_1002 = arith.constant 10 : i32
      %parallel_loop3A_1003 = arith.index_cast %parallel_loop3A_1001 : i32 to index
      %parallel_loop3A_1004 = arith.index_cast %parallel_loop3A_1002 : i32 to index
      %parallel_loop3A_1005 = arith.constant 0 : index
      %parallel_loop3A_1006 = tpu.vector_load %arg10[%parallel_loop3A_1003, %parallel_loop3A_1004, %parallel_loop3A_1005] {strides = array<i32>} : memref<2x16x16xf32, #tpu.memory_space<vmem>>, vector<1x1x16xf32>,
      %parallel_loop3A_1007 = vector.shape_cast %parallel_loop3A_1006 : vector<1x1x16xf32> to vector<16xf32>
      %parallel_loop3A_1008 = arith.mulf %parallel_loop3A_993, %parallel_loop3A_1007 : vector<16xf32>
      %parallel_loop3A_1009 = arith.constant 1 : i32
      %parallel_loop3A_1010 = arith.constant 10 : i32
      %parallel_loop3A_1011 = arith.index_cast %parallel_loop3A_1009 : i32 to index
      %parallel_loop3A_1012 = arith.index_cast %parallel_loop3A_1010 : i32 to index
      %parallel_loop3A_1013 = arith.constant 0 : index
      %parallel_loop3A_1014 = tpu.vector_load %arg10[%parallel_loop3A_1011, %parallel_loop3A_1012, %parallel_loop3A_1013] {strides = array<i32>} : memref<2x16x16xf32, #tpu.memory_space<vmem>>, vector<1x1x16xf32>,
      %parallel_loop3A_1015 = vector.shape_cast %parallel_loop3A_1014 : vector<1x1x16xf32> to vector<16xf32>
      %parallel_loop3A_1016 = arith.mulf %parallel_loop3A_993, %parallel_loop3A_1015 : vector<16xf32>
      %parallel_loop3A_1017 = math.absf %parallel_loop3A_1016 : vector<16xf32>
      %parallel_loop3A_1018 = arith.constant 0.000000e+00 : f32
      %parallel_loop3A_1019 = vector.broadcast %parallel_loop3A_1018 : f32 to vector<16xf32>
      %parallel_loop3A_1020 = arith.subf %parallel_loop3A_1019, %parallel_loop3A_1017 : vector<16xf32>
      %parallel_loop3A_1021 = math.exp %parallel_loop3A_1020 : vector<16xf32>
      %parallel_loop3A_1022 = arith.constant -0.00607487746 : f32
      %parallel_loop3A_1023 = vector.broadcast %parallel_loop3A_1022 : f32 to vector<16xf32>
      %parallel_loop3A_1024 = arith.mulf %parallel_loop3A_1023, %parallel_loop3A_1021 : vector<16xf32>
      %parallel_loop3A_1025 = arith.constant 0.0344185941 : f32
      %parallel_loop3A_1026 = vector.broadcast %parallel_loop3A_1025 : f32 to vector<16xf32>
      %parallel_loop3A_1027 = arith.addf %parallel_loop3A_1024, %parallel_loop3A_1026 : vector<16xf32>
      %parallel_loop3A_1028 = arith.mulf %parallel_loop3A_1027, %parallel_loop3A_1021 : vector<16xf32>
      %parallel_loop3A_1029 = arith.constant -0.0923137664 : f32
      %parallel_loop3A_1030 = vector.broadcast %parallel_loop3A_1029 : f32 to vector<16xf32>
      %parallel_loop3A_1031 = arith.addf %parallel_loop3A_1028, %parallel_loop3A_1030 : vector<16xf32>
      %parallel_loop3A_1032 = arith.mulf %parallel_loop3A_1031, %parallel_loop3A_1021 : vector<16xf32>
      %parallel_loop3A_1033 = arith.constant 0.164783493 : f32
      %parallel_loop3A_1034 = vector.broadcast %parallel_loop3A_1033 : f32 to vector<16xf32>
      %parallel_loop3A_1035 = arith.addf %parallel_loop3A_1032, %parallel_loop3A_1034 : vector<16xf32>
      %parallel_loop3A_1036 = arith.mulf %parallel_loop3A_1035, %parallel_loop3A_1021 : vector<16xf32>
      %parallel_loop3A_1037 = arith.constant -0.239190713 : f32
      %parallel_loop3A_1038 = vector.broadcast %parallel_loop3A_1037 : f32 to vector<16xf32>
      %parallel_loop3A_1039 = arith.addf %parallel_loop3A_1036, %parallel_loop3A_1038 : vector<16xf32>
      %parallel_loop3A_1040 = arith.mulf %parallel_loop3A_1039, %parallel_loop3A_1021 : vector<16xf32>
      %parallel_loop3A_1041 = arith.constant 3.313340e-01 : f32
      %parallel_loop3A_1042 = vector.broadcast %parallel_loop3A_1041 : f32 to vector<16xf32>
      %parallel_loop3A_1043 = arith.addf %parallel_loop3A_1040, %parallel_loop3A_1042 : vector<16xf32>
      %parallel_loop3A_1044 = arith.mulf %parallel_loop3A_1043, %parallel_loop3A_1021 : vector<16xf32>
      %parallel_loop3A_1045 = arith.constant -0.499801159 : f32
      %parallel_loop3A_1046 = vector.broadcast %parallel_loop3A_1045 : f32 to vector<16xf32>
      %parallel_loop3A_1047 = arith.addf %parallel_loop3A_1044, %parallel_loop3A_1046 : vector<16xf32>
      %parallel_loop3A_1048 = arith.mulf %parallel_loop3A_1047, %parallel_loop3A_1021 : vector<16xf32>
      %parallel_loop3A_1049 = arith.constant 0.999991476 : f32
      %parallel_loop3A_1050 = vector.broadcast %parallel_loop3A_1049 : f32 to vector<16xf32>
      %parallel_loop3A_1051 = arith.addf %parallel_loop3A_1048, %parallel_loop3A_1050 : vector<16xf32>
      %parallel_loop3A_1052 = arith.mulf %parallel_loop3A_1051, %parallel_loop3A_1021 : vector<16xf32>
      %parallel_loop3A_1053 = arith.constant 9.08378652E-8 : f32
      %parallel_loop3A_1054 = vector.broadcast %parallel_loop3A_1053 : f32 to vector<16xf32>
      %parallel_loop3A_1055 = arith.addf %parallel_loop3A_1052, %parallel_loop3A_1054 : vector<16xf32>
      %parallel_loop3A_1056 = arith.constant 0.000000e+00 : f32
      %parallel_loop3A_1057 = vector.broadcast %parallel_loop3A_1056 : f32 to vector<16xf32>
      %parallel_loop3A_1058 = arith.maximumf %parallel_loop3A_1016, %parallel_loop3A_1057 : vector<16xf32>
      %parallel_loop3A_1059 = arith.addf %parallel_loop3A_1058, %parallel_loop3A_1055 : vector<16xf32>
      %parallel_loop3A_1060 = arith.mulf %parallel_loop3A_1000, %parallel_loop3A_1059 : vector<16xf32>
      %parallel_loop3A_1061 = arith.addf %parallel_loop3A_1008, %parallel_loop3A_1060 : vector<16xf32>
      %parallel_loop3A_1062 = arith.maximumf %parallel_loop3A_986, %parallel_loop3A_1061 : vector<16xf32>
      %parallel_loop3A_1063 = arith.constant 0 : i32
      %parallel_loop3A_1064 = arith.constant 11 : i32
      %parallel_loop3A_1065 = arith.index_cast %parallel_loop3A_1063 : i32 to index
      %parallel_loop3A_1066 = arith.index_cast %parallel_loop3A_1064 : i32 to index
      %parallel_loop3A_1067 = arith.index_cast %parallel_loop3A_227 : i32 to index
      %parallel_loop3A_1068 = tpu.vector_load %arg7[%parallel_loop3A_1065, %parallel_loop3A_1066, %parallel_loop3A_1067] {strides = array<i32>} : memref<2x16x1024xf32, #tpu.memory_space<vmem>>, vector<1x1x16xf32>,
      %parallel_loop3A_1069 = vector.shape_cast %parallel_loop3A_1068 : vector<1x1x16xf32> to vector<16xf32>
      %parallel_loop3A_1070 = arith.constant 0 : i32
      %parallel_loop3A_1071 = arith.constant 11 : i32
      %parallel_loop3A_1072 = arith.index_cast %parallel_loop3A_1070 : i32 to index
      %parallel_loop3A_1073 = arith.index_cast %parallel_loop3A_1071 : i32 to index
      %parallel_loop3A_1074 = arith.index_cast %parallel_loop3A_227 : i32 to index
      %parallel_loop3A_1075 = tpu.vector_load %arg8[%parallel_loop3A_1072, %parallel_loop3A_1073, %parallel_loop3A_1074] {strides = array<i32>} : memref<2x16x1024xf32, #tpu.memory_space<vmem>>, vector<1x1x16xf32>,
      %parallel_loop3A_1076 = vector.shape_cast %parallel_loop3A_1075 : vector<1x1x16xf32> to vector<16xf32>
      %parallel_loop3A_1077 = arith.constant 0 : i32
      %parallel_loop3A_1078 = arith.constant 11 : i32
      %parallel_loop3A_1079 = arith.index_cast %parallel_loop3A_1077 : i32 to index
      %parallel_loop3A_1080 = arith.index_cast %parallel_loop3A_1078 : i32 to index
      %parallel_loop3A_1081 = arith.constant 0 : index
      %parallel_loop3A_1082 = tpu.vector_load %arg10[%parallel_loop3A_1079, %parallel_loop3A_1080, %parallel_loop3A_1081] {strides = array<i32>} : memref<2x16x16xf32, #tpu.memory_space<vmem>>, vector<1x1x16xf32>,
      %parallel_loop3A_1083 = vector.shape_cast %parallel_loop3A_1082 : vector<1x1x16xf32> to vector<16xf32>
      %parallel_loop3A_1084 = arith.mulf %parallel_loop3A_1069, %parallel_loop3A_1083 : vector<16xf32>
      %parallel_loop3A_1085 = arith.constant 1 : i32
      %parallel_loop3A_1086 = arith.constant 11 : i32
      %parallel_loop3A_1087 = arith.index_cast %parallel_loop3A_1085 : i32 to index
      %parallel_loop3A_1088 = arith.index_cast %parallel_loop3A_1086 : i32 to index
      %parallel_loop3A_1089 = arith.constant 0 : index
      %parallel_loop3A_1090 = tpu.vector_load %arg10[%parallel_loop3A_1087, %parallel_loop3A_1088, %parallel_loop3A_1089] {strides = array<i32>} : memref<2x16x16xf32, #tpu.memory_space<vmem>>, vector<1x1x16xf32>,
      %parallel_loop3A_1091 = vector.shape_cast %parallel_loop3A_1090 : vector<1x1x16xf32> to vector<16xf32>
      %parallel_loop3A_1092 = arith.mulf %parallel_loop3A_1069, %parallel_loop3A_1091 : vector<16xf32>
      %parallel_loop3A_1093 = math.absf %parallel_loop3A_1092 : vector<16xf32>
      %parallel_loop3A_1094 = arith.constant 0.000000e+00 : f32
      %parallel_loop3A_1095 = vector.broadcast %parallel_loop3A_1094 : f32 to vector<16xf32>
      %parallel_loop3A_1096 = arith.subf %parallel_loop3A_1095, %parallel_loop3A_1093 : vector<16xf32>
      %parallel_loop3A_1097 = math.exp %parallel_loop3A_1096 : vector<16xf32>
      %parallel_loop3A_1098 = arith.constant -0.00607487746 : f32
      %parallel_loop3A_1099 = vector.broadcast %parallel_loop3A_1098 : f32 to vector<16xf32>
      %parallel_loop3A_1100 = arith.mulf %parallel_loop3A_1099, %parallel_loop3A_1097 : vector<16xf32>
      %parallel_loop3A_1101 = arith.constant 0.0344185941 : f32
      %parallel_loop3A_1102 = vector.broadcast %parallel_loop3A_1101 : f32 to vector<16xf32>
      %parallel_loop3A_1103 = arith.addf %parallel_loop3A_1100, %parallel_loop3A_1102 : vector<16xf32>
      %parallel_loop3A_1104 = arith.mulf %parallel_loop3A_1103, %parallel_loop3A_1097 : vector<16xf32>
      %parallel_loop3A_1105 = arith.constant -0.0923137664 : f32
      %parallel_loop3A_1106 = vector.broadcast %parallel_loop3A_1105 : f32 to vector<16xf32>
      %parallel_loop3A_1107 = arith.addf %parallel_loop3A_1104, %parallel_loop3A_1106 : vector<16xf32>
      %parallel_loop3A_1108 = arith.mulf %parallel_loop3A_1107, %parallel_loop3A_1097 : vector<16xf32>
      %parallel_loop3A_1109 = arith.constant 0.164783493 : f32
      %parallel_loop3A_1110 = vector.broadcast %parallel_loop3A_1109 : f32 to vector<16xf32>
      %parallel_loop3A_1111 = arith.addf %parallel_loop3A_1108, %parallel_loop3A_1110 : vector<16xf32>
      %parallel_loop3A_1112 = arith.mulf %parallel_loop3A_1111, %parallel_loop3A_1097 : vector<16xf32>
      %parallel_loop3A_1113 = arith.constant -0.239190713 : f32
      %parallel_loop3A_1114 = vector.broadcast %parallel_loop3A_1113 : f32 to vector<16xf32>
      %parallel_loop3A_1115 = arith.addf %parallel_loop3A_1112, %parallel_loop3A_1114 : vector<16xf32>
      %parallel_loop3A_1116 = arith.mulf %parallel_loop3A_1115, %parallel_loop3A_1097 : vector<16xf32>
      %parallel_loop3A_1117 = arith.constant 3.313340e-01 : f32
      %parallel_loop3A_1118 = vector.broadcast %parallel_loop3A_1117 : f32 to vector<16xf32>
      %parallel_loop3A_1119 = arith.addf %parallel_loop3A_1116, %parallel_loop3A_1118 : vector<16xf32>
      %parallel_loop3A_1120 = arith.mulf %parallel_loop3A_1119, %parallel_loop3A_1097 : vector<16xf32>
      %parallel_loop3A_1121 = arith.constant -0.499801159 : f32
      %parallel_loop3A_1122 = vector.broadcast %parallel_loop3A_1121 : f32 to vector<16xf32>
      %parallel_loop3A_1123 = arith.addf %parallel_loop3A_1120, %parallel_loop3A_1122 : vector<16xf32>
      %parallel_loop3A_1124 = arith.mulf %parallel_loop3A_1123, %parallel_loop3A_1097 : vector<16xf32>
      %parallel_loop3A_1125 = arith.constant 0.999991476 : f32
      %parallel_loop3A_1126 = vector.broadcast %parallel_loop3A_1125 : f32 to vector<16xf32>
      %parallel_loop3A_1127 = arith.addf %parallel_loop3A_1124, %parallel_loop3A_1126 : vector<16xf32>
      %parallel_loop3A_1128 = arith.mulf %parallel_loop3A_1127, %parallel_loop3A_1097 : vector<16xf32>
      %parallel_loop3A_1129 = arith.constant 9.08378652E-8 : f32
      %parallel_loop3A_1130 = vector.broadcast %parallel_loop3A_1129 : f32 to vector<16xf32>
      %parallel_loop3A_1131 = arith.addf %parallel_loop3A_1128, %parallel_loop3A_1130 : vector<16xf32>
      %parallel_loop3A_1132 = arith.constant 0.000000e+00 : f32
      %parallel_loop3A_1133 = vector.broadcast %parallel_loop3A_1132 : f32 to vector<16xf32>
      %parallel_loop3A_1134 = arith.maximumf %parallel_loop3A_1092, %parallel_loop3A_1133 : vector<16xf32>
      %parallel_loop3A_1135 = arith.addf %parallel_loop3A_1134, %parallel_loop3A_1131 : vector<16xf32>
      %parallel_loop3A_1136 = arith.mulf %parallel_loop3A_1076, %parallel_loop3A_1135 : vector<16xf32>
      %parallel_loop3A_1137 = arith.addf %parallel_loop3A_1084, %parallel_loop3A_1136 : vector<16xf32>
      %parallel_loop3A_1138 = arith.maximumf %parallel_loop3A_1062, %parallel_loop3A_1137 : vector<16xf32>
      %parallel_loop3A_1139 = arith.constant 0 : i32
      %parallel_loop3A_1140 = arith.constant 12 : i32
      %parallel_loop3A_1141 = arith.index_cast %parallel_loop3A_1139 : i32 to index
      %parallel_loop3A_1142 = arith.index_cast %parallel_loop3A_1140 : i32 to index
      %parallel_loop3A_1143 = arith.index_cast %parallel_loop3A_227 : i32 to index
      %parallel_loop3A_1144 = tpu.vector_load %arg7[%parallel_loop3A_1141, %parallel_loop3A_1142, %parallel_loop3A_1143] {strides = array<i32>} : memref<2x16x1024xf32, #tpu.memory_space<vmem>>, vector<1x1x16xf32>,
      %parallel_loop3A_1145 = vector.shape_cast %parallel_loop3A_1144 : vector<1x1x16xf32> to vector<16xf32>
      %parallel_loop3A_1146 = arith.constant 0 : i32
      %parallel_loop3A_1147 = arith.constant 12 : i32
      %parallel_loop3A_1148 = arith.index_cast %parallel_loop3A_1146 : i32 to index
      %parallel_loop3A_1149 = arith.index_cast %parallel_loop3A_1147 : i32 to index
      %parallel_loop3A_1150 = arith.index_cast %parallel_loop3A_227 : i32 to index
      %parallel_loop3A_1151 = tpu.vector_load %arg8[%parallel_loop3A_1148, %parallel_loop3A_1149, %parallel_loop3A_1150] {strides = array<i32>} : memref<2x16x1024xf32, #tpu.memory_space<vmem>>, vector<1x1x16xf32>,
      %parallel_loop3A_1152 = vector.shape_cast %parallel_loop3A_1151 : vector<1x1x16xf32> to vector<16xf32>
      %parallel_loop3A_1153 = arith.constant 0 : i32
      %parallel_loop3A_1154 = arith.constant 12 : i32
      %parallel_loop3A_1155 = arith.index_cast %parallel_loop3A_1153 : i32 to index
      %parallel_loop3A_1156 = arith.index_cast %parallel_loop3A_1154 : i32 to index
      %parallel_loop3A_1157 = arith.constant 0 : index
      %parallel_loop3A_1158 = tpu.vector_load %arg10[%parallel_loop3A_1155, %parallel_loop3A_1156, %parallel_loop3A_1157] {strides = array<i32>} : memref<2x16x16xf32, #tpu.memory_space<vmem>>, vector<1x1x16xf32>,
      %parallel_loop3A_1159 = vector.shape_cast %parallel_loop3A_1158 : vector<1x1x16xf32> to vector<16xf32>
      %parallel_loop3A_1160 = arith.mulf %parallel_loop3A_1145, %parallel_loop3A_1159 : vector<16xf32>
      %parallel_loop3A_1161 = arith.constant 1 : i32
      %parallel_loop3A_1162 = arith.constant 12 : i32
      %parallel_loop3A_1163 = arith.index_cast %parallel_loop3A_1161 : i32 to index
      %parallel_loop3A_1164 = arith.index_cast %parallel_loop3A_1162 : i32 to index
      %parallel_loop3A_1165 = arith.constant 0 : index
      %parallel_loop3A_1166 = tpu.vector_load %arg10[%parallel_loop3A_1163, %parallel_loop3A_1164, %parallel_loop3A_1165] {strides = array<i32>} : memref<2x16x16xf32, #tpu.memory_space<vmem>>, vector<1x1x16xf32>,
      %parallel_loop3A_1167 = vector.shape_cast %parallel_loop3A_1166 : vector<1x1x16xf32> to vector<16xf32>
      %parallel_loop3A_1168 = arith.mulf %parallel_loop3A_1145, %parallel_loop3A_1167 : vector<16xf32>
      %parallel_loop3A_1169 = math.absf %parallel_loop3A_1168 : vector<16xf32>
      %parallel_loop3A_1170 = arith.constant 0.000000e+00 : f32
      %parallel_loop3A_1171 = vector.broadcast %parallel_loop3A_1170 : f32 to vector<16xf32>
      %parallel_loop3A_1172 = arith.subf %parallel_loop3A_1171, %parallel_loop3A_1169 : vector<16xf32>
      %parallel_loop3A_1173 = math.exp %parallel_loop3A_1172 : vector<16xf32>
      %parallel_loop3A_1174 = arith.constant -0.00607487746 : f32
      %parallel_loop3A_1175 = vector.broadcast %parallel_loop3A_1174 : f32 to vector<16xf32>
      %parallel_loop3A_1176 = arith.mulf %parallel_loop3A_1175, %parallel_loop3A_1173 : vector<16xf32>
      %parallel_loop3A_1177 = arith.constant 0.0344185941 : f32
      %parallel_loop3A_1178 = vector.broadcast %parallel_loop3A_1177 : f32 to vector<16xf32>
      %parallel_loop3A_1179 = arith.addf %parallel_loop3A_1176, %parallel_loop3A_1178 : vector<16xf32>
      %parallel_loop3A_1180 = arith.mulf %parallel_loop3A_1179, %parallel_loop3A_1173 : vector<16xf32>
      %parallel_loop3A_1181 = arith.constant -0.0923137664 : f32
      %parallel_loop3A_1182 = vector.broadcast %parallel_loop3A_1181 : f32 to vector<16xf32>
      %parallel_loop3A_1183 = arith.addf %parallel_loop3A_1180, %parallel_loop3A_1182 : vector<16xf32>
      %parallel_loop3A_1184 = arith.mulf %parallel_loop3A_1183, %parallel_loop3A_1173 : vector<16xf32>
      %parallel_loop3A_1185 = arith.constant 0.164783493 : f32
      %parallel_loop3A_1186 = vector.broadcast %parallel_loop3A_1185 : f32 to vector<16xf32>
      %parallel_loop3A_1187 = arith.addf %parallel_loop3A_1184, %parallel_loop3A_1186 : vector<16xf32>
      %parallel_loop3A_1188 = arith.mulf %parallel_loop3A_1187, %parallel_loop3A_1173 : vector<16xf32>
      %parallel_loop3A_1189 = arith.constant -0.239190713 : f32
      %parallel_loop3A_1190 = vector.broadcast %parallel_loop3A_1189 : f32 to vector<16xf32>
      %parallel_loop3A_1191 = arith.addf %parallel_loop3A_1188, %parallel_loop3A_1190 : vector<16xf32>
      %parallel_loop3A_1192 = arith.mulf %parallel_loop3A_1191, %parallel_loop3A_1173 : vector<16xf32>
      %parallel_loop3A_1193 = arith.constant 3.313340e-01 : f32
      %parallel_loop3A_1194 = vector.broadcast %parallel_loop3A_1193 : f32 to vector<16xf32>
      %parallel_loop3A_1195 = arith.addf %parallel_loop3A_1192, %parallel_loop3A_1194 : vector<16xf32>
      %parallel_loop3A_1196 = arith.mulf %parallel_loop3A_1195, %parallel_loop3A_1173 : vector<16xf32>
      %parallel_loop3A_1197 = arith.constant -0.499801159 : f32
      %parallel_loop3A_1198 = vector.broadcast %parallel_loop3A_1197 : f32 to vector<16xf32>
      %parallel_loop3A_1199 = arith.addf %parallel_loop3A_1196, %parallel_loop3A_1198 : vector<16xf32>
      %parallel_loop3A_1200 = arith.mulf %parallel_loop3A_1199, %parallel_loop3A_1173 : vector<16xf32>
      %parallel_loop3A_1201 = arith.constant 0.999991476 : f32
      %parallel_loop3A_1202 = vector.broadcast %parallel_loop3A_1201 : f32 to vector<16xf32>
      %parallel_loop3A_1203 = arith.addf %parallel_loop3A_1200, %parallel_loop3A_1202 : vector<16xf32>
      %parallel_loop3A_1204 = arith.mulf %parallel_loop3A_1203, %parallel_loop3A_1173 : vector<16xf32>
      %parallel_loop3A_1205 = arith.constant 9.08378652E-8 : f32
      %parallel_loop3A_1206 = vector.broadcast %parallel_loop3A_1205 : f32 to vector<16xf32>
      %parallel_loop3A_1207 = arith.addf %parallel_loop3A_1204, %parallel_loop3A_1206 : vector<16xf32>
      %parallel_loop3A_1208 = arith.constant 0.000000e+00 : f32
      %parallel_loop3A_1209 = vector.broadcast %parallel_loop3A_1208 : f32 to vector<16xf32>
      %parallel_loop3A_1210 = arith.maximumf %parallel_loop3A_1168, %parallel_loop3A_1209 : vector<16xf32>
      %parallel_loop3A_1211 = arith.addf %parallel_loop3A_1210, %parallel_loop3A_1207 : vector<16xf32>
      %parallel_loop3A_1212 = arith.mulf %parallel_loop3A_1152, %parallel_loop3A_1211 : vector<16xf32>
      %parallel_loop3A_1213 = arith.addf %parallel_loop3A_1160, %parallel_loop3A_1212 : vector<16xf32>
      %parallel_loop3A_1214 = arith.maximumf %parallel_loop3A_1138, %parallel_loop3A_1213 : vector<16xf32>
      %parallel_loop3A_1215 = arith.constant 0 : i32
      %parallel_loop3A_1216 = arith.constant 13 : i32
      %parallel_loop3A_1217 = arith.index_cast %parallel_loop3A_1215 : i32 to index
      %parallel_loop3A_1218 = arith.index_cast %parallel_loop3A_1216 : i32 to index
      %parallel_loop3A_1219 = arith.index_cast %parallel_loop3A_227 : i32 to index
      %parallel_loop3A_1220 = tpu.vector_load %arg7[%parallel_loop3A_1217, %parallel_loop3A_1218, %parallel_loop3A_1219] {strides = array<i32>} : memref<2x16x1024xf32, #tpu.memory_space<vmem>>, vector<1x1x16xf32>,
      %parallel_loop3A_1221 = vector.shape_cast %parallel_loop3A_1220 : vector<1x1x16xf32> to vector<16xf32>
      %parallel_loop3A_1222 = arith.constant 0 : i32
      %parallel_loop3A_1223 = arith.constant 13 : i32
      %parallel_loop3A_1224 = arith.index_cast %parallel_loop3A_1222 : i32 to index
      %parallel_loop3A_1225 = arith.index_cast %parallel_loop3A_1223 : i32 to index
      %parallel_loop3A_1226 = arith.index_cast %parallel_loop3A_227 : i32 to index
      %parallel_loop3A_1227 = tpu.vector_load %arg8[%parallel_loop3A_1224, %parallel_loop3A_1225, %parallel_loop3A_1226] {strides = array<i32>} : memref<2x16x1024xf32, #tpu.memory_space<vmem>>, vector<1x1x16xf32>,
      %parallel_loop3A_1228 = vector.shape_cast %parallel_loop3A_1227 : vector<1x1x16xf32> to vector<16xf32>
      %parallel_loop3A_1229 = arith.constant 0 : i32
      %parallel_loop3A_1230 = arith.constant 13 : i32
      %parallel_loop3A_1231 = arith.index_cast %parallel_loop3A_1229 : i32 to index
      %parallel_loop3A_1232 = arith.index_cast %parallel_loop3A_1230 : i32 to index
      %parallel_loop3A_1233 = arith.constant 0 : index
      %parallel_loop3A_1234 = tpu.vector_load %arg10[%parallel_loop3A_1231, %parallel_loop3A_1232, %parallel_loop3A_1233] {strides = array<i32>} : memref<2x16x16xf32, #tpu.memory_space<vmem>>, vector<1x1x16xf32>,
      %parallel_loop3A_1235 = vector.shape_cast %parallel_loop3A_1234 : vector<1x1x16xf32> to vector<16xf32>
      %parallel_loop3A_1236 = arith.mulf %parallel_loop3A_1221, %parallel_loop3A_1235 : vector<16xf32>
      %parallel_loop3A_1237 = arith.constant 1 : i32
      %parallel_loop3A_1238 = arith.constant 13 : i32
      %parallel_loop3A_1239 = arith.index_cast %parallel_loop3A_1237 : i32 to index
      %parallel_loop3A_1240 = arith.index_cast %parallel_loop3A_1238 : i32 to index
      %parallel_loop3A_1241 = arith.constant 0 : index
      %parallel_loop3A_1242 = tpu.vector_load %arg10[%parallel_loop3A_1239, %parallel_loop3A_1240, %parallel_loop3A_1241] {strides = array<i32>} : memref<2x16x16xf32, #tpu.memory_space<vmem>>, vector<1x1x16xf32>,
      %parallel_loop3A_1243 = vector.shape_cast %parallel_loop3A_1242 : vector<1x1x16xf32> to vector<16xf32>
      %parallel_loop3A_1244 = arith.mulf %parallel_loop3A_1221, %parallel_loop3A_1243 : vector<16xf32>
      %parallel_loop3A_1245 = math.absf %parallel_loop3A_1244 : vector<16xf32>
      %parallel_loop3A_1246 = arith.constant 0.000000e+00 : f32
      %parallel_loop3A_1247 = vector.broadcast %parallel_loop3A_1246 : f32 to vector<16xf32>
      %parallel_loop3A_1248 = arith.subf %parallel_loop3A_1247, %parallel_loop3A_1245 : vector<16xf32>
      %parallel_loop3A_1249 = math.exp %parallel_loop3A_1248 : vector<16xf32>
      %parallel_loop3A_1250 = arith.constant -0.00607487746 : f32
      %parallel_loop3A_1251 = vector.broadcast %parallel_loop3A_1250 : f32 to vector<16xf32>
      %parallel_loop3A_1252 = arith.mulf %parallel_loop3A_1251, %parallel_loop3A_1249 : vector<16xf32>
      %parallel_loop3A_1253 = arith.constant 0.0344185941 : f32
      %parallel_loop3A_1254 = vector.broadcast %parallel_loop3A_1253 : f32 to vector<16xf32>
      %parallel_loop3A_1255 = arith.addf %parallel_loop3A_1252, %parallel_loop3A_1254 : vector<16xf32>
      %parallel_loop3A_1256 = arith.mulf %parallel_loop3A_1255, %parallel_loop3A_1249 : vector<16xf32>
      %parallel_loop3A_1257 = arith.constant -0.0923137664 : f32
      %parallel_loop3A_1258 = vector.broadcast %parallel_loop3A_1257 : f32 to vector<16xf32>
      %parallel_loop3A_1259 = arith.addf %parallel_loop3A_1256, %parallel_loop3A_1258 : vector<16xf32>
      %parallel_loop3A_1260 = arith.mulf %parallel_loop3A_1259, %parallel_loop3A_1249 : vector<16xf32>
      %parallel_loop3A_1261 = arith.constant 0.164783493 : f32
      %parallel_loop3A_1262 = vector.broadcast %parallel_loop3A_1261 : f32 to vector<16xf32>
      %parallel_loop3A_1263 = arith.addf %parallel_loop3A_1260, %parallel_loop3A_1262 : vector<16xf32>
      %parallel_loop3A_1264 = arith.mulf %parallel_loop3A_1263, %parallel_loop3A_1249 : vector<16xf32>
      %parallel_loop3A_1265 = arith.constant -0.239190713 : f32
      %parallel_loop3A_1266 = vector.broadcast %parallel_loop3A_1265 : f32 to vector<16xf32>
      %parallel_loop3A_1267 = arith.addf %parallel_loop3A_1264, %parallel_loop3A_1266 : vector<16xf32>
      %parallel_loop3A_1268 = arith.mulf %parallel_loop3A_1267, %parallel_loop3A_1249 : vector<16xf32>
      %parallel_loop3A_1269 = arith.constant 3.313340e-01 : f32
      %parallel_loop3A_1270 = vector.broadcast %parallel_loop3A_1269 : f32 to vector<16xf32>
      %parallel_loop3A_1271 = arith.addf %parallel_loop3A_1268, %parallel_loop3A_1270 : vector<16xf32>
      %parallel_loop3A_1272 = arith.mulf %parallel_loop3A_1271, %parallel_loop3A_1249 : vector<16xf32>
      %parallel_loop3A_1273 = arith.constant -0.499801159 : f32
      %parallel_loop3A_1274 = vector.broadcast %parallel_loop3A_1273 : f32 to vector<16xf32>
      %parallel_loop3A_1275 = arith.addf %parallel_loop3A_1272, %parallel_loop3A_1274 : vector<16xf32>
      %parallel_loop3A_1276 = arith.mulf %parallel_loop3A_1275, %parallel_loop3A_1249 : vector<16xf32>
      %parallel_loop3A_1277 = arith.constant 0.999991476 : f32
      %parallel_loop3A_1278 = vector.broadcast %parallel_loop3A_1277 : f32 to vector<16xf32>
      %parallel_loop3A_1279 = arith.addf %parallel_loop3A_1276, %parallel_loop3A_1278 : vector<16xf32>
      %parallel_loop3A_1280 = arith.mulf %parallel_loop3A_1279, %parallel_loop3A_1249 : vector<16xf32>
      %parallel_loop3A_1281 = arith.constant 9.08378652E-8 : f32
      %parallel_loop3A_1282 = vector.broadcast %parallel_loop3A_1281 : f32 to vector<16xf32>
      %parallel_loop3A_1283 = arith.addf %parallel_loop3A_1280, %parallel_loop3A_1282 : vector<16xf32>
      %parallel_loop3A_1284 = arith.constant 0.000000e+00 : f32
      %parallel_loop3A_1285 = vector.broadcast %parallel_loop3A_1284 : f32 to vector<16xf32>
      %parallel_loop3A_1286 = arith.maximumf %parallel_loop3A_1244, %parallel_loop3A_1285 : vector<16xf32>
      %parallel_loop3A_1287 = arith.addf %parallel_loop3A_1286, %parallel_loop3A_1283 : vector<16xf32>
      %parallel_loop3A_1288 = arith.mulf %parallel_loop3A_1228, %parallel_loop3A_1287 : vector<16xf32>
      %parallel_loop3A_1289 = arith.addf %parallel_loop3A_1236, %parallel_loop3A_1288 : vector<16xf32>
      %parallel_loop3A_1290 = arith.maximumf %parallel_loop3A_1214, %parallel_loop3A_1289 : vector<16xf32>
      %parallel_loop3A_1291 = arith.constant 0 : i32
      %parallel_loop3A_1292 = arith.constant 14 : i32
      %parallel_loop3A_1293 = arith.index_cast %parallel_loop3A_1291 : i32 to index
      %parallel_loop3A_1294 = arith.index_cast %parallel_loop3A_1292 : i32 to index
      %parallel_loop3A_1295 = arith.index_cast %parallel_loop3A_227 : i32 to index
      %parallel_loop3A_1296 = tpu.vector_load %arg7[%parallel_loop3A_1293, %parallel_loop3A_1294, %parallel_loop3A_1295] {strides = array<i32>} : memref<2x16x1024xf32, #tpu.memory_space<vmem>>, vector<1x1x16xf32>,
      %parallel_loop3A_1297 = vector.shape_cast %parallel_loop3A_1296 : vector<1x1x16xf32> to vector<16xf32>
      %parallel_loop3A_1298 = arith.constant 0 : i32
      %parallel_loop3A_1299 = arith.constant 14 : i32
      %parallel_loop3A_1300 = arith.index_cast %parallel_loop3A_1298 : i32 to index
      %parallel_loop3A_1301 = arith.index_cast %parallel_loop3A_1299 : i32 to index
      %parallel_loop3A_1302 = arith.index_cast %parallel_loop3A_227 : i32 to index
      %parallel_loop3A_1303 = tpu.vector_load %arg8[%parallel_loop3A_1300, %parallel_loop3A_1301, %parallel_loop3A_1302] {strides = array<i32>} : memref<2x16x1024xf32, #tpu.memory_space<vmem>>, vector<1x1x16xf32>,
      %parallel_loop3A_1304 = vector.shape_cast %parallel_loop3A_1303 : vector<1x1x16xf32> to vector<16xf32>
      %parallel_loop3A_1305 = arith.constant 0 : i32
      %parallel_loop3A_1306 = arith.constant 14 : i32
      %parallel_loop3A_1307 = arith.index_cast %parallel_loop3A_1305 : i32 to index
      %parallel_loop3A_1308 = arith.index_cast %parallel_loop3A_1306 : i32 to index
      %parallel_loop3A_1309 = arith.constant 0 : index
      %parallel_loop3A_1310 = tpu.vector_load %arg10[%parallel_loop3A_1307, %parallel_loop3A_1308, %parallel_loop3A_1309] {strides = array<i32>} : memref<2x16x16xf32, #tpu.memory_space<vmem>>, vector<1x1x16xf32>,
      %parallel_loop3A_1311 = vector.shape_cast %parallel_loop3A_1310 : vector<1x1x16xf32> to vector<16xf32>
      %parallel_loop3A_1312 = arith.mulf %parallel_loop3A_1297, %parallel_loop3A_1311 : vector<16xf32>
      %parallel_loop3A_1313 = arith.constant 1 : i32
      %parallel_loop3A_1314 = arith.constant 14 : i32
      %parallel_loop3A_1315 = arith.index_cast %parallel_loop3A_1313 : i32 to index
      %parallel_loop3A_1316 = arith.index_cast %parallel_loop3A_1314 : i32 to index
      %parallel_loop3A_1317 = arith.constant 0 : index
      %parallel_loop3A_1318 = tpu.vector_load %arg10[%parallel_loop3A_1315, %parallel_loop3A_1316, %parallel_loop3A_1317] {strides = array<i32>} : memref<2x16x16xf32, #tpu.memory_space<vmem>>, vector<1x1x16xf32>,
      %parallel_loop3A_1319 = vector.shape_cast %parallel_loop3A_1318 : vector<1x1x16xf32> to vector<16xf32>
      %parallel_loop3A_1320 = arith.mulf %parallel_loop3A_1297, %parallel_loop3A_1319 : vector<16xf32>
      %parallel_loop3A_1321 = math.absf %parallel_loop3A_1320 : vector<16xf32>
      %parallel_loop3A_1322 = arith.constant 0.000000e+00 : f32
      %parallel_loop3A_1323 = vector.broadcast %parallel_loop3A_1322 : f32 to vector<16xf32>
      %parallel_loop3A_1324 = arith.subf %parallel_loop3A_1323, %parallel_loop3A_1321 : vector<16xf32>
      %parallel_loop3A_1325 = math.exp %parallel_loop3A_1324 : vector<16xf32>
      %parallel_loop3A_1326 = arith.constant -0.00607487746 : f32
      %parallel_loop3A_1327 = vector.broadcast %parallel_loop3A_1326 : f32 to vector<16xf32>
      %parallel_loop3A_1328 = arith.mulf %parallel_loop3A_1327, %parallel_loop3A_1325 : vector<16xf32>
      %parallel_loop3A_1329 = arith.constant 0.0344185941 : f32
      %parallel_loop3A_1330 = vector.broadcast %parallel_loop3A_1329 : f32 to vector<16xf32>
      %parallel_loop3A_1331 = arith.addf %parallel_loop3A_1328, %parallel_loop3A_1330 : vector<16xf32>
      %parallel_loop3A_1332 = arith.mulf %parallel_loop3A_1331, %parallel_loop3A_1325 : vector<16xf32>
      %parallel_loop3A_1333 = arith.constant -0.0923137664 : f32
      %parallel_loop3A_1334 = vector.broadcast %parallel_loop3A_1333 : f32 to vector<16xf32>
      %parallel_loop3A_1335 = arith.addf %parallel_loop3A_1332, %parallel_loop3A_1334 : vector<16xf32>
      %parallel_loop3A_1336 = arith.mulf %parallel_loop3A_1335, %parallel_loop3A_1325 : vector<16xf32>
      %parallel_loop3A_1337 = arith.constant 0.164783493 : f32
      %parallel_loop3A_1338 = vector.broadcast %parallel_loop3A_1337 : f32 to vector<16xf32>
      %parallel_loop3A_1339 = arith.addf %parallel_loop3A_1336, %parallel_loop3A_1338 : vector<16xf32>
      %parallel_loop3A_1340 = arith.mulf %parallel_loop3A_1339, %parallel_loop3A_1325 : vector<16xf32>
      %parallel_loop3A_1341 = arith.constant -0.239190713 : f32
      %parallel_loop3A_1342 = vector.broadcast %parallel_loop3A_1341 : f32 to vector<16xf32>
      %parallel_loop3A_1343 = arith.addf %parallel_loop3A_1340, %parallel_loop3A_1342 : vector<16xf32>
      %parallel_loop3A_1344 = arith.mulf %parallel_loop3A_1343, %parallel_loop3A_1325 : vector<16xf32>
      %parallel_loop3A_1345 = arith.constant 3.313340e-01 : f32
      %parallel_loop3A_1346 = vector.broadcast %parallel_loop3A_1345 : f32 to vector<16xf32>
      %parallel_loop3A_1347 = arith.addf %parallel_loop3A_1344, %parallel_loop3A_1346 : vector<16xf32>
      %parallel_loop3A_1348 = arith.mulf %parallel_loop3A_1347, %parallel_loop3A_1325 : vector<16xf32>
      %parallel_loop3A_1349 = arith.constant -0.499801159 : f32
      %parallel_loop3A_1350 = vector.broadcast %parallel_loop3A_1349 : f32 to vector<16xf32>
      %parallel_loop3A_1351 = arith.addf %parallel_loop3A_1348, %parallel_loop3A_1350 : vector<16xf32>
      %parallel_loop3A_1352 = arith.mulf %parallel_loop3A_1351, %parallel_loop3A_1325 : vector<16xf32>
      %parallel_loop3A_1353 = arith.constant 0.999991476 : f32
      %parallel_loop3A_1354 = vector.broadcast %parallel_loop3A_1353 : f32 to vector<16xf32>
      %parallel_loop3A_1355 = arith.addf %parallel_loop3A_1352, %parallel_loop3A_1354 : vector<16xf32>
      %parallel_loop3A_1356 = arith.mulf %parallel_loop3A_1355, %parallel_loop3A_1325 : vector<16xf32>
      %parallel_loop3A_1357 = arith.constant 9.08378652E-8 : f32
      %parallel_loop3A_1358 = vector.broadcast %parallel_loop3A_1357 : f32 to vector<16xf32>
      %parallel_loop3A_1359 = arith.addf %parallel_loop3A_1356, %parallel_loop3A_1358 : vector<16xf32>
      %parallel_loop3A_1360 = arith.constant 0.000000e+00 : f32
      %parallel_loop3A_1361 = vector.broadcast %parallel_loop3A_1360 : f32 to vector<16xf32>
      %parallel_loop3A_1362 = arith.maximumf %parallel_loop3A_1320, %parallel_loop3A_1361 : vector<16xf32>
      %parallel_loop3A_1363 = arith.addf %parallel_loop3A_1362, %parallel_loop3A_1359 : vector<16xf32>
      %parallel_loop3A_1364 = arith.mulf %parallel_loop3A_1304, %parallel_loop3A_1363 : vector<16xf32>
      %parallel_loop3A_1365 = arith.addf %parallel_loop3A_1312, %parallel_loop3A_1364 : vector<16xf32>
      %parallel_loop3A_1366 = arith.maximumf %parallel_loop3A_1290, %parallel_loop3A_1365 : vector<16xf32>
      %parallel_loop3A_1367 = arith.constant 0 : i32
      %parallel_loop3A_1368 = arith.constant 15 : i32
      %parallel_loop3A_1369 = arith.index_cast %parallel_loop3A_1367 : i32 to index
      %parallel_loop3A_1370 = arith.index_cast %parallel_loop3A_1368 : i32 to index
      %parallel_loop3A_1371 = arith.index_cast %parallel_loop3A_227 : i32 to index
      %parallel_loop3A_1372 = tpu.vector_load %arg7[%parallel_loop3A_1369, %parallel_loop3A_1370, %parallel_loop3A_1371] {strides = array<i32>} : memref<2x16x1024xf32, #tpu.memory_space<vmem>>, vector<1x1x16xf32>,
      %parallel_loop3A_1373 = vector.shape_cast %parallel_loop3A_1372 : vector<1x1x16xf32> to vector<16xf32>
      %parallel_loop3A_1374 = arith.constant 0 : i32
      %parallel_loop3A_1375 = arith.constant 15 : i32
      %parallel_loop3A_1376 = arith.index_cast %parallel_loop3A_1374 : i32 to index
      %parallel_loop3A_1377 = arith.index_cast %parallel_loop3A_1375 : i32 to index
      %parallel_loop3A_1378 = arith.index_cast %parallel_loop3A_227 : i32 to index
      %parallel_loop3A_1379 = tpu.vector_load %arg8[%parallel_loop3A_1376, %parallel_loop3A_1377, %parallel_loop3A_1378] {strides = array<i32>} : memref<2x16x1024xf32, #tpu.memory_space<vmem>>, vector<1x1x16xf32>,
      %parallel_loop3A_1380 = vector.shape_cast %parallel_loop3A_1379 : vector<1x1x16xf32> to vector<16xf32>
      %parallel_loop3A_1381 = arith.constant 0 : i32
      %parallel_loop3A_1382 = arith.constant 15 : i32
      %parallel_loop3A_1383 = arith.index_cast %parallel_loop3A_1381 : i32 to index
      %parallel_loop3A_1384 = arith.index_cast %parallel_loop3A_1382 : i32 to index
      %parallel_loop3A_1385 = arith.constant 0 : index
      %parallel_loop3A_1386 = tpu.vector_load %arg10[%parallel_loop3A_1383, %parallel_loop3A_1384, %parallel_loop3A_1385] {strides = array<i32>} : memref<2x16x16xf32, #tpu.memory_space<vmem>>, vector<1x1x16xf32>,
      %parallel_loop3A_1387 = vector.shape_cast %parallel_loop3A_1386 : vector<1x1x16xf32> to vector<16xf32>
      %parallel_loop3A_1388 = arith.mulf %parallel_loop3A_1373, %parallel_loop3A_1387 : vector<16xf32>
      %parallel_loop3A_1389 = arith.constant 1 : i32
      %parallel_loop3A_1390 = arith.constant 15 : i32
      %parallel_loop3A_1391 = arith.index_cast %parallel_loop3A_1389 : i32 to index
      %parallel_loop3A_1392 = arith.index_cast %parallel_loop3A_1390 : i32 to index
      %parallel_loop3A_1393 = arith.constant 0 : index
      %parallel_loop3A_1394 = tpu.vector_load %arg10[%parallel_loop3A_1391, %parallel_loop3A_1392, %parallel_loop3A_1393] {strides = array<i32>} : memref<2x16x16xf32, #tpu.memory_space<vmem>>, vector<1x1x16xf32>,
      %parallel_loop3A_1395 = vector.shape_cast %parallel_loop3A_1394 : vector<1x1x16xf32> to vector<16xf32>
      %parallel_loop3A_1396 = arith.mulf %parallel_loop3A_1373, %parallel_loop3A_1395 : vector<16xf32>
      %parallel_loop3A_1397 = math.absf %parallel_loop3A_1396 : vector<16xf32>
      %parallel_loop3A_1398 = arith.constant 0.000000e+00 : f32
      %parallel_loop3A_1399 = vector.broadcast %parallel_loop3A_1398 : f32 to vector<16xf32>
      %parallel_loop3A_1400 = arith.subf %parallel_loop3A_1399, %parallel_loop3A_1397 : vector<16xf32>
      %parallel_loop3A_1401 = math.exp %parallel_loop3A_1400 : vector<16xf32>
      %parallel_loop3A_1402 = arith.constant -0.00607487746 : f32
      %parallel_loop3A_1403 = vector.broadcast %parallel_loop3A_1402 : f32 to vector<16xf32>
      %parallel_loop3A_1404 = arith.mulf %parallel_loop3A_1403, %parallel_loop3A_1401 : vector<16xf32>
      %parallel_loop3A_1405 = arith.constant 0.0344185941 : f32
      %parallel_loop3A_1406 = vector.broadcast %parallel_loop3A_1405 : f32 to vector<16xf32>
      %parallel_loop3A_1407 = arith.addf %parallel_loop3A_1404, %parallel_loop3A_1406 : vector<16xf32>
      %parallel_loop3A_1408 = arith.mulf %parallel_loop3A_1407, %parallel_loop3A_1401 : vector<16xf32>
      %parallel_loop3A_1409 = arith.constant -0.0923137664 : f32
      %parallel_loop3A_1410 = vector.broadcast %parallel_loop3A_1409 : f32 to vector<16xf32>
      %parallel_loop3A_1411 = arith.addf %parallel_loop3A_1408, %parallel_loop3A_1410 : vector<16xf32>
      %parallel_loop3A_1412 = arith.mulf %parallel_loop3A_1411, %parallel_loop3A_1401 : vector<16xf32>
      %parallel_loop3A_1413 = arith.constant 0.164783493 : f32
      %parallel_loop3A_1414 = vector.broadcast %parallel_loop3A_1413 : f32 to vector<16xf32>
      %parallel_loop3A_1415 = arith.addf %parallel_loop3A_1412, %parallel_loop3A_1414 : vector<16xf32>
      %parallel_loop3A_1416 = arith.mulf %parallel_loop3A_1415, %parallel_loop3A_1401 : vector<16xf32>
      %parallel_loop3A_1417 = arith.constant -0.239190713 : f32
      %parallel_loop3A_1418 = vector.broadcast %parallel_loop3A_1417 : f32 to vector<16xf32>
      %parallel_loop3A_1419 = arith.addf %parallel_loop3A_1416, %parallel_loop3A_1418 : vector<16xf32>
      %parallel_loop3A_1420 = arith.mulf %parallel_loop3A_1419, %parallel_loop3A_1401 : vector<16xf32>
      %parallel_loop3A_1421 = arith.constant 3.313340e-01 : f32
      %parallel_loop3A_1422 = vector.broadcast %parallel_loop3A_1421 : f32 to vector<16xf32>
      %parallel_loop3A_1423 = arith.addf %parallel_loop3A_1420, %parallel_loop3A_1422 : vector<16xf32>
      %parallel_loop3A_1424 = arith.mulf %parallel_loop3A_1423, %parallel_loop3A_1401 : vector<16xf32>
      %parallel_loop3A_1425 = arith.constant -0.499801159 : f32
      %parallel_loop3A_1426 = vector.broadcast %parallel_loop3A_1425 : f32 to vector<16xf32>
      %parallel_loop3A_1427 = arith.addf %parallel_loop3A_1424, %parallel_loop3A_1426 : vector<16xf32>
      %parallel_loop3A_1428 = arith.mulf %parallel_loop3A_1427, %parallel_loop3A_1401 : vector<16xf32>
      %parallel_loop3A_1429 = arith.constant 0.999991476 : f32
      %parallel_loop3A_1430 = vector.broadcast %parallel_loop3A_1429 : f32 to vector<16xf32>
      %parallel_loop3A_1431 = arith.addf %parallel_loop3A_1428, %parallel_loop3A_1430 : vector<16xf32>
      %parallel_loop3A_1432 = arith.mulf %parallel_loop3A_1431, %parallel_loop3A_1401 : vector<16xf32>
      %parallel_loop3A_1433 = arith.constant 9.08378652E-8 : f32
      %parallel_loop3A_1434 = vector.broadcast %parallel_loop3A_1433 : f32 to vector<16xf32>
      %parallel_loop3A_1435 = arith.addf %parallel_loop3A_1432, %parallel_loop3A_1434 : vector<16xf32>
      %parallel_loop3A_1436 = arith.constant 0.000000e+00 : f32
      %parallel_loop3A_1437 = vector.broadcast %parallel_loop3A_1436 : f32 to vector<16xf32>
      %parallel_loop3A_1438 = arith.maximumf %parallel_loop3A_1396, %parallel_loop3A_1437 : vector<16xf32>
      %parallel_loop3A_1439 = arith.addf %parallel_loop3A_1438, %parallel_loop3A_1435 : vector<16xf32>
      %parallel_loop3A_1440 = arith.mulf %parallel_loop3A_1380, %parallel_loop3A_1439 : vector<16xf32>
      %parallel_loop3A_1441 = arith.addf %parallel_loop3A_1388, %parallel_loop3A_1440 : vector<16xf32>
      %parallel_loop3A_1442 = arith.maximumf %parallel_loop3A_1366, %parallel_loop3A_1441 : vector<16xf32>
      %parallel_loop3A_1443 = arith.subf %parallel_loop3A_302, %parallel_loop3A_1442 : vector<16xf32>
      %parallel_loop3A_1444 = math.exp %parallel_loop3A_1443 : vector<16xf32>
      %parallel_loop3A_1445 = arith.subf %parallel_loop3A_377, %parallel_loop3A_1442 : vector<16xf32>
      %parallel_loop3A_1446 = math.exp %parallel_loop3A_1445 : vector<16xf32>
      %parallel_loop3A_1447 = arith.addf %parallel_loop3A_1444, %parallel_loop3A_1446 : vector<16xf32>
      %parallel_loop3A_1448 = arith.subf %parallel_loop3A_453, %parallel_loop3A_1442 : vector<16xf32>
      %parallel_loop3A_1449 = math.exp %parallel_loop3A_1448 : vector<16xf32>
      %parallel_loop3A_1450 = arith.addf %parallel_loop3A_1447, %parallel_loop3A_1449 : vector<16xf32>
      %parallel_loop3A_1451 = arith.subf %parallel_loop3A_529, %parallel_loop3A_1442 : vector<16xf32>
      %parallel_loop3A_1452 = math.exp %parallel_loop3A_1451 : vector<16xf32>
      %parallel_loop3A_1453 = arith.addf %parallel_loop3A_1450, %parallel_loop3A_1452 : vector<16xf32>
      %parallel_loop3A_1454 = arith.subf %parallel_loop3A_605, %parallel_loop3A_1442 : vector<16xf32>
      %parallel_loop3A_1455 = math.exp %parallel_loop3A_1454 : vector<16xf32>
      %parallel_loop3A_1456 = arith.addf %parallel_loop3A_1453, %parallel_loop3A_1455 : vector<16xf32>
      %parallel_loop3A_1457 = arith.subf %parallel_loop3A_681, %parallel_loop3A_1442 : vector<16xf32>
      %parallel_loop3A_1458 = math.exp %parallel_loop3A_1457 : vector<16xf32>
      %parallel_loop3A_1459 = arith.addf %parallel_loop3A_1456, %parallel_loop3A_1458 : vector<16xf32>
      %parallel_loop3A_1460 = arith.subf %parallel_loop3A_757, %parallel_loop3A_1442 : vector<16xf32>
      %parallel_loop3A_1461 = math.exp %parallel_loop3A_1460 : vector<16xf32>
      %parallel_loop3A_1462 = arith.addf %parallel_loop3A_1459, %parallel_loop3A_1461 : vector<16xf32>
      %parallel_loop3A_1463 = arith.subf %parallel_loop3A_833, %parallel_loop3A_1442 : vector<16xf32>
      %parallel_loop3A_1464 = math.exp %parallel_loop3A_1463 : vector<16xf32>
      %parallel_loop3A_1465 = arith.addf %parallel_loop3A_1462, %parallel_loop3A_1464 : vector<16xf32>
      %parallel_loop3A_1466 = arith.subf %parallel_loop3A_909, %parallel_loop3A_1442 : vector<16xf32>
      %parallel_loop3A_1467 = math.exp %parallel_loop3A_1466 : vector<16xf32>
      %parallel_loop3A_1468 = arith.addf %parallel_loop3A_1465, %parallel_loop3A_1467 : vector<16xf32>
      %parallel_loop3A_1469 = arith.subf %parallel_loop3A_985, %parallel_loop3A_1442 : vector<16xf32>
      %parallel_loop3A_1470 = math.exp %parallel_loop3A_1469 : vector<16xf32>
      %parallel_loop3A_1471 = arith.addf %parallel_loop3A_1468, %parallel_loop3A_1470 : vector<16xf32>
      %parallel_loop3A_1472 = arith.subf %parallel_loop3A_1061, %parallel_loop3A_1442 : vector<16xf32>
      %parallel_loop3A_1473 = math.exp %parallel_loop3A_1472 : vector<16xf32>
      %parallel_loop3A_1474 = arith.addf %parallel_loop3A_1471, %parallel_loop3A_1473 : vector<16xf32>
      %parallel_loop3A_1475 = arith.subf %parallel_loop3A_1137, %parallel_loop3A_1442 : vector<16xf32>
      %parallel_loop3A_1476 = math.exp %parallel_loop3A_1475 : vector<16xf32>
      %parallel_loop3A_1477 = arith.addf %parallel_loop3A_1474, %parallel_loop3A_1476 : vector<16xf32>
      %parallel_loop3A_1478 = arith.subf %parallel_loop3A_1213, %parallel_loop3A_1442 : vector<16xf32>
      %parallel_loop3A_1479 = math.exp %parallel_loop3A_1478 : vector<16xf32>
      %parallel_loop3A_1480 = arith.addf %parallel_loop3A_1477, %parallel_loop3A_1479 : vector<16xf32>
      %parallel_loop3A_1481 = arith.subf %parallel_loop3A_1289, %parallel_loop3A_1442 : vector<16xf32>
      %parallel_loop3A_1482 = math.exp %parallel_loop3A_1481 : vector<16xf32>
      %parallel_loop3A_1483 = arith.addf %parallel_loop3A_1480, %parallel_loop3A_1482 : vector<16xf32>
      %parallel_loop3A_1484 = arith.subf %parallel_loop3A_1365, %parallel_loop3A_1442 : vector<16xf32>
      %parallel_loop3A_1485 = math.exp %parallel_loop3A_1484 : vector<16xf32>
      %parallel_loop3A_1486 = arith.addf %parallel_loop3A_1483, %parallel_loop3A_1485 : vector<16xf32>
      %parallel_loop3A_1487 = arith.subf %parallel_loop3A_1441, %parallel_loop3A_1442 : vector<16xf32>
      %parallel_loop3A_1488 = math.exp %parallel_loop3A_1487 : vector<16xf32>
      %parallel_loop3A_1489 = arith.addf %parallel_loop3A_1486, %parallel_loop3A_1488 : vector<16xf32>
      %parallel_loop3A_1490 = arith.constant 1.000000e+00 : f32
      %parallel_loop3A_1491 = vector.broadcast %parallel_loop3A_1490 : f32 to vector<16xf32>
      %parallel_loop3A_1492 = arith.divf %parallel_loop3A_1491, %parallel_loop3A_1489 : vector<16xf32>
      %parallel_loop3A_1493 = arith.constant 0.000000e+00 : f32
      %parallel_loop3A_1494 = vector.broadcast %parallel_loop3A_1493 : f32 to vector<16xf32>
      %parallel_loop3A_1495 = arith.cmpf oeq, %parallel_loop3A_302, %parallel_loop3A_1442 : vector<16xf32>
      %parallel_loop3A_1496 = arith.select %parallel_loop3A_1495, %parallel_loop3A_1492, %parallel_loop3A_1494 : vector<16xi1>, vector<16xf32>
      %parallel_loop3A_1497 = arith.constant 0 : i32
      %parallel_loop3A_1498 = arith.constant 0 : i32
      %parallel_loop3A_1499 = arith.index_cast %parallel_loop3A_1497 : i32 to index
      %parallel_loop3A_1500 = arith.index_cast %parallel_loop3A_1498 : i32 to index
      %parallel_loop3A_1501 = arith.index_cast %parallel_loop3A_227 : i32 to index
      %parallel_loop3A_1502 = tpu.vector_load %arg9[%parallel_loop3A_1499, %parallel_loop3A_1500, %parallel_loop3A_1501] {strides = array<i32>} : memref<2x16x1024xf32, #tpu.memory_space<vmem>>, vector<1x1x16xf32>,
      %parallel_loop3A_1503 = vector.shape_cast %parallel_loop3A_1502 : vector<1x1x16xf32> to vector<16xf32>
      %parallel_loop3A_1504 = vector.shape_cast %parallel_loop3A_1496 : vector<16xf32> to vector<1x1x16xf32>
      tpu.vector_store %arg9[%parallel_loop3A_1499, %parallel_loop3A_1500, %parallel_loop3A_1501], %parallel_loop3A_1504 {strides = array<i32>} : memref<2x16x1024xf32, #tpu.memory_space<vmem>>, vector<1x1x16xf32>,
      %parallel_loop3A_1505 = arith.cmpf oeq, %parallel_loop3A_377, %parallel_loop3A_1442 : vector<16xf32>
      %parallel_loop3A_1506 = arith.select %parallel_loop3A_1505, %parallel_loop3A_1492, %parallel_loop3A_1494 : vector<16xi1>, vector<16xf32>
      %parallel_loop3A_1507 = arith.constant 0 : i32
      %parallel_loop3A_1508 = arith.constant 1 : i32
      %parallel_loop3A_1509 = arith.index_cast %parallel_loop3A_1507 : i32 to index
      %parallel_loop3A_1510 = arith.index_cast %parallel_loop3A_1508 : i32 to index
      %parallel_loop3A_1511 = arith.index_cast %parallel_loop3A_227 : i32 to index
      %parallel_loop3A_1512 = tpu.vector_load %arg9[%parallel_loop3A_1509, %parallel_loop3A_1510, %parallel_loop3A_1511] {strides = array<i32>} : memref<2x16x1024xf32, #tpu.memory_space<vmem>>, vector<1x1x16xf32>,
      %parallel_loop3A_1513 = vector.shape_cast %parallel_loop3A_1512 : vector<1x1x16xf32> to vector<16xf32>
      %parallel_loop3A_1514 = vector.shape_cast %parallel_loop3A_1506 : vector<16xf32> to vector<1x1x16xf32>
      tpu.vector_store %arg9[%parallel_loop3A_1509, %parallel_loop3A_1510, %parallel_loop3A_1511], %parallel_loop3A_1514 {strides = array<i32>} : memref<2x16x1024xf32, #tpu.memory_space<vmem>>, vector<1x1x16xf32>,
      %parallel_loop3A_1515 = arith.cmpf oeq, %parallel_loop3A_453, %parallel_loop3A_1442 : vector<16xf32>
      %parallel_loop3A_1516 = arith.select %parallel_loop3A_1515, %parallel_loop3A_1492, %parallel_loop3A_1494 : vector<16xi1>, vector<16xf32>
      %parallel_loop3A_1517 = arith.constant 0 : i32
      %parallel_loop3A_1518 = arith.constant 2 : i32
      %parallel_loop3A_1519 = arith.index_cast %parallel_loop3A_1517 : i32 to index
      %parallel_loop3A_1520 = arith.index_cast %parallel_loop3A_1518 : i32 to index
      %parallel_loop3A_1521 = arith.index_cast %parallel_loop3A_227 : i32 to index
      %parallel_loop3A_1522 = tpu.vector_load %arg9[%parallel_loop3A_1519, %parallel_loop3A_1520, %parallel_loop3A_1521] {strides = array<i32>} : memref<2x16x1024xf32, #tpu.memory_space<vmem>>, vector<1x1x16xf32>,
      %parallel_loop3A_1523 = vector.shape_cast %parallel_loop3A_1522 : vector<1x1x16xf32> to vector<16xf32>
      %parallel_loop3A_1524 = vector.shape_cast %parallel_loop3A_1516 : vector<16xf32> to vector<1x1x16xf32>
      tpu.vector_store %arg9[%parallel_loop3A_1519, %parallel_loop3A_1520, %parallel_loop3A_1521], %parallel_loop3A_1524 {strides = array<i32>} : memref<2x16x1024xf32, #tpu.memory_space<vmem>>, vector<1x1x16xf32>,
      %parallel_loop3A_1525 = arith.cmpf oeq, %parallel_loop3A_529, %parallel_loop3A_1442 : vector<16xf32>
      %parallel_loop3A_1526 = arith.select %parallel_loop3A_1525, %parallel_loop3A_1492, %parallel_loop3A_1494 : vector<16xi1>, vector<16xf32>
      %parallel_loop3A_1527 = arith.constant 0 : i32
      %parallel_loop3A_1528 = arith.constant 3 : i32
      %parallel_loop3A_1529 = arith.index_cast %parallel_loop3A_1527 : i32 to index
      %parallel_loop3A_1530 = arith.index_cast %parallel_loop3A_1528 : i32 to index
      %parallel_loop3A_1531 = arith.index_cast %parallel_loop3A_227 : i32 to index
      %parallel_loop3A_1532 = tpu.vector_load %arg9[%parallel_loop3A_1529, %parallel_loop3A_1530, %parallel_loop3A_1531] {strides = array<i32>} : memref<2x16x1024xf32, #tpu.memory_space<vmem>>, vector<1x1x16xf32>,
      %parallel_loop3A_1533 = vector.shape_cast %parallel_loop3A_1532 : vector<1x1x16xf32> to vector<16xf32>
      %parallel_loop3A_1534 = vector.shape_cast %parallel_loop3A_1526 : vector<16xf32> to vector<1x1x16xf32>
      tpu.vector_store %arg9[%parallel_loop3A_1529, %parallel_loop3A_1530, %parallel_loop3A_1531], %parallel_loop3A_1534 {strides = array<i32>} : memref<2x16x1024xf32, #tpu.memory_space<vmem>>, vector<1x1x16xf32>,
      %parallel_loop3A_1535 = arith.cmpf oeq, %parallel_loop3A_605, %parallel_loop3A_1442 : vector<16xf32>
      %parallel_loop3A_1536 = arith.select %parallel_loop3A_1535, %parallel_loop3A_1492, %parallel_loop3A_1494 : vector<16xi1>, vector<16xf32>
      %parallel_loop3A_1537 = arith.constant 0 : i32
      %parallel_loop3A_1538 = arith.constant 4 : i32
      %parallel_loop3A_1539 = arith.index_cast %parallel_loop3A_1537 : i32 to index
      %parallel_loop3A_1540 = arith.index_cast %parallel_loop3A_1538 : i32 to index
      %parallel_loop3A_1541 = arith.index_cast %parallel_loop3A_227 : i32 to index
      %parallel_loop3A_1542 = tpu.vector_load %arg9[%parallel_loop3A_1539, %parallel_loop3A_1540, %parallel_loop3A_1541] {strides = array<i32>} : memref<2x16x1024xf32, #tpu.memory_space<vmem>>, vector<1x1x16xf32>,
      %parallel_loop3A_1543 = vector.shape_cast %parallel_loop3A_1542 : vector<1x1x16xf32> to vector<16xf32>
      %parallel_loop3A_1544 = vector.shape_cast %parallel_loop3A_1536 : vector<16xf32> to vector<1x1x16xf32>
      tpu.vector_store %arg9[%parallel_loop3A_1539, %parallel_loop3A_1540, %parallel_loop3A_1541], %parallel_loop3A_1544 {strides = array<i32>} : memref<2x16x1024xf32, #tpu.memory_space<vmem>>, vector<1x1x16xf32>,
      %parallel_loop3A_1545 = arith.cmpf oeq, %parallel_loop3A_681, %parallel_loop3A_1442 : vector<16xf32>
      %parallel_loop3A_1546 = arith.select %parallel_loop3A_1545, %parallel_loop3A_1492, %parallel_loop3A_1494 : vector<16xi1>, vector<16xf32>
      %parallel_loop3A_1547 = arith.constant 0 : i32
      %parallel_loop3A_1548 = arith.constant 5 : i32
      %parallel_loop3A_1549 = arith.index_cast %parallel_loop3A_1547 : i32 to index
      %parallel_loop3A_1550 = arith.index_cast %parallel_loop3A_1548 : i32 to index
      %parallel_loop3A_1551 = arith.index_cast %parallel_loop3A_227 : i32 to index
      %parallel_loop3A_1552 = tpu.vector_load %arg9[%parallel_loop3A_1549, %parallel_loop3A_1550, %parallel_loop3A_1551] {strides = array<i32>} : memref<2x16x1024xf32, #tpu.memory_space<vmem>>, vector<1x1x16xf32>,
      %parallel_loop3A_1553 = vector.shape_cast %parallel_loop3A_1552 : vector<1x1x16xf32> to vector<16xf32>
      %parallel_loop3A_1554 = vector.shape_cast %parallel_loop3A_1546 : vector<16xf32> to vector<1x1x16xf32>
      tpu.vector_store %arg9[%parallel_loop3A_1549, %parallel_loop3A_1550, %parallel_loop3A_1551], %parallel_loop3A_1554 {strides = array<i32>} : memref<2x16x1024xf32, #tpu.memory_space<vmem>>, vector<1x1x16xf32>,
      %parallel_loop3A_1555 = arith.cmpf oeq, %parallel_loop3A_757, %parallel_loop3A_1442 : vector<16xf32>
      %parallel_loop3A_1556 = arith.select %parallel_loop3A_1555, %parallel_loop3A_1492, %parallel_loop3A_1494 : vector<16xi1>, vector<16xf32>
      %parallel_loop3A_1557 = arith.constant 0 : i32
      %parallel_loop3A_1558 = arith.constant 6 : i32
      %parallel_loop3A_1559 = arith.index_cast %parallel_loop3A_1557 : i32 to index
      %parallel_loop3A_1560 = arith.index_cast %parallel_loop3A_1558 : i32 to index
      %parallel_loop3A_1561 = arith.index_cast %parallel_loop3A_227 : i32 to index
      %parallel_loop3A_1562 = tpu.vector_load %arg9[%parallel_loop3A_1559, %parallel_loop3A_1560, %parallel_loop3A_1561] {strides = array<i32>} : memref<2x16x1024xf32, #tpu.memory_space<vmem>>, vector<1x1x16xf32>,
      %parallel_loop3A_1563 = vector.shape_cast %parallel_loop3A_1562 : vector<1x1x16xf32> to vector<16xf32>
      %parallel_loop3A_1564 = vector.shape_cast %parallel_loop3A_1556 : vector<16xf32> to vector<1x1x16xf32>
      tpu.vector_store %arg9[%parallel_loop3A_1559, %parallel_loop3A_1560, %parallel_loop3A_1561], %parallel_loop3A_1564 {strides = array<i32>} : memref<2x16x1024xf32, #tpu.memory_space<vmem>>, vector<1x1x16xf32>,
      %parallel_loop3A_1565 = arith.cmpf oeq, %parallel_loop3A_833, %parallel_loop3A_1442 : vector<16xf32>
      %parallel_loop3A_1566 = arith.select %parallel_loop3A_1565, %parallel_loop3A_1492, %parallel_loop3A_1494 : vector<16xi1>, vector<16xf32>
      %parallel_loop3A_1567 = arith.constant 0 : i32
      %parallel_loop3A_1568 = arith.constant 7 : i32
      %parallel_loop3A_1569 = arith.index_cast %parallel_loop3A_1567 : i32 to index
      %parallel_loop3A_1570 = arith.index_cast %parallel_loop3A_1568 : i32 to index
      %parallel_loop3A_1571 = arith.index_cast %parallel_loop3A_227 : i32 to index
      %parallel_loop3A_1572 = tpu.vector_load %arg9[%parallel_loop3A_1569, %parallel_loop3A_1570, %parallel_loop3A_1571] {strides = array<i32>} : memref<2x16x1024xf32, #tpu.memory_space<vmem>>, vector<1x1x16xf32>,
      %parallel_loop3A_1573 = vector.shape_cast %parallel_loop3A_1572 : vector<1x1x16xf32> to vector<16xf32>
      %parallel_loop3A_1574 = vector.shape_cast %parallel_loop3A_1566 : vector<16xf32> to vector<1x1x16xf32>
      tpu.vector_store %arg9[%parallel_loop3A_1569, %parallel_loop3A_1570, %parallel_loop3A_1571], %parallel_loop3A_1574 {strides = array<i32>} : memref<2x16x1024xf32, #tpu.memory_space<vmem>>, vector<1x1x16xf32>,
      %parallel_loop3A_1575 = arith.cmpf oeq, %parallel_loop3A_909, %parallel_loop3A_1442 : vector<16xf32>
      %parallel_loop3A_1576 = arith.select %parallel_loop3A_1575, %parallel_loop3A_1492, %parallel_loop3A_1494 : vector<16xi1>, vector<16xf32>
      %parallel_loop3A_1577 = arith.constant 0 : i32
      %parallel_loop3A_1578 = arith.constant 8 : i32
      %parallel_loop3A_1579 = arith.index_cast %parallel_loop3A_1577 : i32 to index
      %parallel_loop3A_1580 = arith.index_cast %parallel_loop3A_1578 : i32 to index
      %parallel_loop3A_1581 = arith.index_cast %parallel_loop3A_227 : i32 to index
      %parallel_loop3A_1582 = tpu.vector_load %arg9[%parallel_loop3A_1579, %parallel_loop3A_1580, %parallel_loop3A_1581] {strides = array<i32>} : memref<2x16x1024xf32, #tpu.memory_space<vmem>>, vector<1x1x16xf32>,
      %parallel_loop3A_1583 = vector.shape_cast %parallel_loop3A_1582 : vector<1x1x16xf32> to vector<16xf32>
      %parallel_loop3A_1584 = vector.shape_cast %parallel_loop3A_1576 : vector<16xf32> to vector<1x1x16xf32>
      tpu.vector_store %arg9[%parallel_loop3A_1579, %parallel_loop3A_1580, %parallel_loop3A_1581], %parallel_loop3A_1584 {strides = array<i32>} : memref<2x16x1024xf32, #tpu.memory_space<vmem>>, vector<1x1x16xf32>,
      %parallel_loop3A_1585 = arith.cmpf oeq, %parallel_loop3A_985, %parallel_loop3A_1442 : vector<16xf32>
      %parallel_loop3A_1586 = arith.select %parallel_loop3A_1585, %parallel_loop3A_1492, %parallel_loop3A_1494 : vector<16xi1>, vector<16xf32>
      %parallel_loop3A_1587 = arith.constant 0 : i32
      %parallel_loop3A_1588 = arith.constant 9 : i32
      %parallel_loop3A_1589 = arith.index_cast %parallel_loop3A_1587 : i32 to index
      %parallel_loop3A_1590 = arith.index_cast %parallel_loop3A_1588 : i32 to index
      %parallel_loop3A_1591 = arith.index_cast %parallel_loop3A_227 : i32 to index
      %parallel_loop3A_1592 = tpu.vector_load %arg9[%parallel_loop3A_1589, %parallel_loop3A_1590, %parallel_loop3A_1591] {strides = array<i32>} : memref<2x16x1024xf32, #tpu.memory_space<vmem>>, vector<1x1x16xf32>,
      %parallel_loop3A_1593 = vector.shape_cast %parallel_loop3A_1592 : vector<1x1x16xf32> to vector<16xf32>
      %parallel_loop3A_1594 = vector.shape_cast %parallel_loop3A_1586 : vector<16xf32> to vector<1x1x16xf32>
      tpu.vector_store %arg9[%parallel_loop3A_1589, %parallel_loop3A_1590, %parallel_loop3A_1591], %parallel_loop3A_1594 {strides = array<i32>} : memref<2x16x1024xf32, #tpu.memory_space<vmem>>, vector<1x1x16xf32>,
      %parallel_loop3A_1595 = arith.cmpf oeq, %parallel_loop3A_1061, %parallel_loop3A_1442 : vector<16xf32>
      %parallel_loop3A_1596 = arith.select %parallel_loop3A_1595, %parallel_loop3A_1492, %parallel_loop3A_1494 : vector<16xi1>, vector<16xf32>
      %parallel_loop3A_1597 = arith.constant 0 : i32
      %parallel_loop3A_1598 = arith.constant 10 : i32
      %parallel_loop3A_1599 = arith.index_cast %parallel_loop3A_1597 : i32 to index
      %parallel_loop3A_1600 = arith.index_cast %parallel_loop3A_1598 : i32 to index
      %parallel_loop3A_1601 = arith.index_cast %parallel_loop3A_227 : i32 to index
      %parallel_loop3A_1602 = tpu.vector_load %arg9[%parallel_loop3A_1599, %parallel_loop3A_1600, %parallel_loop3A_1601] {strides = array<i32>} : memref<2x16x1024xf32, #tpu.memory_space<vmem>>, vector<1x1x16xf32>,
      %parallel_loop3A_1603 = vector.shape_cast %parallel_loop3A_1602 : vector<1x1x16xf32> to vector<16xf32>
      %parallel_loop3A_1604 = vector.shape_cast %parallel_loop3A_1596 : vector<16xf32> to vector<1x1x16xf32>
      tpu.vector_store %arg9[%parallel_loop3A_1599, %parallel_loop3A_1600, %parallel_loop3A_1601], %parallel_loop3A_1604 {strides = array<i32>} : memref<2x16x1024xf32, #tpu.memory_space<vmem>>, vector<1x1x16xf32>,
      %parallel_loop3A_1605 = arith.cmpf oeq, %parallel_loop3A_1137, %parallel_loop3A_1442 : vector<16xf32>
      %parallel_loop3A_1606 = arith.select %parallel_loop3A_1605, %parallel_loop3A_1492, %parallel_loop3A_1494 : vector<16xi1>, vector<16xf32>
      %parallel_loop3A_1607 = arith.constant 0 : i32
      %parallel_loop3A_1608 = arith.constant 11 : i32
      %parallel_loop3A_1609 = arith.index_cast %parallel_loop3A_1607 : i32 to index
      %parallel_loop3A_1610 = arith.index_cast %parallel_loop3A_1608 : i32 to index
      %parallel_loop3A_1611 = arith.index_cast %parallel_loop3A_227 : i32 to index
      %parallel_loop3A_1612 = tpu.vector_load %arg9[%parallel_loop3A_1609, %parallel_loop3A_1610, %parallel_loop3A_1611] {strides = array<i32>} : memref<2x16x1024xf32, #tpu.memory_space<vmem>>, vector<1x1x16xf32>,
      %parallel_loop3A_1613 = vector.shape_cast %parallel_loop3A_1612 : vector<1x1x16xf32> to vector<16xf32>
      %parallel_loop3A_1614 = vector.shape_cast %parallel_loop3A_1606 : vector<16xf32> to vector<1x1x16xf32>
      tpu.vector_store %arg9[%parallel_loop3A_1609, %parallel_loop3A_1610, %parallel_loop3A_1611], %parallel_loop3A_1614 {strides = array<i32>} : memref<2x16x1024xf32, #tpu.memory_space<vmem>>, vector<1x1x16xf32>,
      %parallel_loop3A_1615 = arith.cmpf oeq, %parallel_loop3A_1213, %parallel_loop3A_1442 : vector<16xf32>
      %parallel_loop3A_1616 = arith.select %parallel_loop3A_1615, %parallel_loop3A_1492, %parallel_loop3A_1494 : vector<16xi1>, vector<16xf32>
      %parallel_loop3A_1617 = arith.constant 0 : i32
      %parallel_loop3A_1618 = arith.constant 12 : i32
      %parallel_loop3A_1619 = arith.index_cast %parallel_loop3A_1617 : i32 to index
      %parallel_loop3A_1620 = arith.index_cast %parallel_loop3A_1618 : i32 to index
      %parallel_loop3A_1621 = arith.index_cast %parallel_loop3A_227 : i32 to index
      %parallel_loop3A_1622 = tpu.vector_load %arg9[%parallel_loop3A_1619, %parallel_loop3A_1620, %parallel_loop3A_1621] {strides = array<i32>} : memref<2x16x1024xf32, #tpu.memory_space<vmem>>, vector<1x1x16xf32>,
      %parallel_loop3A_1623 = vector.shape_cast %parallel_loop3A_1622 : vector<1x1x16xf32> to vector<16xf32>
      %parallel_loop3A_1624 = vector.shape_cast %parallel_loop3A_1616 : vector<16xf32> to vector<1x1x16xf32>
      tpu.vector_store %arg9[%parallel_loop3A_1619, %parallel_loop3A_1620, %parallel_loop3A_1621], %parallel_loop3A_1624 {strides = array<i32>} : memref<2x16x1024xf32, #tpu.memory_space<vmem>>, vector<1x1x16xf32>,
      %parallel_loop3A_1625 = arith.cmpf oeq, %parallel_loop3A_1289, %parallel_loop3A_1442 : vector<16xf32>
      %parallel_loop3A_1626 = arith.select %parallel_loop3A_1625, %parallel_loop3A_1492, %parallel_loop3A_1494 : vector<16xi1>, vector<16xf32>
      %parallel_loop3A_1627 = arith.constant 0 : i32
      %parallel_loop3A_1628 = arith.constant 13 : i32
      %parallel_loop3A_1629 = arith.index_cast %parallel_loop3A_1627 : i32 to index
      %parallel_loop3A_1630 = arith.index_cast %parallel_loop3A_1628 : i32 to index
      %parallel_loop3A_1631 = arith.index_cast %parallel_loop3A_227 : i32 to index
      %parallel_loop3A_1632 = tpu.vector_load %arg9[%parallel_loop3A_1629, %parallel_loop3A_1630, %parallel_loop3A_1631] {strides = array<i32>} : memref<2x16x1024xf32, #tpu.memory_space<vmem>>, vector<1x1x16xf32>,
      %parallel_loop3A_1633 = vector.shape_cast %parallel_loop3A_1632 : vector<1x1x16xf32> to vector<16xf32>
      %parallel_loop3A_1634 = vector.shape_cast %parallel_loop3A_1626 : vector<16xf32> to vector<1x1x16xf32>
      tpu.vector_store %arg9[%parallel_loop3A_1629, %parallel_loop3A_1630, %parallel_loop3A_1631], %parallel_loop3A_1634 {strides = array<i32>} : memref<2x16x1024xf32, #tpu.memory_space<vmem>>, vector<1x1x16xf32>,
      %parallel_loop3A_1635 = arith.cmpf oeq, %parallel_loop3A_1365, %parallel_loop3A_1442 : vector<16xf32>
      %parallel_loop3A_1636 = arith.select %parallel_loop3A_1635, %parallel_loop3A_1492, %parallel_loop3A_1494 : vector<16xi1>, vector<16xf32>
      %parallel_loop3A_1637 = arith.constant 0 : i32
      %parallel_loop3A_1638 = arith.constant 14 : i32
      %parallel_loop3A_1639 = arith.index_cast %parallel_loop3A_1637 : i32 to index
      %parallel_loop3A_1640 = arith.index_cast %parallel_loop3A_1638 : i32 to index
      %parallel_loop3A_1641 = arith.index_cast %parallel_loop3A_227 : i32 to index
      %parallel_loop3A_1642 = tpu.vector_load %arg9[%parallel_loop3A_1639, %parallel_loop3A_1640, %parallel_loop3A_1641] {strides = array<i32>} : memref<2x16x1024xf32, #tpu.memory_space<vmem>>, vector<1x1x16xf32>,
      %parallel_loop3A_1643 = vector.shape_cast %parallel_loop3A_1642 : vector<1x1x16xf32> to vector<16xf32>
      %parallel_loop3A_1644 = vector.shape_cast %parallel_loop3A_1636 : vector<16xf32> to vector<1x1x16xf32>
      tpu.vector_store %arg9[%parallel_loop3A_1639, %parallel_loop3A_1640, %parallel_loop3A_1641], %parallel_loop3A_1644 {strides = array<i32>} : memref<2x16x1024xf32, #tpu.memory_space<vmem>>, vector<1x1x16xf32>,
      %parallel_loop3A_1645 = arith.cmpf oeq, %parallel_loop3A_1441, %parallel_loop3A_1442 : vector<16xf32>
      %parallel_loop3A_1646 = arith.select %parallel_loop3A_1645, %parallel_loop3A_1492, %parallel_loop3A_1494 : vector<16xi1>, vector<16xf32>
      %parallel_loop3A_1647 = arith.constant 0 : i32
      %parallel_loop3A_1648 = arith.constant 15 : i32
      %parallel_loop3A_1649 = arith.index_cast %parallel_loop3A_1647 : i32 to index
      %parallel_loop3A_1650 = arith.index_cast %parallel_loop3A_1648 : i32 to index
      %parallel_loop3A_1651 = arith.index_cast %parallel_loop3A_227 : i32 to index
      %parallel_loop3A_1652 = tpu.vector_load %arg9[%parallel_loop3A_1649, %parallel_loop3A_1650, %parallel_loop3A_1651] {strides = array<i32>} : memref<2x16x1024xf32, #tpu.memory_space<vmem>>, vector<1x1x16xf32>,
      %parallel_loop3A_1653 = vector.shape_cast %parallel_loop3A_1652 : vector<1x1x16xf32> to vector<16xf32>
      %parallel_loop3A_1654 = vector.shape_cast %parallel_loop3A_1646 : vector<16xf32> to vector<1x1x16xf32>
      tpu.vector_store %arg9[%parallel_loop3A_1649, %parallel_loop3A_1650, %parallel_loop3A_1651], %parallel_loop3A_1654 {strides = array<i32>} : memref<2x16x1024xf32, #tpu.memory_space<vmem>>, vector<1x1x16xf32>,
    } {sc.loop_unroll_factor = 2 : i64, sc.parallel_access}
    %add3A_128 = arith.constant 0 : i32
    %add3A_129 = arith.addi %mul3A_32, %add3A_128 : i32
    %dma_start3A_130 = arith.constant 0 : i32
    %dma_start3A_131 = arith.constant 0 : i32
    %dma_start3A_132 = arith.constant 0 : i32
    %dma_start3A_133 = tpu.memref_slice %arg9[%dma_start3A_130, %dma_start3A_131, %dma_start3A_132] : memref<2x16x1024xf32, #tpu.memory_space<vmem>> -> memref<1x16x1024xf32, #tpu.memory_space<vmem>>
    %dma_start3A_134 = tpu.memref_squeeze %dma_start3A_133 : memref<1x16x1024xf32, #tpu.memory_space<vmem>> -> memref<16x1024xf32, #tpu.memory_space<vmem>>
    %dma_start3A_135 = arith.constant 0 : i32
    %dma_start3A_136 = tpu.memref_slice %arg6[%select_n3A, %dma_start3A_135, %add3A_129] : memref<16x16x4096xf32, #tpu.memory_space<hbm>> -> memref<1x16x1024xf32, #tpu.memory_space<hbm>>
    %dma_start3A_137 = tpu.memref_squeeze %dma_start3A_136 : memref<1x16x1024xf32, #tpu.memory_space<hbm>> -> memref<16x1024xf32, #tpu.memory_space<hbm>>
    %dma_start3A_138 = arith.constant 0 : i32
    %dma_start3A_139 = tpu.memref_slice %arg6[%select_n3A, %dma_start3A_138, %add3A_129] : memref<16x16x4096xf32, #tpu.memory_space<hbm>> -> memref<1x16x1024xf32, #tpu.memory_space<hbm>>
    %dma_start3A_140 = tpu.memref_squeeze %dma_start3A_139 : memref<1x16x1024xf32, #tpu.memory_space<hbm>> -> memref<16x1024xf32, #tpu.memory_space<hbm>>
    %dma_start3A_141 = arith.constant 0 : i32
    %dma_start3A_142 = arith.constant 0 : i32
    %dma_start3A_143 = tpu.memref_slice %arg9[%dma_start3A_130, %dma_start3A_141, %dma_start3A_142] : memref<2x16x1024xf32, #tpu.memory_space<vmem>> -> memref<1x16x1024xf32, #tpu.memory_space<vmem>>
    %dma_start3A_144 = tpu.memref_squeeze %dma_start3A_143 : memref<1x16x1024xf32, #tpu.memory_space<vmem>> -> memref<16x1024xf32, #tpu.memory_space<vmem>>
    tpu.enqueue_dma source(%dma_start3A_144 : memref<16x1024xf32, #tpu.memory_space<vmem>>) target(%dma_start3A_140 : memref<16x1024xf32, #tpu.memory_space<hbm>>) target_semaphore(%arg15 : memref<!tpu.dma_semaphore, #tpu.memory_space<semaphore_mem>>)
    %dma_wait3A_145 = arith.constant 1 : i32
    %dma_wait3A_146 = arith.constant 0 : i32
    %dma_wait3A_147 = arith.constant 0 : i32
    %dma_wait3A_148 = tpu.memref_slice %arg7[%dma_wait3A_145, %dma_wait3A_146, %dma_wait3A_147] : memref<2x16x1024xf32, #tpu.memory_space<vmem>> -> memref<1x16x1024xf32, #tpu.memory_space<vmem>>
    %dma_wait3A_149 = tpu.memref_squeeze %dma_wait3A_148 : memref<1x16x1024xf32, #tpu.memory_space<vmem>> -> memref<16x1024xf32, #tpu.memory_space<vmem>>
    %dma_wait3A_150 = arith.constant 0 : i32
    %dma_wait3A_151 = tpu.memref_slice %arg2[%select_n3A, %dma_wait3A_150, %add3A_65] : memref<16x16x4096xf32, #tpu.memory_space<hbm>> -> memref<1x16x1024xf32, #tpu.memory_space<hbm>>
    %dma_wait3A_152 = tpu.memref_squeeze %dma_wait3A_151 : memref<1x16x1024xf32, #tpu.memory_space<hbm>> -> memref<16x1024xf32, #tpu.memory_space<hbm>>
    %dma_wait3A_153 = arith.constant 0 : i32
    %dma_wait3A_154 = arith.constant 0 : i32
    %dma_wait3A_155 = tpu.memref_slice %arg7[%dma_wait3A_145, %dma_wait3A_153, %dma_wait3A_154] : memref<2x16x1024xf32, #tpu.memory_space<vmem>> -> memref<1x16x1024xf32, #tpu.memory_space<vmem>>
    %dma_wait3A_156 = tpu.memref_squeeze %dma_wait3A_155 : memref<1x16x1024xf32, #tpu.memory_space<vmem>> -> memref<16x1024xf32, #tpu.memory_space<vmem>>
    %dma_wait3A_157 = arith.constant 0 : i32
    %dma_wait3A_158 = tpu.memref_slice %arg2[%select_n3A, %dma_wait3A_157, %add3A_65] : memref<16x16x4096xf32, #tpu.memory_space<hbm>> -> memref<1x16x1024xf32, #tpu.memory_space<hbm>>
    %dma_wait3A_159 = tpu.memref_squeeze %dma_wait3A_158 : memref<1x16x1024xf32, #tpu.memory_space<hbm>> -> memref<16x1024xf32, #tpu.memory_space<hbm>>
    tpu.wait_dma2 semaphore(%arg13 : memref<!tpu.dma_semaphore, #tpu.memory_space<semaphore_mem>>) src(%dma_wait3A_159 : memref<16x1024xf32, #tpu.memory_space<hbm>>) dst(%dma_wait3A_156 : memref<16x1024xf32, #tpu.memory_space<vmem>>)
    %dma_wait3A_160 = arith.constant 1 : i32
    %dma_wait3A_161 = arith.constant 0 : i32
    %dma_wait3A_162 = arith.constant 0 : i32
    %dma_wait3A_163 = tpu.memref_slice %arg8[%dma_wait3A_160, %dma_wait3A_161, %dma_wait3A_162] : memref<2x16x1024xf32, #tpu.memory_space<vmem>> -> memref<1x16x1024xf32, #tpu.memory_space<vmem>>
    %dma_wait3A_164 = tpu.memref_squeeze %dma_wait3A_163 : memref<1x16x1024xf32, #tpu.memory_space<vmem>> -> memref<16x1024xf32, #tpu.memory_space<vmem>>
    %dma_wait3A_165 = arith.constant 0 : i32
    %dma_wait3A_166 = tpu.memref_slice %arg3[%select_n3A, %dma_wait3A_165, %add3A_65] : memref<16x16x4096xf32, #tpu.memory_space<hbm>> -> memref<1x16x1024xf32, #tpu.memory_space<hbm>>
    %dma_wait3A_167 = tpu.memref_squeeze %dma_wait3A_166 : memref<1x16x1024xf32, #tpu.memory_space<hbm>> -> memref<16x1024xf32, #tpu.memory_space<hbm>>
    %dma_wait3A_168 = arith.constant 0 : i32
    %dma_wait3A_169 = arith.constant 0 : i32
    %dma_wait3A_170 = tpu.memref_slice %arg8[%dma_wait3A_160, %dma_wait3A_168, %dma_wait3A_169] : memref<2x16x1024xf32, #tpu.memory_space<vmem>> -> memref<1x16x1024xf32, #tpu.memory_space<vmem>>
    %dma_wait3A_171 = tpu.memref_squeeze %dma_wait3A_170 : memref<1x16x1024xf32, #tpu.memory_space<vmem>> -> memref<16x1024xf32, #tpu.memory_space<vmem>>
    %dma_wait3A_172 = arith.constant 0 : i32
    %dma_wait3A_173 = tpu.memref_slice %arg3[%select_n3A, %dma_wait3A_172, %add3A_65] : memref<16x16x4096xf32, #tpu.memory_space<hbm>> -> memref<1x16x1024xf32, #tpu.memory_space<hbm>>
    %dma_wait3A_174 = tpu.memref_squeeze %dma_wait3A_173 : memref<1x16x1024xf32, #tpu.memory_space<hbm>> -> memref<16x1024xf32, #tpu.memory_space<hbm>>
    tpu.wait_dma2 semaphore(%arg14 : memref<!tpu.dma_semaphore, #tpu.memory_space<semaphore_mem>>) src(%dma_wait3A_174 : memref<16x1024xf32, #tpu.memory_space<hbm>>) dst(%dma_wait3A_171 : memref<16x1024xf32, #tpu.memory_space<vmem>>)
    %parallel_loop3A_175 = arith.constant 0 : i32
    %parallel_loop3A_176 = arith.constant 64 : i32
    %parallel_loop3A_177 = arith.constant 1 : i32
    scf.for %parallel_loop3A_225 = %parallel_loop3A_175 to %parallel_loop3A_176 step %parallel_loop3A_177  : i32 {
      %parallel_loop3A_226 = arith.constant 16 : i32
      %parallel_loop3A_227 = arith.muli %parallel_loop3A_225, %parallel_loop3A_226 : i32
      %parallel_loop3A_228 = arith.constant 1 : i32
      %parallel_loop3A_229 = arith.constant 0 : i32
      %parallel_loop3A_230 = arith.index_cast %parallel_loop3A_228 : i32 to index
      %parallel_loop3A_231 = arith.index_cast %parallel_loop3A_229 : i32 to index
      %parallel_loop3A_232 = arith.index_cast %parallel_loop3A_227 : i32 to index
      %parallel_loop3A_233 = tpu.vector_load %arg7[%parallel_loop3A_230, %parallel_loop3A_231, %parallel_loop3A_232] {strides = array<i32>} : memref<2x16x1024xf32, #tpu.memory_space<vmem>>, vector<1x1x16xf32>,
      %parallel_loop3A_234 = vector.shape_cast %parallel_loop3A_233 : vector<1x1x16xf32> to vector<16xf32>
      %parallel_loop3A_235 = arith.constant 1 : i32
      %parallel_loop3A_236 = arith.constant 0 : i32
      %parallel_loop3A_237 = arith.index_cast %parallel_loop3A_235 : i32 to index
      %parallel_loop3A_238 = arith.index_cast %parallel_loop3A_236 : i32 to index
      %parallel_loop3A_239 = arith.index_cast %parallel_loop3A_227 : i32 to index
      %parallel_loop3A_240 = tpu.vector_load %arg8[%parallel_loop3A_237, %parallel_loop3A_238, %parallel_loop3A_239] {strides = array<i32>} : memref<2x16x1024xf32, #tpu.memory_space<vmem>>, vector<1x1x16xf32>,
      %parallel_loop3A_241 = vector.shape_cast %parallel_loop3A_240 : vector<1x1x16xf32> to vector<16xf32>
      %parallel_loop3A_242 = arith.constant 0 : i32
      %parallel_loop3A_243 = arith.constant 0 : i32
      %parallel_loop3A_244 = arith.index_cast %parallel_loop3A_242 : i32 to index
      %parallel_loop3A_245 = arith.index_cast %parallel_loop3A_243 : i32 to index
      %parallel_loop3A_246 = arith.constant 0 : index
      %parallel_loop3A_247 = tpu.vector_load %arg10[%parallel_loop3A_244, %parallel_loop3A_245, %parallel_loop3A_246] {strides = array<i32>} : memref<2x16x16xf32, #tpu.memory_space<vmem>>, vector<1x1x16xf32>,
      %parallel_loop3A_248 = vector.shape_cast %parallel_loop3A_247 : vector<1x1x16xf32> to vector<16xf32>
      %parallel_loop3A_249 = arith.mulf %parallel_loop3A_234, %parallel_loop3A_248 : vector<16xf32>
      %parallel_loop3A_250 = arith.constant 1 : i32
      %parallel_loop3A_251 = arith.constant 0 : i32
      %parallel_loop3A_252 = arith.index_cast %parallel_loop3A_250 : i32 to index
      %parallel_loop3A_253 = arith.index_cast %parallel_loop3A_251 : i32 to index
      %parallel_loop3A_254 = arith.constant 0 : index
      %parallel_loop3A_255 = tpu.vector_load %arg10[%parallel_loop3A_252, %parallel_loop3A_253, %parallel_loop3A_254] {strides = array<i32>} : memref<2x16x16xf32, #tpu.memory_space<vmem>>, vector<1x1x16xf32>,
      %parallel_loop3A_256 = vector.shape_cast %parallel_loop3A_255 : vector<1x1x16xf32> to vector<16xf32>
      %parallel_loop3A_257 = arith.mulf %parallel_loop3A_234, %parallel_loop3A_256 : vector<16xf32>
      %parallel_loop3A_258 = math.absf %parallel_loop3A_257 : vector<16xf32>
      %parallel_loop3A_259 = arith.constant 0.000000e+00 : f32
      %parallel_loop3A_260 = vector.broadcast %parallel_loop3A_259 : f32 to vector<16xf32>
      %parallel_loop3A_261 = arith.subf %parallel_loop3A_260, %parallel_loop3A_258 : vector<16xf32>
      %parallel_loop3A_262 = math.exp %parallel_loop3A_261 : vector<16xf32>
      %parallel_loop3A_263 = arith.constant -0.00607487746 : f32
      %parallel_loop3A_264 = vector.broadcast %parallel_loop3A_263 : f32 to vector<16xf32>
      %parallel_loop3A_265 = arith.mulf %parallel_loop3A_264, %parallel_loop3A_262 : vector<16xf32>
      %parallel_loop3A_266 = arith.constant 0.0344185941 : f32
      %parallel_loop3A_267 = vector.broadcast %parallel_loop3A_266 : f32 to vector<16xf32>
      %parallel_loop3A_268 = arith.addf %parallel_loop3A_265, %parallel_loop3A_267 : vector<16xf32>
      %parallel_loop3A_269 = arith.mulf %parallel_loop3A_268, %parallel_loop3A_262 : vector<16xf32>
      %parallel_loop3A_270 = arith.constant -0.0923137664 : f32
      %parallel_loop3A_271 = vector.broadcast %parallel_loop3A_270 : f32 to vector<16xf32>
      %parallel_loop3A_272 = arith.addf %parallel_loop3A_269, %parallel_loop3A_271 : vector<16xf32>
      %parallel_loop3A_273 = arith.mulf %parallel_loop3A_272, %parallel_loop3A_262 : vector<16xf32>
      %parallel_loop3A_274 = arith.constant 0.164783493 : f32
      %parallel_loop3A_275 = vector.broadcast %parallel_loop3A_274 : f32 to vector<16xf32>
      %parallel_loop3A_276 = arith.addf %parallel_loop3A_273, %parallel_loop3A_275 : vector<16xf32>
      %parallel_loop3A_277 = arith.mulf %parallel_loop3A_276, %parallel_loop3A_262 : vector<16xf32>
      %parallel_loop3A_278 = arith.constant -0.239190713 : f32
      %parallel_loop3A_279 = vector.broadcast %parallel_loop3A_278 : f32 to vector<16xf32>
      %parallel_loop3A_280 = arith.addf %parallel_loop3A_277, %parallel_loop3A_279 : vector<16xf32>
      %parallel_loop3A_281 = arith.mulf %parallel_loop3A_280, %parallel_loop3A_262 : vector<16xf32>
      %parallel_loop3A_282 = arith.constant 3.313340e-01 : f32
      %parallel_loop3A_283 = vector.broadcast %parallel_loop3A_282 : f32 to vector<16xf32>
      %parallel_loop3A_284 = arith.addf %parallel_loop3A_281, %parallel_loop3A_283 : vector<16xf32>
      %parallel_loop3A_285 = arith.mulf %parallel_loop3A_284, %parallel_loop3A_262 : vector<16xf32>
      %parallel_loop3A_286 = arith.constant -0.499801159 : f32
      %parallel_loop3A_287 = vector.broadcast %parallel_loop3A_286 : f32 to vector<16xf32>
      %parallel_loop3A_288 = arith.addf %parallel_loop3A_285, %parallel_loop3A_287 : vector<16xf32>
      %parallel_loop3A_289 = arith.mulf %parallel_loop3A_288, %parallel_loop3A_262 : vector<16xf32>
      %parallel_loop3A_290 = arith.constant 0.999991476 : f32
      %parallel_loop3A_291 = vector.broadcast %parallel_loop3A_290 : f32 to vector<16xf32>
      %parallel_loop3A_292 = arith.addf %parallel_loop3A_289, %parallel_loop3A_291 : vector<16xf32>
      %parallel_loop3A_293 = arith.mulf %parallel_loop3A_292, %parallel_loop3A_262 : vector<16xf32>
      %parallel_loop3A_294 = arith.constant 9.08378652E-8 : f32
      %parallel_loop3A_295 = vector.broadcast %parallel_loop3A_294 : f32 to vector<16xf32>
      %parallel_loop3A_296 = arith.addf %parallel_loop3A_293, %parallel_loop3A_295 : vector<16xf32>
      %parallel_loop3A_297 = arith.constant 0.000000e+00 : f32
      %parallel_loop3A_298 = vector.broadcast %parallel_loop3A_297 : f32 to vector<16xf32>
      %parallel_loop3A_299 = arith.maximumf %parallel_loop3A_257, %parallel_loop3A_298 : vector<16xf32>
      %parallel_loop3A_300 = arith.addf %parallel_loop3A_299, %parallel_loop3A_296 : vector<16xf32>
      %parallel_loop3A_301 = arith.mulf %parallel_loop3A_241, %parallel_loop3A_300 : vector<16xf32>
      %parallel_loop3A_302 = arith.addf %parallel_loop3A_249, %parallel_loop3A_301 : vector<16xf32>
      %parallel_loop3A_303 = arith.constant 1 : i32
      %parallel_loop3A_304 = arith.constant 1 : i32
      %parallel_loop3A_305 = arith.index_cast %parallel_loop3A_303 : i32 to index
      %parallel_loop3A_306 = arith.index_cast %parallel_loop3A_304 : i32 to index
      %parallel_loop3A_307 = arith.index_cast %parallel_loop3A_227 : i32 to index
      %parallel_loop3A_308 = tpu.vector_load %arg7[%parallel_loop3A_305, %parallel_loop3A_306, %parallel_loop3A_307] {strides = array<i32>} : memref<2x16x1024xf32, #tpu.memory_space<vmem>>, vector<1x1x16xf32>,
      %parallel_loop3A_309 = vector.shape_cast %parallel_loop3A_308 : vector<1x1x16xf32> to vector<16xf32>
      %parallel_loop3A_310 = arith.constant 1 : i32
      %parallel_loop3A_311 = arith.constant 1 : i32
      %parallel_loop3A_312 = arith.index_cast %parallel_loop3A_310 : i32 to index
      %parallel_loop3A_313 = arith.index_cast %parallel_loop3A_311 : i32 to index
      %parallel_loop3A_314 = arith.index_cast %parallel_loop3A_227 : i32 to index
      %parallel_loop3A_315 = tpu.vector_load %arg8[%parallel_loop3A_312, %parallel_loop3A_313, %parallel_loop3A_314] {strides = array<i32>} : memref<2x16x1024xf32, #tpu.memory_space<vmem>>, vector<1x1x16xf32>,
      %parallel_loop3A_316 = vector.shape_cast %parallel_loop3A_315 : vector<1x1x16xf32> to vector<16xf32>
      %parallel_loop3A_317 = arith.constant 0 : i32
      %parallel_loop3A_318 = arith.constant 1 : i32
      %parallel_loop3A_319 = arith.index_cast %parallel_loop3A_317 : i32 to index
      %parallel_loop3A_320 = arith.index_cast %parallel_loop3A_318 : i32 to index
      %parallel_loop3A_321 = arith.constant 0 : index
      %parallel_loop3A_322 = tpu.vector_load %arg10[%parallel_loop3A_319, %parallel_loop3A_320, %parallel_loop3A_321] {strides = array<i32>} : memref<2x16x16xf32, #tpu.memory_space<vmem>>, vector<1x1x16xf32>,
      %parallel_loop3A_323 = vector.shape_cast %parallel_loop3A_322 : vector<1x1x16xf32> to vector<16xf32>
      %parallel_loop3A_324 = arith.mulf %parallel_loop3A_309, %parallel_loop3A_323 : vector<16xf32>
      %parallel_loop3A_325 = arith.constant 1 : i32
      %parallel_loop3A_326 = arith.constant 1 : i32
      %parallel_loop3A_327 = arith.index_cast %parallel_loop3A_325 : i32 to index
      %parallel_loop3A_328 = arith.index_cast %parallel_loop3A_326 : i32 to index
      %parallel_loop3A_329 = arith.constant 0 : index
      %parallel_loop3A_330 = tpu.vector_load %arg10[%parallel_loop3A_327, %parallel_loop3A_328, %parallel_loop3A_329] {strides = array<i32>} : memref<2x16x16xf32, #tpu.memory_space<vmem>>, vector<1x1x16xf32>,
      %parallel_loop3A_331 = vector.shape_cast %parallel_loop3A_330 : vector<1x1x16xf32> to vector<16xf32>
      %parallel_loop3A_332 = arith.mulf %parallel_loop3A_309, %parallel_loop3A_331 : vector<16xf32>
      %parallel_loop3A_333 = math.absf %parallel_loop3A_332 : vector<16xf32>
      %parallel_loop3A_334 = arith.constant 0.000000e+00 : f32
      %parallel_loop3A_335 = vector.broadcast %parallel_loop3A_334 : f32 to vector<16xf32>
      %parallel_loop3A_336 = arith.subf %parallel_loop3A_335, %parallel_loop3A_333 : vector<16xf32>
      %parallel_loop3A_337 = math.exp %parallel_loop3A_336 : vector<16xf32>
      %parallel_loop3A_338 = arith.constant -0.00607487746 : f32
      %parallel_loop3A_339 = vector.broadcast %parallel_loop3A_338 : f32 to vector<16xf32>
      %parallel_loop3A_340 = arith.mulf %parallel_loop3A_339, %parallel_loop3A_337 : vector<16xf32>
      %parallel_loop3A_341 = arith.constant 0.0344185941 : f32
      %parallel_loop3A_342 = vector.broadcast %parallel_loop3A_341 : f32 to vector<16xf32>
      %parallel_loop3A_343 = arith.addf %parallel_loop3A_340, %parallel_loop3A_342 : vector<16xf32>
      %parallel_loop3A_344 = arith.mulf %parallel_loop3A_343, %parallel_loop3A_337 : vector<16xf32>
      %parallel_loop3A_345 = arith.constant -0.0923137664 : f32
      %parallel_loop3A_346 = vector.broadcast %parallel_loop3A_345 : f32 to vector<16xf32>
      %parallel_loop3A_347 = arith.addf %parallel_loop3A_344, %parallel_loop3A_346 : vector<16xf32>
      %parallel_loop3A_348 = arith.mulf %parallel_loop3A_347, %parallel_loop3A_337 : vector<16xf32>
      %parallel_loop3A_349 = arith.constant 0.164783493 : f32
      %parallel_loop3A_350 = vector.broadcast %parallel_loop3A_349 : f32 to vector<16xf32>
      %parallel_loop3A_351 = arith.addf %parallel_loop3A_348, %parallel_loop3A_350 : vector<16xf32>
      %parallel_loop3A_352 = arith.mulf %parallel_loop3A_351, %parallel_loop3A_337 : vector<16xf32>
      %parallel_loop3A_353 = arith.constant -0.239190713 : f32
      %parallel_loop3A_354 = vector.broadcast %parallel_loop3A_353 : f32 to vector<16xf32>
      %parallel_loop3A_355 = arith.addf %parallel_loop3A_352, %parallel_loop3A_354 : vector<16xf32>
      %parallel_loop3A_356 = arith.mulf %parallel_loop3A_355, %parallel_loop3A_337 : vector<16xf32>
      %parallel_loop3A_357 = arith.constant 3.313340e-01 : f32
      %parallel_loop3A_358 = vector.broadcast %parallel_loop3A_357 : f32 to vector<16xf32>
      %parallel_loop3A_359 = arith.addf %parallel_loop3A_356, %parallel_loop3A_358 : vector<16xf32>
      %parallel_loop3A_360 = arith.mulf %parallel_loop3A_359, %parallel_loop3A_337 : vector<16xf32>
      %parallel_loop3A_361 = arith.constant -0.499801159 : f32
      %parallel_loop3A_362 = vector.broadcast %parallel_loop3A_361 : f32 to vector<16xf32>
      %parallel_loop3A_363 = arith.addf %parallel_loop3A_360, %parallel_loop3A_362 : vector<16xf32>
      %parallel_loop3A_364 = arith.mulf %parallel_loop3A_363, %parallel_loop3A_337 : vector<16xf32>
      %parallel_loop3A_365 = arith.constant 0.999991476 : f32
      %parallel_loop3A_366 = vector.broadcast %parallel_loop3A_365 : f32 to vector<16xf32>
      %parallel_loop3A_367 = arith.addf %parallel_loop3A_364, %parallel_loop3A_366 : vector<16xf32>
      %parallel_loop3A_368 = arith.mulf %parallel_loop3A_367, %parallel_loop3A_337 : vector<16xf32>
      %parallel_loop3A_369 = arith.constant 9.08378652E-8 : f32
      %parallel_loop3A_370 = vector.broadcast %parallel_loop3A_369 : f32 to vector<16xf32>
      %parallel_loop3A_371 = arith.addf %parallel_loop3A_368, %parallel_loop3A_370 : vector<16xf32>
      %parallel_loop3A_372 = arith.constant 0.000000e+00 : f32
      %parallel_loop3A_373 = vector.broadcast %parallel_loop3A_372 : f32 to vector<16xf32>
      %parallel_loop3A_374 = arith.maximumf %parallel_loop3A_332, %parallel_loop3A_373 : vector<16xf32>
      %parallel_loop3A_375 = arith.addf %parallel_loop3A_374, %parallel_loop3A_371 : vector<16xf32>
      %parallel_loop3A_376 = arith.mulf %parallel_loop3A_316, %parallel_loop3A_375 : vector<16xf32>
      %parallel_loop3A_377 = arith.addf %parallel_loop3A_324, %parallel_loop3A_376 : vector<16xf32>
      %parallel_loop3A_378 = arith.maximumf %parallel_loop3A_302, %parallel_loop3A_377 : vector<16xf32>
      %parallel_loop3A_379 = arith.constant 1 : i32
      %parallel_loop3A_380 = arith.constant 2 : i32
      %parallel_loop3A_381 = arith.index_cast %parallel_loop3A_379 : i32 to index
      %parallel_loop3A_382 = arith.index_cast %parallel_loop3A_380 : i32 to index
      %parallel_loop3A_383 = arith.index_cast %parallel_loop3A_227 : i32 to index
      %parallel_loop3A_384 = tpu.vector_load %arg7[%parallel_loop3A_381, %parallel_loop3A_382, %parallel_loop3A_383] {strides = array<i32>} : memref<2x16x1024xf32, #tpu.memory_space<vmem>>, vector<1x1x16xf32>,
      %parallel_loop3A_385 = vector.shape_cast %parallel_loop3A_384 : vector<1x1x16xf32> to vector<16xf32>
      %parallel_loop3A_386 = arith.constant 1 : i32
      %parallel_loop3A_387 = arith.constant 2 : i32
      %parallel_loop3A_388 = arith.index_cast %parallel_loop3A_386 : i32 to index
      %parallel_loop3A_389 = arith.index_cast %parallel_loop3A_387 : i32 to index
      %parallel_loop3A_390 = arith.index_cast %parallel_loop3A_227 : i32 to index
      %parallel_loop3A_391 = tpu.vector_load %arg8[%parallel_loop3A_388, %parallel_loop3A_389, %parallel_loop3A_390] {strides = array<i32>} : memref<2x16x1024xf32, #tpu.memory_space<vmem>>, vector<1x1x16xf32>,
      %parallel_loop3A_392 = vector.shape_cast %parallel_loop3A_391 : vector<1x1x16xf32> to vector<16xf32>
      %parallel_loop3A_393 = arith.constant 0 : i32
      %parallel_loop3A_394 = arith.constant 2 : i32
      %parallel_loop3A_395 = arith.index_cast %parallel_loop3A_393 : i32 to index
      %parallel_loop3A_396 = arith.index_cast %parallel_loop3A_394 : i32 to index
      %parallel_loop3A_397 = arith.constant 0 : index
      %parallel_loop3A_398 = tpu.vector_load %arg10[%parallel_loop3A_395, %parallel_loop3A_396, %parallel_loop3A_397] {strides = array<i32>} : memref<2x16x16xf32, #tpu.memory_space<vmem>>, vector<1x1x16xf32>,
      %parallel_loop3A_399 = vector.shape_cast %parallel_loop3A_398 : vector<1x1x16xf32> to vector<16xf32>
      %parallel_loop3A_400 = arith.mulf %parallel_loop3A_385, %parallel_loop3A_399 : vector<16xf32>
      %parallel_loop3A_401 = arith.constant 1 : i32
      %parallel_loop3A_402 = arith.constant 2 : i32
      %parallel_loop3A_403 = arith.index_cast %parallel_loop3A_401 : i32 to index
      %parallel_loop3A_404 = arith.index_cast %parallel_loop3A_402 : i32 to index
      %parallel_loop3A_405 = arith.constant 0 : index
      %parallel_loop3A_406 = tpu.vector_load %arg10[%parallel_loop3A_403, %parallel_loop3A_404, %parallel_loop3A_405] {strides = array<i32>} : memref<2x16x16xf32, #tpu.memory_space<vmem>>, vector<1x1x16xf32>,
      %parallel_loop3A_407 = vector.shape_cast %parallel_loop3A_406 : vector<1x1x16xf32> to vector<16xf32>
      %parallel_loop3A_408 = arith.mulf %parallel_loop3A_385, %parallel_loop3A_407 : vector<16xf32>
      %parallel_loop3A_409 = math.absf %parallel_loop3A_408 : vector<16xf32>
      %parallel_loop3A_410 = arith.constant 0.000000e+00 : f32
      %parallel_loop3A_411 = vector.broadcast %parallel_loop3A_410 : f32 to vector<16xf32>
      %parallel_loop3A_412 = arith.subf %parallel_loop3A_411, %parallel_loop3A_409 : vector<16xf32>
      %parallel_loop3A_413 = math.exp %parallel_loop3A_412 : vector<16xf32>
      %parallel_loop3A_414 = arith.constant -0.00607487746 : f32
      %parallel_loop3A_415 = vector.broadcast %parallel_loop3A_414 : f32 to vector<16xf32>
      %parallel_loop3A_416 = arith.mulf %parallel_loop3A_415, %parallel_loop3A_413 : vector<16xf32>
      %parallel_loop3A_417 = arith.constant 0.0344185941 : f32
      %parallel_loop3A_418 = vector.broadcast %parallel_loop3A_417 : f32 to vector<16xf32>
      %parallel_loop3A_419 = arith.addf %parallel_loop3A_416, %parallel_loop3A_418 : vector<16xf32>
      %parallel_loop3A_420 = arith.mulf %parallel_loop3A_419, %parallel_loop3A_413 : vector<16xf32>
      %parallel_loop3A_421 = arith.constant -0.0923137664 : f32
      %parallel_loop3A_422 = vector.broadcast %parallel_loop3A_421 : f32 to vector<16xf32>
      %parallel_loop3A_423 = arith.addf %parallel_loop3A_420, %parallel_loop3A_422 : vector<16xf32>
      %parallel_loop3A_424 = arith.mulf %parallel_loop3A_423, %parallel_loop3A_413 : vector<16xf32>
      %parallel_loop3A_425 = arith.constant 0.164783493 : f32
      %parallel_loop3A_426 = vector.broadcast %parallel_loop3A_425 : f32 to vector<16xf32>
      %parallel_loop3A_427 = arith.addf %parallel_loop3A_424, %parallel_loop3A_426 : vector<16xf32>
      %parallel_loop3A_428 = arith.mulf %parallel_loop3A_427, %parallel_loop3A_413 : vector<16xf32>
      %parallel_loop3A_429 = arith.constant -0.239190713 : f32
      %parallel_loop3A_430 = vector.broadcast %parallel_loop3A_429 : f32 to vector<16xf32>
      %parallel_loop3A_431 = arith.addf %parallel_loop3A_428, %parallel_loop3A_430 : vector<16xf32>
      %parallel_loop3A_432 = arith.mulf %parallel_loop3A_431, %parallel_loop3A_413 : vector<16xf32>
      %parallel_loop3A_433 = arith.constant 3.313340e-01 : f32
      %parallel_loop3A_434 = vector.broadcast %parallel_loop3A_433 : f32 to vector<16xf32>
      %parallel_loop3A_435 = arith.addf %parallel_loop3A_432, %parallel_loop3A_434 : vector<16xf32>
      %parallel_loop3A_436 = arith.mulf %parallel_loop3A_435, %parallel_loop3A_413 : vector<16xf32>
      %parallel_loop3A_437 = arith.constant -0.499801159 : f32
      %parallel_loop3A_438 = vector.broadcast %parallel_loop3A_437 : f32 to vector<16xf32>
      %parallel_loop3A_439 = arith.addf %parallel_loop3A_436, %parallel_loop3A_438 : vector<16xf32>
      %parallel_loop3A_440 = arith.mulf %parallel_loop3A_439, %parallel_loop3A_413 : vector<16xf32>
      %parallel_loop3A_441 = arith.constant 0.999991476 : f32
      %parallel_loop3A_442 = vector.broadcast %parallel_loop3A_441 : f32 to vector<16xf32>
      %parallel_loop3A_443 = arith.addf %parallel_loop3A_440, %parallel_loop3A_442 : vector<16xf32>
      %parallel_loop3A_444 = arith.mulf %parallel_loop3A_443, %parallel_loop3A_413 : vector<16xf32>
      %parallel_loop3A_445 = arith.constant 9.08378652E-8 : f32
      %parallel_loop3A_446 = vector.broadcast %parallel_loop3A_445 : f32 to vector<16xf32>
      %parallel_loop3A_447 = arith.addf %parallel_loop3A_444, %parallel_loop3A_446 : vector<16xf32>
      %parallel_loop3A_448 = arith.constant 0.000000e+00 : f32
      %parallel_loop3A_449 = vector.broadcast %parallel_loop3A_448 : f32 to vector<16xf32>
      %parallel_loop3A_450 = arith.maximumf %parallel_loop3A_408, %parallel_loop3A_449 : vector<16xf32>
      %parallel_loop3A_451 = arith.addf %parallel_loop3A_450, %parallel_loop3A_447 : vector<16xf32>
      %parallel_loop3A_452 = arith.mulf %parallel_loop3A_392, %parallel_loop3A_451 : vector<16xf32>
      %parallel_loop3A_453 = arith.addf %parallel_loop3A_400, %parallel_loop3A_452 : vector<16xf32>
      %parallel_loop3A_454 = arith.maximumf %parallel_loop3A_378, %parallel_loop3A_453 : vector<16xf32>
      %parallel_loop3A_455 = arith.constant 1 : i32
      %parallel_loop3A_456 = arith.constant 3 : i32
      %parallel_loop3A_457 = arith.index_cast %parallel_loop3A_455 : i32 to index
      %parallel_loop3A_458 = arith.index_cast %parallel_loop3A_456 : i32 to index
      %parallel_loop3A_459 = arith.index_cast %parallel_loop3A_227 : i32 to index
      %parallel_loop3A_460 = tpu.vector_load %arg7[%parallel_loop3A_457, %parallel_loop3A_458, %parallel_loop3A_459] {strides = array<i32>} : memref<2x16x1024xf32, #tpu.memory_space<vmem>>, vector<1x1x16xf32>,
      %parallel_loop3A_461 = vector.shape_cast %parallel_loop3A_460 : vector<1x1x16xf32> to vector<16xf32>
      %parallel_loop3A_462 = arith.constant 1 : i32
      %parallel_loop3A_463 = arith.constant 3 : i32
      %parallel_loop3A_464 = arith.index_cast %parallel_loop3A_462 : i32 to index
      %parallel_loop3A_465 = arith.index_cast %parallel_loop3A_463 : i32 to index
      %parallel_loop3A_466 = arith.index_cast %parallel_loop3A_227 : i32 to index
      %parallel_loop3A_467 = tpu.vector_load %arg8[%parallel_loop3A_464, %parallel_loop3A_465, %parallel_loop3A_466] {strides = array<i32>} : memref<2x16x1024xf32, #tpu.memory_space<vmem>>, vector<1x1x16xf32>,
      %parallel_loop3A_468 = vector.shape_cast %parallel_loop3A_467 : vector<1x1x16xf32> to vector<16xf32>
      %parallel_loop3A_469 = arith.constant 0 : i32
      %parallel_loop3A_470 = arith.constant 3 : i32
      %parallel_loop3A_471 = arith.index_cast %parallel_loop3A_469 : i32 to index
      %parallel_loop3A_472 = arith.index_cast %parallel_loop3A_470 : i32 to index
      %parallel_loop3A_473 = arith.constant 0 : index
      %parallel_loop3A_474 = tpu.vector_load %arg10[%parallel_loop3A_471, %parallel_loop3A_472, %parallel_loop3A_473] {strides = array<i32>} : memref<2x16x16xf32, #tpu.memory_space<vmem>>, vector<1x1x16xf32>,
      %parallel_loop3A_475 = vector.shape_cast %parallel_loop3A_474 : vector<1x1x16xf32> to vector<16xf32>
      %parallel_loop3A_476 = arith.mulf %parallel_loop3A_461, %parallel_loop3A_475 : vector<16xf32>
      %parallel_loop3A_477 = arith.constant 1 : i32
      %parallel_loop3A_478 = arith.constant 3 : i32
      %parallel_loop3A_479 = arith.index_cast %parallel_loop3A_477 : i32 to index
      %parallel_loop3A_480 = arith.index_cast %parallel_loop3A_478 : i32 to index
      %parallel_loop3A_481 = arith.constant 0 : index
      %parallel_loop3A_482 = tpu.vector_load %arg10[%parallel_loop3A_479, %parallel_loop3A_480, %parallel_loop3A_481] {strides = array<i32>} : memref<2x16x16xf32, #tpu.memory_space<vmem>>, vector<1x1x16xf32>,
      %parallel_loop3A_483 = vector.shape_cast %parallel_loop3A_482 : vector<1x1x16xf32> to vector<16xf32>
      %parallel_loop3A_484 = arith.mulf %parallel_loop3A_461, %parallel_loop3A_483 : vector<16xf32>
      %parallel_loop3A_485 = math.absf %parallel_loop3A_484 : vector<16xf32>
      %parallel_loop3A_486 = arith.constant 0.000000e+00 : f32
      %parallel_loop3A_487 = vector.broadcast %parallel_loop3A_486 : f32 to vector<16xf32>
      %parallel_loop3A_488 = arith.subf %parallel_loop3A_487, %parallel_loop3A_485 : vector<16xf32>
      %parallel_loop3A_489 = math.exp %parallel_loop3A_488 : vector<16xf32>
      %parallel_loop3A_490 = arith.constant -0.00607487746 : f32
      %parallel_loop3A_491 = vector.broadcast %parallel_loop3A_490 : f32 to vector<16xf32>
      %parallel_loop3A_492 = arith.mulf %parallel_loop3A_491, %parallel_loop3A_489 : vector<16xf32>
      %parallel_loop3A_493 = arith.constant 0.0344185941 : f32
      %parallel_loop3A_494 = vector.broadcast %parallel_loop3A_493 : f32 to vector<16xf32>
      %parallel_loop3A_495 = arith.addf %parallel_loop3A_492, %parallel_loop3A_494 : vector<16xf32>
      %parallel_loop3A_496 = arith.mulf %parallel_loop3A_495, %parallel_loop3A_489 : vector<16xf32>
      %parallel_loop3A_497 = arith.constant -0.0923137664 : f32
      %parallel_loop3A_498 = vector.broadcast %parallel_loop3A_497 : f32 to vector<16xf32>
      %parallel_loop3A_499 = arith.addf %parallel_loop3A_496, %parallel_loop3A_498 : vector<16xf32>
      %parallel_loop3A_500 = arith.mulf %parallel_loop3A_499, %parallel_loop3A_489 : vector<16xf32>
      %parallel_loop3A_501 = arith.constant 0.164783493 : f32
      %parallel_loop3A_502 = vector.broadcast %parallel_loop3A_501 : f32 to vector<16xf32>
      %parallel_loop3A_503 = arith.addf %parallel_loop3A_500, %parallel_loop3A_502 : vector<16xf32>
      %parallel_loop3A_504 = arith.mulf %parallel_loop3A_503, %parallel_loop3A_489 : vector<16xf32>
      %parallel_loop3A_505 = arith.constant -0.239190713 : f32
      %parallel_loop3A_506 = vector.broadcast %parallel_loop3A_505 : f32 to vector<16xf32>
      %parallel_loop3A_507 = arith.addf %parallel_loop3A_504, %parallel_loop3A_506 : vector<16xf32>
      %parallel_loop3A_508 = arith.mulf %parallel_loop3A_507, %parallel_loop3A_489 : vector<16xf32>
      %parallel_loop3A_509 = arith.constant 3.313340e-01 : f32
      %parallel_loop3A_510 = vector.broadcast %parallel_loop3A_509 : f32 to vector<16xf32>
      %parallel_loop3A_511 = arith.addf %parallel_loop3A_508, %parallel_loop3A_510 : vector<16xf32>
      %parallel_loop3A_512 = arith.mulf %parallel_loop3A_511, %parallel_loop3A_489 : vector<16xf32>
      %parallel_loop3A_513 = arith.constant -0.499801159 : f32
      %parallel_loop3A_514 = vector.broadcast %parallel_loop3A_513 : f32 to vector<16xf32>
      %parallel_loop3A_515 = arith.addf %parallel_loop3A_512, %parallel_loop3A_514 : vector<16xf32>
      %parallel_loop3A_516 = arith.mulf %parallel_loop3A_515, %parallel_loop3A_489 : vector<16xf32>
      %parallel_loop3A_517 = arith.constant 0.999991476 : f32
      %parallel_loop3A_518 = vector.broadcast %parallel_loop3A_517 : f32 to vector<16xf32>
      %parallel_loop3A_519 = arith.addf %parallel_loop3A_516, %parallel_loop3A_518 : vector<16xf32>
      %parallel_loop3A_520 = arith.mulf %parallel_loop3A_519, %parallel_loop3A_489 : vector<16xf32>
      %parallel_loop3A_521 = arith.constant 9.08378652E-8 : f32
      %parallel_loop3A_522 = vector.broadcast %parallel_loop3A_521 : f32 to vector<16xf32>
      %parallel_loop3A_523 = arith.addf %parallel_loop3A_520, %parallel_loop3A_522 : vector<16xf32>
      %parallel_loop3A_524 = arith.constant 0.000000e+00 : f32
      %parallel_loop3A_525 = vector.broadcast %parallel_loop3A_524 : f32 to vector<16xf32>
      %parallel_loop3A_526 = arith.maximumf %parallel_loop3A_484, %parallel_loop3A_525 : vector<16xf32>
      %parallel_loop3A_527 = arith.addf %parallel_loop3A_526, %parallel_loop3A_523 : vector<16xf32>
      %parallel_loop3A_528 = arith.mulf %parallel_loop3A_468, %parallel_loop3A_527 : vector<16xf32>
      %parallel_loop3A_529 = arith.addf %parallel_loop3A_476, %parallel_loop3A_528 : vector<16xf32>
      %parallel_loop3A_530 = arith.maximumf %parallel_loop3A_454, %parallel_loop3A_529 : vector<16xf32>
      %parallel_loop3A_531 = arith.constant 1 : i32
      %parallel_loop3A_532 = arith.constant 4 : i32
      %parallel_loop3A_533 = arith.index_cast %parallel_loop3A_531 : i32 to index
      %parallel_loop3A_534 = arith.index_cast %parallel_loop3A_532 : i32 to index
      %parallel_loop3A_535 = arith.index_cast %parallel_loop3A_227 : i32 to index
      %parallel_loop3A_536 = tpu.vector_load %arg7[%parallel_loop3A_533, %parallel_loop3A_534, %parallel_loop3A_535] {strides = array<i32>} : memref<2x16x1024xf32, #tpu.memory_space<vmem>>, vector<1x1x16xf32>,
      %parallel_loop3A_537 = vector.shape_cast %parallel_loop3A_536 : vector<1x1x16xf32> to vector<16xf32>
      %parallel_loop3A_538 = arith.constant 1 : i32
      %parallel_loop3A_539 = arith.constant 4 : i32
      %parallel_loop3A_540 = arith.index_cast %parallel_loop3A_538 : i32 to index
      %parallel_loop3A_541 = arith.index_cast %parallel_loop3A_539 : i32 to index
      %parallel_loop3A_542 = arith.index_cast %parallel_loop3A_227 : i32 to index
      %parallel_loop3A_543 = tpu.vector_load %arg8[%parallel_loop3A_540, %parallel_loop3A_541, %parallel_loop3A_542] {strides = array<i32>} : memref<2x16x1024xf32, #tpu.memory_space<vmem>>, vector<1x1x16xf32>,
      %parallel_loop3A_544 = vector.shape_cast %parallel_loop3A_543 : vector<1x1x16xf32> to vector<16xf32>
      %parallel_loop3A_545 = arith.constant 0 : i32
      %parallel_loop3A_546 = arith.constant 4 : i32
      %parallel_loop3A_547 = arith.index_cast %parallel_loop3A_545 : i32 to index
      %parallel_loop3A_548 = arith.index_cast %parallel_loop3A_546 : i32 to index
      %parallel_loop3A_549 = arith.constant 0 : index
      %parallel_loop3A_550 = tpu.vector_load %arg10[%parallel_loop3A_547, %parallel_loop3A_548, %parallel_loop3A_549] {strides = array<i32>} : memref<2x16x16xf32, #tpu.memory_space<vmem>>, vector<1x1x16xf32>,
      %parallel_loop3A_551 = vector.shape_cast %parallel_loop3A_550 : vector<1x1x16xf32> to vector<16xf32>
      %parallel_loop3A_552 = arith.mulf %parallel_loop3A_537, %parallel_loop3A_551 : vector<16xf32>
      %parallel_loop3A_553 = arith.constant 1 : i32
      %parallel_loop3A_554 = arith.constant 4 : i32
      %parallel_loop3A_555 = arith.index_cast %parallel_loop3A_553 : i32 to index
      %parallel_loop3A_556 = arith.index_cast %parallel_loop3A_554 : i32 to index
      %parallel_loop3A_557 = arith.constant 0 : index
      %parallel_loop3A_558 = tpu.vector_load %arg10[%parallel_loop3A_555, %parallel_loop3A_556, %parallel_loop3A_557] {strides = array<i32>} : memref<2x16x16xf32, #tpu.memory_space<vmem>>, vector<1x1x16xf32>,
      %parallel_loop3A_559 = vector.shape_cast %parallel_loop3A_558 : vector<1x1x16xf32> to vector<16xf32>
      %parallel_loop3A_560 = arith.mulf %parallel_loop3A_537, %parallel_loop3A_559 : vector<16xf32>
      %parallel_loop3A_561 = math.absf %parallel_loop3A_560 : vector<16xf32>
      %parallel_loop3A_562 = arith.constant 0.000000e+00 : f32
      %parallel_loop3A_563 = vector.broadcast %parallel_loop3A_562 : f32 to vector<16xf32>
      %parallel_loop3A_564 = arith.subf %parallel_loop3A_563, %parallel_loop3A_561 : vector<16xf32>
      %parallel_loop3A_565 = math.exp %parallel_loop3A_564 : vector<16xf32>
      %parallel_loop3A_566 = arith.constant -0.00607487746 : f32
      %parallel_loop3A_567 = vector.broadcast %parallel_loop3A_566 : f32 to vector<16xf32>
      %parallel_loop3A_568 = arith.mulf %parallel_loop3A_567, %parallel_loop3A_565 : vector<16xf32>
      %parallel_loop3A_569 = arith.constant 0.0344185941 : f32
      %parallel_loop3A_570 = vector.broadcast %parallel_loop3A_569 : f32 to vector<16xf32>
      %parallel_loop3A_571 = arith.addf %parallel_loop3A_568, %parallel_loop3A_570 : vector<16xf32>
      %parallel_loop3A_572 = arith.mulf %parallel_loop3A_571, %parallel_loop3A_565 : vector<16xf32>
      %parallel_loop3A_573 = arith.constant -0.0923137664 : f32
      %parallel_loop3A_574 = vector.broadcast %parallel_loop3A_573 : f32 to vector<16xf32>
      %parallel_loop3A_575 = arith.addf %parallel_loop3A_572, %parallel_loop3A_574 : vector<16xf32>
      %parallel_loop3A_576 = arith.mulf %parallel_loop3A_575, %parallel_loop3A_565 : vector<16xf32>
      %parallel_loop3A_577 = arith.constant 0.164783493 : f32
      %parallel_loop3A_578 = vector.broadcast %parallel_loop3A_577 : f32 to vector<16xf32>
      %parallel_loop3A_579 = arith.addf %parallel_loop3A_576, %parallel_loop3A_578 : vector<16xf32>
      %parallel_loop3A_580 = arith.mulf %parallel_loop3A_579, %parallel_loop3A_565 : vector<16xf32>
      %parallel_loop3A_581 = arith.constant -0.239190713 : f32
      %parallel_loop3A_582 = vector.broadcast %parallel_loop3A_581 : f32 to vector<16xf32>
      %parallel_loop3A_583 = arith.addf %parallel_loop3A_580, %parallel_loop3A_582 : vector<16xf32>
      %parallel_loop3A_584 = arith.mulf %parallel_loop3A_583, %parallel_loop3A_565 : vector<16xf32>
      %parallel_loop3A_585 = arith.constant 3.313340e-01 : f32
      %parallel_loop3A_586 = vector.broadcast %parallel_loop3A_585 : f32 to vector<16xf32>
      %parallel_loop3A_587 = arith.addf %parallel_loop3A_584, %parallel_loop3A_586 : vector<16xf32>
      %parallel_loop3A_588 = arith.mulf %parallel_loop3A_587, %parallel_loop3A_565 : vector<16xf32>
      %parallel_loop3A_589 = arith.constant -0.499801159 : f32
      %parallel_loop3A_590 = vector.broadcast %parallel_loop3A_589 : f32 to vector<16xf32>
      %parallel_loop3A_591 = arith.addf %parallel_loop3A_588, %parallel_loop3A_590 : vector<16xf32>
      %parallel_loop3A_592 = arith.mulf %parallel_loop3A_591, %parallel_loop3A_565 : vector<16xf32>
      %parallel_loop3A_593 = arith.constant 0.999991476 : f32
      %parallel_loop3A_594 = vector.broadcast %parallel_loop3A_593 : f32 to vector<16xf32>
      %parallel_loop3A_595 = arith.addf %parallel_loop3A_592, %parallel_loop3A_594 : vector<16xf32>
      %parallel_loop3A_596 = arith.mulf %parallel_loop3A_595, %parallel_loop3A_565 : vector<16xf32>
      %parallel_loop3A_597 = arith.constant 9.08378652E-8 : f32
      %parallel_loop3A_598 = vector.broadcast %parallel_loop3A_597 : f32 to vector<16xf32>
      %parallel_loop3A_599 = arith.addf %parallel_loop3A_596, %parallel_loop3A_598 : vector<16xf32>
      %parallel_loop3A_600 = arith.constant 0.000000e+00 : f32
      %parallel_loop3A_601 = vector.broadcast %parallel_loop3A_600 : f32 to vector<16xf32>
      %parallel_loop3A_602 = arith.maximumf %parallel_loop3A_560, %parallel_loop3A_601 : vector<16xf32>
      %parallel_loop3A_603 = arith.addf %parallel_loop3A_602, %parallel_loop3A_599 : vector<16xf32>
      %parallel_loop3A_604 = arith.mulf %parallel_loop3A_544, %parallel_loop3A_603 : vector<16xf32>
      %parallel_loop3A_605 = arith.addf %parallel_loop3A_552, %parallel_loop3A_604 : vector<16xf32>
      %parallel_loop3A_606 = arith.maximumf %parallel_loop3A_530, %parallel_loop3A_605 : vector<16xf32>
      %parallel_loop3A_607 = arith.constant 1 : i32
      %parallel_loop3A_608 = arith.constant 5 : i32
      %parallel_loop3A_609 = arith.index_cast %parallel_loop3A_607 : i32 to index
      %parallel_loop3A_610 = arith.index_cast %parallel_loop3A_608 : i32 to index
      %parallel_loop3A_611 = arith.index_cast %parallel_loop3A_227 : i32 to index
      %parallel_loop3A_612 = tpu.vector_load %arg7[%parallel_loop3A_609, %parallel_loop3A_610, %parallel_loop3A_611] {strides = array<i32>} : memref<2x16x1024xf32, #tpu.memory_space<vmem>>, vector<1x1x16xf32>,
      %parallel_loop3A_613 = vector.shape_cast %parallel_loop3A_612 : vector<1x1x16xf32> to vector<16xf32>
      %parallel_loop3A_614 = arith.constant 1 : i32
      %parallel_loop3A_615 = arith.constant 5 : i32
      %parallel_loop3A_616 = arith.index_cast %parallel_loop3A_614 : i32 to index
      %parallel_loop3A_617 = arith.index_cast %parallel_loop3A_615 : i32 to index
      %parallel_loop3A_618 = arith.index_cast %parallel_loop3A_227 : i32 to index
      %parallel_loop3A_619 = tpu.vector_load %arg8[%parallel_loop3A_616, %parallel_loop3A_617, %parallel_loop3A_618] {strides = array<i32>} : memref<2x16x1024xf32, #tpu.memory_space<vmem>>, vector<1x1x16xf32>,
      %parallel_loop3A_620 = vector.shape_cast %parallel_loop3A_619 : vector<1x1x16xf32> to vector<16xf32>
      %parallel_loop3A_621 = arith.constant 0 : i32
      %parallel_loop3A_622 = arith.constant 5 : i32
      %parallel_loop3A_623 = arith.index_cast %parallel_loop3A_621 : i32 to index
      %parallel_loop3A_624 = arith.index_cast %parallel_loop3A_622 : i32 to index
      %parallel_loop3A_625 = arith.constant 0 : index
      %parallel_loop3A_626 = tpu.vector_load %arg10[%parallel_loop3A_623, %parallel_loop3A_624, %parallel_loop3A_625] {strides = array<i32>} : memref<2x16x16xf32, #tpu.memory_space<vmem>>, vector<1x1x16xf32>,
      %parallel_loop3A_627 = vector.shape_cast %parallel_loop3A_626 : vector<1x1x16xf32> to vector<16xf32>
      %parallel_loop3A_628 = arith.mulf %parallel_loop3A_613, %parallel_loop3A_627 : vector<16xf32>
      %parallel_loop3A_629 = arith.constant 1 : i32
      %parallel_loop3A_630 = arith.constant 5 : i32
      %parallel_loop3A_631 = arith.index_cast %parallel_loop3A_629 : i32 to index
      %parallel_loop3A_632 = arith.index_cast %parallel_loop3A_630 : i32 to index
      %parallel_loop3A_633 = arith.constant 0 : index
      %parallel_loop3A_634 = tpu.vector_load %arg10[%parallel_loop3A_631, %parallel_loop3A_632, %parallel_loop3A_633] {strides = array<i32>} : memref<2x16x16xf32, #tpu.memory_space<vmem>>, vector<1x1x16xf32>,
      %parallel_loop3A_635 = vector.shape_cast %parallel_loop3A_634 : vector<1x1x16xf32> to vector<16xf32>
      %parallel_loop3A_636 = arith.mulf %parallel_loop3A_613, %parallel_loop3A_635 : vector<16xf32>
      %parallel_loop3A_637 = math.absf %parallel_loop3A_636 : vector<16xf32>
      %parallel_loop3A_638 = arith.constant 0.000000e+00 : f32
      %parallel_loop3A_639 = vector.broadcast %parallel_loop3A_638 : f32 to vector<16xf32>
      %parallel_loop3A_640 = arith.subf %parallel_loop3A_639, %parallel_loop3A_637 : vector<16xf32>
      %parallel_loop3A_641 = math.exp %parallel_loop3A_640 : vector<16xf32>
      %parallel_loop3A_642 = arith.constant -0.00607487746 : f32
      %parallel_loop3A_643 = vector.broadcast %parallel_loop3A_642 : f32 to vector<16xf32>
      %parallel_loop3A_644 = arith.mulf %parallel_loop3A_643, %parallel_loop3A_641 : vector<16xf32>
      %parallel_loop3A_645 = arith.constant 0.0344185941 : f32
      %parallel_loop3A_646 = vector.broadcast %parallel_loop3A_645 : f32 to vector<16xf32>
      %parallel_loop3A_647 = arith.addf %parallel_loop3A_644, %parallel_loop3A_646 : vector<16xf32>
      %parallel_loop3A_648 = arith.mulf %parallel_loop3A_647, %parallel_loop3A_641 : vector<16xf32>
      %parallel_loop3A_649 = arith.constant -0.0923137664 : f32
      %parallel_loop3A_650 = vector.broadcast %parallel_loop3A_649 : f32 to vector<16xf32>
      %parallel_loop3A_651 = arith.addf %parallel_loop3A_648, %parallel_loop3A_650 : vector<16xf32>
      %parallel_loop3A_652 = arith.mulf %parallel_loop3A_651, %parallel_loop3A_641 : vector<16xf32>
      %parallel_loop3A_653 = arith.constant 0.164783493 : f32
      %parallel_loop3A_654 = vector.broadcast %parallel_loop3A_653 : f32 to vector<16xf32>
      %parallel_loop3A_655 = arith.addf %parallel_loop3A_652, %parallel_loop3A_654 : vector<16xf32>
      %parallel_loop3A_656 = arith.mulf %parallel_loop3A_655, %parallel_loop3A_641 : vector<16xf32>
      %parallel_loop3A_657 = arith.constant -0.239190713 : f32
      %parallel_loop3A_658 = vector.broadcast %parallel_loop3A_657 : f32 to vector<16xf32>
      %parallel_loop3A_659 = arith.addf %parallel_loop3A_656, %parallel_loop3A_658 : vector<16xf32>
      %parallel_loop3A_660 = arith.mulf %parallel_loop3A_659, %parallel_loop3A_641 : vector<16xf32>
      %parallel_loop3A_661 = arith.constant 3.313340e-01 : f32
      %parallel_loop3A_662 = vector.broadcast %parallel_loop3A_661 : f32 to vector<16xf32>
      %parallel_loop3A_663 = arith.addf %parallel_loop3A_660, %parallel_loop3A_662 : vector<16xf32>
      %parallel_loop3A_664 = arith.mulf %parallel_loop3A_663, %parallel_loop3A_641 : vector<16xf32>
      %parallel_loop3A_665 = arith.constant -0.499801159 : f32
      %parallel_loop3A_666 = vector.broadcast %parallel_loop3A_665 : f32 to vector<16xf32>
      %parallel_loop3A_667 = arith.addf %parallel_loop3A_664, %parallel_loop3A_666 : vector<16xf32>
      %parallel_loop3A_668 = arith.mulf %parallel_loop3A_667, %parallel_loop3A_641 : vector<16xf32>
      %parallel_loop3A_669 = arith.constant 0.999991476 : f32
      %parallel_loop3A_670 = vector.broadcast %parallel_loop3A_669 : f32 to vector<16xf32>
      %parallel_loop3A_671 = arith.addf %parallel_loop3A_668, %parallel_loop3A_670 : vector<16xf32>
      %parallel_loop3A_672 = arith.mulf %parallel_loop3A_671, %parallel_loop3A_641 : vector<16xf32>
      %parallel_loop3A_673 = arith.constant 9.08378652E-8 : f32
      %parallel_loop3A_674 = vector.broadcast %parallel_loop3A_673 : f32 to vector<16xf32>
      %parallel_loop3A_675 = arith.addf %parallel_loop3A_672, %parallel_loop3A_674 : vector<16xf32>
      %parallel_loop3A_676 = arith.constant 0.000000e+00 : f32
      %parallel_loop3A_677 = vector.broadcast %parallel_loop3A_676 : f32 to vector<16xf32>
      %parallel_loop3A_678 = arith.maximumf %parallel_loop3A_636, %parallel_loop3A_677 : vector<16xf32>
      %parallel_loop3A_679 = arith.addf %parallel_loop3A_678, %parallel_loop3A_675 : vector<16xf32>
      %parallel_loop3A_680 = arith.mulf %parallel_loop3A_620, %parallel_loop3A_679 : vector<16xf32>
      %parallel_loop3A_681 = arith.addf %parallel_loop3A_628, %parallel_loop3A_680 : vector<16xf32>
      %parallel_loop3A_682 = arith.maximumf %parallel_loop3A_606, %parallel_loop3A_681 : vector<16xf32>
      %parallel_loop3A_683 = arith.constant 1 : i32
      %parallel_loop3A_684 = arith.constant 6 : i32
      %parallel_loop3A_685 = arith.index_cast %parallel_loop3A_683 : i32 to index
      %parallel_loop3A_686 = arith.index_cast %parallel_loop3A_684 : i32 to index
      %parallel_loop3A_687 = arith.index_cast %parallel_loop3A_227 : i32 to index
      %parallel_loop3A_688 = tpu.vector_load %arg7[%parallel_loop3A_685, %parallel_loop3A_686, %parallel_loop3A_687] {strides = array<i32>} : memref<2x16x1024xf32, #tpu.memory_space<vmem>>, vector<1x1x16xf32>,
      %parallel_loop3A_689 = vector.shape_cast %parallel_loop3A_688 : vector<1x1x16xf32> to vector<16xf32>
      %parallel_loop3A_690 = arith.constant 1 : i32
      %parallel_loop3A_691 = arith.constant 6 : i32
      %parallel_loop3A_692 = arith.index_cast %parallel_loop3A_690 : i32 to index
      %parallel_loop3A_693 = arith.index_cast %parallel_loop3A_691 : i32 to index
      %parallel_loop3A_694 = arith.index_cast %parallel_loop3A_227 : i32 to index
      %parallel_loop3A_695 = tpu.vector_load %arg8[%parallel_loop3A_692, %parallel_loop3A_693, %parallel_loop3A_694] {strides = array<i32>} : memref<2x16x1024xf32, #tpu.memory_space<vmem>>, vector<1x1x16xf32>,
      %parallel_loop3A_696 = vector.shape_cast %parallel_loop3A_695 : vector<1x1x16xf32> to vector<16xf32>
      %parallel_loop3A_697 = arith.constant 0 : i32
      %parallel_loop3A_698 = arith.constant 6 : i32
      %parallel_loop3A_699 = arith.index_cast %parallel_loop3A_697 : i32 to index
      %parallel_loop3A_700 = arith.index_cast %parallel_loop3A_698 : i32 to index
      %parallel_loop3A_701 = arith.constant 0 : index
      %parallel_loop3A_702 = tpu.vector_load %arg10[%parallel_loop3A_699, %parallel_loop3A_700, %parallel_loop3A_701] {strides = array<i32>} : memref<2x16x16xf32, #tpu.memory_space<vmem>>, vector<1x1x16xf32>,
      %parallel_loop3A_703 = vector.shape_cast %parallel_loop3A_702 : vector<1x1x16xf32> to vector<16xf32>
      %parallel_loop3A_704 = arith.mulf %parallel_loop3A_689, %parallel_loop3A_703 : vector<16xf32>
      %parallel_loop3A_705 = arith.constant 1 : i32
      %parallel_loop3A_706 = arith.constant 6 : i32
      %parallel_loop3A_707 = arith.index_cast %parallel_loop3A_705 : i32 to index
      %parallel_loop3A_708 = arith.index_cast %parallel_loop3A_706 : i32 to index
      %parallel_loop3A_709 = arith.constant 0 : index
      %parallel_loop3A_710 = tpu.vector_load %arg10[%parallel_loop3A_707, %parallel_loop3A_708, %parallel_loop3A_709] {strides = array<i32>} : memref<2x16x16xf32, #tpu.memory_space<vmem>>, vector<1x1x16xf32>,
      %parallel_loop3A_711 = vector.shape_cast %parallel_loop3A_710 : vector<1x1x16xf32> to vector<16xf32>
      %parallel_loop3A_712 = arith.mulf %parallel_loop3A_689, %parallel_loop3A_711 : vector<16xf32>
      %parallel_loop3A_713 = math.absf %parallel_loop3A_712 : vector<16xf32>
      %parallel_loop3A_714 = arith.constant 0.000000e+00 : f32
      %parallel_loop3A_715 = vector.broadcast %parallel_loop3A_714 : f32 to vector<16xf32>
      %parallel_loop3A_716 = arith.subf %parallel_loop3A_715, %parallel_loop3A_713 : vector<16xf32>
      %parallel_loop3A_717 = math.exp %parallel_loop3A_716 : vector<16xf32>
      %parallel_loop3A_718 = arith.constant -0.00607487746 : f32
      %parallel_loop3A_719 = vector.broadcast %parallel_loop3A_718 : f32 to vector<16xf32>
      %parallel_loop3A_720 = arith.mulf %parallel_loop3A_719, %parallel_loop3A_717 : vector<16xf32>
      %parallel_loop3A_721 = arith.constant 0.0344185941 : f32
      %parallel_loop3A_722 = vector.broadcast %parallel_loop3A_721 : f32 to vector<16xf32>
      %parallel_loop3A_723 = arith.addf %parallel_loop3A_720, %parallel_loop3A_722 : vector<16xf32>
      %parallel_loop3A_724 = arith.mulf %parallel_loop3A_723, %parallel_loop3A_717 : vector<16xf32>
      %parallel_loop3A_725 = arith.constant -0.0923137664 : f32
      %parallel_loop3A_726 = vector.broadcast %parallel_loop3A_725 : f32 to vector<16xf32>
      %parallel_loop3A_727 = arith.addf %parallel_loop3A_724, %parallel_loop3A_726 : vector<16xf32>
      %parallel_loop3A_728 = arith.mulf %parallel_loop3A_727, %parallel_loop3A_717 : vector<16xf32>
      %parallel_loop3A_729 = arith.constant 0.164783493 : f32
      %parallel_loop3A_730 = vector.broadcast %parallel_loop3A_729 : f32 to vector<16xf32>
      %parallel_loop3A_731 = arith.addf %parallel_loop3A_728, %parallel_loop3A_730 : vector<16xf32>
      %parallel_loop3A_732 = arith.mulf %parallel_loop3A_731, %parallel_loop3A_717 : vector<16xf32>
      %parallel_loop3A_733 = arith.constant -0.239190713 : f32
      %parallel_loop3A_734 = vector.broadcast %parallel_loop3A_733 : f32 to vector<16xf32>
      %parallel_loop3A_735 = arith.addf %parallel_loop3A_732, %parallel_loop3A_734 : vector<16xf32>
      %parallel_loop3A_736 = arith.mulf %parallel_loop3A_735, %parallel_loop3A_717 : vector<16xf32>
      %parallel_loop3A_737 = arith.constant 3.313340e-01 : f32
      %parallel_loop3A_738 = vector.broadcast %parallel_loop3A_737 : f32 to vector<16xf32>
      %parallel_loop3A_739 = arith.addf %parallel_loop3A_736, %parallel_loop3A_738 : vector<16xf32>
      %parallel_loop3A_740 = arith.mulf %parallel_loop3A_739, %parallel_loop3A_717 : vector<16xf32>
      %parallel_loop3A_741 = arith.constant -0.499801159 : f32
      %parallel_loop3A_742 = vector.broadcast %parallel_loop3A_741 : f32 to vector<16xf32>
      %parallel_loop3A_743 = arith.addf %parallel_loop3A_740, %parallel_loop3A_742 : vector<16xf32>
      %parallel_loop3A_744 = arith.mulf %parallel_loop3A_743, %parallel_loop3A_717 : vector<16xf32>
      %parallel_loop3A_745 = arith.constant 0.999991476 : f32
      %parallel_loop3A_746 = vector.broadcast %parallel_loop3A_745 : f32 to vector<16xf32>
      %parallel_loop3A_747 = arith.addf %parallel_loop3A_744, %parallel_loop3A_746 : vector<16xf32>
      %parallel_loop3A_748 = arith.mulf %parallel_loop3A_747, %parallel_loop3A_717 : vector<16xf32>
      %parallel_loop3A_749 = arith.constant 9.08378652E-8 : f32
      %parallel_loop3A_750 = vector.broadcast %parallel_loop3A_749 : f32 to vector<16xf32>
      %parallel_loop3A_751 = arith.addf %parallel_loop3A_748, %parallel_loop3A_750 : vector<16xf32>
      %parallel_loop3A_752 = arith.constant 0.000000e+00 : f32
      %parallel_loop3A_753 = vector.broadcast %parallel_loop3A_752 : f32 to vector<16xf32>
      %parallel_loop3A_754 = arith.maximumf %parallel_loop3A_712, %parallel_loop3A_753 : vector<16xf32>
      %parallel_loop3A_755 = arith.addf %parallel_loop3A_754, %parallel_loop3A_751 : vector<16xf32>
      %parallel_loop3A_756 = arith.mulf %parallel_loop3A_696, %parallel_loop3A_755 : vector<16xf32>
      %parallel_loop3A_757 = arith.addf %parallel_loop3A_704, %parallel_loop3A_756 : vector<16xf32>
      %parallel_loop3A_758 = arith.maximumf %parallel_loop3A_682, %parallel_loop3A_757 : vector<16xf32>
      %parallel_loop3A_759 = arith.constant 1 : i32
      %parallel_loop3A_760 = arith.constant 7 : i32
      %parallel_loop3A_761 = arith.index_cast %parallel_loop3A_759 : i32 to index
      %parallel_loop3A_762 = arith.index_cast %parallel_loop3A_760 : i32 to index
      %parallel_loop3A_763 = arith.index_cast %parallel_loop3A_227 : i32 to index
      %parallel_loop3A_764 = tpu.vector_load %arg7[%parallel_loop3A_761, %parallel_loop3A_762, %parallel_loop3A_763] {strides = array<i32>} : memref<2x16x1024xf32, #tpu.memory_space<vmem>>, vector<1x1x16xf32>,
      %parallel_loop3A_765 = vector.shape_cast %parallel_loop3A_764 : vector<1x1x16xf32> to vector<16xf32>
      %parallel_loop3A_766 = arith.constant 1 : i32
      %parallel_loop3A_767 = arith.constant 7 : i32
      %parallel_loop3A_768 = arith.index_cast %parallel_loop3A_766 : i32 to index
      %parallel_loop3A_769 = arith.index_cast %parallel_loop3A_767 : i32 to index
      %parallel_loop3A_770 = arith.index_cast %parallel_loop3A_227 : i32 to index
      %parallel_loop3A_771 = tpu.vector_load %arg8[%parallel_loop3A_768, %parallel_loop3A_769, %parallel_loop3A_770] {strides = array<i32>} : memref<2x16x1024xf32, #tpu.memory_space<vmem>>, vector<1x1x16xf32>,
      %parallel_loop3A_772 = vector.shape_cast %parallel_loop3A_771 : vector<1x1x16xf32> to vector<16xf32>
      %parallel_loop3A_773 = arith.constant 0 : i32
      %parallel_loop3A_774 = arith.constant 7 : i32
      %parallel_loop3A_775 = arith.index_cast %parallel_loop3A_773 : i32 to index
      %parallel_loop3A_776 = arith.index_cast %parallel_loop3A_774 : i32 to index
      %parallel_loop3A_777 = arith.constant 0 : index
      %parallel_loop3A_778 = tpu.vector_load %arg10[%parallel_loop3A_775, %parallel_loop3A_776, %parallel_loop3A_777] {strides = array<i32>} : memref<2x16x16xf32, #tpu.memory_space<vmem>>, vector<1x1x16xf32>,
      %parallel_loop3A_779 = vector.shape_cast %parallel_loop3A_778 : vector<1x1x16xf32> to vector<16xf32>
      %parallel_loop3A_780 = arith.mulf %parallel_loop3A_765, %parallel_loop3A_779 : vector<16xf32>
      %parallel_loop3A_781 = arith.constant 1 : i32
      %parallel_loop3A_782 = arith.constant 7 : i32
      %parallel_loop3A_783 = arith.index_cast %parallel_loop3A_781 : i32 to index
      %parallel_loop3A_784 = arith.index_cast %parallel_loop3A_782 : i32 to index
      %parallel_loop3A_785 = arith.constant 0 : index
      %parallel_loop3A_786 = tpu.vector_load %arg10[%parallel_loop3A_783, %parallel_loop3A_784, %parallel_loop3A_785] {strides = array<i32>} : memref<2x16x16xf32, #tpu.memory_space<vmem>>, vector<1x1x16xf32>,
      %parallel_loop3A_787 = vector.shape_cast %parallel_loop3A_786 : vector<1x1x16xf32> to vector<16xf32>
      %parallel_loop3A_788 = arith.mulf %parallel_loop3A_765, %parallel_loop3A_787 : vector<16xf32>
      %parallel_loop3A_789 = math.absf %parallel_loop3A_788 : vector<16xf32>
      %parallel_loop3A_790 = arith.constant 0.000000e+00 : f32
      %parallel_loop3A_791 = vector.broadcast %parallel_loop3A_790 : f32 to vector<16xf32>
      %parallel_loop3A_792 = arith.subf %parallel_loop3A_791, %parallel_loop3A_789 : vector<16xf32>
      %parallel_loop3A_793 = math.exp %parallel_loop3A_792 : vector<16xf32>
      %parallel_loop3A_794 = arith.constant -0.00607487746 : f32
      %parallel_loop3A_795 = vector.broadcast %parallel_loop3A_794 : f32 to vector<16xf32>
      %parallel_loop3A_796 = arith.mulf %parallel_loop3A_795, %parallel_loop3A_793 : vector<16xf32>
      %parallel_loop3A_797 = arith.constant 0.0344185941 : f32
      %parallel_loop3A_798 = vector.broadcast %parallel_loop3A_797 : f32 to vector<16xf32>
      %parallel_loop3A_799 = arith.addf %parallel_loop3A_796, %parallel_loop3A_798 : vector<16xf32>
      %parallel_loop3A_800 = arith.mulf %parallel_loop3A_799, %parallel_loop3A_793 : vector<16xf32>
      %parallel_loop3A_801 = arith.constant -0.0923137664 : f32
      %parallel_loop3A_802 = vector.broadcast %parallel_loop3A_801 : f32 to vector<16xf32>
      %parallel_loop3A_803 = arith.addf %parallel_loop3A_800, %parallel_loop3A_802 : vector<16xf32>
      %parallel_loop3A_804 = arith.mulf %parallel_loop3A_803, %parallel_loop3A_793 : vector<16xf32>
      %parallel_loop3A_805 = arith.constant 0.164783493 : f32
      %parallel_loop3A_806 = vector.broadcast %parallel_loop3A_805 : f32 to vector<16xf32>
      %parallel_loop3A_807 = arith.addf %parallel_loop3A_804, %parallel_loop3A_806 : vector<16xf32>
      %parallel_loop3A_808 = arith.mulf %parallel_loop3A_807, %parallel_loop3A_793 : vector<16xf32>
      %parallel_loop3A_809 = arith.constant -0.239190713 : f32
      %parallel_loop3A_810 = vector.broadcast %parallel_loop3A_809 : f32 to vector<16xf32>
      %parallel_loop3A_811 = arith.addf %parallel_loop3A_808, %parallel_loop3A_810 : vector<16xf32>
      %parallel_loop3A_812 = arith.mulf %parallel_loop3A_811, %parallel_loop3A_793 : vector<16xf32>
      %parallel_loop3A_813 = arith.constant 3.313340e-01 : f32
      %parallel_loop3A_814 = vector.broadcast %parallel_loop3A_813 : f32 to vector<16xf32>
      %parallel_loop3A_815 = arith.addf %parallel_loop3A_812, %parallel_loop3A_814 : vector<16xf32>
      %parallel_loop3A_816 = arith.mulf %parallel_loop3A_815, %parallel_loop3A_793 : vector<16xf32>
      %parallel_loop3A_817 = arith.constant -0.499801159 : f32
      %parallel_loop3A_818 = vector.broadcast %parallel_loop3A_817 : f32 to vector<16xf32>
      %parallel_loop3A_819 = arith.addf %parallel_loop3A_816, %parallel_loop3A_818 : vector<16xf32>
      %parallel_loop3A_820 = arith.mulf %parallel_loop3A_819, %parallel_loop3A_793 : vector<16xf32>
      %parallel_loop3A_821 = arith.constant 0.999991476 : f32
      %parallel_loop3A_822 = vector.broadcast %parallel_loop3A_821 : f32 to vector<16xf32>
      %parallel_loop3A_823 = arith.addf %parallel_loop3A_820, %parallel_loop3A_822 : vector<16xf32>
      %parallel_loop3A_824 = arith.mulf %parallel_loop3A_823, %parallel_loop3A_793 : vector<16xf32>
      %parallel_loop3A_825 = arith.constant 9.08378652E-8 : f32
      %parallel_loop3A_826 = vector.broadcast %parallel_loop3A_825 : f32 to vector<16xf32>
      %parallel_loop3A_827 = arith.addf %parallel_loop3A_824, %parallel_loop3A_826 : vector<16xf32>
      %parallel_loop3A_828 = arith.constant 0.000000e+00 : f32
      %parallel_loop3A_829 = vector.broadcast %parallel_loop3A_828 : f32 to vector<16xf32>
      %parallel_loop3A_830 = arith.maximumf %parallel_loop3A_788, %parallel_loop3A_829 : vector<16xf32>
      %parallel_loop3A_831 = arith.addf %parallel_loop3A_830, %parallel_loop3A_827 : vector<16xf32>
      %parallel_loop3A_832 = arith.mulf %parallel_loop3A_772, %parallel_loop3A_831 : vector<16xf32>
      %parallel_loop3A_833 = arith.addf %parallel_loop3A_780, %parallel_loop3A_832 : vector<16xf32>
      %parallel_loop3A_834 = arith.maximumf %parallel_loop3A_758, %parallel_loop3A_833 : vector<16xf32>
      %parallel_loop3A_835 = arith.constant 1 : i32
      %parallel_loop3A_836 = arith.constant 8 : i32
      %parallel_loop3A_837 = arith.index_cast %parallel_loop3A_835 : i32 to index
      %parallel_loop3A_838 = arith.index_cast %parallel_loop3A_836 : i32 to index
      %parallel_loop3A_839 = arith.index_cast %parallel_loop3A_227 : i32 to index
      %parallel_loop3A_840 = tpu.vector_load %arg7[%parallel_loop3A_837, %parallel_loop3A_838, %parallel_loop3A_839] {strides = array<i32>} : memref<2x16x1024xf32, #tpu.memory_space<vmem>>, vector<1x1x16xf32>,
      %parallel_loop3A_841 = vector.shape_cast %parallel_loop3A_840 : vector<1x1x16xf32> to vector<16xf32>
      %parallel_loop3A_842 = arith.constant 1 : i32
      %parallel_loop3A_843 = arith.constant 8 : i32
      %parallel_loop3A_844 = arith.index_cast %parallel_loop3A_842 : i32 to index
      %parallel_loop3A_845 = arith.index_cast %parallel_loop3A_843 : i32 to index
      %parallel_loop3A_846 = arith.index_cast %parallel_loop3A_227 : i32 to index
      %parallel_loop3A_847 = tpu.vector_load %arg8[%parallel_loop3A_844, %parallel_loop3A_845, %parallel_loop3A_846] {strides = array<i32>} : memref<2x16x1024xf32, #tpu.memory_space<vmem>>, vector<1x1x16xf32>,
      %parallel_loop3A_848 = vector.shape_cast %parallel_loop3A_847 : vector<1x1x16xf32> to vector<16xf32>
      %parallel_loop3A_849 = arith.constant 0 : i32
      %parallel_loop3A_850 = arith.constant 8 : i32
      %parallel_loop3A_851 = arith.index_cast %parallel_loop3A_849 : i32 to index
      %parallel_loop3A_852 = arith.index_cast %parallel_loop3A_850 : i32 to index
      %parallel_loop3A_853 = arith.constant 0 : index
      %parallel_loop3A_854 = tpu.vector_load %arg10[%parallel_loop3A_851, %parallel_loop3A_852, %parallel_loop3A_853] {strides = array<i32>} : memref<2x16x16xf32, #tpu.memory_space<vmem>>, vector<1x1x16xf32>,
      %parallel_loop3A_855 = vector.shape_cast %parallel_loop3A_854 : vector<1x1x16xf32> to vector<16xf32>
      %parallel_loop3A_856 = arith.mulf %parallel_loop3A_841, %parallel_loop3A_855 : vector<16xf32>
      %parallel_loop3A_857 = arith.constant 1 : i32
      %parallel_loop3A_858 = arith.constant 8 : i32
      %parallel_loop3A_859 = arith.index_cast %parallel_loop3A_857 : i32 to index
      %parallel_loop3A_860 = arith.index_cast %parallel_loop3A_858 : i32 to index
      %parallel_loop3A_861 = arith.constant 0 : index
      %parallel_loop3A_862 = tpu.vector_load %arg10[%parallel_loop3A_859, %parallel_loop3A_860, %parallel_loop3A_861] {strides = array<i32>} : memref<2x16x16xf32, #tpu.memory_space<vmem>>, vector<1x1x16xf32>,
      %parallel_loop3A_863 = vector.shape_cast %parallel_loop3A_862 : vector<1x1x16xf32> to vector<16xf32>
      %parallel_loop3A_864 = arith.mulf %parallel_loop3A_841, %parallel_loop3A_863 : vector<16xf32>
      %parallel_loop3A_865 = math.absf %parallel_loop3A_864 : vector<16xf32>
      %parallel_loop3A_866 = arith.constant 0.000000e+00 : f32
      %parallel_loop3A_867 = vector.broadcast %parallel_loop3A_866 : f32 to vector<16xf32>
      %parallel_loop3A_868 = arith.subf %parallel_loop3A_867, %parallel_loop3A_865 : vector<16xf32>
      %parallel_loop3A_869 = math.exp %parallel_loop3A_868 : vector<16xf32>
      %parallel_loop3A_870 = arith.constant -0.00607487746 : f32
      %parallel_loop3A_871 = vector.broadcast %parallel_loop3A_870 : f32 to vector<16xf32>
      %parallel_loop3A_872 = arith.mulf %parallel_loop3A_871, %parallel_loop3A_869 : vector<16xf32>
      %parallel_loop3A_873 = arith.constant 0.0344185941 : f32
      %parallel_loop3A_874 = vector.broadcast %parallel_loop3A_873 : f32 to vector<16xf32>
      %parallel_loop3A_875 = arith.addf %parallel_loop3A_872, %parallel_loop3A_874 : vector<16xf32>
      %parallel_loop3A_876 = arith.mulf %parallel_loop3A_875, %parallel_loop3A_869 : vector<16xf32>
      %parallel_loop3A_877 = arith.constant -0.0923137664 : f32
      %parallel_loop3A_878 = vector.broadcast %parallel_loop3A_877 : f32 to vector<16xf32>
      %parallel_loop3A_879 = arith.addf %parallel_loop3A_876, %parallel_loop3A_878 : vector<16xf32>
      %parallel_loop3A_880 = arith.mulf %parallel_loop3A_879, %parallel_loop3A_869 : vector<16xf32>
      %parallel_loop3A_881 = arith.constant 0.164783493 : f32
      %parallel_loop3A_882 = vector.broadcast %parallel_loop3A_881 : f32 to vector<16xf32>
      %parallel_loop3A_883 = arith.addf %parallel_loop3A_880, %parallel_loop3A_882 : vector<16xf32>
      %parallel_loop3A_884 = arith.mulf %parallel_loop3A_883, %parallel_loop3A_869 : vector<16xf32>
      %parallel_loop3A_885 = arith.constant -0.239190713 : f32
      %parallel_loop3A_886 = vector.broadcast %parallel_loop3A_885 : f32 to vector<16xf32>
      %parallel_loop3A_887 = arith.addf %parallel_loop3A_884, %parallel_loop3A_886 : vector<16xf32>
      %parallel_loop3A_888 = arith.mulf %parallel_loop3A_887, %parallel_loop3A_869 : vector<16xf32>
      %parallel_loop3A_889 = arith.constant 3.313340e-01 : f32
      %parallel_loop3A_890 = vector.broadcast %parallel_loop3A_889 : f32 to vector<16xf32>
      %parallel_loop3A_891 = arith.addf %parallel_loop3A_888, %parallel_loop3A_890 : vector<16xf32>
      %parallel_loop3A_892 = arith.mulf %parallel_loop3A_891, %parallel_loop3A_869 : vector<16xf32>
      %parallel_loop3A_893 = arith.constant -0.499801159 : f32
      %parallel_loop3A_894 = vector.broadcast %parallel_loop3A_893 : f32 to vector<16xf32>
      %parallel_loop3A_895 = arith.addf %parallel_loop3A_892, %parallel_loop3A_894 : vector<16xf32>
      %parallel_loop3A_896 = arith.mulf %parallel_loop3A_895, %parallel_loop3A_869 : vector<16xf32>
      %parallel_loop3A_897 = arith.constant 0.999991476 : f32
      %parallel_loop3A_898 = vector.broadcast %parallel_loop3A_897 : f32 to vector<16xf32>
      %parallel_loop3A_899 = arith.addf %parallel_loop3A_896, %parallel_loop3A_898 : vector<16xf32>
      %parallel_loop3A_900 = arith.mulf %parallel_loop3A_899, %parallel_loop3A_869 : vector<16xf32>
      %parallel_loop3A_901 = arith.constant 9.08378652E-8 : f32
      %parallel_loop3A_902 = vector.broadcast %parallel_loop3A_901 : f32 to vector<16xf32>
      %parallel_loop3A_903 = arith.addf %parallel_loop3A_900, %parallel_loop3A_902 : vector<16xf32>
      %parallel_loop3A_904 = arith.constant 0.000000e+00 : f32
      %parallel_loop3A_905 = vector.broadcast %parallel_loop3A_904 : f32 to vector<16xf32>
      %parallel_loop3A_906 = arith.maximumf %parallel_loop3A_864, %parallel_loop3A_905 : vector<16xf32>
      %parallel_loop3A_907 = arith.addf %parallel_loop3A_906, %parallel_loop3A_903 : vector<16xf32>
      %parallel_loop3A_908 = arith.mulf %parallel_loop3A_848, %parallel_loop3A_907 : vector<16xf32>
      %parallel_loop3A_909 = arith.addf %parallel_loop3A_856, %parallel_loop3A_908 : vector<16xf32>
      %parallel_loop3A_910 = arith.maximumf %parallel_loop3A_834, %parallel_loop3A_909 : vector<16xf32>
      %parallel_loop3A_911 = arith.constant 1 : i32
      %parallel_loop3A_912 = arith.constant 9 : i32
      %parallel_loop3A_913 = arith.index_cast %parallel_loop3A_911 : i32 to index
      %parallel_loop3A_914 = arith.index_cast %parallel_loop3A_912 : i32 to index
      %parallel_loop3A_915 = arith.index_cast %parallel_loop3A_227 : i32 to index
      %parallel_loop3A_916 = tpu.vector_load %arg7[%parallel_loop3A_913, %parallel_loop3A_914, %parallel_loop3A_915] {strides = array<i32>} : memref<2x16x1024xf32, #tpu.memory_space<vmem>>, vector<1x1x16xf32>,
      %parallel_loop3A_917 = vector.shape_cast %parallel_loop3A_916 : vector<1x1x16xf32> to vector<16xf32>
      %parallel_loop3A_918 = arith.constant 1 : i32
      %parallel_loop3A_919 = arith.constant 9 : i32
      %parallel_loop3A_920 = arith.index_cast %parallel_loop3A_918 : i32 to index
      %parallel_loop3A_921 = arith.index_cast %parallel_loop3A_919 : i32 to index
      %parallel_loop3A_922 = arith.index_cast %parallel_loop3A_227 : i32 to index
      %parallel_loop3A_923 = tpu.vector_load %arg8[%parallel_loop3A_920, %parallel_loop3A_921, %parallel_loop3A_922] {strides = array<i32>} : memref<2x16x1024xf32, #tpu.memory_space<vmem>>, vector<1x1x16xf32>,
      %parallel_loop3A_924 = vector.shape_cast %parallel_loop3A_923 : vector<1x1x16xf32> to vector<16xf32>
      %parallel_loop3A_925 = arith.constant 0 : i32
      %parallel_loop3A_926 = arith.constant 9 : i32
      %parallel_loop3A_927 = arith.index_cast %parallel_loop3A_925 : i32 to index
      %parallel_loop3A_928 = arith.index_cast %parallel_loop3A_926 : i32 to index
      %parallel_loop3A_929 = arith.constant 0 : index
      %parallel_loop3A_930 = tpu.vector_load %arg10[%parallel_loop3A_927, %parallel_loop3A_928, %parallel_loop3A_929] {strides = array<i32>} : memref<2x16x16xf32, #tpu.memory_space<vmem>>, vector<1x1x16xf32>,
      %parallel_loop3A_931 = vector.shape_cast %parallel_loop3A_930 : vector<1x1x16xf32> to vector<16xf32>
      %parallel_loop3A_932 = arith.mulf %parallel_loop3A_917, %parallel_loop3A_931 : vector<16xf32>
      %parallel_loop3A_933 = arith.constant 1 : i32
      %parallel_loop3A_934 = arith.constant 9 : i32
      %parallel_loop3A_935 = arith.index_cast %parallel_loop3A_933 : i32 to index
      %parallel_loop3A_936 = arith.index_cast %parallel_loop3A_934 : i32 to index
      %parallel_loop3A_937 = arith.constant 0 : index
      %parallel_loop3A_938 = tpu.vector_load %arg10[%parallel_loop3A_935, %parallel_loop3A_936, %parallel_loop3A_937] {strides = array<i32>} : memref<2x16x16xf32, #tpu.memory_space<vmem>>, vector<1x1x16xf32>,
      %parallel_loop3A_939 = vector.shape_cast %parallel_loop3A_938 : vector<1x1x16xf32> to vector<16xf32>
      %parallel_loop3A_940 = arith.mulf %parallel_loop3A_917, %parallel_loop3A_939 : vector<16xf32>
      %parallel_loop3A_941 = math.absf %parallel_loop3A_940 : vector<16xf32>
      %parallel_loop3A_942 = arith.constant 0.000000e+00 : f32
      %parallel_loop3A_943 = vector.broadcast %parallel_loop3A_942 : f32 to vector<16xf32>
      %parallel_loop3A_944 = arith.subf %parallel_loop3A_943, %parallel_loop3A_941 : vector<16xf32>
      %parallel_loop3A_945 = math.exp %parallel_loop3A_944 : vector<16xf32>
      %parallel_loop3A_946 = arith.constant -0.00607487746 : f32
      %parallel_loop3A_947 = vector.broadcast %parallel_loop3A_946 : f32 to vector<16xf32>
      %parallel_loop3A_948 = arith.mulf %parallel_loop3A_947, %parallel_loop3A_945 : vector<16xf32>
      %parallel_loop3A_949 = arith.constant 0.0344185941 : f32
      %parallel_loop3A_950 = vector.broadcast %parallel_loop3A_949 : f32 to vector<16xf32>
      %parallel_loop3A_951 = arith.addf %parallel_loop3A_948, %parallel_loop3A_950 : vector<16xf32>
      %parallel_loop3A_952 = arith.mulf %parallel_loop3A_951, %parallel_loop3A_945 : vector<16xf32>
      %parallel_loop3A_953 = arith.constant -0.0923137664 : f32
      %parallel_loop3A_954 = vector.broadcast %parallel_loop3A_953 : f32 to vector<16xf32>
      %parallel_loop3A_955 = arith.addf %parallel_loop3A_952, %parallel_loop3A_954 : vector<16xf32>
      %parallel_loop3A_956 = arith.mulf %parallel_loop3A_955, %parallel_loop3A_945 : vector<16xf32>
      %parallel_loop3A_957 = arith.constant 0.164783493 : f32
      %parallel_loop3A_958 = vector.broadcast %parallel_loop3A_957 : f32 to vector<16xf32>
      %parallel_loop3A_959 = arith.addf %parallel_loop3A_956, %parallel_loop3A_958 : vector<16xf32>
      %parallel_loop3A_960 = arith.mulf %parallel_loop3A_959, %parallel_loop3A_945 : vector<16xf32>
      %parallel_loop3A_961 = arith.constant -0.239190713 : f32
      %parallel_loop3A_962 = vector.broadcast %parallel_loop3A_961 : f32 to vector<16xf32>
      %parallel_loop3A_963 = arith.addf %parallel_loop3A_960, %parallel_loop3A_962 : vector<16xf32>
      %parallel_loop3A_964 = arith.mulf %parallel_loop3A_963, %parallel_loop3A_945 : vector<16xf32>
      %parallel_loop3A_965 = arith.constant 3.313340e-01 : f32
      %parallel_loop3A_966 = vector.broadcast %parallel_loop3A_965 : f32 to vector<16xf32>
      %parallel_loop3A_967 = arith.addf %parallel_loop3A_964, %parallel_loop3A_966 : vector<16xf32>
      %parallel_loop3A_968 = arith.mulf %parallel_loop3A_967, %parallel_loop3A_945 : vector<16xf32>
      %parallel_loop3A_969 = arith.constant -0.499801159 : f32
      %parallel_loop3A_970 = vector.broadcast %parallel_loop3A_969 : f32 to vector<16xf32>
      %parallel_loop3A_971 = arith.addf %parallel_loop3A_968, %parallel_loop3A_970 : vector<16xf32>
      %parallel_loop3A_972 = arith.mulf %parallel_loop3A_971, %parallel_loop3A_945 : vector<16xf32>
      %parallel_loop3A_973 = arith.constant 0.999991476 : f32
      %parallel_loop3A_974 = vector.broadcast %parallel_loop3A_973 : f32 to vector<16xf32>
      %parallel_loop3A_975 = arith.addf %parallel_loop3A_972, %parallel_loop3A_974 : vector<16xf32>
      %parallel_loop3A_976 = arith.mulf %parallel_loop3A_975, %parallel_loop3A_945 : vector<16xf32>
      %parallel_loop3A_977 = arith.constant 9.08378652E-8 : f32
      %parallel_loop3A_978 = vector.broadcast %parallel_loop3A_977 : f32 to vector<16xf32>
      %parallel_loop3A_979 = arith.addf %parallel_loop3A_976, %parallel_loop3A_978 : vector<16xf32>
      %parallel_loop3A_980 = arith.constant 0.000000e+00 : f32
      %parallel_loop3A_981 = vector.broadcast %parallel_loop3A_980 : f32 to vector<16xf32>
      %parallel_loop3A_982 = arith.maximumf %parallel_loop3A_940, %parallel_loop3A_981 : vector<16xf32>
      %parallel_loop3A_983 = arith.addf %parallel_loop3A_982, %parallel_loop3A_979 : vector<16xf32>
      %parallel_loop3A_984 = arith.mulf %parallel_loop3A_924, %parallel_loop3A_983 : vector<16xf32>
      %parallel_loop3A_985 = arith.addf %parallel_loop3A_932, %parallel_loop3A_984 : vector<16xf32>
      %parallel_loop3A_986 = arith.maximumf %parallel_loop3A_910, %parallel_loop3A_985 : vector<16xf32>
      %parallel_loop3A_987 = arith.constant 1 : i32
      %parallel_loop3A_988 = arith.constant 10 : i32
      %parallel_loop3A_989 = arith.index_cast %parallel_loop3A_987 : i32 to index
      %parallel_loop3A_990 = arith.index_cast %parallel_loop3A_988 : i32 to index
      %parallel_loop3A_991 = arith.index_cast %parallel_loop3A_227 : i32 to index
      %parallel_loop3A_992 = tpu.vector_load %arg7[%parallel_loop3A_989, %parallel_loop3A_990, %parallel_loop3A_991] {strides = array<i32>} : memref<2x16x1024xf32, #tpu.memory_space<vmem>>, vector<1x1x16xf32>,
      %parallel_loop3A_993 = vector.shape_cast %parallel_loop3A_992 : vector<1x1x16xf32> to vector<16xf32>
      %parallel_loop3A_994 = arith.constant 1 : i32
      %parallel_loop3A_995 = arith.constant 10 : i32
      %parallel_loop3A_996 = arith.index_cast %parallel_loop3A_994 : i32 to index
      %parallel_loop3A_997 = arith.index_cast %parallel_loop3A_995 : i32 to index
      %parallel_loop3A_998 = arith.index_cast %parallel_loop3A_227 : i32 to index
      %parallel_loop3A_999 = tpu.vector_load %arg8[%parallel_loop3A_996, %parallel_loop3A_997, %parallel_loop3A_998] {strides = array<i32>} : memref<2x16x1024xf32, #tpu.memory_space<vmem>>, vector<1x1x16xf32>,
      %parallel_loop3A_1000 = vector.shape_cast %parallel_loop3A_999 : vector<1x1x16xf32> to vector<16xf32>
      %parallel_loop3A_1001 = arith.constant 0 : i32
      %parallel_loop3A_1002 = arith.constant 10 : i32
      %parallel_loop3A_1003 = arith.index_cast %parallel_loop3A_1001 : i32 to index
      %parallel_loop3A_1004 = arith.index_cast %parallel_loop3A_1002 : i32 to index
      %parallel_loop3A_1005 = arith.constant 0 : index
      %parallel_loop3A_1006 = tpu.vector_load %arg10[%parallel_loop3A_1003, %parallel_loop3A_1004, %parallel_loop3A_1005] {strides = array<i32>} : memref<2x16x16xf32, #tpu.memory_space<vmem>>, vector<1x1x16xf32>,
      %parallel_loop3A_1007 = vector.shape_cast %parallel_loop3A_1006 : vector<1x1x16xf32> to vector<16xf32>
      %parallel_loop3A_1008 = arith.mulf %parallel_loop3A_993, %parallel_loop3A_1007 : vector<16xf32>
      %parallel_loop3A_1009 = arith.constant 1 : i32
      %parallel_loop3A_1010 = arith.constant 10 : i32
      %parallel_loop3A_1011 = arith.index_cast %parallel_loop3A_1009 : i32 to index
      %parallel_loop3A_1012 = arith.index_cast %parallel_loop3A_1010 : i32 to index
      %parallel_loop3A_1013 = arith.constant 0 : index
      %parallel_loop3A_1014 = tpu.vector_load %arg10[%parallel_loop3A_1011, %parallel_loop3A_1012, %parallel_loop3A_1013] {strides = array<i32>} : memref<2x16x16xf32, #tpu.memory_space<vmem>>, vector<1x1x16xf32>,
      %parallel_loop3A_1015 = vector.shape_cast %parallel_loop3A_1014 : vector<1x1x16xf32> to vector<16xf32>
      %parallel_loop3A_1016 = arith.mulf %parallel_loop3A_993, %parallel_loop3A_1015 : vector<16xf32>
      %parallel_loop3A_1017 = math.absf %parallel_loop3A_1016 : vector<16xf32>
      %parallel_loop3A_1018 = arith.constant 0.000000e+00 : f32
      %parallel_loop3A_1019 = vector.broadcast %parallel_loop3A_1018 : f32 to vector<16xf32>
      %parallel_loop3A_1020 = arith.subf %parallel_loop3A_1019, %parallel_loop3A_1017 : vector<16xf32>
      %parallel_loop3A_1021 = math.exp %parallel_loop3A_1020 : vector<16xf32>
      %parallel_loop3A_1022 = arith.constant -0.00607487746 : f32
      %parallel_loop3A_1023 = vector.broadcast %parallel_loop3A_1022 : f32 to vector<16xf32>
      %parallel_loop3A_1024 = arith.mulf %parallel_loop3A_1023, %parallel_loop3A_1021 : vector<16xf32>
      %parallel_loop3A_1025 = arith.constant 0.0344185941 : f32
      %parallel_loop3A_1026 = vector.broadcast %parallel_loop3A_1025 : f32 to vector<16xf32>
      %parallel_loop3A_1027 = arith.addf %parallel_loop3A_1024, %parallel_loop3A_1026 : vector<16xf32>
      %parallel_loop3A_1028 = arith.mulf %parallel_loop3A_1027, %parallel_loop3A_1021 : vector<16xf32>
      %parallel_loop3A_1029 = arith.constant -0.0923137664 : f32
      %parallel_loop3A_1030 = vector.broadcast %parallel_loop3A_1029 : f32 to vector<16xf32>
      %parallel_loop3A_1031 = arith.addf %parallel_loop3A_1028, %parallel_loop3A_1030 : vector<16xf32>
      %parallel_loop3A_1032 = arith.mulf %parallel_loop3A_1031, %parallel_loop3A_1021 : vector<16xf32>
      %parallel_loop3A_1033 = arith.constant 0.164783493 : f32
      %parallel_loop3A_1034 = vector.broadcast %parallel_loop3A_1033 : f32 to vector<16xf32>
      %parallel_loop3A_1035 = arith.addf %parallel_loop3A_1032, %parallel_loop3A_1034 : vector<16xf32>
      %parallel_loop3A_1036 = arith.mulf %parallel_loop3A_1035, %parallel_loop3A_1021 : vector<16xf32>
      %parallel_loop3A_1037 = arith.constant -0.239190713 : f32
      %parallel_loop3A_1038 = vector.broadcast %parallel_loop3A_1037 : f32 to vector<16xf32>
      %parallel_loop3A_1039 = arith.addf %parallel_loop3A_1036, %parallel_loop3A_1038 : vector<16xf32>
      %parallel_loop3A_1040 = arith.mulf %parallel_loop3A_1039, %parallel_loop3A_1021 : vector<16xf32>
      %parallel_loop3A_1041 = arith.constant 3.313340e-01 : f32
      %parallel_loop3A_1042 = vector.broadcast %parallel_loop3A_1041 : f32 to vector<16xf32>
      %parallel_loop3A_1043 = arith.addf %parallel_loop3A_1040, %parallel_loop3A_1042 : vector<16xf32>
      %parallel_loop3A_1044 = arith.mulf %parallel_loop3A_1043, %parallel_loop3A_1021 : vector<16xf32>
      %parallel_loop3A_1045 = arith.constant -0.499801159 : f32
      %parallel_loop3A_1046 = vector.broadcast %parallel_loop3A_1045 : f32 to vector<16xf32>
      %parallel_loop3A_1047 = arith.addf %parallel_loop3A_1044, %parallel_loop3A_1046 : vector<16xf32>
      %parallel_loop3A_1048 = arith.mulf %parallel_loop3A_1047, %parallel_loop3A_1021 : vector<16xf32>
      %parallel_loop3A_1049 = arith.constant 0.999991476 : f32
      %parallel_loop3A_1050 = vector.broadcast %parallel_loop3A_1049 : f32 to vector<16xf32>
      %parallel_loop3A_1051 = arith.addf %parallel_loop3A_1048, %parallel_loop3A_1050 : vector<16xf32>
      %parallel_loop3A_1052 = arith.mulf %parallel_loop3A_1051, %parallel_loop3A_1021 : vector<16xf32>
      %parallel_loop3A_1053 = arith.constant 9.08378652E-8 : f32
      %parallel_loop3A_1054 = vector.broadcast %parallel_loop3A_1053 : f32 to vector<16xf32>
      %parallel_loop3A_1055 = arith.addf %parallel_loop3A_1052, %parallel_loop3A_1054 : vector<16xf32>
      %parallel_loop3A_1056 = arith.constant 0.000000e+00 : f32
      %parallel_loop3A_1057 = vector.broadcast %parallel_loop3A_1056 : f32 to vector<16xf32>
      %parallel_loop3A_1058 = arith.maximumf %parallel_loop3A_1016, %parallel_loop3A_1057 : vector<16xf32>
      %parallel_loop3A_1059 = arith.addf %parallel_loop3A_1058, %parallel_loop3A_1055 : vector<16xf32>
      %parallel_loop3A_1060 = arith.mulf %parallel_loop3A_1000, %parallel_loop3A_1059 : vector<16xf32>
      %parallel_loop3A_1061 = arith.addf %parallel_loop3A_1008, %parallel_loop3A_1060 : vector<16xf32>
      %parallel_loop3A_1062 = arith.maximumf %parallel_loop3A_986, %parallel_loop3A_1061 : vector<16xf32>
      %parallel_loop3A_1063 = arith.constant 1 : i32
      %parallel_loop3A_1064 = arith.constant 11 : i32
      %parallel_loop3A_1065 = arith.index_cast %parallel_loop3A_1063 : i32 to index
      %parallel_loop3A_1066 = arith.index_cast %parallel_loop3A_1064 : i32 to index
      %parallel_loop3A_1067 = arith.index_cast %parallel_loop3A_227 : i32 to index
      %parallel_loop3A_1068 = tpu.vector_load %arg7[%parallel_loop3A_1065, %parallel_loop3A_1066, %parallel_loop3A_1067] {strides = array<i32>} : memref<2x16x1024xf32, #tpu.memory_space<vmem>>, vector<1x1x16xf32>,
      %parallel_loop3A_1069 = vector.shape_cast %parallel_loop3A_1068 : vector<1x1x16xf32> to vector<16xf32>
      %parallel_loop3A_1070 = arith.constant 1 : i32
      %parallel_loop3A_1071 = arith.constant 11 : i32
      %parallel_loop3A_1072 = arith.index_cast %parallel_loop3A_1070 : i32 to index
      %parallel_loop3A_1073 = arith.index_cast %parallel_loop3A_1071 : i32 to index
      %parallel_loop3A_1074 = arith.index_cast %parallel_loop3A_227 : i32 to index
      %parallel_loop3A_1075 = tpu.vector_load %arg8[%parallel_loop3A_1072, %parallel_loop3A_1073, %parallel_loop3A_1074] {strides = array<i32>} : memref<2x16x1024xf32, #tpu.memory_space<vmem>>, vector<1x1x16xf32>,
      %parallel_loop3A_1076 = vector.shape_cast %parallel_loop3A_1075 : vector<1x1x16xf32> to vector<16xf32>
      %parallel_loop3A_1077 = arith.constant 0 : i32
      %parallel_loop3A_1078 = arith.constant 11 : i32
      %parallel_loop3A_1079 = arith.index_cast %parallel_loop3A_1077 : i32 to index
      %parallel_loop3A_1080 = arith.index_cast %parallel_loop3A_1078 : i32 to index
      %parallel_loop3A_1081 = arith.constant 0 : index
      %parallel_loop3A_1082 = tpu.vector_load %arg10[%parallel_loop3A_1079, %parallel_loop3A_1080, %parallel_loop3A_1081] {strides = array<i32>} : memref<2x16x16xf32, #tpu.memory_space<vmem>>, vector<1x1x16xf32>,
      %parallel_loop3A_1083 = vector.shape_cast %parallel_loop3A_1082 : vector<1x1x16xf32> to vector<16xf32>
      %parallel_loop3A_1084 = arith.mulf %parallel_loop3A_1069, %parallel_loop3A_1083 : vector<16xf32>
      %parallel_loop3A_1085 = arith.constant 1 : i32
      %parallel_loop3A_1086 = arith.constant 11 : i32
      %parallel_loop3A_1087 = arith.index_cast %parallel_loop3A_1085 : i32 to index
      %parallel_loop3A_1088 = arith.index_cast %parallel_loop3A_1086 : i32 to index
      %parallel_loop3A_1089 = arith.constant 0 : index
      %parallel_loop3A_1090 = tpu.vector_load %arg10[%parallel_loop3A_1087, %parallel_loop3A_1088, %parallel_loop3A_1089] {strides = array<i32>} : memref<2x16x16xf32, #tpu.memory_space<vmem>>, vector<1x1x16xf32>,
      %parallel_loop3A_1091 = vector.shape_cast %parallel_loop3A_1090 : vector<1x1x16xf32> to vector<16xf32>
      %parallel_loop3A_1092 = arith.mulf %parallel_loop3A_1069, %parallel_loop3A_1091 : vector<16xf32>
      %parallel_loop3A_1093 = math.absf %parallel_loop3A_1092 : vector<16xf32>
      %parallel_loop3A_1094 = arith.constant 0.000000e+00 : f32
      %parallel_loop3A_1095 = vector.broadcast %parallel_loop3A_1094 : f32 to vector<16xf32>
      %parallel_loop3A_1096 = arith.subf %parallel_loop3A_1095, %parallel_loop3A_1093 : vector<16xf32>
      %parallel_loop3A_1097 = math.exp %parallel_loop3A_1096 : vector<16xf32>
      %parallel_loop3A_1098 = arith.constant -0.00607487746 : f32
      %parallel_loop3A_1099 = vector.broadcast %parallel_loop3A_1098 : f32 to vector<16xf32>
      %parallel_loop3A_1100 = arith.mulf %parallel_loop3A_1099, %parallel_loop3A_1097 : vector<16xf32>
      %parallel_loop3A_1101 = arith.constant 0.0344185941 : f32
      %parallel_loop3A_1102 = vector.broadcast %parallel_loop3A_1101 : f32 to vector<16xf32>
      %parallel_loop3A_1103 = arith.addf %parallel_loop3A_1100, %parallel_loop3A_1102 : vector<16xf32>
      %parallel_loop3A_1104 = arith.mulf %parallel_loop3A_1103, %parallel_loop3A_1097 : vector<16xf32>
      %parallel_loop3A_1105 = arith.constant -0.0923137664 : f32
      %parallel_loop3A_1106 = vector.broadcast %parallel_loop3A_1105 : f32 to vector<16xf32>
      %parallel_loop3A_1107 = arith.addf %parallel_loop3A_1104, %parallel_loop3A_1106 : vector<16xf32>
      %parallel_loop3A_1108 = arith.mulf %parallel_loop3A_1107, %parallel_loop3A_1097 : vector<16xf32>
      %parallel_loop3A_1109 = arith.constant 0.164783493 : f32
      %parallel_loop3A_1110 = vector.broadcast %parallel_loop3A_1109 : f32 to vector<16xf32>
      %parallel_loop3A_1111 = arith.addf %parallel_loop3A_1108, %parallel_loop3A_1110 : vector<16xf32>
      %parallel_loop3A_1112 = arith.mulf %parallel_loop3A_1111, %parallel_loop3A_1097 : vector<16xf32>
      %parallel_loop3A_1113 = arith.constant -0.239190713 : f32
      %parallel_loop3A_1114 = vector.broadcast %parallel_loop3A_1113 : f32 to vector<16xf32>
      %parallel_loop3A_1115 = arith.addf %parallel_loop3A_1112, %parallel_loop3A_1114 : vector<16xf32>
      %parallel_loop3A_1116 = arith.mulf %parallel_loop3A_1115, %parallel_loop3A_1097 : vector<16xf32>
      %parallel_loop3A_1117 = arith.constant 3.313340e-01 : f32
      %parallel_loop3A_1118 = vector.broadcast %parallel_loop3A_1117 : f32 to vector<16xf32>
      %parallel_loop3A_1119 = arith.addf %parallel_loop3A_1116, %parallel_loop3A_1118 : vector<16xf32>
      %parallel_loop3A_1120 = arith.mulf %parallel_loop3A_1119, %parallel_loop3A_1097 : vector<16xf32>
      %parallel_loop3A_1121 = arith.constant -0.499801159 : f32
      %parallel_loop3A_1122 = vector.broadcast %parallel_loop3A_1121 : f32 to vector<16xf32>
      %parallel_loop3A_1123 = arith.addf %parallel_loop3A_1120, %parallel_loop3A_1122 : vector<16xf32>
      %parallel_loop3A_1124 = arith.mulf %parallel_loop3A_1123, %parallel_loop3A_1097 : vector<16xf32>
      %parallel_loop3A_1125 = arith.constant 0.999991476 : f32
      %parallel_loop3A_1126 = vector.broadcast %parallel_loop3A_1125 : f32 to vector<16xf32>
      %parallel_loop3A_1127 = arith.addf %parallel_loop3A_1124, %parallel_loop3A_1126 : vector<16xf32>
      %parallel_loop3A_1128 = arith.mulf %parallel_loop3A_1127, %parallel_loop3A_1097 : vector<16xf32>
      %parallel_loop3A_1129 = arith.constant 9.08378652E-8 : f32
      %parallel_loop3A_1130 = vector.broadcast %parallel_loop3A_1129 : f32 to vector<16xf32>
      %parallel_loop3A_1131 = arith.addf %parallel_loop3A_1128, %parallel_loop3A_1130 : vector<16xf32>
      %parallel_loop3A_1132 = arith.constant 0.000000e+00 : f32
      %parallel_loop3A_1133 = vector.broadcast %parallel_loop3A_1132 : f32 to vector<16xf32>
      %parallel_loop3A_1134 = arith.maximumf %parallel_loop3A_1092, %parallel_loop3A_1133 : vector<16xf32>
      %parallel_loop3A_1135 = arith.addf %parallel_loop3A_1134, %parallel_loop3A_1131 : vector<16xf32>
      %parallel_loop3A_1136 = arith.mulf %parallel_loop3A_1076, %parallel_loop3A_1135 : vector<16xf32>
      %parallel_loop3A_1137 = arith.addf %parallel_loop3A_1084, %parallel_loop3A_1136 : vector<16xf32>
      %parallel_loop3A_1138 = arith.maximumf %parallel_loop3A_1062, %parallel_loop3A_1137 : vector<16xf32>
      %parallel_loop3A_1139 = arith.constant 1 : i32
      %parallel_loop3A_1140 = arith.constant 12 : i32
      %parallel_loop3A_1141 = arith.index_cast %parallel_loop3A_1139 : i32 to index
      %parallel_loop3A_1142 = arith.index_cast %parallel_loop3A_1140 : i32 to index
      %parallel_loop3A_1143 = arith.index_cast %parallel_loop3A_227 : i32 to index
      %parallel_loop3A_1144 = tpu.vector_load %arg7[%parallel_loop3A_1141, %parallel_loop3A_1142, %parallel_loop3A_1143] {strides = array<i32>} : memref<2x16x1024xf32, #tpu.memory_space<vmem>>, vector<1x1x16xf32>,
      %parallel_loop3A_1145 = vector.shape_cast %parallel_loop3A_1144 : vector<1x1x16xf32> to vector<16xf32>
      %parallel_loop3A_1146 = arith.constant 1 : i32
      %parallel_loop3A_1147 = arith.constant 12 : i32
      %parallel_loop3A_1148 = arith.index_cast %parallel_loop3A_1146 : i32 to index
      %parallel_loop3A_1149 = arith.index_cast %parallel_loop3A_1147 : i32 to index
      %parallel_loop3A_1150 = arith.index_cast %parallel_loop3A_227 : i32 to index
      %parallel_loop3A_1151 = tpu.vector_load %arg8[%parallel_loop3A_1148, %parallel_loop3A_1149, %parallel_loop3A_1150] {strides = array<i32>} : memref<2x16x1024xf32, #tpu.memory_space<vmem>>, vector<1x1x16xf32>,
      %parallel_loop3A_1152 = vector.shape_cast %parallel_loop3A_1151 : vector<1x1x16xf32> to vector<16xf32>
      %parallel_loop3A_1153 = arith.constant 0 : i32
      %parallel_loop3A_1154 = arith.constant 12 : i32
      %parallel_loop3A_1155 = arith.index_cast %parallel_loop3A_1153 : i32 to index
      %parallel_loop3A_1156 = arith.index_cast %parallel_loop3A_1154 : i32 to index
      %parallel_loop3A_1157 = arith.constant 0 : index
      %parallel_loop3A_1158 = tpu.vector_load %arg10[%parallel_loop3A_1155, %parallel_loop3A_1156, %parallel_loop3A_1157] {strides = array<i32>} : memref<2x16x16xf32, #tpu.memory_space<vmem>>, vector<1x1x16xf32>,
      %parallel_loop3A_1159 = vector.shape_cast %parallel_loop3A_1158 : vector<1x1x16xf32> to vector<16xf32>
      %parallel_loop3A_1160 = arith.mulf %parallel_loop3A_1145, %parallel_loop3A_1159 : vector<16xf32>
      %parallel_loop3A_1161 = arith.constant 1 : i32
      %parallel_loop3A_1162 = arith.constant 12 : i32
      %parallel_loop3A_1163 = arith.index_cast %parallel_loop3A_1161 : i32 to index
      %parallel_loop3A_1164 = arith.index_cast %parallel_loop3A_1162 : i32 to index
      %parallel_loop3A_1165 = arith.constant 0 : index
      %parallel_loop3A_1166 = tpu.vector_load %arg10[%parallel_loop3A_1163, %parallel_loop3A_1164, %parallel_loop3A_1165] {strides = array<i32>} : memref<2x16x16xf32, #tpu.memory_space<vmem>>, vector<1x1x16xf32>,
      %parallel_loop3A_1167 = vector.shape_cast %parallel_loop3A_1166 : vector<1x1x16xf32> to vector<16xf32>
      %parallel_loop3A_1168 = arith.mulf %parallel_loop3A_1145, %parallel_loop3A_1167 : vector<16xf32>
      %parallel_loop3A_1169 = math.absf %parallel_loop3A_1168 : vector<16xf32>
      %parallel_loop3A_1170 = arith.constant 0.000000e+00 : f32
      %parallel_loop3A_1171 = vector.broadcast %parallel_loop3A_1170 : f32 to vector<16xf32>
      %parallel_loop3A_1172 = arith.subf %parallel_loop3A_1171, %parallel_loop3A_1169 : vector<16xf32>
      %parallel_loop3A_1173 = math.exp %parallel_loop3A_1172 : vector<16xf32>
      %parallel_loop3A_1174 = arith.constant -0.00607487746 : f32
      %parallel_loop3A_1175 = vector.broadcast %parallel_loop3A_1174 : f32 to vector<16xf32>
      %parallel_loop3A_1176 = arith.mulf %parallel_loop3A_1175, %parallel_loop3A_1173 : vector<16xf32>
      %parallel_loop3A_1177 = arith.constant 0.0344185941 : f32
      %parallel_loop3A_1178 = vector.broadcast %parallel_loop3A_1177 : f32 to vector<16xf32>
      %parallel_loop3A_1179 = arith.addf %parallel_loop3A_1176, %parallel_loop3A_1178 : vector<16xf32>
      %parallel_loop3A_1180 = arith.mulf %parallel_loop3A_1179, %parallel_loop3A_1173 : vector<16xf32>
      %parallel_loop3A_1181 = arith.constant -0.0923137664 : f32
      %parallel_loop3A_1182 = vector.broadcast %parallel_loop3A_1181 : f32 to vector<16xf32>
      %parallel_loop3A_1183 = arith.addf %parallel_loop3A_1180, %parallel_loop3A_1182 : vector<16xf32>
      %parallel_loop3A_1184 = arith.mulf %parallel_loop3A_1183, %parallel_loop3A_1173 : vector<16xf32>
      %parallel_loop3A_1185 = arith.constant 0.164783493 : f32
      %parallel_loop3A_1186 = vector.broadcast %parallel_loop3A_1185 : f32 to vector<16xf32>
      %parallel_loop3A_1187 = arith.addf %parallel_loop3A_1184, %parallel_loop3A_1186 : vector<16xf32>
      %parallel_loop3A_1188 = arith.mulf %parallel_loop3A_1187, %parallel_loop3A_1173 : vector<16xf32>
      %parallel_loop3A_1189 = arith.constant -0.239190713 : f32
      %parallel_loop3A_1190 = vector.broadcast %parallel_loop3A_1189 : f32 to vector<16xf32>
      %parallel_loop3A_1191 = arith.addf %parallel_loop3A_1188, %parallel_loop3A_1190 : vector<16xf32>
      %parallel_loop3A_1192 = arith.mulf %parallel_loop3A_1191, %parallel_loop3A_1173 : vector<16xf32>
      %parallel_loop3A_1193 = arith.constant 3.313340e-01 : f32
      %parallel_loop3A_1194 = vector.broadcast %parallel_loop3A_1193 : f32 to vector<16xf32>
      %parallel_loop3A_1195 = arith.addf %parallel_loop3A_1192, %parallel_loop3A_1194 : vector<16xf32>
      %parallel_loop3A_1196 = arith.mulf %parallel_loop3A_1195, %parallel_loop3A_1173 : vector<16xf32>
      %parallel_loop3A_1197 = arith.constant -0.499801159 : f32
      %parallel_loop3A_1198 = vector.broadcast %parallel_loop3A_1197 : f32 to vector<16xf32>
      %parallel_loop3A_1199 = arith.addf %parallel_loop3A_1196, %parallel_loop3A_1198 : vector<16xf32>
      %parallel_loop3A_1200 = arith.mulf %parallel_loop3A_1199, %parallel_loop3A_1173 : vector<16xf32>
      %parallel_loop3A_1201 = arith.constant 0.999991476 : f32
      %parallel_loop3A_1202 = vector.broadcast %parallel_loop3A_1201 : f32 to vector<16xf32>
      %parallel_loop3A_1203 = arith.addf %parallel_loop3A_1200, %parallel_loop3A_1202 : vector<16xf32>
      %parallel_loop3A_1204 = arith.mulf %parallel_loop3A_1203, %parallel_loop3A_1173 : vector<16xf32>
      %parallel_loop3A_1205 = arith.constant 9.08378652E-8 : f32
      %parallel_loop3A_1206 = vector.broadcast %parallel_loop3A_1205 : f32 to vector<16xf32>
      %parallel_loop3A_1207 = arith.addf %parallel_loop3A_1204, %parallel_loop3A_1206 : vector<16xf32>
      %parallel_loop3A_1208 = arith.constant 0.000000e+00 : f32
      %parallel_loop3A_1209 = vector.broadcast %parallel_loop3A_1208 : f32 to vector<16xf32>
      %parallel_loop3A_1210 = arith.maximumf %parallel_loop3A_1168, %parallel_loop3A_1209 : vector<16xf32>
      %parallel_loop3A_1211 = arith.addf %parallel_loop3A_1210, %parallel_loop3A_1207 : vector<16xf32>
      %parallel_loop3A_1212 = arith.mulf %parallel_loop3A_1152, %parallel_loop3A_1211 : vector<16xf32>
      %parallel_loop3A_1213 = arith.addf %parallel_loop3A_1160, %parallel_loop3A_1212 : vector<16xf32>
      %parallel_loop3A_1214 = arith.maximumf %parallel_loop3A_1138, %parallel_loop3A_1213 : vector<16xf32>
      %parallel_loop3A_1215 = arith.constant 1 : i32
      %parallel_loop3A_1216 = arith.constant 13 : i32
      %parallel_loop3A_1217 = arith.index_cast %parallel_loop3A_1215 : i32 to index
      %parallel_loop3A_1218 = arith.index_cast %parallel_loop3A_1216 : i32 to index
      %parallel_loop3A_1219 = arith.index_cast %parallel_loop3A_227 : i32 to index
      %parallel_loop3A_1220 = tpu.vector_load %arg7[%parallel_loop3A_1217, %parallel_loop3A_1218, %parallel_loop3A_1219] {strides = array<i32>} : memref<2x16x1024xf32, #tpu.memory_space<vmem>>, vector<1x1x16xf32>,
      %parallel_loop3A_1221 = vector.shape_cast %parallel_loop3A_1220 : vector<1x1x16xf32> to vector<16xf32>
      %parallel_loop3A_1222 = arith.constant 1 : i32
      %parallel_loop3A_1223 = arith.constant 13 : i32
      %parallel_loop3A_1224 = arith.index_cast %parallel_loop3A_1222 : i32 to index
      %parallel_loop3A_1225 = arith.index_cast %parallel_loop3A_1223 : i32 to index
      %parallel_loop3A_1226 = arith.index_cast %parallel_loop3A_227 : i32 to index
      %parallel_loop3A_1227 = tpu.vector_load %arg8[%parallel_loop3A_1224, %parallel_loop3A_1225, %parallel_loop3A_1226] {strides = array<i32>} : memref<2x16x1024xf32, #tpu.memory_space<vmem>>, vector<1x1x16xf32>,
      %parallel_loop3A_1228 = vector.shape_cast %parallel_loop3A_1227 : vector<1x1x16xf32> to vector<16xf32>
      %parallel_loop3A_1229 = arith.constant 0 : i32
      %parallel_loop3A_1230 = arith.constant 13 : i32
      %parallel_loop3A_1231 = arith.index_cast %parallel_loop3A_1229 : i32 to index
      %parallel_loop3A_1232 = arith.index_cast %parallel_loop3A_1230 : i32 to index
      %parallel_loop3A_1233 = arith.constant 0 : index
      %parallel_loop3A_1234 = tpu.vector_load %arg10[%parallel_loop3A_1231, %parallel_loop3A_1232, %parallel_loop3A_1233] {strides = array<i32>} : memref<2x16x16xf32, #tpu.memory_space<vmem>>, vector<1x1x16xf32>,
      %parallel_loop3A_1235 = vector.shape_cast %parallel_loop3A_1234 : vector<1x1x16xf32> to vector<16xf32>
      %parallel_loop3A_1236 = arith.mulf %parallel_loop3A_1221, %parallel_loop3A_1235 : vector<16xf32>
      %parallel_loop3A_1237 = arith.constant 1 : i32
      %parallel_loop3A_1238 = arith.constant 13 : i32
      %parallel_loop3A_1239 = arith.index_cast %parallel_loop3A_1237 : i32 to index
      %parallel_loop3A_1240 = arith.index_cast %parallel_loop3A_1238 : i32 to index
      %parallel_loop3A_1241 = arith.constant 0 : index
      %parallel_loop3A_1242 = tpu.vector_load %arg10[%parallel_loop3A_1239, %parallel_loop3A_1240, %parallel_loop3A_1241] {strides = array<i32>} : memref<2x16x16xf32, #tpu.memory_space<vmem>>, vector<1x1x16xf32>,
      %parallel_loop3A_1243 = vector.shape_cast %parallel_loop3A_1242 : vector<1x1x16xf32> to vector<16xf32>
      %parallel_loop3A_1244 = arith.mulf %parallel_loop3A_1221, %parallel_loop3A_1243 : vector<16xf32>
      %parallel_loop3A_1245 = math.absf %parallel_loop3A_1244 : vector<16xf32>
      %parallel_loop3A_1246 = arith.constant 0.000000e+00 : f32
      %parallel_loop3A_1247 = vector.broadcast %parallel_loop3A_1246 : f32 to vector<16xf32>
      %parallel_loop3A_1248 = arith.subf %parallel_loop3A_1247, %parallel_loop3A_1245 : vector<16xf32>
      %parallel_loop3A_1249 = math.exp %parallel_loop3A_1248 : vector<16xf32>
      %parallel_loop3A_1250 = arith.constant -0.00607487746 : f32
      %parallel_loop3A_1251 = vector.broadcast %parallel_loop3A_1250 : f32 to vector<16xf32>
      %parallel_loop3A_1252 = arith.mulf %parallel_loop3A_1251, %parallel_loop3A_1249 : vector<16xf32>
      %parallel_loop3A_1253 = arith.constant 0.0344185941 : f32
      %parallel_loop3A_1254 = vector.broadcast %parallel_loop3A_1253 : f32 to vector<16xf32>
      %parallel_loop3A_1255 = arith.addf %parallel_loop3A_1252, %parallel_loop3A_1254 : vector<16xf32>
      %parallel_loop3A_1256 = arith.mulf %parallel_loop3A_1255, %parallel_loop3A_1249 : vector<16xf32>
      %parallel_loop3A_1257 = arith.constant -0.0923137664 : f32
      %parallel_loop3A_1258 = vector.broadcast %parallel_loop3A_1257 : f32 to vector<16xf32>
      %parallel_loop3A_1259 = arith.addf %parallel_loop3A_1256, %parallel_loop3A_1258 : vector<16xf32>
      %parallel_loop3A_1260 = arith.mulf %parallel_loop3A_1259, %parallel_loop3A_1249 : vector<16xf32>
      %parallel_loop3A_1261 = arith.constant 0.164783493 : f32
      %parallel_loop3A_1262 = vector.broadcast %parallel_loop3A_1261 : f32 to vector<16xf32>
      %parallel_loop3A_1263 = arith.addf %parallel_loop3A_1260, %parallel_loop3A_1262 : vector<16xf32>
      %parallel_loop3A_1264 = arith.mulf %parallel_loop3A_1263, %parallel_loop3A_1249 : vector<16xf32>
      %parallel_loop3A_1265 = arith.constant -0.239190713 : f32
      %parallel_loop3A_1266 = vector.broadcast %parallel_loop3A_1265 : f32 to vector<16xf32>
      %parallel_loop3A_1267 = arith.addf %parallel_loop3A_1264, %parallel_loop3A_1266 : vector<16xf32>
      %parallel_loop3A_1268 = arith.mulf %parallel_loop3A_1267, %parallel_loop3A_1249 : vector<16xf32>
      %parallel_loop3A_1269 = arith.constant 3.313340e-01 : f32
      %parallel_loop3A_1270 = vector.broadcast %parallel_loop3A_1269 : f32 to vector<16xf32>
      %parallel_loop3A_1271 = arith.addf %parallel_loop3A_1268, %parallel_loop3A_1270 : vector<16xf32>
      %parallel_loop3A_1272 = arith.mulf %parallel_loop3A_1271, %parallel_loop3A_1249 : vector<16xf32>
      %parallel_loop3A_1273 = arith.constant -0.499801159 : f32
      %parallel_loop3A_1274 = vector.broadcast %parallel_loop3A_1273 : f32 to vector<16xf32>
      %parallel_loop3A_1275 = arith.addf %parallel_loop3A_1272, %parallel_loop3A_1274 : vector<16xf32>
      %parallel_loop3A_1276 = arith.mulf %parallel_loop3A_1275, %parallel_loop3A_1249 : vector<16xf32>
      %parallel_loop3A_1277 = arith.constant 0.999991476 : f32
      %parallel_loop3A_1278 = vector.broadcast %parallel_loop3A_1277 : f32 to vector<16xf32>
      %parallel_loop3A_1279 = arith.addf %parallel_loop3A_1276, %parallel_loop3A_1278 : vector<16xf32>
      %parallel_loop3A_1280 = arith.mulf %parallel_loop3A_1279, %parallel_loop3A_1249 : vector<16xf32>
      %parallel_loop3A_1281 = arith.constant 9.08378652E-8 : f32
      %parallel_loop3A_1282 = vector.broadcast %parallel_loop3A_1281 : f32 to vector<16xf32>
      %parallel_loop3A_1283 = arith.addf %parallel_loop3A_1280, %parallel_loop3A_1282 : vector<16xf32>
      %parallel_loop3A_1284 = arith.constant 0.000000e+00 : f32
      %parallel_loop3A_1285 = vector.broadcast %parallel_loop3A_1284 : f32 to vector<16xf32>
      %parallel_loop3A_1286 = arith.maximumf %parallel_loop3A_1244, %parallel_loop3A_1285 : vector<16xf32>
      %parallel_loop3A_1287 = arith.addf %parallel_loop3A_1286, %parallel_loop3A_1283 : vector<16xf32>
      %parallel_loop3A_1288 = arith.mulf %parallel_loop3A_1228, %parallel_loop3A_1287 : vector<16xf32>
      %parallel_loop3A_1289 = arith.addf %parallel_loop3A_1236, %parallel_loop3A_1288 : vector<16xf32>
      %parallel_loop3A_1290 = arith.maximumf %parallel_loop3A_1214, %parallel_loop3A_1289 : vector<16xf32>
      %parallel_loop3A_1291 = arith.constant 1 : i32
      %parallel_loop3A_1292 = arith.constant 14 : i32
      %parallel_loop3A_1293 = arith.index_cast %parallel_loop3A_1291 : i32 to index
      %parallel_loop3A_1294 = arith.index_cast %parallel_loop3A_1292 : i32 to index
      %parallel_loop3A_1295 = arith.index_cast %parallel_loop3A_227 : i32 to index
      %parallel_loop3A_1296 = tpu.vector_load %arg7[%parallel_loop3A_1293, %parallel_loop3A_1294, %parallel_loop3A_1295] {strides = array<i32>} : memref<2x16x1024xf32, #tpu.memory_space<vmem>>, vector<1x1x16xf32>,
      %parallel_loop3A_1297 = vector.shape_cast %parallel_loop3A_1296 : vector<1x1x16xf32> to vector<16xf32>
      %parallel_loop3A_1298 = arith.constant 1 : i32
      %parallel_loop3A_1299 = arith.constant 14 : i32
      %parallel_loop3A_1300 = arith.index_cast %parallel_loop3A_1298 : i32 to index
      %parallel_loop3A_1301 = arith.index_cast %parallel_loop3A_1299 : i32 to index
      %parallel_loop3A_1302 = arith.index_cast %parallel_loop3A_227 : i32 to index
      %parallel_loop3A_1303 = tpu.vector_load %arg8[%parallel_loop3A_1300, %parallel_loop3A_1301, %parallel_loop3A_1302] {strides = array<i32>} : memref<2x16x1024xf32, #tpu.memory_space<vmem>>, vector<1x1x16xf32>,
      %parallel_loop3A_1304 = vector.shape_cast %parallel_loop3A_1303 : vector<1x1x16xf32> to vector<16xf32>
      %parallel_loop3A_1305 = arith.constant 0 : i32
      %parallel_loop3A_1306 = arith.constant 14 : i32
      %parallel_loop3A_1307 = arith.index_cast %parallel_loop3A_1305 : i32 to index
      %parallel_loop3A_1308 = arith.index_cast %parallel_loop3A_1306 : i32 to index
      %parallel_loop3A_1309 = arith.constant 0 : index
      %parallel_loop3A_1310 = tpu.vector_load %arg10[%parallel_loop3A_1307, %parallel_loop3A_1308, %parallel_loop3A_1309] {strides = array<i32>} : memref<2x16x16xf32, #tpu.memory_space<vmem>>, vector<1x1x16xf32>,
      %parallel_loop3A_1311 = vector.shape_cast %parallel_loop3A_1310 : vector<1x1x16xf32> to vector<16xf32>
      %parallel_loop3A_1312 = arith.mulf %parallel_loop3A_1297, %parallel_loop3A_1311 : vector<16xf32>
      %parallel_loop3A_1313 = arith.constant 1 : i32
      %parallel_loop3A_1314 = arith.constant 14 : i32
      %parallel_loop3A_1315 = arith.index_cast %parallel_loop3A_1313 : i32 to index
      %parallel_loop3A_1316 = arith.index_cast %parallel_loop3A_1314 : i32 to index
      %parallel_loop3A_1317 = arith.constant 0 : index
      %parallel_loop3A_1318 = tpu.vector_load %arg10[%parallel_loop3A_1315, %parallel_loop3A_1316, %parallel_loop3A_1317] {strides = array<i32>} : memref<2x16x16xf32, #tpu.memory_space<vmem>>, vector<1x1x16xf32>,
      %parallel_loop3A_1319 = vector.shape_cast %parallel_loop3A_1318 : vector<1x1x16xf32> to vector<16xf32>
      %parallel_loop3A_1320 = arith.mulf %parallel_loop3A_1297, %parallel_loop3A_1319 : vector<16xf32>
      %parallel_loop3A_1321 = math.absf %parallel_loop3A_1320 : vector<16xf32>
      %parallel_loop3A_1322 = arith.constant 0.000000e+00 : f32
      %parallel_loop3A_1323 = vector.broadcast %parallel_loop3A_1322 : f32 to vector<16xf32>
      %parallel_loop3A_1324 = arith.subf %parallel_loop3A_1323, %parallel_loop3A_1321 : vector<16xf32>
      %parallel_loop3A_1325 = math.exp %parallel_loop3A_1324 : vector<16xf32>
      %parallel_loop3A_1326 = arith.constant -0.00607487746 : f32
      %parallel_loop3A_1327 = vector.broadcast %parallel_loop3A_1326 : f32 to vector<16xf32>
      %parallel_loop3A_1328 = arith.mulf %parallel_loop3A_1327, %parallel_loop3A_1325 : vector<16xf32>
      %parallel_loop3A_1329 = arith.constant 0.0344185941 : f32
      %parallel_loop3A_1330 = vector.broadcast %parallel_loop3A_1329 : f32 to vector<16xf32>
      %parallel_loop3A_1331 = arith.addf %parallel_loop3A_1328, %parallel_loop3A_1330 : vector<16xf32>
      %parallel_loop3A_1332 = arith.mulf %parallel_loop3A_1331, %parallel_loop3A_1325 : vector<16xf32>
      %parallel_loop3A_1333 = arith.constant -0.0923137664 : f32
      %parallel_loop3A_1334 = vector.broadcast %parallel_loop3A_1333 : f32 to vector<16xf32>
      %parallel_loop3A_1335 = arith.addf %parallel_loop3A_1332, %parallel_loop3A_1334 : vector<16xf32>
      %parallel_loop3A_1336 = arith.mulf %parallel_loop3A_1335, %parallel_loop3A_1325 : vector<16xf32>
      %parallel_loop3A_1337 = arith.constant 0.164783493 : f32
      %parallel_loop3A_1338 = vector.broadcast %parallel_loop3A_1337 : f32 to vector<16xf32>
      %parallel_loop3A_1339 = arith.addf %parallel_loop3A_1336, %parallel_loop3A_1338 : vector<16xf32>
      %parallel_loop3A_1340 = arith.mulf %parallel_loop3A_1339, %parallel_loop3A_1325 : vector<16xf32>
      %parallel_loop3A_1341 = arith.constant -0.239190713 : f32
      %parallel_loop3A_1342 = vector.broadcast %parallel_loop3A_1341 : f32 to vector<16xf32>
      %parallel_loop3A_1343 = arith.addf %parallel_loop3A_1340, %parallel_loop3A_1342 : vector<16xf32>
      %parallel_loop3A_1344 = arith.mulf %parallel_loop3A_1343, %parallel_loop3A_1325 : vector<16xf32>
      %parallel_loop3A_1345 = arith.constant 3.313340e-01 : f32
      %parallel_loop3A_1346 = vector.broadcast %parallel_loop3A_1345 : f32 to vector<16xf32>
      %parallel_loop3A_1347 = arith.addf %parallel_loop3A_1344, %parallel_loop3A_1346 : vector<16xf32>
      %parallel_loop3A_1348 = arith.mulf %parallel_loop3A_1347, %parallel_loop3A_1325 : vector<16xf32>
      %parallel_loop3A_1349 = arith.constant -0.499801159 : f32
      %parallel_loop3A_1350 = vector.broadcast %parallel_loop3A_1349 : f32 to vector<16xf32>
      %parallel_loop3A_1351 = arith.addf %parallel_loop3A_1348, %parallel_loop3A_1350 : vector<16xf32>
      %parallel_loop3A_1352 = arith.mulf %parallel_loop3A_1351, %parallel_loop3A_1325 : vector<16xf32>
      %parallel_loop3A_1353 = arith.constant 0.999991476 : f32
      %parallel_loop3A_1354 = vector.broadcast %parallel_loop3A_1353 : f32 to vector<16xf32>
      %parallel_loop3A_1355 = arith.addf %parallel_loop3A_1352, %parallel_loop3A_1354 : vector<16xf32>
      %parallel_loop3A_1356 = arith.mulf %parallel_loop3A_1355, %parallel_loop3A_1325 : vector<16xf32>
      %parallel_loop3A_1357 = arith.constant 9.08378652E-8 : f32
      %parallel_loop3A_1358 = vector.broadcast %parallel_loop3A_1357 : f32 to vector<16xf32>
      %parallel_loop3A_1359 = arith.addf %parallel_loop3A_1356, %parallel_loop3A_1358 : vector<16xf32>
      %parallel_loop3A_1360 = arith.constant 0.000000e+00 : f32
      %parallel_loop3A_1361 = vector.broadcast %parallel_loop3A_1360 : f32 to vector<16xf32>
      %parallel_loop3A_1362 = arith.maximumf %parallel_loop3A_1320, %parallel_loop3A_1361 : vector<16xf32>
      %parallel_loop3A_1363 = arith.addf %parallel_loop3A_1362, %parallel_loop3A_1359 : vector<16xf32>
      %parallel_loop3A_1364 = arith.mulf %parallel_loop3A_1304, %parallel_loop3A_1363 : vector<16xf32>
      %parallel_loop3A_1365 = arith.addf %parallel_loop3A_1312, %parallel_loop3A_1364 : vector<16xf32>
      %parallel_loop3A_1366 = arith.maximumf %parallel_loop3A_1290, %parallel_loop3A_1365 : vector<16xf32>
      %parallel_loop3A_1367 = arith.constant 1 : i32
      %parallel_loop3A_1368 = arith.constant 15 : i32
      %parallel_loop3A_1369 = arith.index_cast %parallel_loop3A_1367 : i32 to index
      %parallel_loop3A_1370 = arith.index_cast %parallel_loop3A_1368 : i32 to index
      %parallel_loop3A_1371 = arith.index_cast %parallel_loop3A_227 : i32 to index
      %parallel_loop3A_1372 = tpu.vector_load %arg7[%parallel_loop3A_1369, %parallel_loop3A_1370, %parallel_loop3A_1371] {strides = array<i32>} : memref<2x16x1024xf32, #tpu.memory_space<vmem>>, vector<1x1x16xf32>,
      %parallel_loop3A_1373 = vector.shape_cast %parallel_loop3A_1372 : vector<1x1x16xf32> to vector<16xf32>
      %parallel_loop3A_1374 = arith.constant 1 : i32
      %parallel_loop3A_1375 = arith.constant 15 : i32
      %parallel_loop3A_1376 = arith.index_cast %parallel_loop3A_1374 : i32 to index
      %parallel_loop3A_1377 = arith.index_cast %parallel_loop3A_1375 : i32 to index
      %parallel_loop3A_1378 = arith.index_cast %parallel_loop3A_227 : i32 to index
      %parallel_loop3A_1379 = tpu.vector_load %arg8[%parallel_loop3A_1376, %parallel_loop3A_1377, %parallel_loop3A_1378] {strides = array<i32>} : memref<2x16x1024xf32, #tpu.memory_space<vmem>>, vector<1x1x16xf32>,
      %parallel_loop3A_1380 = vector.shape_cast %parallel_loop3A_1379 : vector<1x1x16xf32> to vector<16xf32>
      %parallel_loop3A_1381 = arith.constant 0 : i32
      %parallel_loop3A_1382 = arith.constant 15 : i32
      %parallel_loop3A_1383 = arith.index_cast %parallel_loop3A_1381 : i32 to index
      %parallel_loop3A_1384 = arith.index_cast %parallel_loop3A_1382 : i32 to index
      %parallel_loop3A_1385 = arith.constant 0 : index
      %parallel_loop3A_1386 = tpu.vector_load %arg10[%parallel_loop3A_1383, %parallel_loop3A_1384, %parallel_loop3A_1385] {strides = array<i32>} : memref<2x16x16xf32, #tpu.memory_space<vmem>>, vector<1x1x16xf32>,
      %parallel_loop3A_1387 = vector.shape_cast %parallel_loop3A_1386 : vector<1x1x16xf32> to vector<16xf32>
      %parallel_loop3A_1388 = arith.mulf %parallel_loop3A_1373, %parallel_loop3A_1387 : vector<16xf32>
      %parallel_loop3A_1389 = arith.constant 1 : i32
      %parallel_loop3A_1390 = arith.constant 15 : i32
      %parallel_loop3A_1391 = arith.index_cast %parallel_loop3A_1389 : i32 to index
      %parallel_loop3A_1392 = arith.index_cast %parallel_loop3A_1390 : i32 to index
      %parallel_loop3A_1393 = arith.constant 0 : index
      %parallel_loop3A_1394 = tpu.vector_load %arg10[%parallel_loop3A_1391, %parallel_loop3A_1392, %parallel_loop3A_1393] {strides = array<i32>} : memref<2x16x16xf32, #tpu.memory_space<vmem>>, vector<1x1x16xf32>,
      %parallel_loop3A_1395 = vector.shape_cast %parallel_loop3A_1394 : vector<1x1x16xf32> to vector<16xf32>
      %parallel_loop3A_1396 = arith.mulf %parallel_loop3A_1373, %parallel_loop3A_1395 : vector<16xf32>
      %parallel_loop3A_1397 = math.absf %parallel_loop3A_1396 : vector<16xf32>
      %parallel_loop3A_1398 = arith.constant 0.000000e+00 : f32
      %parallel_loop3A_1399 = vector.broadcast %parallel_loop3A_1398 : f32 to vector<16xf32>
      %parallel_loop3A_1400 = arith.subf %parallel_loop3A_1399, %parallel_loop3A_1397 : vector<16xf32>
      %parallel_loop3A_1401 = math.exp %parallel_loop3A_1400 : vector<16xf32>
      %parallel_loop3A_1402 = arith.constant -0.00607487746 : f32
      %parallel_loop3A_1403 = vector.broadcast %parallel_loop3A_1402 : f32 to vector<16xf32>
      %parallel_loop3A_1404 = arith.mulf %parallel_loop3A_1403, %parallel_loop3A_1401 : vector<16xf32>
      %parallel_loop3A_1405 = arith.constant 0.0344185941 : f32
      %parallel_loop3A_1406 = vector.broadcast %parallel_loop3A_1405 : f32 to vector<16xf32>
      %parallel_loop3A_1407 = arith.addf %parallel_loop3A_1404, %parallel_loop3A_1406 : vector<16xf32>
      %parallel_loop3A_1408 = arith.mulf %parallel_loop3A_1407, %parallel_loop3A_1401 : vector<16xf32>
      %parallel_loop3A_1409 = arith.constant -0.0923137664 : f32
      %parallel_loop3A_1410 = vector.broadcast %parallel_loop3A_1409 : f32 to vector<16xf32>
      %parallel_loop3A_1411 = arith.addf %parallel_loop3A_1408, %parallel_loop3A_1410 : vector<16xf32>
      %parallel_loop3A_1412 = arith.mulf %parallel_loop3A_1411, %parallel_loop3A_1401 : vector<16xf32>
      %parallel_loop3A_1413 = arith.constant 0.164783493 : f32
      %parallel_loop3A_1414 = vector.broadcast %parallel_loop3A_1413 : f32 to vector<16xf32>
      %parallel_loop3A_1415 = arith.addf %parallel_loop3A_1412, %parallel_loop3A_1414 : vector<16xf32>
      %parallel_loop3A_1416 = arith.mulf %parallel_loop3A_1415, %parallel_loop3A_1401 : vector<16xf32>
      %parallel_loop3A_1417 = arith.constant -0.239190713 : f32
      %parallel_loop3A_1418 = vector.broadcast %parallel_loop3A_1417 : f32 to vector<16xf32>
      %parallel_loop3A_1419 = arith.addf %parallel_loop3A_1416, %parallel_loop3A_1418 : vector<16xf32>
      %parallel_loop3A_1420 = arith.mulf %parallel_loop3A_1419, %parallel_loop3A_1401 : vector<16xf32>
      %parallel_loop3A_1421 = arith.constant 3.313340e-01 : f32
      %parallel_loop3A_1422 = vector.broadcast %parallel_loop3A_1421 : f32 to vector<16xf32>
      %parallel_loop3A_1423 = arith.addf %parallel_loop3A_1420, %parallel_loop3A_1422 : vector<16xf32>
      %parallel_loop3A_1424 = arith.mulf %parallel_loop3A_1423, %parallel_loop3A_1401 : vector<16xf32>
      %parallel_loop3A_1425 = arith.constant -0.499801159 : f32
      %parallel_loop3A_1426 = vector.broadcast %parallel_loop3A_1425 : f32 to vector<16xf32>
      %parallel_loop3A_1427 = arith.addf %parallel_loop3A_1424, %parallel_loop3A_1426 : vector<16xf32>
      %parallel_loop3A_1428 = arith.mulf %parallel_loop3A_1427, %parallel_loop3A_1401 : vector<16xf32>
      %parallel_loop3A_1429 = arith.constant 0.999991476 : f32
      %parallel_loop3A_1430 = vector.broadcast %parallel_loop3A_1429 : f32 to vector<16xf32>
      %parallel_loop3A_1431 = arith.addf %parallel_loop3A_1428, %parallel_loop3A_1430 : vector<16xf32>
      %parallel_loop3A_1432 = arith.mulf %parallel_loop3A_1431, %parallel_loop3A_1401 : vector<16xf32>
      %parallel_loop3A_1433 = arith.constant 9.08378652E-8 : f32
      %parallel_loop3A_1434 = vector.broadcast %parallel_loop3A_1433 : f32 to vector<16xf32>
      %parallel_loop3A_1435 = arith.addf %parallel_loop3A_1432, %parallel_loop3A_1434 : vector<16xf32>
      %parallel_loop3A_1436 = arith.constant 0.000000e+00 : f32
      %parallel_loop3A_1437 = vector.broadcast %parallel_loop3A_1436 : f32 to vector<16xf32>
      %parallel_loop3A_1438 = arith.maximumf %parallel_loop3A_1396, %parallel_loop3A_1437 : vector<16xf32>
      %parallel_loop3A_1439 = arith.addf %parallel_loop3A_1438, %parallel_loop3A_1435 : vector<16xf32>
      %parallel_loop3A_1440 = arith.mulf %parallel_loop3A_1380, %parallel_loop3A_1439 : vector<16xf32>
      %parallel_loop3A_1441 = arith.addf %parallel_loop3A_1388, %parallel_loop3A_1440 : vector<16xf32>
      %parallel_loop3A_1442 = arith.maximumf %parallel_loop3A_1366, %parallel_loop3A_1441 : vector<16xf32>
      %parallel_loop3A_1443 = arith.subf %parallel_loop3A_302, %parallel_loop3A_1442 : vector<16xf32>
      %parallel_loop3A_1444 = math.exp %parallel_loop3A_1443 : vector<16xf32>
      %parallel_loop3A_1445 = arith.subf %parallel_loop3A_377, %parallel_loop3A_1442 : vector<16xf32>
      %parallel_loop3A_1446 = math.exp %parallel_loop3A_1445 : vector<16xf32>
      %parallel_loop3A_1447 = arith.addf %parallel_loop3A_1444, %parallel_loop3A_1446 : vector<16xf32>
      %parallel_loop3A_1448 = arith.subf %parallel_loop3A_453, %parallel_loop3A_1442 : vector<16xf32>
      %parallel_loop3A_1449 = math.exp %parallel_loop3A_1448 : vector<16xf32>
      %parallel_loop3A_1450 = arith.addf %parallel_loop3A_1447, %parallel_loop3A_1449 : vector<16xf32>
      %parallel_loop3A_1451 = arith.subf %parallel_loop3A_529, %parallel_loop3A_1442 : vector<16xf32>
      %parallel_loop3A_1452 = math.exp %parallel_loop3A_1451 : vector<16xf32>
      %parallel_loop3A_1453 = arith.addf %parallel_loop3A_1450, %parallel_loop3A_1452 : vector<16xf32>
      %parallel_loop3A_1454 = arith.subf %parallel_loop3A_605, %parallel_loop3A_1442 : vector<16xf32>
      %parallel_loop3A_1455 = math.exp %parallel_loop3A_1454 : vector<16xf32>
      %parallel_loop3A_1456 = arith.addf %parallel_loop3A_1453, %parallel_loop3A_1455 : vector<16xf32>
      %parallel_loop3A_1457 = arith.subf %parallel_loop3A_681, %parallel_loop3A_1442 : vector<16xf32>
      %parallel_loop3A_1458 = math.exp %parallel_loop3A_1457 : vector<16xf32>
      %parallel_loop3A_1459 = arith.addf %parallel_loop3A_1456, %parallel_loop3A_1458 : vector<16xf32>
      %parallel_loop3A_1460 = arith.subf %parallel_loop3A_757, %parallel_loop3A_1442 : vector<16xf32>
      %parallel_loop3A_1461 = math.exp %parallel_loop3A_1460 : vector<16xf32>
      %parallel_loop3A_1462 = arith.addf %parallel_loop3A_1459, %parallel_loop3A_1461 : vector<16xf32>
      %parallel_loop3A_1463 = arith.subf %parallel_loop3A_833, %parallel_loop3A_1442 : vector<16xf32>
      %parallel_loop3A_1464 = math.exp %parallel_loop3A_1463 : vector<16xf32>
      %parallel_loop3A_1465 = arith.addf %parallel_loop3A_1462, %parallel_loop3A_1464 : vector<16xf32>
      %parallel_loop3A_1466 = arith.subf %parallel_loop3A_909, %parallel_loop3A_1442 : vector<16xf32>
      %parallel_loop3A_1467 = math.exp %parallel_loop3A_1466 : vector<16xf32>
      %parallel_loop3A_1468 = arith.addf %parallel_loop3A_1465, %parallel_loop3A_1467 : vector<16xf32>
      %parallel_loop3A_1469 = arith.subf %parallel_loop3A_985, %parallel_loop3A_1442 : vector<16xf32>
      %parallel_loop3A_1470 = math.exp %parallel_loop3A_1469 : vector<16xf32>
      %parallel_loop3A_1471 = arith.addf %parallel_loop3A_1468, %parallel_loop3A_1470 : vector<16xf32>
      %parallel_loop3A_1472 = arith.subf %parallel_loop3A_1061, %parallel_loop3A_1442 : vector<16xf32>
      %parallel_loop3A_1473 = math.exp %parallel_loop3A_1472 : vector<16xf32>
      %parallel_loop3A_1474 = arith.addf %parallel_loop3A_1471, %parallel_loop3A_1473 : vector<16xf32>
      %parallel_loop3A_1475 = arith.subf %parallel_loop3A_1137, %parallel_loop3A_1442 : vector<16xf32>
      %parallel_loop3A_1476 = math.exp %parallel_loop3A_1475 : vector<16xf32>
      %parallel_loop3A_1477 = arith.addf %parallel_loop3A_1474, %parallel_loop3A_1476 : vector<16xf32>
      %parallel_loop3A_1478 = arith.subf %parallel_loop3A_1213, %parallel_loop3A_1442 : vector<16xf32>
      %parallel_loop3A_1479 = math.exp %parallel_loop3A_1478 : vector<16xf32>
      %parallel_loop3A_1480 = arith.addf %parallel_loop3A_1477, %parallel_loop3A_1479 : vector<16xf32>
      %parallel_loop3A_1481 = arith.subf %parallel_loop3A_1289, %parallel_loop3A_1442 : vector<16xf32>
      %parallel_loop3A_1482 = math.exp %parallel_loop3A_1481 : vector<16xf32>
      %parallel_loop3A_1483 = arith.addf %parallel_loop3A_1480, %parallel_loop3A_1482 : vector<16xf32>
      %parallel_loop3A_1484 = arith.subf %parallel_loop3A_1365, %parallel_loop3A_1442 : vector<16xf32>
      %parallel_loop3A_1485 = math.exp %parallel_loop3A_1484 : vector<16xf32>
      %parallel_loop3A_1486 = arith.addf %parallel_loop3A_1483, %parallel_loop3A_1485 : vector<16xf32>
      %parallel_loop3A_1487 = arith.subf %parallel_loop3A_1441, %parallel_loop3A_1442 : vector<16xf32>
      %parallel_loop3A_1488 = math.exp %parallel_loop3A_1487 : vector<16xf32>
      %parallel_loop3A_1489 = arith.addf %parallel_loop3A_1486, %parallel_loop3A_1488 : vector<16xf32>
      %parallel_loop3A_1490 = arith.constant 1.000000e+00 : f32
      %parallel_loop3A_1491 = vector.broadcast %parallel_loop3A_1490 : f32 to vector<16xf32>
      %parallel_loop3A_1492 = arith.divf %parallel_loop3A_1491, %parallel_loop3A_1489 : vector<16xf32>
      %parallel_loop3A_1493 = arith.constant 0.000000e+00 : f32
      %parallel_loop3A_1494 = vector.broadcast %parallel_loop3A_1493 : f32 to vector<16xf32>
      %parallel_loop3A_1495 = arith.cmpf oeq, %parallel_loop3A_302, %parallel_loop3A_1442 : vector<16xf32>
      %parallel_loop3A_1496 = arith.select %parallel_loop3A_1495, %parallel_loop3A_1492, %parallel_loop3A_1494 : vector<16xi1>, vector<16xf32>
      %parallel_loop3A_1497 = arith.constant 1 : i32
      %parallel_loop3A_1498 = arith.constant 0 : i32
      %parallel_loop3A_1499 = arith.index_cast %parallel_loop3A_1497 : i32 to index
      %parallel_loop3A_1500 = arith.index_cast %parallel_loop3A_1498 : i32 to index
      %parallel_loop3A_1501 = arith.index_cast %parallel_loop3A_227 : i32 to index
      %parallel_loop3A_1502 = tpu.vector_load %arg9[%parallel_loop3A_1499, %parallel_loop3A_1500, %parallel_loop3A_1501] {strides = array<i32>} : memref<2x16x1024xf32, #tpu.memory_space<vmem>>, vector<1x1x16xf32>,
      %parallel_loop3A_1503 = vector.shape_cast %parallel_loop3A_1502 : vector<1x1x16xf32> to vector<16xf32>
      %parallel_loop3A_1504 = vector.shape_cast %parallel_loop3A_1496 : vector<16xf32> to vector<1x1x16xf32>
      tpu.vector_store %arg9[%parallel_loop3A_1499, %parallel_loop3A_1500, %parallel_loop3A_1501], %parallel_loop3A_1504 {strides = array<i32>} : memref<2x16x1024xf32, #tpu.memory_space<vmem>>, vector<1x1x16xf32>,
      %parallel_loop3A_1505 = arith.cmpf oeq, %parallel_loop3A_377, %parallel_loop3A_1442 : vector<16xf32>
      %parallel_loop3A_1506 = arith.select %parallel_loop3A_1505, %parallel_loop3A_1492, %parallel_loop3A_1494 : vector<16xi1>, vector<16xf32>
      %parallel_loop3A_1507 = arith.constant 1 : i32
      %parallel_loop3A_1508 = arith.constant 1 : i32
      %parallel_loop3A_1509 = arith.index_cast %parallel_loop3A_1507 : i32 to index
      %parallel_loop3A_1510 = arith.index_cast %parallel_loop3A_1508 : i32 to index
      %parallel_loop3A_1511 = arith.index_cast %parallel_loop3A_227 : i32 to index
      %parallel_loop3A_1512 = tpu.vector_load %arg9[%parallel_loop3A_1509, %parallel_loop3A_1510, %parallel_loop3A_1511] {strides = array<i32>} : memref<2x16x1024xf32, #tpu.memory_space<vmem>>, vector<1x1x16xf32>,
      %parallel_loop3A_1513 = vector.shape_cast %parallel_loop3A_1512 : vector<1x1x16xf32> to vector<16xf32>
      %parallel_loop3A_1514 = vector.shape_cast %parallel_loop3A_1506 : vector<16xf32> to vector<1x1x16xf32>
      tpu.vector_store %arg9[%parallel_loop3A_1509, %parallel_loop3A_1510, %parallel_loop3A_1511], %parallel_loop3A_1514 {strides = array<i32>} : memref<2x16x1024xf32, #tpu.memory_space<vmem>>, vector<1x1x16xf32>,
      %parallel_loop3A_1515 = arith.cmpf oeq, %parallel_loop3A_453, %parallel_loop3A_1442 : vector<16xf32>
      %parallel_loop3A_1516 = arith.select %parallel_loop3A_1515, %parallel_loop3A_1492, %parallel_loop3A_1494 : vector<16xi1>, vector<16xf32>
      %parallel_loop3A_1517 = arith.constant 1 : i32
      %parallel_loop3A_1518 = arith.constant 2 : i32
      %parallel_loop3A_1519 = arith.index_cast %parallel_loop3A_1517 : i32 to index
      %parallel_loop3A_1520 = arith.index_cast %parallel_loop3A_1518 : i32 to index
      %parallel_loop3A_1521 = arith.index_cast %parallel_loop3A_227 : i32 to index
      %parallel_loop3A_1522 = tpu.vector_load %arg9[%parallel_loop3A_1519, %parallel_loop3A_1520, %parallel_loop3A_1521] {strides = array<i32>} : memref<2x16x1024xf32, #tpu.memory_space<vmem>>, vector<1x1x16xf32>,
      %parallel_loop3A_1523 = vector.shape_cast %parallel_loop3A_1522 : vector<1x1x16xf32> to vector<16xf32>
      %parallel_loop3A_1524 = vector.shape_cast %parallel_loop3A_1516 : vector<16xf32> to vector<1x1x16xf32>
      tpu.vector_store %arg9[%parallel_loop3A_1519, %parallel_loop3A_1520, %parallel_loop3A_1521], %parallel_loop3A_1524 {strides = array<i32>} : memref<2x16x1024xf32, #tpu.memory_space<vmem>>, vector<1x1x16xf32>,
      %parallel_loop3A_1525 = arith.cmpf oeq, %parallel_loop3A_529, %parallel_loop3A_1442 : vector<16xf32>
      %parallel_loop3A_1526 = arith.select %parallel_loop3A_1525, %parallel_loop3A_1492, %parallel_loop3A_1494 : vector<16xi1>, vector<16xf32>
      %parallel_loop3A_1527 = arith.constant 1 : i32
      %parallel_loop3A_1528 = arith.constant 3 : i32
      %parallel_loop3A_1529 = arith.index_cast %parallel_loop3A_1527 : i32 to index
      %parallel_loop3A_1530 = arith.index_cast %parallel_loop3A_1528 : i32 to index
      %parallel_loop3A_1531 = arith.index_cast %parallel_loop3A_227 : i32 to index
      %parallel_loop3A_1532 = tpu.vector_load %arg9[%parallel_loop3A_1529, %parallel_loop3A_1530, %parallel_loop3A_1531] {strides = array<i32>} : memref<2x16x1024xf32, #tpu.memory_space<vmem>>, vector<1x1x16xf32>,
      %parallel_loop3A_1533 = vector.shape_cast %parallel_loop3A_1532 : vector<1x1x16xf32> to vector<16xf32>
      %parallel_loop3A_1534 = vector.shape_cast %parallel_loop3A_1526 : vector<16xf32> to vector<1x1x16xf32>
      tpu.vector_store %arg9[%parallel_loop3A_1529, %parallel_loop3A_1530, %parallel_loop3A_1531], %parallel_loop3A_1534 {strides = array<i32>} : memref<2x16x1024xf32, #tpu.memory_space<vmem>>, vector<1x1x16xf32>,
      %parallel_loop3A_1535 = arith.cmpf oeq, %parallel_loop3A_605, %parallel_loop3A_1442 : vector<16xf32>
      %parallel_loop3A_1536 = arith.select %parallel_loop3A_1535, %parallel_loop3A_1492, %parallel_loop3A_1494 : vector<16xi1>, vector<16xf32>
      %parallel_loop3A_1537 = arith.constant 1 : i32
      %parallel_loop3A_1538 = arith.constant 4 : i32
      %parallel_loop3A_1539 = arith.index_cast %parallel_loop3A_1537 : i32 to index
      %parallel_loop3A_1540 = arith.index_cast %parallel_loop3A_1538 : i32 to index
      %parallel_loop3A_1541 = arith.index_cast %parallel_loop3A_227 : i32 to index
      %parallel_loop3A_1542 = tpu.vector_load %arg9[%parallel_loop3A_1539, %parallel_loop3A_1540, %parallel_loop3A_1541] {strides = array<i32>} : memref<2x16x1024xf32, #tpu.memory_space<vmem>>, vector<1x1x16xf32>,
      %parallel_loop3A_1543 = vector.shape_cast %parallel_loop3A_1542 : vector<1x1x16xf32> to vector<16xf32>
      %parallel_loop3A_1544 = vector.shape_cast %parallel_loop3A_1536 : vector<16xf32> to vector<1x1x16xf32>
      tpu.vector_store %arg9[%parallel_loop3A_1539, %parallel_loop3A_1540, %parallel_loop3A_1541], %parallel_loop3A_1544 {strides = array<i32>} : memref<2x16x1024xf32, #tpu.memory_space<vmem>>, vector<1x1x16xf32>,
      %parallel_loop3A_1545 = arith.cmpf oeq, %parallel_loop3A_681, %parallel_loop3A_1442 : vector<16xf32>
      %parallel_loop3A_1546 = arith.select %parallel_loop3A_1545, %parallel_loop3A_1492, %parallel_loop3A_1494 : vector<16xi1>, vector<16xf32>
      %parallel_loop3A_1547 = arith.constant 1 : i32
      %parallel_loop3A_1548 = arith.constant 5 : i32
      %parallel_loop3A_1549 = arith.index_cast %parallel_loop3A_1547 : i32 to index
      %parallel_loop3A_1550 = arith.index_cast %parallel_loop3A_1548 : i32 to index
      %parallel_loop3A_1551 = arith.index_cast %parallel_loop3A_227 : i32 to index
      %parallel_loop3A_1552 = tpu.vector_load %arg9[%parallel_loop3A_1549, %parallel_loop3A_1550, %parallel_loop3A_1551] {strides = array<i32>} : memref<2x16x1024xf32, #tpu.memory_space<vmem>>, vector<1x1x16xf32>,
      %parallel_loop3A_1553 = vector.shape_cast %parallel_loop3A_1552 : vector<1x1x16xf32> to vector<16xf32>
      %parallel_loop3A_1554 = vector.shape_cast %parallel_loop3A_1546 : vector<16xf32> to vector<1x1x16xf32>
      tpu.vector_store %arg9[%parallel_loop3A_1549, %parallel_loop3A_1550, %parallel_loop3A_1551], %parallel_loop3A_1554 {strides = array<i32>} : memref<2x16x1024xf32, #tpu.memory_space<vmem>>, vector<1x1x16xf32>,
      %parallel_loop3A_1555 = arith.cmpf oeq, %parallel_loop3A_757, %parallel_loop3A_1442 : vector<16xf32>
      %parallel_loop3A_1556 = arith.select %parallel_loop3A_1555, %parallel_loop3A_1492, %parallel_loop3A_1494 : vector<16xi1>, vector<16xf32>
      %parallel_loop3A_1557 = arith.constant 1 : i32
      %parallel_loop3A_1558 = arith.constant 6 : i32
      %parallel_loop3A_1559 = arith.index_cast %parallel_loop3A_1557 : i32 to index
      %parallel_loop3A_1560 = arith.index_cast %parallel_loop3A_1558 : i32 to index
      %parallel_loop3A_1561 = arith.index_cast %parallel_loop3A_227 : i32 to index
      %parallel_loop3A_1562 = tpu.vector_load %arg9[%parallel_loop3A_1559, %parallel_loop3A_1560, %parallel_loop3A_1561] {strides = array<i32>} : memref<2x16x1024xf32, #tpu.memory_space<vmem>>, vector<1x1x16xf32>,
      %parallel_loop3A_1563 = vector.shape_cast %parallel_loop3A_1562 : vector<1x1x16xf32> to vector<16xf32>
      %parallel_loop3A_1564 = vector.shape_cast %parallel_loop3A_1556 : vector<16xf32> to vector<1x1x16xf32>
      tpu.vector_store %arg9[%parallel_loop3A_1559, %parallel_loop3A_1560, %parallel_loop3A_1561], %parallel_loop3A_1564 {strides = array<i32>} : memref<2x16x1024xf32, #tpu.memory_space<vmem>>, vector<1x1x16xf32>,
      %parallel_loop3A_1565 = arith.cmpf oeq, %parallel_loop3A_833, %parallel_loop3A_1442 : vector<16xf32>
      %parallel_loop3A_1566 = arith.select %parallel_loop3A_1565, %parallel_loop3A_1492, %parallel_loop3A_1494 : vector<16xi1>, vector<16xf32>
      %parallel_loop3A_1567 = arith.constant 1 : i32
      %parallel_loop3A_1568 = arith.constant 7 : i32
      %parallel_loop3A_1569 = arith.index_cast %parallel_loop3A_1567 : i32 to index
      %parallel_loop3A_1570 = arith.index_cast %parallel_loop3A_1568 : i32 to index
      %parallel_loop3A_1571 = arith.index_cast %parallel_loop3A_227 : i32 to index
      %parallel_loop3A_1572 = tpu.vector_load %arg9[%parallel_loop3A_1569, %parallel_loop3A_1570, %parallel_loop3A_1571] {strides = array<i32>} : memref<2x16x1024xf32, #tpu.memory_space<vmem>>, vector<1x1x16xf32>,
      %parallel_loop3A_1573 = vector.shape_cast %parallel_loop3A_1572 : vector<1x1x16xf32> to vector<16xf32>
      %parallel_loop3A_1574 = vector.shape_cast %parallel_loop3A_1566 : vector<16xf32> to vector<1x1x16xf32>
      tpu.vector_store %arg9[%parallel_loop3A_1569, %parallel_loop3A_1570, %parallel_loop3A_1571], %parallel_loop3A_1574 {strides = array<i32>} : memref<2x16x1024xf32, #tpu.memory_space<vmem>>, vector<1x1x16xf32>,
      %parallel_loop3A_1575 = arith.cmpf oeq, %parallel_loop3A_909, %parallel_loop3A_1442 : vector<16xf32>
      %parallel_loop3A_1576 = arith.select %parallel_loop3A_1575, %parallel_loop3A_1492, %parallel_loop3A_1494 : vector<16xi1>, vector<16xf32>
      %parallel_loop3A_1577 = arith.constant 1 : i32
      %parallel_loop3A_1578 = arith.constant 8 : i32
      %parallel_loop3A_1579 = arith.index_cast %parallel_loop3A_1577 : i32 to index
      %parallel_loop3A_1580 = arith.index_cast %parallel_loop3A_1578 : i32 to index
      %parallel_loop3A_1581 = arith.index_cast %parallel_loop3A_227 : i32 to index
      %parallel_loop3A_1582 = tpu.vector_load %arg9[%parallel_loop3A_1579, %parallel_loop3A_1580, %parallel_loop3A_1581] {strides = array<i32>} : memref<2x16x1024xf32, #tpu.memory_space<vmem>>, vector<1x1x16xf32>,
      %parallel_loop3A_1583 = vector.shape_cast %parallel_loop3A_1582 : vector<1x1x16xf32> to vector<16xf32>
      %parallel_loop3A_1584 = vector.shape_cast %parallel_loop3A_1576 : vector<16xf32> to vector<1x1x16xf32>
      tpu.vector_store %arg9[%parallel_loop3A_1579, %parallel_loop3A_1580, %parallel_loop3A_1581], %parallel_loop3A_1584 {strides = array<i32>} : memref<2x16x1024xf32, #tpu.memory_space<vmem>>, vector<1x1x16xf32>,
      %parallel_loop3A_1585 = arith.cmpf oeq, %parallel_loop3A_985, %parallel_loop3A_1442 : vector<16xf32>
      %parallel_loop3A_1586 = arith.select %parallel_loop3A_1585, %parallel_loop3A_1492, %parallel_loop3A_1494 : vector<16xi1>, vector<16xf32>
      %parallel_loop3A_1587 = arith.constant 1 : i32
      %parallel_loop3A_1588 = arith.constant 9 : i32
      %parallel_loop3A_1589 = arith.index_cast %parallel_loop3A_1587 : i32 to index
      %parallel_loop3A_1590 = arith.index_cast %parallel_loop3A_1588 : i32 to index
      %parallel_loop3A_1591 = arith.index_cast %parallel_loop3A_227 : i32 to index
      %parallel_loop3A_1592 = tpu.vector_load %arg9[%parallel_loop3A_1589, %parallel_loop3A_1590, %parallel_loop3A_1591] {strides = array<i32>} : memref<2x16x1024xf32, #tpu.memory_space<vmem>>, vector<1x1x16xf32>,
      %parallel_loop3A_1593 = vector.shape_cast %parallel_loop3A_1592 : vector<1x1x16xf32> to vector<16xf32>
      %parallel_loop3A_1594 = vector.shape_cast %parallel_loop3A_1586 : vector<16xf32> to vector<1x1x16xf32>
      tpu.vector_store %arg9[%parallel_loop3A_1589, %parallel_loop3A_1590, %parallel_loop3A_1591], %parallel_loop3A_1594 {strides = array<i32>} : memref<2x16x1024xf32, #tpu.memory_space<vmem>>, vector<1x1x16xf32>,
      %parallel_loop3A_1595 = arith.cmpf oeq, %parallel_loop3A_1061, %parallel_loop3A_1442 : vector<16xf32>
      %parallel_loop3A_1596 = arith.select %parallel_loop3A_1595, %parallel_loop3A_1492, %parallel_loop3A_1494 : vector<16xi1>, vector<16xf32>
      %parallel_loop3A_1597 = arith.constant 1 : i32
      %parallel_loop3A_1598 = arith.constant 10 : i32
      %parallel_loop3A_1599 = arith.index_cast %parallel_loop3A_1597 : i32 to index
      %parallel_loop3A_1600 = arith.index_cast %parallel_loop3A_1598 : i32 to index
      %parallel_loop3A_1601 = arith.index_cast %parallel_loop3A_227 : i32 to index
      %parallel_loop3A_1602 = tpu.vector_load %arg9[%parallel_loop3A_1599, %parallel_loop3A_1600, %parallel_loop3A_1601] {strides = array<i32>} : memref<2x16x1024xf32, #tpu.memory_space<vmem>>, vector<1x1x16xf32>,
      %parallel_loop3A_1603 = vector.shape_cast %parallel_loop3A_1602 : vector<1x1x16xf32> to vector<16xf32>
      %parallel_loop3A_1604 = vector.shape_cast %parallel_loop3A_1596 : vector<16xf32> to vector<1x1x16xf32>
      tpu.vector_store %arg9[%parallel_loop3A_1599, %parallel_loop3A_1600, %parallel_loop3A_1601], %parallel_loop3A_1604 {strides = array<i32>} : memref<2x16x1024xf32, #tpu.memory_space<vmem>>, vector<1x1x16xf32>,
      %parallel_loop3A_1605 = arith.cmpf oeq, %parallel_loop3A_1137, %parallel_loop3A_1442 : vector<16xf32>
      %parallel_loop3A_1606 = arith.select %parallel_loop3A_1605, %parallel_loop3A_1492, %parallel_loop3A_1494 : vector<16xi1>, vector<16xf32>
      %parallel_loop3A_1607 = arith.constant 1 : i32
      %parallel_loop3A_1608 = arith.constant 11 : i32
      %parallel_loop3A_1609 = arith.index_cast %parallel_loop3A_1607 : i32 to index
      %parallel_loop3A_1610 = arith.index_cast %parallel_loop3A_1608 : i32 to index
      %parallel_loop3A_1611 = arith.index_cast %parallel_loop3A_227 : i32 to index
      %parallel_loop3A_1612 = tpu.vector_load %arg9[%parallel_loop3A_1609, %parallel_loop3A_1610, %parallel_loop3A_1611] {strides = array<i32>} : memref<2x16x1024xf32, #tpu.memory_space<vmem>>, vector<1x1x16xf32>,
      %parallel_loop3A_1613 = vector.shape_cast %parallel_loop3A_1612 : vector<1x1x16xf32> to vector<16xf32>
      %parallel_loop3A_1614 = vector.shape_cast %parallel_loop3A_1606 : vector<16xf32> to vector<1x1x16xf32>
      tpu.vector_store %arg9[%parallel_loop3A_1609, %parallel_loop3A_1610, %parallel_loop3A_1611], %parallel_loop3A_1614 {strides = array<i32>} : memref<2x16x1024xf32, #tpu.memory_space<vmem>>, vector<1x1x16xf32>,
      %parallel_loop3A_1615 = arith.cmpf oeq, %parallel_loop3A_1213, %parallel_loop3A_1442 : vector<16xf32>
      %parallel_loop3A_1616 = arith.select %parallel_loop3A_1615, %parallel_loop3A_1492, %parallel_loop3A_1494 : vector<16xi1>, vector<16xf32>
      %parallel_loop3A_1617 = arith.constant 1 : i32
      %parallel_loop3A_1618 = arith.constant 12 : i32
      %parallel_loop3A_1619 = arith.index_cast %parallel_loop3A_1617 : i32 to index
      %parallel_loop3A_1620 = arith.index_cast %parallel_loop3A_1618 : i32 to index
      %parallel_loop3A_1621 = arith.index_cast %parallel_loop3A_227 : i32 to index
      %parallel_loop3A_1622 = tpu.vector_load %arg9[%parallel_loop3A_1619, %parallel_loop3A_1620, %parallel_loop3A_1621] {strides = array<i32>} : memref<2x16x1024xf32, #tpu.memory_space<vmem>>, vector<1x1x16xf32>,
      %parallel_loop3A_1623 = vector.shape_cast %parallel_loop3A_1622 : vector<1x1x16xf32> to vector<16xf32>
      %parallel_loop3A_1624 = vector.shape_cast %parallel_loop3A_1616 : vector<16xf32> to vector<1x1x16xf32>
      tpu.vector_store %arg9[%parallel_loop3A_1619, %parallel_loop3A_1620, %parallel_loop3A_1621], %parallel_loop3A_1624 {strides = array<i32>} : memref<2x16x1024xf32, #tpu.memory_space<vmem>>, vector<1x1x16xf32>,
      %parallel_loop3A_1625 = arith.cmpf oeq, %parallel_loop3A_1289, %parallel_loop3A_1442 : vector<16xf32>
      %parallel_loop3A_1626 = arith.select %parallel_loop3A_1625, %parallel_loop3A_1492, %parallel_loop3A_1494 : vector<16xi1>, vector<16xf32>
      %parallel_loop3A_1627 = arith.constant 1 : i32
      %parallel_loop3A_1628 = arith.constant 13 : i32
      %parallel_loop3A_1629 = arith.index_cast %parallel_loop3A_1627 : i32 to index
      %parallel_loop3A_1630 = arith.index_cast %parallel_loop3A_1628 : i32 to index
      %parallel_loop3A_1631 = arith.index_cast %parallel_loop3A_227 : i32 to index
      %parallel_loop3A_1632 = tpu.vector_load %arg9[%parallel_loop3A_1629, %parallel_loop3A_1630, %parallel_loop3A_1631] {strides = array<i32>} : memref<2x16x1024xf32, #tpu.memory_space<vmem>>, vector<1x1x16xf32>,
      %parallel_loop3A_1633 = vector.shape_cast %parallel_loop3A_1632 : vector<1x1x16xf32> to vector<16xf32>
      %parallel_loop3A_1634 = vector.shape_cast %parallel_loop3A_1626 : vector<16xf32> to vector<1x1x16xf32>
      tpu.vector_store %arg9[%parallel_loop3A_1629, %parallel_loop3A_1630, %parallel_loop3A_1631], %parallel_loop3A_1634 {strides = array<i32>} : memref<2x16x1024xf32, #tpu.memory_space<vmem>>, vector<1x1x16xf32>,
      %parallel_loop3A_1635 = arith.cmpf oeq, %parallel_loop3A_1365, %parallel_loop3A_1442 : vector<16xf32>
      %parallel_loop3A_1636 = arith.select %parallel_loop3A_1635, %parallel_loop3A_1492, %parallel_loop3A_1494 : vector<16xi1>, vector<16xf32>
      %parallel_loop3A_1637 = arith.constant 1 : i32
      %parallel_loop3A_1638 = arith.constant 14 : i32
      %parallel_loop3A_1639 = arith.index_cast %parallel_loop3A_1637 : i32 to index
      %parallel_loop3A_1640 = arith.index_cast %parallel_loop3A_1638 : i32 to index
      %parallel_loop3A_1641 = arith.index_cast %parallel_loop3A_227 : i32 to index
      %parallel_loop3A_1642 = tpu.vector_load %arg9[%parallel_loop3A_1639, %parallel_loop3A_1640, %parallel_loop3A_1641] {strides = array<i32>} : memref<2x16x1024xf32, #tpu.memory_space<vmem>>, vector<1x1x16xf32>,
      %parallel_loop3A_1643 = vector.shape_cast %parallel_loop3A_1642 : vector<1x1x16xf32> to vector<16xf32>
      %parallel_loop3A_1644 = vector.shape_cast %parallel_loop3A_1636 : vector<16xf32> to vector<1x1x16xf32>
      tpu.vector_store %arg9[%parallel_loop3A_1639, %parallel_loop3A_1640, %parallel_loop3A_1641], %parallel_loop3A_1644 {strides = array<i32>} : memref<2x16x1024xf32, #tpu.memory_space<vmem>>, vector<1x1x16xf32>,
      %parallel_loop3A_1645 = arith.cmpf oeq, %parallel_loop3A_1441, %parallel_loop3A_1442 : vector<16xf32>
      %parallel_loop3A_1646 = arith.select %parallel_loop3A_1645, %parallel_loop3A_1492, %parallel_loop3A_1494 : vector<16xi1>, vector<16xf32>
      %parallel_loop3A_1647 = arith.constant 1 : i32
      %parallel_loop3A_1648 = arith.constant 15 : i32
      %parallel_loop3A_1649 = arith.index_cast %parallel_loop3A_1647 : i32 to index
      %parallel_loop3A_1650 = arith.index_cast %parallel_loop3A_1648 : i32 to index
      %parallel_loop3A_1651 = arith.index_cast %parallel_loop3A_227 : i32 to index
      %parallel_loop3A_1652 = tpu.vector_load %arg9[%parallel_loop3A_1649, %parallel_loop3A_1650, %parallel_loop3A_1651] {strides = array<i32>} : memref<2x16x1024xf32, #tpu.memory_space<vmem>>, vector<1x1x16xf32>,
      %parallel_loop3A_1653 = vector.shape_cast %parallel_loop3A_1652 : vector<1x1x16xf32> to vector<16xf32>
      %parallel_loop3A_1654 = vector.shape_cast %parallel_loop3A_1646 : vector<16xf32> to vector<1x1x16xf32>
      tpu.vector_store %arg9[%parallel_loop3A_1649, %parallel_loop3A_1650, %parallel_loop3A_1651], %parallel_loop3A_1654 {strides = array<i32>} : memref<2x16x1024xf32, #tpu.memory_space<vmem>>, vector<1x1x16xf32>,
    } {sc.loop_unroll_factor = 2 : i64, sc.parallel_access}
    %add3A_178 = arith.constant 1024 : i32
    %add3A_179 = arith.addi %mul3A_32, %add3A_178 : i32
    %dma_start3A_180 = arith.constant 1 : i32
    %dma_start3A_181 = arith.constant 0 : i32
    %dma_start3A_182 = arith.constant 0 : i32
    %dma_start3A_183 = tpu.memref_slice %arg9[%dma_start3A_180, %dma_start3A_181, %dma_start3A_182] : memref<2x16x1024xf32, #tpu.memory_space<vmem>> -> memref<1x16x1024xf32, #tpu.memory_space<vmem>>
    %dma_start3A_184 = tpu.memref_squeeze %dma_start3A_183 : memref<1x16x1024xf32, #tpu.memory_space<vmem>> -> memref<16x1024xf32, #tpu.memory_space<vmem>>
    %dma_start3A_185 = arith.constant 0 : i32
    %dma_start3A_186 = tpu.memref_slice %arg6[%select_n3A, %dma_start3A_185, %add3A_179] : memref<16x16x4096xf32, #tpu.memory_space<hbm>> -> memref<1x16x1024xf32, #tpu.memory_space<hbm>>
    %dma_start3A_187 = tpu.memref_squeeze %dma_start3A_186 : memref<1x16x1024xf32, #tpu.memory_space<hbm>> -> memref<16x1024xf32, #tpu.memory_space<hbm>>
    %dma_start3A_188 = arith.constant 0 : i32
    %dma_start3A_189 = tpu.memref_slice %arg6[%select_n3A, %dma_start3A_188, %add3A_179] : memref<16x16x4096xf32, #tpu.memory_space<hbm>> -> memref<1x16x1024xf32, #tpu.memory_space<hbm>>
    %dma_start3A_190 = tpu.memref_squeeze %dma_start3A_189 : memref<1x16x1024xf32, #tpu.memory_space<hbm>> -> memref<16x1024xf32, #tpu.memory_space<hbm>>
    %dma_start3A_191 = arith.constant 0 : i32
    %dma_start3A_192 = arith.constant 0 : i32
    %dma_start3A_193 = tpu.memref_slice %arg9[%dma_start3A_180, %dma_start3A_191, %dma_start3A_192] : memref<2x16x1024xf32, #tpu.memory_space<vmem>> -> memref<1x16x1024xf32, #tpu.memory_space<vmem>>
    %dma_start3A_194 = tpu.memref_squeeze %dma_start3A_193 : memref<1x16x1024xf32, #tpu.memory_space<vmem>> -> memref<16x1024xf32, #tpu.memory_space<vmem>>
    tpu.enqueue_dma source(%dma_start3A_194 : memref<16x1024xf32, #tpu.memory_space<vmem>>) target(%dma_start3A_190 : memref<16x1024xf32, #tpu.memory_space<hbm>>) target_semaphore(%arg16 : memref<!tpu.dma_semaphore, #tpu.memory_space<semaphore_mem>>)
    %dma_wait3A_195 = arith.constant 0 : i32
    %dma_wait3A_196 = arith.constant 0 : i32
    %dma_wait3A_197 = arith.constant 0 : i32
    %dma_wait3A_198 = tpu.memref_slice %arg9[%dma_wait3A_195, %dma_wait3A_196, %dma_wait3A_197] : memref<2x16x1024xf32, #tpu.memory_space<vmem>> -> memref<1x16x1024xf32, #tpu.memory_space<vmem>>
    %dma_wait3A_199 = tpu.memref_squeeze %dma_wait3A_198 : memref<1x16x1024xf32, #tpu.memory_space<vmem>> -> memref<16x1024xf32, #tpu.memory_space<vmem>>
    %dma_wait3A_200 = arith.constant 0 : i32
    %dma_wait3A_201 = tpu.memref_slice %arg6[%select_n3A, %dma_wait3A_200, %add3A_129] : memref<16x16x4096xf32, #tpu.memory_space<hbm>> -> memref<1x16x1024xf32, #tpu.memory_space<hbm>>
    %dma_wait3A_202 = tpu.memref_squeeze %dma_wait3A_201 : memref<1x16x1024xf32, #tpu.memory_space<hbm>> -> memref<16x1024xf32, #tpu.memory_space<hbm>>
    %dma_wait3A_203 = arith.constant 0 : i32
    %dma_wait3A_204 = tpu.memref_slice %arg6[%select_n3A, %dma_wait3A_203, %add3A_129] : memref<16x16x4096xf32, #tpu.memory_space<hbm>> -> memref<1x16x1024xf32, #tpu.memory_space<hbm>>
    %dma_wait3A_205 = tpu.memref_squeeze %dma_wait3A_204 : memref<1x16x1024xf32, #tpu.memory_space<hbm>> -> memref<16x1024xf32, #tpu.memory_space<hbm>>
    %dma_wait3A_206 = arith.constant 0 : i32
    %dma_wait3A_207 = arith.constant 0 : i32
    %dma_wait3A_208 = tpu.memref_slice %arg9[%dma_wait3A_195, %dma_wait3A_206, %dma_wait3A_207] : memref<2x16x1024xf32, #tpu.memory_space<vmem>> -> memref<1x16x1024xf32, #tpu.memory_space<vmem>>
    %dma_wait3A_209 = tpu.memref_squeeze %dma_wait3A_208 : memref<1x16x1024xf32, #tpu.memory_space<vmem>> -> memref<16x1024xf32, #tpu.memory_space<vmem>>
    tpu.wait_dma2 semaphore(%arg15 : memref<!tpu.dma_semaphore, #tpu.memory_space<semaphore_mem>>) src(%dma_wait3A_209 : memref<16x1024xf32, #tpu.memory_space<vmem>>) dst(%dma_wait3A_205 : memref<16x1024xf32, #tpu.memory_space<hbm>>)
    %dma_wait3A_210 = arith.constant 1 : i32
    %dma_wait3A_211 = arith.constant 0 : i32
    %dma_wait3A_212 = arith.constant 0 : i32
    %dma_wait3A_213 = tpu.memref_slice %arg9[%dma_wait3A_210, %dma_wait3A_211, %dma_wait3A_212] : memref<2x16x1024xf32, #tpu.memory_space<vmem>> -> memref<1x16x1024xf32, #tpu.memory_space<vmem>>
    %dma_wait3A_214 = tpu.memref_squeeze %dma_wait3A_213 : memref<1x16x1024xf32, #tpu.memory_space<vmem>> -> memref<16x1024xf32, #tpu.memory_space<vmem>>
    %dma_wait3A_215 = arith.constant 0 : i32
    %dma_wait3A_216 = tpu.memref_slice %arg6[%select_n3A, %dma_wait3A_215, %add3A_179] : memref<16x16x4096xf32, #tpu.memory_space<hbm>> -> memref<1x16x1024xf32, #tpu.memory_space<hbm>>
    %dma_wait3A_217 = tpu.memref_squeeze %dma_wait3A_216 : memref<1x16x1024xf32, #tpu.memory_space<hbm>> -> memref<16x1024xf32, #tpu.memory_space<hbm>>
    %dma_wait3A_218 = arith.constant 0 : i32
    %dma_wait3A_219 = tpu.memref_slice %arg6[%select_n3A, %dma_wait3A_218, %add3A_179] : memref<16x16x4096xf32, #tpu.memory_space<hbm>> -> memref<1x16x1024xf32, #tpu.memory_space<hbm>>
    %dma_wait3A_220 = tpu.memref_squeeze %dma_wait3A_219 : memref<1x16x1024xf32, #tpu.memory_space<hbm>> -> memref<16x1024xf32, #tpu.memory_space<hbm>>
    %dma_wait3A_221 = arith.constant 0 : i32
    %dma_wait3A_222 = arith.constant 0 : i32
    %dma_wait3A_223 = tpu.memref_slice %arg9[%dma_wait3A_210, %dma_wait3A_221, %dma_wait3A_222] : memref<2x16x1024xf32, #tpu.memory_space<vmem>> -> memref<1x16x1024xf32, #tpu.memory_space<vmem>>
    %dma_wait3A_224 = tpu.memref_squeeze %dma_wait3A_223 : memref<1x16x1024xf32, #tpu.memory_space<vmem>> -> memref<16x1024xf32, #tpu.memory_space<vmem>>
    tpu.wait_dma2 semaphore(%arg16 : memref<!tpu.dma_semaphore, #tpu.memory_space<semaphore_mem>>) src(%dma_wait3A_224 : memref<16x1024xf32, #tpu.memory_space<vmem>>) dst(%dma_wait3A_220 : memref<16x1024xf32, #tpu.memory_space<hbm>>)
    return
  }
}

</mosaic_0001>

<sc_bundles>
// kernel: kernel.3.cloned.1.call-start
scs
__scs_entry_jumppad:
0x0: {  	(pc) =	sbr.rel $0x88, $3  }
0x1: {  	(tag) =	ssettag $0x0;
	lr =	simm.s32 $0x1  }
0x2: {  	[smem:$0x3F9E] =	sst lr;
	_ =	strace $0xD0000000  }
0x3: {  	_ = 	snop  }
0x4: {  	_ = 	snop  }
0x5: {  	_ = 	snop  }
0x6: {  	_ = 	snop  }
0x7: {  	_ = 	snop  }
__scs_overlays_trampoline_lowered:
0x8: {  	[smem:$0x3FAD] =	sst s0  }
0x9: {  	[smem:$0x3FAE] =	sst s1  }
0xa: {  	[smem:$0x3FAF] =	sst s2  }
0xb: {  	[smem:$0x3FB0] =	sst s3  }
0xc: {  	[smem:$0x3FB1] =	sst s4  }
0xd: {  	[smem:$0x3FB2] =	sst s5  }
0xe: {  	[smem:$0x3FB3] =	sst s6  }
0xf: {  	[smem:$0x3FB4] =	sst s7  }
0x10: {  	[smem:$0x3FB5] =	sst s8  }
0x11: {  	[smem:$0x3FB6] =	sst s9;
	s0 =	simm.s32 @!p0 $0x0  }
0x12: {  	s1 =	sld [smem:$0x3F9C];
	s0 =	simm.s32 @p0 $0x1  }
0x13: {  	[smem:$0x3FB7] =	sst s0;
	s0 =	simm.s32 @!p1 $0x0  }
0x14: {  	s2 =	sld [smem:$0x3F9B];
	s0 =	simm.s32 @p1 $0x1  }
0x15: {  	[smem:$0x3FB8] =	sst s0;
	s0 =	simm.s32 @!p2 $0x0  }
0x16: {  	s3 =	sld [smem:$0x3FDB];
	s0 =	simm.s32 @p2 $0x1  }
0x17: {  	s4 =	simm.s32 $0x1BF5;
	[smem:$0x3FBA] =	sst s0  }
0x18: {  	s0 =	sld [smem:$0x3F9D];
	_ =	swait.ge [sflag:s4], $0x0  }
0x19: {  	s7 =	sld [smem:$0x3F9E]  }
0x1a: {  	s8 =	sadd.s32 $0xFFFFE003, lr  }
0x1b: {  	s9 =	sadd.s32 $0xFFFFFEF7, lr;
	s5 =	simm.s32 $0xFFFFFFFF;
	p2 =	slt.u32 s8, $0xFFFFF086  }
0x1c: {  	p1 =	slt.u32 s9, $0xF7A;
	s5 =	simm.s32 @!p2 $0x0  }
0x1d: {  	s5 =	simm.s32 @p1 $0x1;
	p0 =	seq.s32 s7, s2  }
0x1e: {  	s7 =	smul.u32 @!p0 $0xF7A, s2;
	p2 =	seq.s32 @!p0 s5, $0x0  }
0x1f: {  	s9 =	smul.u32 $0xF7A, s1;
	s8 =	simm.s32 @!p0 $0x1BF5;
	p2 =	por !p2, p0  }
0x20: {  	[sflag:s8] =	ssyncset.s32 @!p0 $0xFFFFF086;
	s6 =	sadd.s32 @!p0 s3, s7;
	s7 =	simm.s32 @!p0 $0x108  }
0x21: {  	s3 =	sadd.s32 s3, s9;
	s6 =	sadd.s32 @!p0 $0x88, s6;
	s7 =	simm.s32 @p2 $0x1082  }
0x22: {  	[simem:s7], [sflag:s8] =	dma.local @!p0 [hbm:s6], $0xF7A  }
0x23: {  	s9 =	sor.u32 $0xD0000000, s2;
	s6 =	simm.s32 $0x108;
	_ =	swait.ge @!p0 [sflag:s8], $0x0  }
0x24: {  	s3 =	sadd.s32 $0x88, s3;
	s6 =	simm.s32 @!p1 $0x1082;
	[sflag:s4] =	ssyncset.s32 $0xFFFFF086  }
0x25: {  	[simem:s6], [sflag:s4] =	dma.local [hbm:s3], $0xF7A  }
0x26: {  	[smem:$0x3F9E] =	sst s1;
	(tag) =	ssettag s2;
	_ =	strace s9  }
0x27: {  	s1 =	sld [smem:$0x3FAE]  }
0x28: {  	s2 =	sld [smem:$0x3FAF]  }
0x29: {  	s4 =	sld [smem:$0x3FB1]  }
0x2a: {  	p0 =	seq.s32 s5, $0x0;
	s5 =	sld [smem:$0x3FB2]  }
0x2b: {  	s6 =	sld [smem:$0x3FB3]  }
0x2c: {  	s7 =	sld [smem:$0x3FB4]  }
0x2d: {  	s3 =	simm.s32 $0x108;
	s8 =	sld [smem:$0x3FB5]  }
0x2e: {  	s3 =	simm.s32 @!p0 $0x1082;
	s9 =	sld [smem:$0x3FB6]  }
0x2f: {  	lr =	sadd.s32 s0, s3;
	s0 =	sld [smem:$0x3FAD]  }
0x30: {  	s3 =	sld [smem:$0x3FB0]  }
0x31: {  	[smem:$0x3FB9] =	sst s10  }
0x32: {  	s10 =	sld [smem:$0x3FB7];
	_ =	sdelay $0x3  }
0x33: {  	p0 =	seq.s32 s10, $0x1;
	s10 =	sld [smem:$0x3FB9];
	_ =	sdelay $0x3  }
0x34: {  	[smem:$0x3FB9] =	sst s10  }
0x35: {  	s10 =	sld [smem:$0x3FB8];
	_ =	sdelay $0x3  }
0x36: {  	p1 =	seq.s32 s10, $0x1;
	s10 =	sld [smem:$0x3FB9];
	_ =	sdelay $0x3  }
0x37: {  	[smem:$0x3FB9] =	sst s10  }
0x38: {  	s10 =	sld [smem:$0x3FBA]  }
0x39: {  	_ = 	snop;
	(pc) =	sbr.ind lr, $3  }
0x3a: {  	_ = 	snop  }
0x3b: {  	_ = 	snop  }
0x3c: {  	p2 =	seq.s32 s10, $0x1;
	s10 =	sld [smem:$0x3FB9]  }
0x3d: {  	_ =	shalt  }
0x3e: {  	_ =	shalt  }
0x3f: {  	_ =	shalt  }
0x40: {  	_ =	shalt  }
0x41: {  	_ =	shalt  }
0x42: {  	_ =	shalt  }
0x43: {  	_ =	shalt  }
0x44: {  	_ =	shalt  }
0x45: {  	_ =	shalt  }
0x46: {  	_ =	shalt  }
0x47: {  	_ =	shalt  }
0x48: {  	_ =	shalt  }
0x49: {  	_ =	shalt  }
0x4a: {  	_ =	shalt  }
0x4b: {  	_ =	shalt  }
0x4c: {  	_ =	shalt  }
0x4d: {  	_ =	shalt  }
0x4e: {  	_ =	shalt  }
0x4f: {  	_ =	shalt  }
0x50: {  	_ =	shalt  }
0x51: {  	_ =	shalt  }
0x52: {  	_ =	shalt  }
0x53: {  	_ =	shalt  }
0x54: {  	_ =	shalt  }
0x55: {  	_ =	shalt  }
0x56: {  	_ =	shalt  }
0x57: {  	_ =	shalt  }
0x58: {  	_ =	shalt  }
0x59: {  	_ =	shalt  }
0x5a: {  	_ =	shalt  }
0x5b: {  	_ =	shalt  }
0x5c: {  	_ =	shalt  }
0x5d: {  	_ =	shalt  }
0x5e: {  	_ =	shalt  }
0x5f: {  	_ =	shalt  }
0x60: {  	_ =	shalt  }
0x61: {  	_ =	shalt  }
0x62: {  	_ =	shalt  }
0x63: {  	_ =	shalt  }
0x64: {  	_ =	shalt  }
0x65: {  	_ =	shalt  }
0x66: {  	_ =	shalt  }
0x67: {  	_ =	shalt  }
0x68: {  	_ =	shalt  }
0x69: {  	_ =	shalt  }
0x6a: {  	_ =	shalt  }
0x6b: {  	_ =	shalt  }
0x6c: {  	_ =	shalt  }
0x6d: {  	_ =	shalt  }
0x6e: {  	_ =	shalt  }
0x6f: {  	_ =	shalt  }
0x70: {  	_ =	shalt  }
0x71: {  	_ =	shalt  }
0x72: {  	_ =	shalt  }
0x73: {  	_ =	shalt  }
0x74: {  	_ =	shalt  }
0x75: {  	_ =	shalt  }
0x76: {  	_ =	shalt  }
0x77: {  	_ =	shalt  }
0x78: {  	_ =	shalt  }
0x79: {  	_ =	shalt  }
0x7a: {  	_ =	shalt  }
0x7b: {  	_ =	shalt  }
0x7c: {  	_ =	shalt  }
0x7d: {  	_ =	shalt  }
0x7e: {  	_ =	shalt  }
0x7f: {  	_ =	shalt  }
0x80: {  	_ =	shalt  }
0x81: {  	_ =	shalt  }
0x82: {  	_ =	shalt  }
0x83: {  	_ =	shalt  }
0x84: {  	_ =	shalt  }
0x85: {  	_ =	shalt  }
0x86: {  	_ =	shalt  }
0x87: {  	_ =	shalt  }
.Lfunc_end0:
.L_simem_size_0:
called_computation_lowered:
.L_overlay_start_0:
0x88: {  	s2 =	sld [smem:$0x3FD9]  }
0x89: {  	s3 =	sld [smem:$0x3FFE];
	_ =	sdelay $0x1  }
0x8a: {  	s1 =	srdreg.scid  }
0x8b: {  	s0 =	sand.u32 $0x1, s1  }
0x8c: {  	s17 =	sshll.u32 s0, $0xA;
	s2 =	sadd.s32 s3, s2  }
0x8d: {  	s2 =	sadd.s32 s2, s17  }
0x8e: {  	[smem:$0x3FC5] =	sst s2  }
0x8f: {  	_ = 	snop  }
0x90: {  	s2 =	sld [smem:$0x3FD0];
	(tm) =	ssettm $0x1  }
0x91: {  	s18 =	sld [smem:$0x3FFB];
	_ =	sdelay $0x3  }
0x92: {  	_ =	strace s18  }
0x93: {  	s3 =	sld [smem:$0x3FFC];
	_ =	sdelay $0x3  }
0x94: {  	_ =	strace s3  }
0x95: {  	s3 =	sld [smem:$0x3FFD];
	_ =	sdelay $0x3  }
0x96: {  	_ =	strace s3  }
0x97: {  	_ =	strace $0x8FFFFFFF  }
0x98: {  	s19 =	sld [smem:$0x3FDB];
	_ =	sdelay $0x1  }
0x99: {  	s4 =	simm.s32 $_scs_section_size  }
0x9a: {  	s5 =	simm.s32 $_size__tile_overlayer_lowered;
	s6 =	simm.s32 $_tile_overlayer_lowered  }
0x9b: {  	s22 =	simm.s32 $0x1BFF;
	s21 =	sshll.u32 s6, $0x1;
	s3 =	sadd.s32 s4, s19  }
0x9c: {  	s7 =	simm.s32 $0x0;
	s20 =	sshll.u32 s5, $0x1;
	s5 =	sadd.s32 s21, s3  }
0x9d: {  	[timem:s7], [sflag:s22] =	dma.local [hbm:s5], s20  }
0x9e: {  	_ =	swait.ge [sflag:s22], s20  }
0x9f: {  	s4 =	ssub.s32 $0x0, s20;
	[sflag:s22] =	ssyncset.done $0x0  }
0xa0: {  	[sflag:s22] =	ssyncadd.s32 s4;
	_ =	sdelay $0x1  }
0xa1: {  	s23 =	simm.s32 $0x1B8B  }
0xa2: {  	_ =	swait.ge [sflag:s23], $0x1  }
0xa3: {  	[sflag:s23] =	ssyncset.done $0x0  }
0xa4: {  	s25 =	simm.s32 $0x1B8E;
	s24 =	sld [smem:$0x3FFE];
	[sflag:s23] =	ssyncadd.s32 $0xFFFFFFFF  }
0xa5: {  	s26 =	simm.s32 $execute0_lowered;
	[smem:$0x3FD2] =	sst s25  }
0xa6: {  	s5 =	sshll.u32 s26, $0x1;
	_ =	strace $0x80000046;
	[dreg:$0x1] =	wrdreg $0xFFFFFFFF  }
0xa7: {  	s28 =	simm.s32 $_size_execute0_lowered;
	s3 =	sadd.s32 s3, s5;
	[dreg:$0x0] =	wrdreg $0x0  }
0xa8: {  	s5 =	sshll.u32 s28, $0x1;
	[dreg:$0x2] =	wrdreg s3  }
0xa9: {  	[dreg:$0x3] =	wrdreg s5  }
0xaa: {  	[dreg:$0x4] =	wrdreg $0xC0  }
0xab: {  	_ =	task [dreg:s7], $0x5FFFF  }
0xac: {  	[dreg:$0x1] =	wrdreg $0xFFFFFFFF  }
0xad: {  	[dreg:$0x0] =	wrdreg $0x60  }
0xae: {  	[dreg:$0x2] =	wrdreg s2  }
0xaf: {  	[dreg:$0x3] =	wrdreg s24  }
0xb0: {  	[dreg:$0x4] =	wrdreg $0x9  }
0xb1: {  	_ =	task.clear_ibuf [dreg:s7], $0x5FFFF;
	_ =	strace $0x90000046  }
0xb2: {  	s29 =	simm.s32 $0x9;
	_ =	strace $0x80000048  }
0xb3: {  	_ =	swait.ge [sflag:s29], $0x1  }
0xb4: {  	[sflag:s29] =	ssyncadd.s32 $0xFFFFFFFF  }
0xb5: {  	_ =	strace $0x90000048  }
0xb6: {  	_ =	sfence  }
0xb7: {  	s30 =	sld [smem:$0x0];
	_ =	sdelay $0x2  }
0xb8: {  	s31 =	sshll.u32 s1, $0xD;
	s1 =	sshrl.u32 s1, $0x2  }
0xb9: {  	s3 =	sand.u32 $0x4000, s31;
	s1 =	sadd.s32 s1, s30  }
0xba: {  	s0 =	sor.u32 s3, s0;
	s1 =	sshll.u32 s1, $0x11  }
0xbb: {  	s0 =	sor.u32 s1, s0  }
0xbc: {  	s0 =	sadd.s32 $0x8F2B, s0  }
0xbd: {  	[sflag:s0] =	ssyncadd.remote.s32 $0x1  }
0xbe: {  	_ =	sfence.sel $0xFFFF  }
0xbf: {  	[dreg:$0x0] =	wrdreg $0xFFFFFFFF;
	(pc) =	sbr.abs _section_cstart, $3  }
0xc0: {  	[dreg:$0x1] =	wrdreg $0xFFFFFFFF  }
0xc1: {  	_ =	task.clear_ibuf [dreg:s7], $0x2FFFF;
	_ =	strace $0x9FFFFFFF  }
0xc2: {  	(tm) =	ssettm $0x7FFFFFFF  }
0xc3: {  	_ =	shalt  }
tec
execute0_lowered:
.L_overlay_start_1:
0x0: {  	(tag) =	ssettag $0x1  }
0x1: {  	s0 =	rddreg [dreg:$0x0];
	s1 =	srdreg.scid  }
0x2: {  	s3 =	rddreg [dreg:$0x1];
	s7 =	stileid.u32;
	s2 =	simm.s32 $0x0  }
0x3: {  	s5 =	simm.s32 $0x1;
	s13 =	simm.s32 $0x2000;
	s14 =	simm.s32 $0x8000  }
0x4: {  	s18 =	simm.s32 $0x7;
	s20 =	simm.s32 $0x2;
	s22 =	simm.s32 $0x3  }
0x5: {  	s23 =	simm.s32 $0x4;
	s28 =	simm.s32 $0x0;
	s1 =	sand.u32 $0x1, s1  }
0x6: {  	[smem:$0x7FF] =	sst s2;
	s25 =	sadd.s32 $0xE00, s3;
	s4 =	sor.u32 s1, s7  }
0x7: {  	s6 =	sadd.s32 $0xA00, s3;
	p1 =	seq.s32 s1, $0x1;
	p0 =	seq.s32 s4, $0x0  }
0x8: {  	s26 =	sadd.s32 $0xC00, s3;
	s3 =	sadd.s32 $0x20E00, s3;
	p0 =	por !p0, !p1  }
0x9: {  	_ =	strace $0x80000047;
	[dreg:$0x3] =	wrdreg s6;
	p0 =	por !p0, !p0  }
0xa: {  	[dreg:$0x4] =	wrdreg s26;
	s29 =	ssub.s32 $0x2, s1;
	s5 =	simm.s32 @!p0 $0x0  }
0xb: {  	s8 =	sshll.u32 s1, $0xE;
	s1 =	sshll.u32 s1, $0xB;
	s5 =	ssub.s32 s7, s5  }
0xc: {  	s26 =	simm.s32 $0x6;
	s30 =	sshrl.u32 s29, $0x1;
	s5 =	sshll.u32 s5, $0x10  }
0xd: {  	s12 =	ssub.s32 s29, s30;
	s9 =	sshrl.u32 s5, $0x3;
	s5 =	sor.u32 s5, s8  }
0xe: {  	s12 =	smax.u32 s12, $0x1;
	s1 =	sor.u32 s1, s9;
	s31 =	sor.u32 $0x2000, s5  }
0xf: {  	s5 =	simm.s32 $0x1;
	s6 =	sadd.s32 s0, s1;
	s11 =	sshrl.u32 s31, $0x3  }
0x10: {  	s7 =	sadd.s32 s25, s1;
	s10 =	sadd.s32 s3, s1;
	s8 =	sadd.s32 s0, s11  }
0x11: {  	s9 =	sadd.s32 s25, s11;
	s11 =	sadd.s32 s3, s11;
	s25 =	simm.s32 $0x5  }
.LBB2_1:
0x12: {  	[tilespmem:s2], [sflag:$0x1] =	stream.strided.gather [hbm4b:s6+s13], $0x4000, s14, s13, $0x38;
	[tilespmem:$0x19000] =	vst v63  }
0x13: {  	_ = 	snop  }
0x14: {  	[tilespmem:s14], [sflag:$0x2] =	stream.strided.gather [hbm4b:s7+s13], $0x4000, s14, s13, $0x38;
	[tilespmem:$0x19000] =	vst v63  }
0x15: {  	s0 =	simm.s32 $0x4000  }
0x16: {  	[tilespmem:s0], [sflag:$0x3] =	stream.strided.gather [hbm4b:s8+s13], $0x4000, s14, s13, $0x38;
	[tilespmem:$0x19000] =	vst v63  }
0x17: {  	s17 =	simm.s32 $0xC000  }
0x18: {  	[tilespmem:s17], [sflag:$0x4] =	stream.strided.gather [hbm4b:s9+s13], $0x4000, s14, s13, $0x38;
	[tilespmem:$0x19000] =	vst v63  }
0x19: {  	s19 =	rddreg [dreg:$0x3];
	s1 =	simm.s32 $0x18000  }
0x1a: {  	[tilespmem:s1], [sflag:$0x7] =	stream.linear.gather [hbm4b:s19+s2], $0x800, $0x38;
	[tilespmem:$0x19000] =	vst v63  }
0x1b: {  	_ =	swait.ge [sflag:s18], $0x800  }
0x1c: {  	[sflag:s18] =	ssyncset.done $0x0  }
0x1d: {  	s24 =	simm.s32 $0x18800;
	s21 =	rddreg [dreg:$0x4];
	[sflag:s18] =	ssyncadd.s32 $0xFFFFF800  }
0x1e: {  	[tilespmem:s24], [sflag:$0x7] =	stream.linear.gather [hbm4b:s21+s2], $0x800, $0x38;
	[tilespmem:$0x19000] =	vst v63  }
0x1f: {  	_ =	swait.ge [sflag:s18], $0x800  }
0x20: {  	[sflag:s18] =	ssyncset.done $0x0  }
0x21: {  	[sflag:s18] =	ssyncadd.s32 $0xFFFFF800  }
0x22: {  	_ =	swait.ge [sflag:s5], $0x4000  }
0x23: {  	[sflag:s5] =	ssyncset.done $0x0  }
0x24: {  	[sflag:s5] =	ssyncadd.s32 $0xFFFFC000  }
0x25: {  	_ =	swait.ge [sflag:s20], $0x4000  }
0x26: {  	s29 =	simm.s32 $0xFFFFFFFE;
	s30 =	simm.s32 $0x0;
	[sflag:s20] =	ssyncset.done $0x0  }
0x27: {  	s31 =	simm.s32 $0x0;
	s0 =	simm.s32 $0x0;
	[sflag:s20] =	ssyncadd.s32 $0xFFFFC000  }
.LBB2_2:
0x28: {  	s1 =	sand.u32 $0x60, s30;
	s3 =	sand.u32 $0x1C00, s0;
	v34 =	vld [tilespmem:$0x18800]  }
0x29: {  	v24 =	vld [tilespmem:$0x18880];
	s1 =	sor.u32 s1, s3  }
0x2a: {  	v0 =	vld [tilespmem:s1+$0x0]  }
0x2b: {  	v1 =	vld [tilespmem:s1+$0x80];
	_ =	sdelay $0x1  }
0x2c: {  	v26 =	vld [tilespmem:$0x18900]  }
0x2d: {  	v7 =	vld [tilespmem:s1+$0x100]  }
0x2e: {  	v8 =	vmul.f32 v34, v0  }
0x2f: {  	v11 =	vmul.f32 v24, v1  }
0x30: {  	v2 =	vand.u32 $0x7FFFFFFF, v8  }
0x31: {  	v3 =	vand.u32 $0x7FFFFFFF, v11;
	v2 =	vsub.f32 $0.0e+00, v2  }
0x32: {  	v9 =	vmul.f32 v26, v7;
	v3 =	vsub.f32 $0.0e+00, v3  }
0x33: {  	v2 =	vmul.f32 $1.442695020e+00, v2  }
0x34: {  	v44 =	vand.u32 $0x7FFFFFFF, v9;
	v43 =	vmul.f32 $1.442695020e+00, v3  }
0x35: {  	v3 =	vsub.f32 $0.0e+00, v44;
	(erf) = vpow2.f32 v2  }
0x36: {  	(erf) = vpow2.f32 v43  }
0x37: {  	v5 =	vmul.f32 $1.442695020e+00, v3;
	_ =	sdelay $0x1  }
0x38: {  	(erf) = vpow2.f32 v5;
	_ =	sdelay $0x1  }
0x39: {  	v13 =	vld [tilespmem:$0x18980]  }
0x3a: {  	v2 =	vld [tilespmem:s1+$0x180];
	_ =	sdelay $0x1  }
0x3b: {  	v6 =	vpop (erf)  }
0x3c: {  	v4 =	vmul.f32 $6.074877460e-03, v6;
	v12 =	vpop (erf)  }
0x3d: {  	v10 =	vmul.f32 $6.074877460e-03, v12  }
0x3e: {  	v3 =	vmul.f32 v13, v2;
	v4 =	vsub.f32 $3.441859410e-02, v4  }
0x3f: {  	v14 =	vpop (erf);
	v45 =	vsub.f32 $3.441859410e-02, v10  }
0x40: {  	v46 =	vand.u32 $0x7FFFFFFF, v3;
	v48 =	vmul.f32 $6.074877460e-03, v14;
	v4 =	vmul.f32 v4, v6  }
0x41: {  	v10 =	vsub.f32 $0.0e+00, v46;
	v5 =	vmul.f32 v45, v12  }
0x42: {  	[tilespmem:$0x1FFB0] =	vst v13;
	v13 =	vsub.f32 $3.441859410e-02, v48;
	v4 =	vadd.f32 $-9.231376640e-02, v4  }
0x43: {  	v10 =	vmul.f32 $1.442695020e+00, v10;
	v5 =	vadd.f32 $-9.231376640e-02, v5  }
0x44: {  	v15 =	vmul.f32 v13, v14;
	v4 =	vmul.f32 v4, v6  }
0x45: {  	v33 =	vld [tilespmem:$0x18A00];
	(erf) = vpow2.f32 v10;
	v5 =	vmul.f32 v5, v12  }
0x46: {  	v47 =	vadd.f32 $1.647834930e-01, v4;
	v4 =	vld [tilespmem:s1+$0x200]  }
0x47: {  	v15 =	vadd.f32 $-9.231376640e-02, v15;
	v5 =	vadd.f32 $1.647834930e-01, v5  }
0x48: {  	v10 =	vmul.f32 v47, v6  }
0x49: {  	v23 =	vld [tilespmem:$0x18000];
	v15 =	vmul.f32 v15, v14;
	v5 =	vmul.f32 v5, v12  }
0x4a: {  	v10 =	vadd.f32 $-2.391907130e-01, v10  }
0x4b: {  	v15 =	vadd.f32 $1.647834930e-01, v15;
	v5 =	vadd.f32 $-2.391907130e-01, v5;
	v13 =	vmul.f32 v33, v4  }
0x4c: {  	v10 =	vmul.f32 v10, v6  }
0x4d: {  	v15 =	vmul.f32 v15, v14;
	v5 =	vmul.f32 v5, v12;
	v18 =	vand.u32 $0x7FFFFFFF, v13  }
0x4e: {  	v29 =	vld [tilespmem:$0x18100];
	v0 =	vmul.f32 v23, v0;
	v16 =	vpop (erf);
	v10 =	vadd.f32 $3.313339950e-01, v10;
	v18 =	vsub.f32 $0.0e+00, v18  }
0x4f: {  	v15 =	vadd.f32 $-2.391907130e-01, v15;
	v17 =	vmul.f32 $6.074877460e-03, v16;
	v20 =	vadd.f32 $3.313339950e-01, v5  }
0x50: {  	v25 =	vld [tilespmem:$0x18A80];
	v10 =	vmul.f32 v10, v6;
	v18 =	vmul.f32 $1.442695020e+00, v18  }
0x51: {  	v15 =	vmul.f32 v15, v14;
	v5 =	vld [tilespmem:s1+$0x280];
	v20 =	vmul.f32 v20, v12  }
0x52: {  	v17 =	vsub.f32 $3.441859410e-02, v17;
	v10 =	vadd.f32 $-4.998011590e-01, v10;
	(erf) = vpow2.f32 v18  }
0x53: {  	v31 =	vmul.f32 v29, v7;
	v15 =	vadd.f32 $3.313339950e-01, v15;
	v20 =	vadd.f32 $-4.998011590e-01, v20  }
0x54: {  	s21 =	sand.u32 $0x3, s31;
	v17 =	vmul.f32 v17, v16;
	v10 =	vmul.f32 v10, v6  }
0x55: {  	s3 =	sshll.u32 s21, $0x5;
	v15 =	vmul.f32 v15, v14;
	v20 =	vmul.f32 v20, v12  }
0x56: {  	s21 =	sadd.s32 s3, s0;
	v17 =	vadd.f32 $-9.231376640e-02, v17;
	v49 =	vadd.f32 $9.999914760e-01, v10;
	v10 =	vmul.f32 v25, v5  }
0x57: {  	v27 =	vld [tilespmem:$0x18B00];
	s15 =	sor.u32 $0x300, s21;
	v8 =	vmax.f32 v8, $0.0e+00;
	v15 =	vadd.f32 $-4.998011590e-01, v15;
	v20 =	vadd.f32 $9.999914760e-01, v20  }
0x58: {  	v17 =	vmul.f32 v17, v16;
	v18 =	vmul.f32 v49, v6;
	v50 =	vand.u32 $0x7FFFFFFF, v10;
	v6 =	vld [tilespmem:s15+$0x0]  }
0x59: {  	v21 =	vld [tilespmem:s1+$0x8000];
	v15 =	vmul.f32 v15, v14;
	v28 =	vsub.f32 $0.0e+00, v50;
	v12 =	vmul.f32 v20, v12  }
0x5a: {  	v30 =	vld [tilespmem:$0x18B80];
	v11 =	vmax.f32 v11, $0.0e+00;
	v17 =	vadd.f32 $1.647834930e-01, v17;
	v18 =	vadd.f32 $9.083786520e-08, v18  }
0x5b: {  	v55 =	vadd.f32 $9.999914760e-01, v15;
	v28 =	vmul.f32 $1.442695020e+00, v28;
	v12 =	vadd.f32 $9.083786520e-08, v12;
	v32 =	vpop (erf)  }
0x5c: {  	s24 =	sor.u32 s30, s0;
	v20 =	vld [tilespmem:$0x18080];
	v17 =	vmul.f32 v17, v16;
	v8 =	vadd.f32 v18, v8;
	v51 =	vmul.f32 $6.074877460e-03, v32  }
0x5d: {  	s16 =	sor.u32 $0x380, s24;
	v22 =	vld [tilespmem:s1+$0x8080];
	(erf) = vpow2.f32 v28;
	v11 =	vadd.f32 v12, v11;
	v12 =	vmul.f32 v27, v6  }
0x5e: {  	v9 =	vmax.f32 v9, $0.0e+00;
	v17 =	vadd.f32 $-2.391907130e-01, v17;
	v18 =	vmul.f32 v8, v21;
	v8 =	vld [tilespmem:s16+$0x0]  }
0x5f: {  	v14 =	vmul.f32 v55, v14;
	v21 =	vsub.f32 $3.441859410e-02, v51;
	v52 =	vand.u32 $0x7FFFFFFF, v12  }
0x60: {  	v3 =	vmax.f32 v3, $0.0e+00;
	v17 =	vmul.f32 v17, v16;
	v54 =	vsub.f32 $0.0e+00, v52  }
0x61: {  	v38 =	vld [tilespmem:s1+$0x8100];
	v14 =	vadd.f32 $9.083786520e-08, v14;
	v1 =	vmul.f32 v20, v1;
	v53 =	vmul.f32 v21, v32  }
0x62: {  	v7 =	vld [tilespmem:s1+$0x2080];
	v11 =	vmul.f32 v11, v22;
	v17 =	vadd.f32 $3.313339950e-01, v17;
	v21 =	vmul.f32 $1.442695020e+00, v54  }
0x63: {  	v22 =	vld [tilespmem:$0x18C00];
	v0 =	vadd.f32 v18, v0;
	v18 =	vadd.f32 $-9.231376640e-02, v53;
	v15 =	vmul.f32 v30, v8  }
0x64: {  	v19 =	vadd.f32 v11, v1;
	v17 =	vmul.f32 v17, v16;
	v11 =	vld [tilespmem:s1+$0x2000];
	(erf) = vpow2.f32 v21  }
0x65: {  	v14 =	vadd.f32 v14, v9;
	v18 =	vmul.f32 v18, v32;
	v21 =	vld [tilespmem:$0x18C80];
	v57 =	vand.u32 $0x7FFFFFFF, v15  }
0x66: {  	v13 =	vmax.f32 v13, $0.0e+00;
	v17 =	vadd.f32 $-4.998011590e-01, v17;
	v36 =	vpop (erf);
	v37 =	vsub.f32 $0.0e+00, v57  }
0x67: {  	v14 =	vmul.f32 v14, v38;
	v18 =	vadd.f32 $1.647834930e-01, v18;
	v35 =	vmul.f32 $6.074877460e-03, v36  }
0x68: {  	v56 =	vmax.f32 v0, v19;
	v17 =	vmul.f32 v17, v16;
	v37 =	vmul.f32 $1.442695020e+00, v37  }
0x69: {  	v18 =	vmul.f32 v18, v32;
	v39 =	vsub.f32 $3.441859410e-02, v35;
	v35 =	vmul.f32 v22, v11  }
0x6a: {  	v17 =	vadd.f32 $9.999914760e-01, v17;
	v9 =	vmul.f32 v21, v7;
	(erf) = vpow2.f32 v37  }
0x6b: {  	v59 =	vadd.f32 $-2.391907130e-01, v18;
	v58 =	vmul.f32 v39, v36;
	v60 =	vand.u32 $0x7FFFFFFF, v35  }
0x6c: {  	v38 =	vld [tilespmem:$0x18300];
	v1 =	vmovc v0;
	[tilespmem:$0x1FFC0] =	vst v0;
	v0 =	vadd.f32 v14, v31;
	v16 =	vmul.f32 v17, v16;
	v62 =	vsub.f32 $0.0e+00, v60  }
0x6d: {  	v45 =	vand.u32 $0x7FFFFFFF, v9;
	v17 =	vmul.f32 v59, v32;
	v61 =	vadd.f32 $-9.231376640e-02, v58;
	v40 =	vpop (erf)  }
0x6e: {  	v31 =	vld [tilespmem:$0x18200];
	v39 =	vsub.f32 $0.0e+00, v45;
	v63 =	vmul.f32 $1.442695020e+00, v62;
	v42 =	vmul.f32 $6.074877460e-03, v40  }
0x6f: {  	v28 =	vmax.f32 v56, v0;
	v18 =	vld [tilespmem:$0x18180];
	v17 =	vadd.f32 $3.313339950e-01, v17;
	v37 =	vmul.f32 v61, v36  }
0x70: {  	v39 =	vmul.f32 $1.442695020e+00, v39;
	(erf) = vpow2.f32 v63;
	v46 =	vsub.f32 $3.441859410e-02, v42  }
0x71: {  	v41 =	vld [tilespmem:s1+$0x8180];
	v6 =	vmul.f32 v38, v6;
	v17 =	vmul.f32 v17, v32;
	v37 =	vadd.f32 $1.647834930e-01, v37  }
0x72: {  	v16 =	vadd.f32 $9.083786520e-08, v16;
	(erf) = vpow2.f32 v39;
	v49 =	vmul.f32 v46, v40  }
0x73: {  	v4 =	vmul.f32 v31, v4;
	v45 =	vld [tilespmem:$0x18280];
	v17 =	vadd.f32 $-4.998011590e-01, v17;
	v48 =	vmul.f32 v37, v36  }
0x74: {  	v3 =	vadd.f32 v16, v3;
	v47 =	vmul.f32 v18, v2;
	v43 =	vpop (erf);
	v37 =	vadd.f32 $-9.231376640e-02, v49  }
0x75: {  	v50 =	vmul.f32 $6.074877460e-03, v43;
	v17 =	vmul.f32 v17, v32;
	v16 =	vadd.f32 $-2.391907130e-01, v48  }
0x76: {  	v15 =	vmax.f32 v15, $0.0e+00;
	v3 =	vmul.f32 v3, v41;
	v37 =	vmul.f32 v37, v40  }
0x77: {  	v14 =	vsub.f32 $3.441859410e-02, v50;
	v17 =	vadd.f32 $9.999914760e-01, v17;
	v16 =	vmul.f32 v16, v36  }
0x78: {  	v2 =	vadd.f32 v3, v47;
	v5 =	vmul.f32 v45, v5;
	v51 =	vadd.f32 $1.647834930e-01, v37  }
0x79: {  	v14 =	vmul.f32 v14, v43;
	v17 =	vmul.f32 v17, v32;
	v16 =	vadd.f32 $3.313339950e-01, v16;
	v44 =	vpop (erf)  }
0x7a: {  	v41 =	vmax.f32 v28, v2;
	v52 =	vmul.f32 $6.074877460e-03, v44;
	v28 =	vmul.f32 v51, v40  }
0x7b: {  	v53 =	vld [tilespmem:s1+$0x8200];
	v14 =	vadd.f32 $-9.231376640e-02, v14;
	v17 =	vadd.f32 $9.083786520e-08, v17;
	v47 =	vpop (erf);
	v16 =	vmul.f32 v16, v36  }
0x7c: {  	v54 =	vmul.f32 $6.074877460e-03, v47;
	v32 =	vsub.f32 $3.441859410e-02, v52;
	v28 =	vadd.f32 $-2.391907130e-01, v28  }
0x7d: {  	v14 =	vmul.f32 v14, v43;
	v13 =	vadd.f32 v17, v13;
	v16 =	vadd.f32 $-4.998011590e-01, v16  }
0x7e: {  	v46 =	vld [tilespmem:$0x18D80];
	v52 =	vmax.f32 v10, $0.0e+00;
	v56 =	vsub.f32 $3.441859410e-02, v54;
	v55 =	vmul.f32 v32, v44  }
0x7f: {  	v10 =	vld [tilespmem:s1+$0x2180];
	v14 =	vadd.f32 $1.647834930e-01, v14;
	v28 =	vmul.f32 v28, v40;
	v16 =	vmul.f32 v16, v36  }
0x80: {  	v42 =	vld [tilespmem:s1+$0x2100];
	v13 =	vmul.f32 v13, v53;
	v32 =	vmul.f32 v56, v47;
	v17 =	vadd.f32 $-9.231376640e-02, v55  }
0x81: {  	v48 =	vld [tilespmem:$0x18D00];
	v14 =	vmul.f32 v14, v43;
	v28 =	vadd.f32 $3.313339950e-01, v28;
	v16 =	vadd.f32 $9.999914760e-01, v16  }
0x82: {  	v4 =	vadd.f32 v13, v4;
	v60 =	vadd.f32 $-9.231376640e-02, v32;
	v58 =	vmul.f32 v17, v44  }
0x83: {  	v57 =	vadd.f32 $-2.391907130e-01, v14;
	v59 =	vmul.f32 v28, v40;
	v16 =	vmul.f32 v16, v36  }
0x84: {  	v39 =	vmul.f32 v46, v10;
	v63 =	vmul.f32 v60, v47;
	v14 =	vadd.f32 $1.647834930e-01, v58  }
0x85: {  	v13 =	vmul.f32 v57, v43;
	v62 =	vadd.f32 $-4.998011590e-01, v59;
	v61 =	vadd.f32 $9.083786520e-08, v16  }
0x86: {  	v3 =	vld [tilespmem:s1+$0x8280];
	v17 =	vadd.f32 $1.647834930e-01, v63;
	v16 =	vmul.f32 v48, v42;
	v14 =	vmul.f32 v14, v44  }
0x87: {  	v13 =	vadd.f32 $3.313339950e-01, v13;
	v53 =	vmul.f32 v62, v40;
	v32 =	vadd.f32 v61, v52  }
0x88: {  	v17 =	vmul.f32 v17, v47;
	v55 =	vand.u32 $0x7FFFFFFF, v16;
	v14 =	vadd.f32 $-2.391907130e-01, v14  }
0x89: {  	v61 =	vand.u32 $0x7FFFFFFF, v39;
	v13 =	vmul.f32 v13, v43;
	v54 =	vadd.f32 $9.999914760e-01, v53  }
0x8a: {  	v37 =	vsub.f32 $0.0e+00, v55;
	v17 =	vadd.f32 $-2.391907130e-01, v17;
	v14 =	vmul.f32 v14, v44  }
0x8b: {  	v49 =	vld [tilespmem:s15+$0x8000];
	v32 =	vmul.f32 v32, v3;
	v3 =	vsub.f32 $0.0e+00, v61;
	v13 =	vadd.f32 $-4.998011590e-01, v13  }
0x8c: {  	v50 =	vld [tilespmem:s16+$0x8000];
	v56 =	vmul.f32 v54, v40;
	v57 =	vmul.f32 $1.442695020e+00, v37;
	v14 =	vadd.f32 $3.313339950e-01, v14  }
0x8d: {  	v28 =	vld [tilespmem:$0x18380];
	v59 =	vmul.f32 v17, v47;
	v5 =	vadd.f32 v32, v5;
	v13 =	vmul.f32 v13, v43  }
0x8e: {  	v36 =	vld [tilespmem:$0x18E80];
	v58 =	vadd.f32 $9.083786520e-08, v56;
	(erf) = vpow2.f32 v57;
	v51 =	vmul.f32 v14, v44  }
0x8f: {  	v52 =	vmax.f32 v12, $0.0e+00;
	v32 =	vld [tilespmem:$0x18E00];
	v60 =	vadd.f32 $3.313339950e-01, v59;
	v13 =	vadd.f32 $9.999914760e-01, v13  }
0x90: {  	v14 =	vld [tilespmem:s1+$0x2200];
	v52 =	vadd.f32 v58, v52;
	v58 =	vmul.f32 $1.442695020e+00, v3;
	v63 =	vadd.f32 $-4.998011590e-01, v51  }
0x91: {  	v9 =	vmax.f32 v9, $0.0e+00;
	v12 =	vld [tilespmem:s1+$0x2280];
	v56 =	vmul.f32 v60, v47;
	v13 =	vmul.f32 v13, v43  }
0x92: {  	v62 =	vmax.f32 v41, v4;
	v8 =	vmul.f32 v28, v8;
	v37 =	vld [tilespmem:$0x18F00];
	v57 =	vmul.f32 v63, v44  }
0x93: {  	s17 =	sor.u32 $0x2300, s21;
	v40 =	vld [tilespmem:$0x18F80];
	(erf) = vpow2.f32 v58;
	v43 =	vadd.f32 $-4.998011590e-01, v56;
	v59 =	vadd.f32 $9.083786520e-08, v13  }
0x94: {  	s19 =	sor.u32 $0x2380, s24;
	v41 =	vmul.f32 v52, v49;
	v52 =	vmax.f32 v62, v5;
	v13 =	vld [tilespmem:s17+$0x0];
	v53 =	vadd.f32 $9.999914760e-01, v57  }
0x95: {  	v43 =	vmul.f32 v43, v47;
	v51 =	vmul.f32 v32, v14;
	v60 =	vadd.f32 v59, v15;
	v15 =	vld [tilespmem:s19+$0x0]  }
0x96: {  	v56 =	vmax.f32 v35, $0.0e+00;
	v6 =	vadd.f32 v41, v6;
	v44 =	vmul.f32 v53, v44  }
0x97: {  	v43 =	vadd.f32 $9.999914760e-01, v43;
	v54 =	vpop (erf);
	v63 =	vand.u32 $0x7FFFFFFF, v51;
	v53 =	vmul.f32 v60, v50  }
0x98: {  	v61 =	vmul.f32 $6.074877460e-03, v54;
	v55 =	vadd.f32 $9.083786520e-08, v44;
	v44 =	vmul.f32 v36, v12  }
0x99: {  	v43 =	vmul.f32 v43, v47;
	v50 =	vmul.f32 v37, v13;
	v47 =	vsub.f32 $0.0e+00, v63  }
0x9a: {  	v62 =	vsub.f32 $3.441859410e-02, v61;
	v49 =	vmul.f32 v40, v15;
	v57 =	vand.u32 $0x7FFFFFFF, v44  }
0x9b: {  	v17 =	vld [tilespmem:$0x18400];
	v63 =	vand.u32 $0x7FFFFFFF, v50;
	v47 =	vmul.f32 $1.442695020e+00, v47;
	v3 =	vsub.f32 $0.0e+00, v57  }
0x9c: {  	v35 =	vld [tilespmem:$0x18480];
	v58 =	vmul.f32 v62, v54;
	v57 =	vsub.f32 $0.0e+00, v63;
	v60 =	vand.u32 $0x7FFFFFFF, v49  }
0x9d: {  	v61 =	vld [tilespmem:s1+$0xA000];
	v59 =	vpop (erf);
	(erf) = vpow2.f32 v47;
	v60 =	vsub.f32 $0.0e+00, v60;
	v63 =	vmul.f32 $1.442695020e+00, v3  }
0x9e: {  	v62 =	vmul.f32 $6.074877460e-03, v59;
	v58 =	vadd.f32 $-9.231376640e-02, v58;
	v3 =	vmul.f32 $1.442695020e+00, v57  }
0x9f: {  	v55 =	vadd.f32 v55, v56;
	v60 =	vmul.f32 $1.442695020e+00, v60;
	(erf) = vpow2.f32 v63  }
0xa0: {  	v56 =	vld [tilespmem:s1+$0xA080];
	v58 =	vmul.f32 v58, v54;
	v63 =	vsub.f32 $3.441859410e-02, v62;
	(erf) = vpow2.f32 v3  }
0xa1: {  	v11 =	vmul.f32 v17, v11;
	v43 =	vadd.f32 $9.083786520e-08, v43;
	(erf) = vpow2.f32 v60  }
0xa2: {  	v52 =	vmax.f32 v52, v6;
	v3 =	vadd.f32 $1.647834930e-01, v58;
	v47 =	vmul.f32 v63, v59  }
0xa3: {  	v9 =	vadd.f32 v43, v9;
	v55 =	vmul.f32 v55, v61;
	v60 =	vmul.f32 v35, v7  }
0xa4: {  	v7 =	vadd.f32 v53, v8;
	v43 =	vmul.f32 v3, v54;
	v61 =	vadd.f32 $-9.231376640e-02, v47  }
0xa5: {  	v9 =	vmul.f32 v9, v56;
	v8 =	vadd.f32 v55, v11  }
0xa6: {  	v62 =	vmax.f32 v52, v7;
	v43 =	vadd.f32 $-2.391907130e-01, v43;
	v52 =	vpop (erf);
	v11 =	vmul.f32 v61, v59  }
0xa7: {  	v16 =	vmax.f32 v16, $0.0e+00;
	v9 =	vadd.f32 v9, v60;
	v63 =	vmul.f32 $6.074877460e-03, v52  }
0xa8: {  	v47 =	vmax.f32 v62, v8;
	v43 =	vmul.f32 v43, v54;
	v11 =	vadd.f32 $1.647834930e-01, v11;
	v55 =	vpop (erf)  }
0xa9: {  	v53 =	vmax.f32 v47, v9;
	v47 =	vsub.f32 $3.441859410e-02, v63;
	v3 =	vmul.f32 $6.074877460e-03, v55;
	v57 =	vpop (erf)  }
0xaa: {  	v43 =	vadd.f32 $3.313339950e-01, v43;
	v11 =	vmul.f32 v11, v59;
	v58 =	vmul.f32 $6.074877460e-03, v57;
	v60 =	vpop (erf)  }
0xab: {  	v47 =	vmul.f32 v47, v52;
	v56 =	vsub.f32 $3.441859410e-02, v3;
	v3 =	vmul.f32 $6.074877460e-03, v60  }
0xac: {  	v43 =	vmul.f32 v43, v54;
	v11 =	vadd.f32 $-2.391907130e-01, v11;
	v58 =	vsub.f32 $3.441859410e-02, v58  }
0xad: {  	v47 =	vadd.f32 $-9.231376640e-02, v47;
	v56 =	vmul.f32 v56, v55;
	v61 =	vsub.f32 $3.441859410e-02, v3  }
0xae: {  	v43 =	vadd.f32 $-4.998011590e-01, v43;
	v11 =	vmul.f32 v11, v59;
	v58 =	vmul.f32 v58, v57  }
0xaf: {  	v47 =	vmul.f32 v47, v52;
	v56 =	vadd.f32 $-9.231376640e-02, v56;
	v61 =	vmul.f32 v61, v60  }
0xb0: {  	v43 =	vmul.f32 v43, v54;
	v11 =	vadd.f32 $3.313339950e-01, v11;
	v58 =	vadd.f32 $-9.231376640e-02, v58  }
0xb1: {  	v47 =	vadd.f32 $1.647834930e-01, v47;
	v56 =	vmul.f32 v56, v55;
	v61 =	vadd.f32 $-9.231376640e-02, v61  }
0xb2: {  	v43 =	vadd.f32 $9.999914760e-01, v43;
	v11 =	vmul.f32 v11, v59;
	v58 =	vmul.f32 v58, v57  }
0xb3: {  	v47 =	vmul.f32 v47, v52;
	v56 =	vadd.f32 $1.647834930e-01, v56;
	v61 =	vmul.f32 v61, v60  }
0xb4: {  	v43 =	vmul.f32 v43, v54;
	v11 =	vadd.f32 $-4.998011590e-01, v11;
	v63 =	vadd.f32 $1.647834930e-01, v58  }
0xb5: {  	v47 =	vadd.f32 $-2.391907130e-01, v47;
	v56 =	vmul.f32 v56, v55;
	v58 =	vadd.f32 $1.647834930e-01, v61  }
0xb6: {  	v43 =	vadd.f32 $9.083786520e-08, v43;
	v11 =	vmul.f32 v11, v59;
	v54 =	vmul.f32 v63, v57  }
0xb7: {  	v41 =	vld [tilespmem:$0x18500];
	v47 =	vmul.f32 v47, v52;
	v56 =	vadd.f32 $-2.391907130e-01, v56;
	v58 =	vmul.f32 v58, v60  }
0xb8: {  	v39 =	vmax.f32 v39, $0.0e+00;
	v11 =	vadd.f32 $9.999914760e-01, v11;
	v54 =	vadd.f32 $-2.391907130e-01, v54  }
0xb9: {  	v3 =	vld [tilespmem:s1+$0xA100];
	v63 =	vadd.f32 $3.313339950e-01, v47;
	v56 =	vmul.f32 v56, v55;
	v58 =	vadd.f32 $-2.391907130e-01, v58  }
0xba: {  	v16 =	vadd.f32 v43, v16;
	v47 =	vld [tilespmem:$0x18580];
	v11 =	vmul.f32 v11, v59;
	v54 =	vmul.f32 v54, v57  }
0xbb: {  	v59 =	vld [tilespmem:s1+$0xA180];
	v43 =	vmul.f32 v63, v52;
	v56 =	vadd.f32 $3.313339950e-01, v56;
	v58 =	vmul.f32 v58, v60  }
0xbc: {  	v42 =	vmul.f32 v41, v42;
	v11 =	vadd.f32 $9.083786520e-08, v11;
	v54 =	vadd.f32 $3.313339950e-01, v54  }
0xbd: {  	v43 =	vadd.f32 $-4.998011590e-01, v43;
	v56 =	vmul.f32 v56, v55;
	v58 =	vadd.f32 $3.313339950e-01, v58  }
0xbe: {  	v16 =	vmul.f32 v16, v3;
	v11 =	vadd.f32 v11, v39;
	v54 =	vmul.f32 v54, v57  }
0xbf: {  	v3 =	vmul.f32 v43, v52;
	v39 =	vadd.f32 $-4.998011590e-01, v56;
	v56 =	vmul.f32 v58, v60  }
0xc0: {  	v58 =	vmul.f32 v47, v10;
	v11 =	vmul.f32 v11, v59;
	v54 =	vadd.f32 $-4.998011590e-01, v54  }
0xc1: {  	v43 =	vld [tilespmem:$0x18600];
	v61 =	vadd.f32 $9.999914760e-01, v3;
	v39 =	vmul.f32 v39, v55;
	v56 =	vadd.f32 $-4.998011590e-01, v56  }
0xc2: {  	v10 =	vadd.f32 v16, v42;
	v16 =	vld [tilespmem:s1+$0xA200];
	v11 =	vadd.f32 v11, v58;
	v54 =	vmul.f32 v54, v57  }
0xc3: {  	v58 =	vld [tilespmem:s1+$0xA280];
	v42 =	vmul.f32 v61, v52;
	v62 =	vadd.f32 $9.999914760e-01, v39;
	v56 =	vmul.f32 v56, v60  }
0xc4: {  	v51 =	vmax.f32 v51, $0.0e+00;
	v39 =	vld [tilespmem:$0x18680];
	v63 =	vadd.f32 $9.999914760e-01, v54  }
0xc5: {  	v61 =	vadd.f32 $9.083786520e-08, v42;
	v42 =	vld [tilespmem:$0x18700];
	v3 =	vmul.f32 v62, v55;
	v56 =	vadd.f32 $9.999914760e-01, v56  }
0xc6: {  	v50 =	vmax.f32 v50, $0.0e+00;
	v49 =	vmax.f32 v49, $0.0e+00;
	v55 =	vld [tilespmem:s17+$0x8000];
	v52 =	vmul.f32 v63, v57  }
0xc7: {  	v53 =	vmax.f32 v53, v10;
	v62 =	vld [tilespmem:s19+$0x8000];
	v54 =	vadd.f32 $9.083786520e-08, v3;
	v56 =	vmul.f32 v56, v60  }
0xc8: {  	v51 =	vadd.f32 v61, v51;
	v63 =	vmax.f32 v44, $0.0e+00;
	v44 =	vld [tilespmem:$0x18780];
	v52 =	vadd.f32 $9.083786520e-08, v52  }
0xc9: {  	v14 =	vmul.f32 v43, v14;
	v54 =	vadd.f32 v54, v63;
	v56 =	vadd.f32 $9.083786520e-08, v56  }
0xca: {  	v53 =	vmax.f32 v53, v11;
	v16 =	vmul.f32 v51, v16;
	v50 =	vadd.f32 v52, v50  }
0xcb: {  	v3 =	vmul.f32 v39, v12;
	v58 =	vmul.f32 v54, v58;
	v49 =	vadd.f32 v56, v49  }
0xcc: {  	v59 =	vmul.f32 v42, v13;
	v12 =	vadd.f32 v16, v14;
	v60 =	vmul.f32 v50, v55  }
0xcd: {  	v61 =	vmul.f32 v44, v15;
	v13 =	vadd.f32 v58, v3;
	v49 =	vmul.f32 v49, v62  }
0xce: {  	v62 =	vmax.f32 v53, v12;
	v15 =	vadd.f32 v60, v59  }
0xcf: {  	v63 =	vmax.f32 v62, v13;
	v14 =	vadd.f32 v49, v61  }
0xd0: {  	v16 =	vmax.f32 v63, v15  }
0xd1: {  	v16 =	vmax.f32 v16, v14  }
0xd2: {  	v1 =	vsub.f32 v1, v16;
	_ =	sdelay $0x1  }
0xd3: {  	v3 =	vsub.f32 v19, v16;
	v49 =	vmul.f32 $1.442695020e+00, v1;
	_ =	sdelay $0x1  }
0xd4: {  	[tilespmem:$0x1FFD0] =	vst v19;
	v19 =	vsub.f32 v0, v16;
	v50 =	vmul.f32 $1.442695020e+00, v3;
	(erf) = vpow2.f32 v49;
	_ =	sdelay $0x1  }
0xd5: {  	v52 =	vsub.f32 v2, v16;
	v49 =	vmul.f32 $1.442695020e+00, v19;
	(erf) = vpow2.f32 v50;
	_ =	sdelay $0x1  }
0xd6: {  	v54 =	vsub.f32 v4, v16;
	v53 =	vmul.f32 $1.442695020e+00, v52;
	(erf) = vpow2.f32 v49  }
0xd7: {  	v56 =	vsub.f32 v5, v16  }
0xd8: {  	v55 =	vmul.f32 $1.442695020e+00, v54;
	(erf) = vpow2.f32 v53  }
0xd9: {  	v58 =	vsub.f32 v6, v16;
	v57 =	vmul.f32 $1.442695020e+00, v56  }
0xda: {  	(erf) = vpow2.f32 v55  }
0xdb: {  	v62 =	vsub.f32 v7, v16;
	v61 =	vmul.f32 $1.442695020e+00, v58;
	v59 =	vpop (erf);
	(erf) = vpow2.f32 v57;
	_ =	sdelay $0x1  }
0xdc: {  	[tilespmem:$0x1FFE0] =	vst v0;
	v0 =	vsub.f32 v8, v16;
	v63 =	vmul.f32 $1.442695020e+00, v62;
	v60 =	vpop (erf);
	(erf) = vpow2.f32 v61  }
0xdd: {  	v51 =	vadd.f32 v60, v59  }
0xde: {  	[tilespmem:$0x1FFF0] =	vst v2;
	v2 =	vmul.f32 $1.442695020e+00, v0;
	v1 =	vpop (erf);
	(erf) = vpow2.f32 v63  }
0xdf: {  	v19 =	vsub.f32 v9, v16;
	v51 =	vadd.f32 v51, v1  }
0xe0: {  	v3 =	vpop (erf);
	(erf) = vpow2.f32 v2  }
0xe1: {  	v58 =	vsub.f32 v10, v16;
	v57 =	vmul.f32 $1.442695020e+00, v19;
	v50 =	vadd.f32 v51, v3  }
0xe2: {  	v61 =	vsub.f32 v11, v16;
	v56 =	vpop (erf)  }
0xe3: {  	v60 =	vmul.f32 $1.442695020e+00, v58;
	v49 =	vadd.f32 v50, v56;
	v59 =	vpop (erf);
	(erf) = vpow2.f32 v57  }
0xe4: {  	v0 =	vsub.f32 v12, v16  }
0xe5: {  	v63 =	vmul.f32 $1.442695020e+00, v61;
	v49 =	vadd.f32 v49, v59;
	v62 =	vpop (erf);
	(erf) = vpow2.f32 v60  }
0xe6: {  	v3 =	vsub.f32 v13, v16  }
0xe7: {  	v2 =	vmul.f32 $1.442695020e+00, v0;
	v1 =	vpop (erf);
	(erf) = vpow2.f32 v63;
	v49 =	vadd.f32 v49, v62  }
0xe8: {  	v56 =	vmul.f32 $1.442695020e+00, v3  }
0xe9: {  	v57 =	vsub.f32 v15, v16;
	v19 =	vpop (erf);
	(erf) = vpow2.f32 v2;
	v49 =	vadd.f32 v49, v1  }
0xea: {  	v59 =	vsub.f32 v14, v16  }
0xeb: {  	v58 =	vmul.f32 $1.442695020e+00, v57;
	(erf) = vpow2.f32 v56;
	v49 =	vadd.f32 v49, v19  }
0xec: {  	v60 =	vpop (erf)  }
0xed: {  	v61 =	vmul.f32 $1.442695020e+00, v59;
	(erf) = vpow2.f32 v58;
	v49 =	vadd.f32 v49, v60  }
0xee: {  	v62 =	vpop (erf)  }
0xef: {  	(erf) = vpow2.f32 v61;
	v49 =	vadd.f32 v49, v62  }
0xf0: {  	v51 =	vld [tilespmem:s1+$0x10];
	v63 =	vpop (erf)  }
0xf1: {  	v49 =	vadd.f32 v49, v63  }
0xf2: {  	v0 =	vpop (erf)  }
0xf3: {  	v56 =	vld [tilespmem:s1+$0x90];
	v49 =	vadd.f32 v49, v0  }
0xf4: {  	v1 =	vpop (erf)  }
0xf5: {  	v34 =	vmul.f32 v51, v34;
	v49 =	vadd.f32 v49, v1  }
0xf6: {  	v2 =	vpop (erf)  }
0xf7: {  	v3 =	vand.u32 $0x7FFFFFFF, v34;
	v49 =	vadd.f32 v49, v2  }
0xf8: {  	v50 =	vsub.f32 $0.0e+00, v3;
	v57 =	vmul.f32 v56, v24;
	v19 =	vpop (erf)  }
0xf9: {  	v49 =	vadd.f32 v49, v19  }
0xfa: {  	v50 =	vmul.f32 $1.442695020e+00, v50;
	v24 =	vand.u32 $0x7FFFFFFF, v57  }
0xfb: {  	v24 =	vsub.f32 $0.0e+00, v24;
	(erf) = vrcp.f32 v49  }
0xfc: {  	(erf) = vpow2.f32 v50  }
0xfd: {  	v24 =	vmul.f32 $1.442695020e+00, v24;
	_ =	sdelay $0x1  }
0xfe: {  	(erf) = vpow2.f32 v24;
	_ =	sdelay $0x3  }
0xff: {  	v58 =	vld [tilespmem:s1+$0x110]  }
0x100: {  	v24 =	vpop (erf)  }
0x101: {  	v52 =	vpop (erf)  }
0x102: {  	v54 =	vmul.f32 $6.074877460e-03, v52;
	_ =	sdelay $0x1  }
0x103: {  	v26 =	vmul.f32 v58, v26;
	v63 =	vld [tilespmem:$0x1FFB0];
	v59 =	vpop (erf);
	v49 =	vsub.f32 $3.441859410e-02, v54  }
0x104: {  	v50 =	vld [tilespmem:s1+$0x190];
	v61 =	vmul.f32 $6.074877460e-03, v59  }
0x105: {  	v55 =	vand.u32 $0x7FFFFFFF, v26;
	v49 =	vmul.f32 v49, v52  }
0x106: {  	v60 =	vsub.f32 $0.0e+00, v55;
	v54 =	vsub.f32 $3.441859410e-02, v61  }
0x107: {  	v49 =	vadd.f32 $-9.231376640e-02, v49  }
0x108: {  	v53 =	vmul.f32 $1.442695020e+00, v60;
	v62 =	vmul.f32 v54, v59  }
0x109: {  	v55 =	vmul.f32 v50, v63;
	v49 =	vmul.f32 v49, v52  }
0x10a: {  	(erf) = vpow2.f32 v53;
	v53 =	vadd.f32 $-9.231376640e-02, v62  }
0x10b: {  	v0 =	vand.u32 $0x7FFFFFFF, v55;
	v49 =	vadd.f32 $1.647834930e-01, v49  }
0x10c: {  	v19 =	vld [tilespmem:s1+$0x210];
	v54 =	vsub.f32 $0.0e+00, v0;
	v53 =	vmul.f32 v53, v59  }
0x10d: {  	v49 =	vmul.f32 v49, v52  }
0x10e: {  	v54 =	vmul.f32 $1.442695020e+00, v54;
	v53 =	vadd.f32 $1.647834930e-01, v53  }
0x10f: {  	v49 =	vadd.f32 $-2.391907130e-01, v49  }
0x110: {  	(erf) = vpow2.f32 v54;
	v53 =	vmul.f32 v53, v59  }
0x111: {  	v1 =	vmul.f32 v49, v52;
	v49 =	vmul.f32 v19, v33;
	_ =	sdelay $0x1  }
0x112: {  	v60 =	vpop (erf);
	v53 =	vadd.f32 $-2.391907130e-01, v53;
	v3 =	vand.u32 $0x7FFFFFFF, v49  }
0x113: {  	v0 =	vmul.f32 $6.074877460e-03, v60;
	v2 =	vadd.f32 $3.313339950e-01, v1;
	v54 =	vsub.f32 $0.0e+00, v3  }
0x114: {  	v1 =	vmul.f32 v53, v59  }
0x115: {  	v61 =	vsub.f32 $3.441859410e-02, v0;
	v33 =	vmul.f32 v2, v52;
	v54 =	vmul.f32 $1.442695020e+00, v54  }
0x116: {  	v2 =	vadd.f32 $3.313339950e-01, v1  }
0x117: {  	v61 =	vmul.f32 v61, v60;
	v33 =	vadd.f32 $-4.998011590e-01, v33;
	(erf) = vpow2.f32 v54  }
0x118: {  	v53 =	vld [tilespmem:s1+$0x290];
	v54 =	vmul.f32 v2, v59  }
0x119: {  	v61 =	vadd.f32 $-9.231376640e-02, v61;
	v62 =	vpop (erf);
	v33 =	vmul.f32 v33, v52  }
0x11a: {  	v63 =	vmul.f32 $6.074877460e-03, v62;
	v0 =	vadd.f32 $-4.998011590e-01, v54  }
0x11b: {  	v61 =	vmul.f32 v61, v60;
	v33 =	vadd.f32 $9.999914760e-01, v33  }
0x11c: {  	v54 =	vmul.f32 v51, v23;
	v23 =	vsub.f32 $3.441859410e-02, v63;
	v0 =	vmul.f32 v0, v59  }
0x11d: {  	s4 =	sadd.s32 $0x10, s21;
	v61 =	vadd.f32 $1.647834930e-01, v61;
	v33 =	vmul.f32 v33, v52;
	v52 =	vmul.f32 v53, v25  }
0x11e: {  	s21 =	sor.u32 $0x300, s4;
	v34 =	vmax.f32 v34, $0.0e+00;
	v63 =	vmul.f32 v23, v62;
	v0 =	vadd.f32 $9.999914760e-01, v0  }
0x11f: {  	v25 =	vadd.f32 $9.083786520e-08, v33;
	v33 =	vmul.f32 v61, v60;
	v3 =	vand.u32 $0x7FFFFFFF, v52;
	v61 =	vld [tilespmem:s1+$0x8010]  }
0x120: {  	v63 =	vadd.f32 $-9.231376640e-02, v63;
	v51 =	vsub.f32 $0.0e+00, v3;
	v3 =	vld [tilespmem:s21+$0x0];
	v0 =	vmul.f32 v0, v59;
	v23 =	vpop (erf)  }
0x121: {  	v33 =	vadd.f32 $-2.391907130e-01, v33;
	v25 =	vadd.f32 v25, v34;
	v1 =	vmul.f32 $6.074877460e-03, v23  }
0x122: {  	v34 =	vmul.f32 v63, v62;
	v63 =	vmax.f32 v57, $0.0e+00;
	v51 =	vmul.f32 $1.442695020e+00, v51  }
0x123: {  	v0 =	vadd.f32 $9.083786520e-08, v0;
	v33 =	vmul.f32 v33, v60;
	v1 =	vsub.f32 $3.441859410e-02, v1  }
0x124: {  	v34 =	vadd.f32 $1.647834930e-01, v34;
	(erf) = vpow2.f32 v51;
	v59 =	vmul.f32 v25, v61;
	v25 =	vld [tilespmem:s1+$0x8090]  }
0x125: {  	v33 =	vadd.f32 $3.313339950e-01, v33;
	v51 =	vmul.f32 v3, v27;
	v1 =	vmul.f32 v1, v23  }
0x126: {  	s24 =	sor.u32 $0x380, s4;
	v0 =	vadd.f32 v0, v63;
	v61 =	vmul.f32 v34, v62  }
0x127: {  	v57 =	vmul.f32 v33, v60;
	v33 =	vld [tilespmem:s24+$0x0];
	v63 =	vand.u32 $0x7FFFFFFF, v51;
	v1 =	vadd.f32 $-9.231376640e-02, v1  }
0x128: {  	v20 =	vmul.f32 v56, v20;
	v61 =	vadd.f32 $-2.391907130e-01, v61;
	v34 =	vsub.f32 $0.0e+00, v63  }
0x129: {  	v57 =	vadd.f32 $-4.998011590e-01, v57;
	v56 =	vmul.f32 v0, v25;
	v1 =	vmul.f32 v1, v23  }
0x12a: {  	v0 =	vmul.f32 v61, v62;
	v34 =	vmul.f32 $1.442695020e+00, v34  }
0x12b: {  	v63 =	vmul.f32 v57, v60;
	v1 =	vadd.f32 $1.647834930e-01, v1  }
0x12c: {  	v0 =	vadd.f32 $3.313339950e-01, v0;
	v30 =	vmul.f32 v33, v30;
	(erf) = vpow2.f32 v34  }
0x12d: {  	v25 =	vadd.f32 $9.999914760e-01, v63;
	v57 =	vpop (erf);
	v1 =	vmul.f32 v1, v23  }
0x12e: {  	v0 =	vmul.f32 v0, v62;
	v27 =	vmul.f32 $6.074877460e-03, v57;
	v61 =	vand.u32 $0x7FFFFFFF, v30  }
0x12f: {  	v63 =	vsub.f32 $0.0e+00, v61;
	v34 =	vmul.f32 v25, v60;
	v25 =	vld [tilespmem:s1+$0x2010];
	v1 =	vadd.f32 $-2.391907130e-01, v1  }
0x130: {  	v58 =	vmul.f32 v58, v29;
	v60 =	vld [tilespmem:s1+$0x8110];
	v0 =	vadd.f32 $-4.998011590e-01, v0;
	v27 =	vsub.f32 $3.441859410e-02, v27  }
0x131: {  	v29 =	vmul.f32 $1.442695020e+00, v63;
	v34 =	vadd.f32 $9.083786520e-08, v34;
	v1 =	vmul.f32 v1, v23  }
0x132: {  	v26 =	vmax.f32 v26, $0.0e+00;
	v0 =	vmul.f32 v0, v62;
	v27 =	vmul.f32 v27, v57  }
0x133: {  	(erf) = vpow2.f32 v29;
	v61 =	vadd.f32 v34, v26;
	v1 =	vadd.f32 $3.313339950e-01, v1  }
0x134: {  	v26 =	vld [tilespmem:s1+$0x2090];
	v63 =	vadd.f32 $-9.231376640e-02, v27;
	v27 =	vmul.f32 v25, v22  }
0x135: {  	v0 =	vadd.f32 $9.999914760e-01, v0;
	v22 =	vmul.f32 v61, v60;
	v60 =	vpop (erf);
	v1 =	vmul.f32 v1, v23  }
0x136: {  	v29 =	vmul.f32 v63, v57;
	v34 =	vmul.f32 $6.074877460e-03, v60;
	v61 =	vand.u32 $0x7FFFFFFF, v27  }
0x137: {  	v61 =	vsub.f32 $0.0e+00, v61;
	v1 =	vadd.f32 $-4.998011590e-01, v1  }
0x138: {  	v0 =	vmul.f32 v0, v62;
	v29 =	vadd.f32 $1.647834930e-01, v29;
	v62 =	vsub.f32 $3.441859410e-02, v34  }
0x139: {  	v34 =	vmul.f32 v26, v21;
	v1 =	vmul.f32 v1, v23  }
0x13a: {  	v55 =	vmax.f32 v55, $0.0e+00;
	v21 =	vmul.f32 v29, v57;
	v29 =	vmul.f32 $1.442695020e+00, v61  }
0x13b: {  	v2 =	vadd.f32 $9.083786520e-08, v0;
	v61 =	vmul.f32 v62, v60;
	v0 =	vand.u32 $0x7FFFFFFF, v34  }
0x13c: {  	v63 =	vld [tilespmem:s1+$0x8190];
	v1 =	vadd.f32 $9.999914760e-01, v1;
	(erf) = vpow2.f32 v29;
	v29 =	vsub.f32 $0.0e+00, v0;
	v62 =	vpop (erf)  }
0x13d: {  	v21 =	vadd.f32 $-2.391907130e-01, v21;
	v61 =	vadd.f32 $-9.231376640e-02, v61;
	v0 =	vmul.f32 $6.074877460e-03, v62  }
0x13e: {  	v2 =	vadd.f32 v2, v55;
	v1 =	vmul.f32 v1, v23;
	v23 =	vmul.f32 $1.442695020e+00, v29  }
0x13f: {  	v21 =	vmul.f32 v21, v57;
	v29 =	vmul.f32 v61, v60;
	v61 =	vmax.f32 v49, $0.0e+00;
	v49 =	vld [tilespmem:s1+$0x2110]  }
0x140: {  	v50 =	vmul.f32 v50, v18;
	v55 =	vld [tilespmem:s1+$0x8210];
	v0 =	vsub.f32 $3.441859410e-02, v0;
	v1 =	vadd.f32 $9.083786520e-08, v1  }
0x141: {  	v2 =	vmul.f32 v2, v63;
	v21 =	vadd.f32 $3.313339950e-01, v21;
	v29 =	vadd.f32 $1.647834930e-01, v29  }
0x142: {  	(erf) = vpow2.f32 v23;
	v0 =	vmul.f32 v0, v62  }
0x143: {  	v1 =	vadd.f32 v1, v61;
	v63 =	vmul.f32 v21, v57;
	v29 =	vmul.f32 v29, v60  }
0x144: {  	v23 =	vmul.f32 v19, v31;
	v0 =	vadd.f32 $-9.231376640e-02, v0;
	v48 =	vmul.f32 v49, v48  }
0x145: {  	v1 =	vmul.f32 v1, v55;
	v18 =	vadd.f32 $-4.998011590e-01, v63;
	v31 =	vadd.f32 $-2.391907130e-01, v29;
	v55 =	vpop (erf)  }
0x146: {  	v0 =	vmul.f32 v0, v62;
	v63 =	vand.u32 $0x7FFFFFFF, v48;
	v61 =	vmul.f32 $6.074877460e-03, v55  }
0x147: {  	v18 =	vmul.f32 v18, v57;
	v29 =	vsub.f32 $0.0e+00, v63  }
0x148: {  	v19 =	vmul.f32 v31, v60;
	v0 =	vadd.f32 $1.647834930e-01, v0;
	v21 =	vsub.f32 $3.441859410e-02, v61  }
0x149: {  	v31 =	vadd.f32 $9.999914760e-01, v18;
	v18 =	vadd.f32 v59, v54;
	v59 =	vmul.f32 $1.442695020e+00, v29  }
0x14a: {  	v53 =	vmul.f32 v53, v45;
	v19 =	vadd.f32 $3.313339950e-01, v19;
	v29 =	vld [tilespmem:s1+$0x2190];
	v0 =	vmul.f32 v0, v62  }
0x14b: {  	v21 =	vmul.f32 v21, v55;
	v61 =	vpop (erf);
	(erf) = vpow2.f32 v59  }
0x14c: {  	v19 =	vmul.f32 v19, v60;
	v63 =	vmul.f32 $6.074877460e-03, v61;
	v0 =	vadd.f32 $-2.391907130e-01, v0  }
0x14d: {  	v52 =	vmax.f32 v52, $0.0e+00;
	v31 =	vmul.f32 v31, v57;
	v21 =	vadd.f32 $-9.231376640e-02, v21  }
0x14e: {  	v57 =	vld [tilespmem:s1+$0x8290];
	v19 =	vadd.f32 $-4.998011590e-01, v19;
	v59 =	vsub.f32 $3.441859410e-02, v63;
	v0 =	vmul.f32 v0, v62  }
0x14f: {  	v31 =	vadd.f32 $9.083786520e-08, v31;
	v45 =	vmul.f32 v29, v46;
	v21 =	vmul.f32 v21, v55  }
0x150: {  	v19 =	vmul.f32 v19, v60;
	v54 =	vmul.f32 v59, v61;
	v0 =	vadd.f32 $3.313339950e-01, v0  }
0x151: {  	v31 =	vadd.f32 v31, v52;
	v59 =	vand.u32 $0x7FFFFFFF, v45;
	v21 =	vadd.f32 $1.647834930e-01, v21  }
0x152: {  	v19 =	vadd.f32 $9.999914760e-01, v19;
	v63 =	vadd.f32 $-9.231376640e-02, v54;
	v0 =	vmul.f32 v0, v62  }
0x153: {  	v52 =	vsub.f32 $0.0e+00, v59;
	v54 =	vmul.f32 v31, v57;
	v21 =	vmul.f32 v21, v55  }
0x154: {  	v51 =	vmax.f32 v51, $0.0e+00;
	v31 =	vmul.f32 v19, v60;
	v46 =	vmul.f32 v63, v61  }
0x155: {  	v52 =	vmul.f32 $1.442695020e+00, v52;
	v19 =	vadd.f32 v56, v20;
	v0 =	vadd.f32 $-4.998011590e-01, v0;
	v63 =	vld [tilespmem:s21+$0x8000];
	v56 =	vpop (erf)  }
0x156: {  	v21 =	vadd.f32 $-2.391907130e-01, v21;
	v60 =	vmul.f32 $6.074877460e-03, v56;
	v46 =	vadd.f32 $1.647834930e-01, v46  }
0x157: {  	(erf) = vpow2.f32 v52;
	v31 =	vadd.f32 $9.083786520e-08, v31;
	v0 =	vmul.f32 v0, v62  }
0x158: {  	v21 =	vmul.f32 v21, v55;
	v52 =	vsub.f32 $3.441859410e-02, v60;
	v46 =	vmul.f32 v46, v61  }
0x159: {  	v3 =	vmul.f32 v3, v38;
	v31 =	vadd.f32 v31, v51;
	v0 =	vadd.f32 $9.999914760e-01, v0  }
0x15a: {  	s3 =	sor.u32 $0x2300, s4;
	v38 =	vld [tilespmem:s1+$0x2210];
	v21 =	vadd.f32 $3.313339950e-01, v21;
	v52 =	vmul.f32 v52, v56;
	v46 =	vadd.f32 $-2.391907130e-01, v46  }
0x15b: {  	v20 =	vadd.f32 v22, v58;
	v57 =	vmul.f32 v31, v63;
	v31 =	vld [tilespmem:s3+$0x0];
	v0 =	vmul.f32 v0, v62  }
0x15c: {  	v63 =	vmax.f32 v30, $0.0e+00;
	v30 =	vld [tilespmem:s1+$0x2290];
	v21 =	vmul.f32 v21, v55;
	v46 =	vmul.f32 v46, v61  }
0x15d: {  	v60 =	vadd.f32 $-9.231376640e-02, v52;
	v0 =	vadd.f32 $9.083786520e-08, v0  }
0x15e: {  	v51 =	vld [tilespmem:s24+$0x8000];
	v21 =	vadd.f32 $-4.998011590e-01, v21;
	v58 =	vadd.f32 $3.313339950e-01, v46  }
0x15f: {  	v0 =	vadd.f32 v0, v63;
	v63 =	vmul.f32 v60, v56;
	v46 =	vmul.f32 v38, v32  }
0x160: {  	s4 =	sor.u32 $0x2380, s4;
	v37 =	vmul.f32 v31, v37;
	v59 =	vmul.f32 v21, v55  }
0x161: {  	v32 =	vld [tilespmem:s4+$0x0];
	v21 =	vadd.f32 v2, v50;
	v2 =	vmul.f32 v33, v28;
	v50 =	vpop (erf);
	v33 =	vmul.f32 v30, v36  }
0x162: {  	v62 =	vmul.f32 v58, v61;
	v58 =	vmul.f32 $6.074877460e-03, v50  }
0x163: {  	v0 =	vmul.f32 v0, v51;
	v22 =	vadd.f32 $9.999914760e-01, v59;
	v59 =	vadd.f32 $1.647834930e-01, v63  }
0x164: {  	v63 =	vand.u32 $0x7FFFFFFF, v33;
	v28 =	vadd.f32 $-4.998011590e-01, v62;
	v60 =	vsub.f32 $3.441859410e-02, v58  }
0x165: {  	v62 =	vand.u32 $0x7FFFFFFF, v46;
	v52 =	vmul.f32 v22, v55;
	v55 =	vmul.f32 v59, v56  }
0x166: {  	v51 =	vsub.f32 $0.0e+00, v62;
	v62 =	vsub.f32 $0.0e+00, v63;
	v36 =	vmul.f32 v32, v40  }
0x167: {  	v22 =	vadd.f32 v1, v23;
	v28 =	vmul.f32 v28, v61;
	v60 =	vmul.f32 v60, v50  }
0x168: {  	v63 =	vmul.f32 $1.442695020e+00, v51;
	v58 =	vand.u32 $0x7FFFFFFF, v36;
	v59 =	vadd.f32 $-2.391907130e-01, v55  }
0x169: {  	v23 =	vadd.f32 $-9.231376640e-02, v60;
	v60 =	vmul.f32 $1.442695020e+00, v62;
	v62 =	vand.u32 $0x7FFFFFFF, v37  }
0x16a: {  	v28 =	vadd.f32 $9.999914760e-01, v28;
	(erf) = vpow2.f32 v63;
	v63 =	vsub.f32 $0.0e+00, v62  }
0x16b: {  	v51 =	vsub.f32 $0.0e+00, v58;
	v40 =	vmul.f32 v59, v56  }
0x16c: {  	v28 =	vmul.f32 v28, v61;
	v61 =	vld [tilespmem:s1+$0xA010];
	v1 =	vmul.f32 $1.442695020e+00, v63  }
0x16d: {  	v52 =	vadd.f32 $9.083786520e-08, v52;
	(erf) = vpow2.f32 v60;
	v51 =	vmul.f32 $1.442695020e+00, v51  }
0x16e: {  	v27 =	vmax.f32 v27, $0.0e+00;
	v60 =	vmul.f32 v23, v50;
	(erf) = vpow2.f32 v1  }
0x16f: {  	v27 =	vadd.f32 v52, v27;
	v63 =	vld [tilespmem:s1+$0xA090];
	v40 =	vadd.f32 $3.313339950e-01, v40;
	(erf) = vpow2.f32 v51  }
0x170: {  	v17 =	vmul.f32 v25, v17;
	v62 =	vadd.f32 $1.647834930e-01, v60;
	v28 =	vadd.f32 $9.083786520e-08, v28  }
0x171: {  	v34 =	vmax.f32 v34, $0.0e+00;
	v40 =	vmul.f32 v40, v56;
	v1 =	vmul.f32 v27, v61  }
0x172: {  	v23 =	vadd.f32 v54, v53;
	v53 =	vmul.f32 v62, v50;
	v52 =	vadd.f32 v28, v34  }
0x173: {  	v48 =	vmax.f32 v48, $0.0e+00;
	v55 =	vmul.f32 v26, v35;
	v58 =	vadd.f32 $-4.998011590e-01, v40  }
0x174: {  	v26 =	vadd.f32 v57, v3;
	v54 =	vadd.f32 $-2.391907130e-01, v53;
	v59 =	vmul.f32 v52, v63  }
0x175: {  	v63 =	vmul.f32 v49, v41;
	v17 =	vadd.f32 v1, v17;
	v60 =	vmul.f32 v58, v56;
	v1 =	vpop (erf)  }
0x176: {  	v27 =	vadd.f32 v0, v2;
	v28 =	vmul.f32 v54, v50;
	v62 =	vmul.f32 $6.074877460e-03, v1;
	v34 =	vpop (erf)  }
0x177: {  	v25 =	vadd.f32 v59, v55;
	v0 =	vadd.f32 $9.999914760e-01, v60;
	v54 =	vmul.f32 $6.074877460e-03, v34;
	v40 =	vpop (erf)  }
0x178: {  	v61 =	vadd.f32 $3.313339950e-01, v28;
	v3 =	vsub.f32 $3.441859410e-02, v62;
	v55 =	vmul.f32 $6.074877460e-03, v40;
	v49 =	vpop (erf)  }
0x179: {  	v0 =	vmul.f32 v0, v56;
	v35 =	vsub.f32 $3.441859410e-02, v54;
	v56 =	vmul.f32 $6.074877460e-03, v49  }
0x17a: {  	v29 =	vmul.f32 v29, v47;
	v3 =	vmul.f32 v3, v1;
	v41 =	vsub.f32 $3.441859410e-02, v55  }
0x17b: {  	v2 =	vmul.f32 v61, v50;
	v35 =	vmul.f32 v35, v34;
	v51 =	vsub.f32 $3.441859410e-02, v56  }
0x17c: {  	v45 =	vmax.f32 v45, $0.0e+00;
	v3 =	vadd.f32 $-9.231376640e-02, v3;
	v41 =	vmul.f32 v41, v40  }
0x17d: {  	v2 =	vadd.f32 $-4.998011590e-01, v2;
	v35 =	vadd.f32 $-9.231376640e-02, v35;
	v51 =	vmul.f32 v51, v49  }
0x17e: {  	v0 =	vadd.f32 $9.083786520e-08, v0;
	v3 =	vmul.f32 v3, v1;
	v41 =	vadd.f32 $-9.231376640e-02, v41  }
0x17f: {  	v2 =	vmul.f32 v2, v50;
	v35 =	vmul.f32 v35, v34;
	v58 =	vadd.f32 $-9.231376640e-02, v51  }
0x180: {  	v0 =	vadd.f32 v0, v48;
	v3 =	vadd.f32 $1.647834930e-01, v3;
	v41 =	vmul.f32 v41, v40  }
0x181: {  	v2 =	vadd.f32 $9.999914760e-01, v2;
	v35 =	vadd.f32 $1.647834930e-01, v35;
	v48 =	vmul.f32 v58, v49  }
0x182: {  	v33 =	vmax.f32 v33, $0.0e+00;
	v3 =	vmul.f32 v3, v1;
	v41 =	vadd.f32 $1.647834930e-01, v41  }
0x183: {  	v2 =	vmul.f32 v2, v50;
	v35 =	vmul.f32 v35, v34;
	v48 =	vadd.f32 $1.647834930e-01, v48  }
0x184: {  	v61 =	vmax.f32 v18, v19;
	v3 =	vadd.f32 $-2.391907130e-01, v3;
	v41 =	vmul.f32 v41, v40  }
0x185: {  	v2 =	vadd.f32 $9.083786520e-08, v2;
	v35 =	vadd.f32 $-2.391907130e-01, v35;
	v60 =	vmul.f32 v48, v49  }
0x186: {  	v47 =	vmax.f32 v61, v20;
	v3 =	vmul.f32 v3, v1;
	v41 =	vadd.f32 $-2.391907130e-01, v41  }
0x187: {  	v2 =	vadd.f32 v2, v45;
	v35 =	vmul.f32 v35, v34;
	v45 =	vadd.f32 $-2.391907130e-01, v60  }
0x188: {  	v61 =	vmax.f32 v37, $0.0e+00;
	v3 =	vadd.f32 $3.313339950e-01, v3;
	v41 =	vmul.f32 v41, v40  }
0x189: {  	v57 =	vld [tilespmem:s1+$0xA110];
	v47 =	vmax.f32 v47, v21;
	v35 =	vadd.f32 $3.313339950e-01, v35;
	v45 =	vmul.f32 v45, v49  }
0x18a: {  	v47 =	vmax.f32 v47, v22;
	v3 =	vmul.f32 v3, v1;
	v41 =	vadd.f32 $3.313339950e-01, v41  }
0x18b: {  	v47 =	vmax.f32 v47, v23;
	v35 =	vmul.f32 v35, v34;
	v45 =	vadd.f32 $3.313339950e-01, v45  }
0x18c: {  	v59 =	vld [tilespmem:s1+$0xA190];
	v56 =	vmul.f32 v38, v43;
	v3 =	vadd.f32 $-4.998011590e-01, v3;
	v41 =	vmul.f32 v41, v40  }
0x18d: {  	v38 =	vmul.f32 v31, v42;
	v35 =	vadd.f32 $-4.998011590e-01, v35;
	v45 =	vmul.f32 v45, v49  }
0x18e: {  	v0 =	vmul.f32 v0, v57;
	v3 =	vmul.f32 v3, v1;
	v41 =	vadd.f32 $-4.998011590e-01, v41  }
0x18f: {  	v47 =	vmax.f32 v47, v26;
	v35 =	vmul.f32 v35, v34;
	v45 =	vadd.f32 $-4.998011590e-01, v45  }
0x190: {  	v28 =	vadd.f32 v0, v63;
	v62 =	vadd.f32 $9.999914760e-01, v3;
	v63 =	vmul.f32 v41, v40  }
0x191: {  	v2 =	vmul.f32 v2, v59;
	v48 =	vadd.f32 $9.999914760e-01, v35;
	v50 =	vmul.f32 v45, v49  }
0x192: {  	v47 =	vmax.f32 v47, v27;
	v0 =	vmul.f32 v62, v1;
	v52 =	vadd.f32 $9.999914760e-01, v63  }
0x193: {  	v54 =	vld [tilespmem:s1+$0xA210];
	v29 =	vadd.f32 v2, v29;
	v2 =	vmul.f32 v48, v34;
	v55 =	vadd.f32 $9.999914760e-01, v50  }
0x194: {  	v57 =	vld [tilespmem:s1+$0xA290];
	v47 =	vmax.f32 v47, v17;
	v0 =	vadd.f32 $9.083786520e-08, v0;
	v1 =	vmul.f32 v52, v40  }
0x195: {  	v58 =	vmax.f32 v46, $0.0e+00;
	v59 =	vld [tilespmem:s3+$0x8000];
	v2 =	vadd.f32 $9.083786520e-08, v2;
	v34 =	vmul.f32 v55, v49  }
0x196: {  	v47 =	vmax.f32 v47, v25;
	v60 =	vld [tilespmem:s4+$0x8000];
	v0 =	vadd.f32 v0, v58;
	v1 =	vadd.f32 $9.083786520e-08, v1  }
0x197: {  	v51 =	vmax.f32 v47, v28;
	v2 =	vadd.f32 v2, v33;
	v34 =	vadd.f32 $9.083786520e-08, v34  }
0x198: {  	v62 =	vmax.f32 v36, $0.0e+00;
	v0 =	vmul.f32 v0, v54;
	v1 =	vadd.f32 v1, v61  }
0x199: {  	v63 =	vmul.f32 v30, v39;
	v2 =	vmul.f32 v2, v57;
	v33 =	vadd.f32 v34, v62  }
0x19a: {  	v53 =	vmax.f32 v51, v29;
	v30 =	vadd.f32 v0, v56;
	v1 =	vmul.f32 v1, v59  }
0x19b: {  	v39 =	vmul.f32 v32, v44;
	v31 =	vadd.f32 v2, v63;
	v41 =	vmul.f32 v33, v60  }
0x19c: {  	v3 =	vmax.f32 v53, v30;
	v33 =	vadd.f32 v1, v38  }
0x19d: {  	v42 =	vmax.f32 v3, v31;
	v32 =	vadd.f32 v41, v39  }
0x19e: {  	v0 =	vmax.f32 v42, v33  }
0x19f: {  	v34 =	vmax.f32 v0, v32  }
0x1a0: {  	v0 =	vsub.f32 v18, v34;
	_ =	sdelay $0x1  }
0x1a1: {  	v43 =	vsub.f32 v19, v34;
	v0 =	vmul.f32 $1.442695020e+00, v0;
	_ =	sdelay $0x1  }
0x1a2: {  	v44 =	vsub.f32 v20, v34;
	v1 =	vmul.f32 $1.442695020e+00, v43;
	(erf) = vpow2.f32 v0;
	_ =	sdelay $0x1  }
0x1a3: {  	v45 =	vsub.f32 v21, v34;
	v0 =	vmul.f32 $1.442695020e+00, v44;
	(erf) = vpow2.f32 v1;
	_ =	sdelay $0x1  }
0x1a4: {  	v47 =	vsub.f32 v22, v34;
	v46 =	vmul.f32 $1.442695020e+00, v45;
	(erf) = vpow2.f32 v0  }
0x1a5: {  	v49 =	vsub.f32 v23, v34  }
0x1a6: {  	v48 =	vmul.f32 $1.442695020e+00, v47;
	(erf) = vpow2.f32 v46  }
0x1a7: {  	v51 =	vsub.f32 v26, v34;
	v50 =	vmul.f32 $1.442695020e+00, v49  }
0x1a8: {  	(erf) = vpow2.f32 v48  }
0x1a9: {  	v55 =	vsub.f32 v27, v34;
	v54 =	vmul.f32 $1.442695020e+00, v51;
	v52 =	vpop (erf);
	(erf) = vpow2.f32 v50;
	_ =	sdelay $0x1  }
0x1aa: {  	v57 =	vsub.f32 v17, v34;
	v56 =	vmul.f32 $1.442695020e+00, v55;
	v53 =	vpop (erf);
	(erf) = vpow2.f32 v54  }
0x1ab: {  	v2 =	vadd.f32 v53, v52  }
0x1ac: {  	v59 =	vmul.f32 $1.442695020e+00, v57;
	v58 =	vpop (erf);
	(erf) = vpow2.f32 v56  }
0x1ad: {  	v61 =	vsub.f32 v25, v34;
	v2 =	vadd.f32 v2, v58  }
0x1ae: {  	v60 =	vpop (erf);
	(erf) = vpow2.f32 v59  }
0x1af: {  	v35 =	vsub.f32 v28, v34;
	v63 =	vmul.f32 $1.442695020e+00, v61;
	v1 =	vadd.f32 v2, v60  }
0x1b0: {  	v38 =	vsub.f32 v29, v34;
	v62 =	vpop (erf)  }
0x1b1: {  	v37 =	vmul.f32 $1.442695020e+00, v35;
	v0 =	vadd.f32 v1, v62;
	v36 =	vpop (erf);
	(erf) = vpow2.f32 v63  }
0x1b2: {  	v41 =	vsub.f32 v30, v34  }
0x1b3: {  	v40 =	vmul.f32 $1.442695020e+00, v38;
	v0 =	vadd.f32 v0, v36;
	v39 =	vpop (erf);
	(erf) = vpow2.f32 v37  }
0x1b4: {  	v43 =	vmul.f32 $1.442695020e+00, v41  }
0x1b5: {  	v44 =	vsub.f32 v31, v34;
	v42 =	vpop (erf);
	(erf) = vpow2.f32 v40;
	v0 =	vadd.f32 v0, v39  }
0x1b6: {  	v47 =	vsub.f32 v33, v34  }
0x1b7: {  	v46 =	vmul.f32 $1.442695020e+00, v44;
	v45 =	vpop (erf);
	(erf) = vpow2.f32 v43;
	v0 =	vadd.f32 v0, v42  }
0x1b8: {  	v49 =	vsub.f32 v32, v34  }
0x1b9: {  	v48 =	vmul.f32 $1.442695020e+00, v47;
	(erf) = vpow2.f32 v46;
	v0 =	vadd.f32 v0, v45  }
0x1ba: {  	v50 =	vpop (erf)  }
0x1bb: {  	v51 =	vmul.f32 $1.442695020e+00, v49;
	(erf) = vpow2.f32 v48;
	v0 =	vadd.f32 v0, v50  }
0x1bc: {  	v52 =	vpop (erf)  }
0x1bd: {  	(erf) = vpow2.f32 v51;
	v0 =	vadd.f32 v0, v52  }
0x1be: {  	v57 =	vld [tilespmem:$0x1FFD0];
	v53 =	vpop (erf)  }
0x1bf: {  	v56 =	vld [tilespmem:$0x1FFC0];
	v0 =	vadd.f32 v0, v53  }
0x1c0: {  	v54 =	vpop (erf)  }
0x1c1: {  	v60 =	vld [tilespmem:$0x1FFE0];
	v0 =	vadd.f32 v0, v54  }
0x1c2: {  	vm12 =	veq.f32 v4, v16;
	v62 =	vld [tilespmem:$0x1FFF0];
	v55 =	vpop (erf)  }
0x1c3: {  	v35 =	vnsel vm12, $0x0, v24;
	vm9 =	veq.f32 v57, v16;
	v0 =	vadd.f32 v0, v55  }
0x1c4: {  	[tilespmem:s1+$0x10200] =	vst v35;
	v59 =	vnsel vm9, $0x0, v24;
	vm0 =	veq.f32 v56, v16;
	v58 =	vpop (erf)  }
0x1c5: {  	vm13 =	veq.f32 v5, v16;
	[tilespmem:s1+$0x10080] =	vst v59;
	v2 =	vnsel vm0, $0x0, v24;
	v0 =	vadd.f32 v0, v58  }
0x1c6: {  	[tilespmem:s1+$0x10000] =	vst v2;
	v36 =	vnsel vm13, $0x0, v24;
	vm10 =	veq.f32 v60, v16;
	v4 =	vpop (erf)  }
0x1c7: {  	[tilespmem:s1+$0x10280] =	vst v36;
	v61 =	vnsel vm10, $0x0, v24;
	vm11 =	veq.f32 v62, v16;
	v0 =	vadd.f32 v0, v4  }
0x1c8: {  	vm14 =	veq.f32 v6, v16;
	[tilespmem:s1+$0x10100] =	vst v61;
	v63 =	vnsel vm11, $0x0, v24  }
0x1c9: {  	vm15 =	veq.f32 v7, v16;
	v37 =	vnsel vm14, $0x0, v24;
	[tilespmem:s1+$0x10180] =	vst v63;
	(erf) = vrcp.f32 v0  }
0x1ca: {  	vm4 =	veq.f32 v8, v16;
	v38 =	vnsel vm15, $0x0, v24;
	[tilespmem:s15+$0x10000] =	vst v37  }
0x1cb: {  	vm5 =	veq.f32 v9, v16;
	v39 =	vnsel vm4, $0x0, v24;
	[tilespmem:s16+$0x10000] =	vst v38  }
0x1cc: {  	vm6 =	veq.f32 v10, v16;
	v40 =	vnsel vm5, $0x0, v24;
	[tilespmem:s1+$0x12000] =	vst v39  }
0x1cd: {  	vm7 =	veq.f32 v11, v16;
	v41 =	vnsel vm6, $0x0, v24;
	[tilespmem:s1+$0x12080] =	vst v40  }
0x1ce: {  	vm8 =	veq.f32 v12, v16;
	v42 =	vnsel vm7, $0x0, v24;
	[tilespmem:s1+$0x12100] =	vst v41  }
0x1cf: {  	vm9 =	veq.f32 v13, v16;
	v43 =	vnsel vm8, $0x0, v24;
	[tilespmem:s1+$0x12180] =	vst v42  }
0x1d0: {  	v44 =	vnsel vm9, $0x0, v24;
	vm10 =	veq.f32 v15, v16;
	[tilespmem:s1+$0x12200] =	vst v43  }
0x1d1: {  	vm11 =	veq.f32 v14, v16;
	v45 =	vnsel vm10, $0x0, v24;
	[tilespmem:s1+$0x12280] =	vst v44  }
0x1d2: {  	vm12 =	veq.f32 v18, v34;
	v46 =	vnsel vm11, $0x0, v24;
	[tilespmem:s17+$0x10000] =	vst v45;
	v47 =	vpop (erf)  }
0x1d3: {  	vm13 =	veq.f32 v19, v34;
	[tilespmem:s19+$0x10000] =	vst v46;
	v48 =	vnsel vm12, $0x0, v47  }
0x1d4: {  	vm14 =	veq.f32 v20, v34;
	v49 =	vnsel vm13, $0x0, v47;
	[tilespmem:s1+$0x10010] =	vst v48  }
0x1d5: {  	vm15 =	veq.f32 v21, v34;
	v50 =	vnsel vm14, $0x0, v47;
	[tilespmem:s1+$0x10090] =	vst v49  }
0x1d6: {  	vm4 =	veq.f32 v22, v34;
	v51 =	vnsel vm15, $0x0, v47;
	[tilespmem:s1+$0x10110] =	vst v50  }
0x1d7: {  	vm5 =	veq.f32 v23, v34;
	v52 =	vnsel vm4, $0x0, v47;
	[tilespmem:s1+$0x10190] =	vst v51  }
0x1d8: {  	vm6 =	veq.f32 v26, v34;
	v53 =	vnsel vm5, $0x0, v47;
	[tilespmem:s1+$0x10210] =	vst v52  }
0x1d9: {  	vm7 =	veq.f32 v27, v34;
	v54 =	vnsel vm6, $0x0, v47;
	[tilespmem:s1+$0x10290] =	vst v53  }
0x1da: {  	vm8 =	veq.f32 v17, v34;
	v55 =	vnsel vm7, $0x0, v47;
	[tilespmem:s21+$0x10000] =	vst v54  }
0x1db: {  	vm9 =	veq.f32 v25, v34;
	v56 =	vnsel vm8, $0x0, v47;
	[tilespmem:s24+$0x10000] =	vst v55  }
0x1dc: {  	vm10 =	veq.f32 v28, v34;
	v57 =	vnsel vm9, $0x0, v47;
	[tilespmem:s1+$0x12010] =	vst v56  }
0x1dd: {  	s29 =	sadd.s32 $0x2, s29;
	vm11 =	veq.f32 v29, v34;
	v58 =	vnsel vm10, $0x0, v47;
	[tilespmem:s1+$0x12090] =	vst v57  }
0x1de: {  	p0 =	slt.u32 s29, $0x3E;
	v59 =	vnsel vm11, $0x0, v47;
	vm12 =	veq.f32 v30, v34;
	[tilespmem:s1+$0x12110] =	vst v58  }
.Ltmp0:
0x1df: {  	vm13 =	veq.f32 v31, v34;
	v60 =	vnsel vm12, $0x0, v47;
	[tilespmem:s1+$0x12190] =	vst v59;
	(pc) =	sbr.rel @p0 .LBB2_2-.Ltmp0, $4  }
0x1e0: {  	vm14 =	veq.f32 v33, v34;
	v61 =	vnsel vm13, $0x0, v47;
	[tilespmem:s1+$0x12210] =	vst v60  }
0x1e1: {  	vm15 =	veq.f32 v32, v34;
	v62 =	vnsel vm14, $0x0, v47;
	[tilespmem:s1+$0x12290] =	vst v61  }
0x1e2: {  	v63 =	vnsel vm15, $0x0, v47;
	[tilespmem:s3+$0x10000] =	vst v62  }
0x1e3: {  	s31 =	sadd.s32 $0x1, s31;
	s30 =	sadd.s32 $0x20, s30;
	s0 =	sadd.s32 $0x100, s0;
	[tilespmem:s4+$0x10000] =	vst v63  }
0x1e4: {  	s0 =	simm.s32 $0x10000  }
0x1e5: {  	[hbm4b:s10+s13] =	stream.strided.scatter [tilespmem:s0], [sflag:$0x5], $0x4000, s14, s13, $0x38;
	[tilespmem:$0x19000] =	vst v63  }
0x1e6: {  	_ =	swait.ge [sflag:s22], $0x4000  }
0x1e7: {  	[sflag:s22] =	ssyncset.done $0x0  }
0x1e8: {  	[sflag:s22] =	ssyncadd.s32 $0xFFFFC000  }
0x1e9: {  	_ =	swait.ge [sflag:s23], $0x4000  }
0x1ea: {  	s29 =	simm.s32 $0xFFFFFFFE;
	s30 =	simm.s32 $0x0;
	[sflag:s23] =	ssyncset.done $0x0  }
0x1eb: {  	s31 =	simm.s32 $0x0;
	s0 =	simm.s32 $0x0;
	[sflag:s23] =	ssyncadd.s32 $0xFFFFC000  }
.LBB2_4:
0x1ec: {  	s1 =	sand.u32 $0x60, s30;
	s3 =	sand.u32 $0x1C00, s0;
	v34 =	vld [tilespmem:$0x18800]  }
0x1ed: {  	v24 =	vld [tilespmem:$0x18880];
	s1 =	sor.u32 s1, s3  }
0x1ee: {  	v0 =	vld [tilespmem:s1+$0x4000]  }
0x1ef: {  	v1 =	vld [tilespmem:s1+$0x4080];
	_ =	sdelay $0x1  }
0x1f0: {  	v26 =	vld [tilespmem:$0x18900]  }
0x1f1: {  	v7 =	vld [tilespmem:s1+$0x4100]  }
0x1f2: {  	v8 =	vmul.f32 v34, v0  }
0x1f3: {  	v11 =	vmul.f32 v24, v1  }
0x1f4: {  	v2 =	vand.u32 $0x7FFFFFFF, v8  }
0x1f5: {  	v3 =	vand.u32 $0x7FFFFFFF, v11;
	v2 =	vsub.f32 $0.0e+00, v2  }
0x1f6: {  	v9 =	vmul.f32 v26, v7;
	v3 =	vsub.f32 $0.0e+00, v3  }
0x1f7: {  	v2 =	vmul.f32 $1.442695020e+00, v2  }
0x1f8: {  	v44 =	vand.u32 $0x7FFFFFFF, v9;
	v43 =	vmul.f32 $1.442695020e+00, v3  }
0x1f9: {  	v3 =	vsub.f32 $0.0e+00, v44;
	(erf) = vpow2.f32 v2  }
0x1fa: {  	(erf) = vpow2.f32 v43  }
0x1fb: {  	v5 =	vmul.f32 $1.442695020e+00, v3;
	_ =	sdelay $0x1  }
0x1fc: {  	(erf) = vpow2.f32 v5;
	_ =	sdelay $0x1  }
0x1fd: {  	v13 =	vld [tilespmem:$0x18980]  }
0x1fe: {  	v2 =	vld [tilespmem:s1+$0x4180];
	_ =	sdelay $0x1  }
0x1ff: {  	v6 =	vpop (erf)  }
0x200: {  	v4 =	vmul.f32 $6.074877460e-03, v6;
	v12 =	vpop (erf)  }
0x201: {  	v10 =	vmul.f32 $6.074877460e-03, v12  }
0x202: {  	v3 =	vmul.f32 v13, v2;
	v4 =	vsub.f32 $3.441859410e-02, v4  }
0x203: {  	v14 =	vpop (erf);
	v45 =	vsub.f32 $3.441859410e-02, v10  }
0x204: {  	v46 =	vand.u32 $0x7FFFFFFF, v3;
	v48 =	vmul.f32 $6.074877460e-03, v14;
	v4 =	vmul.f32 v4, v6  }
0x205: {  	v10 =	vsub.f32 $0.0e+00, v46;
	v5 =	vmul.f32 v45, v12  }
0x206: {  	[tilespmem:$0x1FF60] =	vst v13;
	v13 =	vsub.f32 $3.441859410e-02, v48;
	v4 =	vadd.f32 $-9.231376640e-02, v4  }
0x207: {  	v10 =	vmul.f32 $1.442695020e+00, v10;
	v5 =	vadd.f32 $-9.231376640e-02, v5  }
0x208: {  	v15 =	vmul.f32 v13, v14;
	v4 =	vmul.f32 v4, v6  }
0x209: {  	v33 =	vld [tilespmem:$0x18A00];
	(erf) = vpow2.f32 v10;
	v5 =	vmul.f32 v5, v12  }
0x20a: {  	v47 =	vadd.f32 $1.647834930e-01, v4;
	v4 =	vld [tilespmem:s1+$0x4200]  }
0x20b: {  	v15 =	vadd.f32 $-9.231376640e-02, v15;
	v5 =	vadd.f32 $1.647834930e-01, v5  }
0x20c: {  	v10 =	vmul.f32 v47, v6  }
0x20d: {  	v23 =	vld [tilespmem:$0x18000];
	v15 =	vmul.f32 v15, v14;
	v5 =	vmul.f32 v5, v12  }
0x20e: {  	v10 =	vadd.f32 $-2.391907130e-01, v10  }
0x20f: {  	v15 =	vadd.f32 $1.647834930e-01, v15;
	v5 =	vadd.f32 $-2.391907130e-01, v5;
	v13 =	vmul.f32 v33, v4  }
0x210: {  	v10 =	vmul.f32 v10, v6  }
0x211: {  	v15 =	vmul.f32 v15, v14;
	v5 =	vmul.f32 v5, v12;
	v18 =	vand.u32 $0x7FFFFFFF, v13  }
0x212: {  	v29 =	vld [tilespmem:$0x18100];
	v0 =	vmul.f32 v23, v0;
	v16 =	vpop (erf);
	v10 =	vadd.f32 $3.313339950e-01, v10;
	v18 =	vsub.f32 $0.0e+00, v18  }
0x213: {  	v15 =	vadd.f32 $-2.391907130e-01, v15;
	v17 =	vmul.f32 $6.074877460e-03, v16;
	v20 =	vadd.f32 $3.313339950e-01, v5  }
0x214: {  	v25 =	vld [tilespmem:$0x18A80];
	v10 =	vmul.f32 v10, v6;
	v18 =	vmul.f32 $1.442695020e+00, v18  }
0x215: {  	v15 =	vmul.f32 v15, v14;
	v5 =	vld [tilespmem:s1+$0x4280];
	v20 =	vmul.f32 v20, v12  }
0x216: {  	v17 =	vsub.f32 $3.441859410e-02, v17;
	v10 =	vadd.f32 $-4.998011590e-01, v10;
	(erf) = vpow2.f32 v18  }
0x217: {  	v31 =	vmul.f32 v29, v7;
	v15 =	vadd.f32 $3.313339950e-01, v15;
	v20 =	vadd.f32 $-4.998011590e-01, v20  }
0x218: {  	s21 =	sand.u32 $0x3, s31;
	v17 =	vmul.f32 v17, v16;
	v10 =	vmul.f32 v10, v6  }
0x219: {  	s3 =	sshll.u32 s21, $0x5;
	v15 =	vmul.f32 v15, v14;
	v20 =	vmul.f32 v20, v12  }
0x21a: {  	s21 =	sadd.s32 s3, s0;
	v17 =	vadd.f32 $-9.231376640e-02, v17;
	v49 =	vadd.f32 $9.999914760e-01, v10;
	v10 =	vmul.f32 v25, v5  }
0x21b: {  	v27 =	vld [tilespmem:$0x18B00];
	s15 =	sor.u32 $0x4300, s21;
	v8 =	vmax.f32 v8, $0.0e+00;
	v15 =	vadd.f32 $-4.998011590e-01, v15;
	v20 =	vadd.f32 $9.999914760e-01, v20  }
0x21c: {  	v17 =	vmul.f32 v17, v16;
	v18 =	vmul.f32 v49, v6;
	v50 =	vand.u32 $0x7FFFFFFF, v10;
	v6 =	vld [tilespmem:s15+$0x0]  }
0x21d: {  	v21 =	vld [tilespmem:s1+$0xC000];
	v15 =	vmul.f32 v15, v14;
	v28 =	vsub.f32 $0.0e+00, v50;
	v12 =	vmul.f32 v20, v12  }
0x21e: {  	v30 =	vld [tilespmem:$0x18B80];
	v11 =	vmax.f32 v11, $0.0e+00;
	v17 =	vadd.f32 $1.647834930e-01, v17;
	v18 =	vadd.f32 $9.083786520e-08, v18  }
0x21f: {  	v55 =	vadd.f32 $9.999914760e-01, v15;
	v28 =	vmul.f32 $1.442695020e+00, v28;
	v12 =	vadd.f32 $9.083786520e-08, v12;
	v32 =	vpop (erf)  }
0x220: {  	s24 =	sor.u32 s30, s0;
	v20 =	vld [tilespmem:$0x18080];
	v17 =	vmul.f32 v17, v16;
	v8 =	vadd.f32 v18, v8;
	v51 =	vmul.f32 $6.074877460e-03, v32  }
0x221: {  	s16 =	sor.u32 $0x4380, s24;
	v22 =	vld [tilespmem:s1+$0xC080];
	(erf) = vpow2.f32 v28;
	v11 =	vadd.f32 v12, v11;
	v12 =	vmul.f32 v27, v6  }
0x222: {  	v9 =	vmax.f32 v9, $0.0e+00;
	v17 =	vadd.f32 $-2.391907130e-01, v17;
	v18 =	vmul.f32 v8, v21;
	v8 =	vld [tilespmem:s16+$0x0]  }
0x223: {  	v14 =	vmul.f32 v55, v14;
	v21 =	vsub.f32 $3.441859410e-02, v51;
	v52 =	vand.u32 $0x7FFFFFFF, v12  }
0x224: {  	v3 =	vmax.f32 v3, $0.0e+00;
	v17 =	vmul.f32 v17, v16;
	v54 =	vsub.f32 $0.0e+00, v52  }
0x225: {  	v38 =	vld [tilespmem:s1+$0xC100];
	v14 =	vadd.f32 $9.083786520e-08, v14;
	v1 =	vmul.f32 v20, v1;
	v53 =	vmul.f32 v21, v32  }
0x226: {  	v7 =	vld [tilespmem:s1+$0x6080];
	v11 =	vmul.f32 v11, v22;
	v17 =	vadd.f32 $3.313339950e-01, v17;
	v21 =	vmul.f32 $1.442695020e+00, v54  }
0x227: {  	v22 =	vld [tilespmem:$0x18C00];
	v0 =	vadd.f32 v18, v0;
	v18 =	vadd.f32 $-9.231376640e-02, v53;
	v15 =	vmul.f32 v30, v8  }
0x228: {  	v19 =	vadd.f32 v11, v1;
	v17 =	vmul.f32 v17, v16;
	v11 =	vld [tilespmem:s1+$0x6000];
	(erf) = vpow2.f32 v21  }
0x229: {  	v14 =	vadd.f32 v14, v9;
	v18 =	vmul.f32 v18, v32;
	v21 =	vld [tilespmem:$0x18C80];
	v57 =	vand.u32 $0x7FFFFFFF, v15  }
0x22a: {  	v13 =	vmax.f32 v13, $0.0e+00;
	v17 =	vadd.f32 $-4.998011590e-01, v17;
	v36 =	vpop (erf);
	v37 =	vsub.f32 $0.0e+00, v57  }
0x22b: {  	v14 =	vmul.f32 v14, v38;
	v18 =	vadd.f32 $1.647834930e-01, v18;
	v35 =	vmul.f32 $6.074877460e-03, v36  }
0x22c: {  	v56 =	vmax.f32 v0, v19;
	v17 =	vmul.f32 v17, v16;
	v37 =	vmul.f32 $1.442695020e+00, v37  }
0x22d: {  	v18 =	vmul.f32 v18, v32;
	v39 =	vsub.f32 $3.441859410e-02, v35;
	v35 =	vmul.f32 v22, v11  }
0x22e: {  	v17 =	vadd.f32 $9.999914760e-01, v17;
	v9 =	vmul.f32 v21, v7;
	(erf) = vpow2.f32 v37  }
0x22f: {  	v59 =	vadd.f32 $-2.391907130e-01, v18;
	v58 =	vmul.f32 v39, v36;
	v60 =	vand.u32 $0x7FFFFFFF, v35  }
0x230: {  	v38 =	vld [tilespmem:$0x18300];
	v1 =	vmovc v0;
	[tilespmem:$0x1FF70] =	vst v0;
	v0 =	vadd.f32 v14, v31;
	v16 =	vmul.f32 v17, v16;
	v62 =	vsub.f32 $0.0e+00, v60  }
0x231: {  	v45 =	vand.u32 $0x7FFFFFFF, v9;
	v17 =	vmul.f32 v59, v32;
	v61 =	vadd.f32 $-9.231376640e-02, v58;
	v40 =	vpop (erf)  }
0x232: {  	v31 =	vld [tilespmem:$0x18200];
	v39 =	vsub.f32 $0.0e+00, v45;
	v63 =	vmul.f32 $1.442695020e+00, v62;
	v42 =	vmul.f32 $6.074877460e-03, v40  }
0x233: {  	v28 =	vmax.f32 v56, v0;
	v18 =	vld [tilespmem:$0x18180];
	v17 =	vadd.f32 $3.313339950e-01, v17;
	v37 =	vmul.f32 v61, v36  }
0x234: {  	v39 =	vmul.f32 $1.442695020e+00, v39;
	(erf) = vpow2.f32 v63;
	v46 =	vsub.f32 $3.441859410e-02, v42  }
0x235: {  	v41 =	vld [tilespmem:s1+$0xC180];
	v6 =	vmul.f32 v38, v6;
	v17 =	vmul.f32 v17, v32;
	v37 =	vadd.f32 $1.647834930e-01, v37  }
0x236: {  	v16 =	vadd.f32 $9.083786520e-08, v16;
	(erf) = vpow2.f32 v39;
	v49 =	vmul.f32 v46, v40  }
0x237: {  	v4 =	vmul.f32 v31, v4;
	v45 =	vld [tilespmem:$0x18280];
	v17 =	vadd.f32 $-4.998011590e-01, v17;
	v48 =	vmul.f32 v37, v36  }
0x238: {  	v3 =	vadd.f32 v16, v3;
	v47 =	vmul.f32 v18, v2;
	v43 =	vpop (erf);
	v37 =	vadd.f32 $-9.231376640e-02, v49  }
0x239: {  	v50 =	vmul.f32 $6.074877460e-03, v43;
	v17 =	vmul.f32 v17, v32;
	v16 =	vadd.f32 $-2.391907130e-01, v48  }
0x23a: {  	v15 =	vmax.f32 v15, $0.0e+00;
	v3 =	vmul.f32 v3, v41;
	v37 =	vmul.f32 v37, v40  }
0x23b: {  	v14 =	vsub.f32 $3.441859410e-02, v50;
	v17 =	vadd.f32 $9.999914760e-01, v17;
	v16 =	vmul.f32 v16, v36  }
0x23c: {  	v2 =	vadd.f32 v3, v47;
	v5 =	vmul.f32 v45, v5;
	v51 =	vadd.f32 $1.647834930e-01, v37  }
0x23d: {  	v14 =	vmul.f32 v14, v43;
	v17 =	vmul.f32 v17, v32;
	v16 =	vadd.f32 $3.313339950e-01, v16;
	v44 =	vpop (erf)  }
0x23e: {  	v41 =	vmax.f32 v28, v2;
	v52 =	vmul.f32 $6.074877460e-03, v44;
	v28 =	vmul.f32 v51, v40  }
0x23f: {  	v53 =	vld [tilespmem:s1+$0xC200];
	v14 =	vadd.f32 $-9.231376640e-02, v14;
	v17 =	vadd.f32 $9.083786520e-08, v17;
	v47 =	vpop (erf);
	v16 =	vmul.f32 v16, v36  }
0x240: {  	v54 =	vmul.f32 $6.074877460e-03, v47;
	v32 =	vsub.f32 $3.441859410e-02, v52;
	v28 =	vadd.f32 $-2.391907130e-01, v28  }
0x241: {  	v14 =	vmul.f32 v14, v43;
	v13 =	vadd.f32 v17, v13;
	v16 =	vadd.f32 $-4.998011590e-01, v16  }
0x242: {  	v46 =	vld [tilespmem:$0x18D80];
	v52 =	vmax.f32 v10, $0.0e+00;
	v56 =	vsub.f32 $3.441859410e-02, v54;
	v55 =	vmul.f32 v32, v44  }
0x243: {  	v10 =	vld [tilespmem:s1+$0x6180];
	v14 =	vadd.f32 $1.647834930e-01, v14;
	v28 =	vmul.f32 v28, v40;
	v16 =	vmul.f32 v16, v36  }
0x244: {  	v42 =	vld [tilespmem:s1+$0x6100];
	v13 =	vmul.f32 v13, v53;
	v32 =	vmul.f32 v56, v47;
	v17 =	vadd.f32 $-9.231376640e-02, v55  }
0x245: {  	v48 =	vld [tilespmem:$0x18D00];
	v14 =	vmul.f32 v14, v43;
	v28 =	vadd.f32 $3.313339950e-01, v28;
	v16 =	vadd.f32 $9.999914760e-01, v16  }
0x246: {  	v4 =	vadd.f32 v13, v4;
	v60 =	vadd.f32 $-9.231376640e-02, v32;
	v58 =	vmul.f32 v17, v44  }
0x247: {  	v57 =	vadd.f32 $-2.391907130e-01, v14;
	v59 =	vmul.f32 v28, v40;
	v16 =	vmul.f32 v16, v36  }
0x248: {  	v39 =	vmul.f32 v46, v10;
	v63 =	vmul.f32 v60, v47;
	v14 =	vadd.f32 $1.647834930e-01, v58  }
0x249: {  	v13 =	vmul.f32 v57, v43;
	v62 =	vadd.f32 $-4.998011590e-01, v59;
	v61 =	vadd.f32 $9.083786520e-08, v16  }
0x24a: {  	v3 =	vld [tilespmem:s1+$0xC280];
	v17 =	vadd.f32 $1.647834930e-01, v63;
	v16 =	vmul.f32 v48, v42;
	v14 =	vmul.f32 v14, v44  }
0x24b: {  	v13 =	vadd.f32 $3.313339950e-01, v13;
	v53 =	vmul.f32 v62, v40;
	v32 =	vadd.f32 v61, v52  }
0x24c: {  	v17 =	vmul.f32 v17, v47;
	v55 =	vand.u32 $0x7FFFFFFF, v16;
	v14 =	vadd.f32 $-2.391907130e-01, v14  }
0x24d: {  	v61 =	vand.u32 $0x7FFFFFFF, v39;
	v13 =	vmul.f32 v13, v43;
	v54 =	vadd.f32 $9.999914760e-01, v53  }
0x24e: {  	v37 =	vsub.f32 $0.0e+00, v55;
	v17 =	vadd.f32 $-2.391907130e-01, v17;
	v14 =	vmul.f32 v14, v44  }
0x24f: {  	v49 =	vld [tilespmem:s15+$0x8000];
	v32 =	vmul.f32 v32, v3;
	v3 =	vsub.f32 $0.0e+00, v61;
	v13 =	vadd.f32 $-4.998011590e-01, v13  }
0x250: {  	v50 =	vld [tilespmem:s16+$0x8000];
	v56 =	vmul.f32 v54, v40;
	v57 =	vmul.f32 $1.442695020e+00, v37;
	v14 =	vadd.f32 $3.313339950e-01, v14  }
0x251: {  	v28 =	vld [tilespmem:$0x18380];
	v59 =	vmul.f32 v17, v47;
	v5 =	vadd.f32 v32, v5;
	v13 =	vmul.f32 v13, v43  }
0x252: {  	v36 =	vld [tilespmem:$0x18E80];
	v58 =	vadd.f32 $9.083786520e-08, v56;
	(erf) = vpow2.f32 v57;
	v51 =	vmul.f32 v14, v44  }
0x253: {  	v52 =	vmax.f32 v12, $0.0e+00;
	v32 =	vld [tilespmem:$0x18E00];
	v60 =	vadd.f32 $3.313339950e-01, v59;
	v13 =	vadd.f32 $9.999914760e-01, v13  }
0x254: {  	v14 =	vld [tilespmem:s1+$0x6200];
	v52 =	vadd.f32 v58, v52;
	v58 =	vmul.f32 $1.442695020e+00, v3;
	v63 =	vadd.f32 $-4.998011590e-01, v51  }
0x255: {  	v9 =	vmax.f32 v9, $0.0e+00;
	v12 =	vld [tilespmem:s1+$0x6280];
	v56 =	vmul.f32 v60, v47;
	v13 =	vmul.f32 v13, v43  }
0x256: {  	v62 =	vmax.f32 v41, v4;
	v8 =	vmul.f32 v28, v8;
	v37 =	vld [tilespmem:$0x18F00];
	v57 =	vmul.f32 v63, v44  }
0x257: {  	s17 =	sor.u32 $0x6300, s21;
	v40 =	vld [tilespmem:$0x18F80];
	(erf) = vpow2.f32 v58;
	v43 =	vadd.f32 $-4.998011590e-01, v56;
	v59 =	vadd.f32 $9.083786520e-08, v13  }
0x258: {  	s19 =	sor.u32 $0x6380, s24;
	v41 =	vmul.f32 v52, v49;
	v52 =	vmax.f32 v62, v5;
	v13 =	vld [tilespmem:s17+$0x0];
	v53 =	vadd.f32 $9.999914760e-01, v57  }
0x259: {  	v43 =	vmul.f32 v43, v47;
	v51 =	vmul.f32 v32, v14;
	v60 =	vadd.f32 v59, v15;
	v15 =	vld [tilespmem:s19+$0x0]  }
0x25a: {  	v56 =	vmax.f32 v35, $0.0e+00;
	v6 =	vadd.f32 v41, v6;
	v44 =	vmul.f32 v53, v44  }
0x25b: {  	v43 =	vadd.f32 $9.999914760e-01, v43;
	v54 =	vpop (erf);
	v63 =	vand.u32 $0x7FFFFFFF, v51;
	v53 =	vmul.f32 v60, v50  }
0x25c: {  	v61 =	vmul.f32 $6.074877460e-03, v54;
	v55 =	vadd.f32 $9.083786520e-08, v44;
	v44 =	vmul.f32 v36, v12  }
0x25d: {  	v43 =	vmul.f32 v43, v47;
	v50 =	vmul.f32 v37, v13;
	v47 =	vsub.f32 $0.0e+00, v63  }
0x25e: {  	v62 =	vsub.f32 $3.441859410e-02, v61;
	v49 =	vmul.f32 v40, v15;
	v57 =	vand.u32 $0x7FFFFFFF, v44  }
0x25f: {  	v17 =	vld [tilespmem:$0x18400];
	v63 =	vand.u32 $0x7FFFFFFF, v50;
	v47 =	vmul.f32 $1.442695020e+00, v47;
	v3 =	vsub.f32 $0.0e+00, v57  }
0x260: {  	v35 =	vld [tilespmem:$0x18480];
	v58 =	vmul.f32 v62, v54;
	v57 =	vsub.f32 $0.0e+00, v63;
	v60 =	vand.u32 $0x7FFFFFFF, v49  }
0x261: {  	v61 =	vld [tilespmem:s1+$0xE000];
	v59 =	vpop (erf);
	(erf) = vpow2.f32 v47;
	v60 =	vsub.f32 $0.0e+00, v60;
	v63 =	vmul.f32 $1.442695020e+00, v3  }
0x262: {  	v62 =	vmul.f32 $6.074877460e-03, v59;
	v58 =	vadd.f32 $-9.231376640e-02, v58;
	v3 =	vmul.f32 $1.442695020e+00, v57  }
0x263: {  	v55 =	vadd.f32 v55, v56;
	v60 =	vmul.f32 $1.442695020e+00, v60;
	(erf) = vpow2.f32 v63  }
0x264: {  	v56 =	vld [tilespmem:s1+$0xE080];
	v58 =	vmul.f32 v58, v54;
	v63 =	vsub.f32 $3.441859410e-02, v62;
	(erf) = vpow2.f32 v3  }
0x265: {  	v11 =	vmul.f32 v17, v11;
	v43 =	vadd.f32 $9.083786520e-08, v43;
	(erf) = vpow2.f32 v60  }
0x266: {  	v52 =	vmax.f32 v52, v6;
	v3 =	vadd.f32 $1.647834930e-01, v58;
	v47 =	vmul.f32 v63, v59  }
0x267: {  	v9 =	vadd.f32 v43, v9;
	v55 =	vmul.f32 v55, v61;
	v60 =	vmul.f32 v35, v7  }
0x268: {  	v7 =	vadd.f32 v53, v8;
	v43 =	vmul.f32 v3, v54;
	v61 =	vadd.f32 $-9.231376640e-02, v47  }
0x269: {  	v9 =	vmul.f32 v9, v56;
	v8 =	vadd.f32 v55, v11  }
0x26a: {  	v62 =	vmax.f32 v52, v7;
	v43 =	vadd.f32 $-2.391907130e-01, v43;
	v52 =	vpop (erf);
	v11 =	vmul.f32 v61, v59  }
0x26b: {  	v16 =	vmax.f32 v16, $0.0e+00;
	v9 =	vadd.f32 v9, v60;
	v63 =	vmul.f32 $6.074877460e-03, v52  }
0x26c: {  	v47 =	vmax.f32 v62, v8;
	v43 =	vmul.f32 v43, v54;
	v11 =	vadd.f32 $1.647834930e-01, v11;
	v55 =	vpop (erf)  }
0x26d: {  	v53 =	vmax.f32 v47, v9;
	v47 =	vsub.f32 $3.441859410e-02, v63;
	v3 =	vmul.f32 $6.074877460e-03, v55;
	v57 =	vpop (erf)  }
0x26e: {  	v43 =	vadd.f32 $3.313339950e-01, v43;
	v11 =	vmul.f32 v11, v59;
	v58 =	vmul.f32 $6.074877460e-03, v57;
	v60 =	vpop (erf)  }
0x26f: {  	v47 =	vmul.f32 v47, v52;
	v56 =	vsub.f32 $3.441859410e-02, v3;
	v3 =	vmul.f32 $6.074877460e-03, v60  }
0x270: {  	v43 =	vmul.f32 v43, v54;
	v11 =	vadd.f32 $-2.391907130e-01, v11;
	v58 =	vsub.f32 $3.441859410e-02, v58  }
0x271: {  	v47 =	vadd.f32 $-9.231376640e-02, v47;
	v56 =	vmul.f32 v56, v55;
	v61 =	vsub.f32 $3.441859410e-02, v3  }
0x272: {  	v43 =	vadd.f32 $-4.998011590e-01, v43;
	v11 =	vmul.f32 v11, v59;
	v58 =	vmul.f32 v58, v57  }
0x273: {  	v47 =	vmul.f32 v47, v52;
	v56 =	vadd.f32 $-9.231376640e-02, v56;
	v61 =	vmul.f32 v61, v60  }
0x274: {  	v43 =	vmul.f32 v43, v54;
	v11 =	vadd.f32 $3.313339950e-01, v11;
	v58 =	vadd.f32 $-9.231376640e-02, v58  }
0x275: {  	v47 =	vadd.f32 $1.647834930e-01, v47;
	v56 =	vmul.f32 v56, v55;
	v61 =	vadd.f32 $-9.231376640e-02, v61  }
0x276: {  	v43 =	vadd.f32 $9.999914760e-01, v43;
	v11 =	vmul.f32 v11, v59;
	v58 =	vmul.f32 v58, v57  }
0x277: {  	v47 =	vmul.f32 v47, v52;
	v56 =	vadd.f32 $1.647834930e-01, v56;
	v61 =	vmul.f32 v61, v60  }
0x278: {  	v43 =	vmul.f32 v43, v54;
	v11 =	vadd.f32 $-4.998011590e-01, v11;
	v63 =	vadd.f32 $1.647834930e-01, v58  }
0x279: {  	v47 =	vadd.f32 $-2.391907130e-01, v47;
	v56 =	vmul.f32 v56, v55;
	v58 =	vadd.f32 $1.647834930e-01, v61  }
0x27a: {  	v43 =	vadd.f32 $9.083786520e-08, v43;
	v11 =	vmul.f32 v11, v59;
	v54 =	vmul.f32 v63, v57  }
0x27b: {  	v41 =	vld [tilespmem:$0x18500];
	v47 =	vmul.f32 v47, v52;
	v56 =	vadd.f32 $-2.391907130e-01, v56;
	v58 =	vmul.f32 v58, v60  }
0x27c: {  	v39 =	vmax.f32 v39, $0.0e+00;
	v11 =	vadd.f32 $9.999914760e-01, v11;
	v54 =	vadd.f32 $-2.391907130e-01, v54  }
0x27d: {  	v3 =	vld [tilespmem:s1+$0xE100];
	v63 =	vadd.f32 $3.313339950e-01, v47;
	v56 =	vmul.f32 v56, v55;
	v58 =	vadd.f32 $-2.391907130e-01, v58  }
0x27e: {  	v16 =	vadd.f32 v43, v16;
	v47 =	vld [tilespmem:$0x18580];
	v11 =	vmul.f32 v11, v59;
	v54 =	vmul.f32 v54, v57  }
0x27f: {  	v59 =	vld [tilespmem:s1+$0xE180];
	v43 =	vmul.f32 v63, v52;
	v56 =	vadd.f32 $3.313339950e-01, v56;
	v58 =	vmul.f32 v58, v60  }
0x280: {  	v42 =	vmul.f32 v41, v42;
	v11 =	vadd.f32 $9.083786520e-08, v11;
	v54 =	vadd.f32 $3.313339950e-01, v54  }
0x281: {  	v43 =	vadd.f32 $-4.998011590e-01, v43;
	v56 =	vmul.f32 v56, v55;
	v58 =	vadd.f32 $3.313339950e-01, v58  }
0x282: {  	v16 =	vmul.f32 v16, v3;
	v11 =	vadd.f32 v11, v39;
	v54 =	vmul.f32 v54, v57  }
0x283: {  	v3 =	vmul.f32 v43, v52;
	v39 =	vadd.f32 $-4.998011590e-01, v56;
	v56 =	vmul.f32 v58, v60  }
0x284: {  	v58 =	vmul.f32 v47, v10;
	v11 =	vmul.f32 v11, v59;
	v54 =	vadd.f32 $-4.998011590e-01, v54  }
0x285: {  	v43 =	vld [tilespmem:$0x18600];
	v61 =	vadd.f32 $9.999914760e-01, v3;
	v39 =	vmul.f32 v39, v55;
	v56 =	vadd.f32 $-4.998011590e-01, v56  }
0x286: {  	v10 =	vadd.f32 v16, v42;
	v16 =	vld [tilespmem:s1+$0xE200];
	v11 =	vadd.f32 v11, v58;
	v54 =	vmul.f32 v54, v57  }
0x287: {  	v58 =	vld [tilespmem:s1+$0xE280];
	v42 =	vmul.f32 v61, v52;
	v62 =	vadd.f32 $9.999914760e-01, v39;
	v56 =	vmul.f32 v56, v60  }
0x288: {  	v51 =	vmax.f32 v51, $0.0e+00;
	v39 =	vld [tilespmem:$0x18680];
	v63 =	vadd.f32 $9.999914760e-01, v54  }
0x289: {  	v61 =	vadd.f32 $9.083786520e-08, v42;
	v42 =	vld [tilespmem:$0x18700];
	v3 =	vmul.f32 v62, v55;
	v56 =	vadd.f32 $9.999914760e-01, v56  }
0x28a: {  	v50 =	vmax.f32 v50, $0.0e+00;
	v49 =	vmax.f32 v49, $0.0e+00;
	v55 =	vld [tilespmem:s17+$0x8000];
	v52 =	vmul.f32 v63, v57  }
0x28b: {  	v53 =	vmax.f32 v53, v10;
	v62 =	vld [tilespmem:s19+$0x8000];
	v54 =	vadd.f32 $9.083786520e-08, v3;
	v56 =	vmul.f32 v56, v60  }
0x28c: {  	v51 =	vadd.f32 v61, v51;
	v63 =	vmax.f32 v44, $0.0e+00;
	v44 =	vld [tilespmem:$0x18780];
	v52 =	vadd.f32 $9.083786520e-08, v52  }
0x28d: {  	v14 =	vmul.f32 v43, v14;
	v54 =	vadd.f32 v54, v63;
	v56 =	vadd.f32 $9.083786520e-08, v56  }
0x28e: {  	v53 =	vmax.f32 v53, v11;
	v16 =	vmul.f32 v51, v16;
	v50 =	vadd.f32 v52, v50  }
0x28f: {  	v3 =	vmul.f32 v39, v12;
	v58 =	vmul.f32 v54, v58;
	v49 =	vadd.f32 v56, v49  }
0x290: {  	v59 =	vmul.f32 v42, v13;
	v12 =	vadd.f32 v16, v14;
	v60 =	vmul.f32 v50, v55  }
0x291: {  	v61 =	vmul.f32 v44, v15;
	v13 =	vadd.f32 v58, v3;
	v49 =	vmul.f32 v49, v62  }
0x292: {  	v62 =	vmax.f32 v53, v12;
	v15 =	vadd.f32 v60, v59  }
0x293: {  	v63 =	vmax.f32 v62, v13;
	v14 =	vadd.f32 v49, v61  }
0x294: {  	v16 =	vmax.f32 v63, v15  }
0x295: {  	v16 =	vmax.f32 v16, v14  }
0x296: {  	v1 =	vsub.f32 v1, v16;
	_ =	sdelay $0x1  }
0x297: {  	v3 =	vsub.f32 v19, v16;
	v49 =	vmul.f32 $1.442695020e+00, v1;
	_ =	sdelay $0x1  }
0x298: {  	[tilespmem:$0x1FF80] =	vst v19;
	v19 =	vsub.f32 v0, v16;
	v50 =	vmul.f32 $1.442695020e+00, v3;
	(erf) = vpow2.f32 v49;
	_ =	sdelay $0x1  }
0x299: {  	v52 =	vsub.f32 v2, v16;
	v49 =	vmul.f32 $1.442695020e+00, v19;
	(erf) = vpow2.f32 v50;
	_ =	sdelay $0x1  }
0x29a: {  	v54 =	vsub.f32 v4, v16;
	v53 =	vmul.f32 $1.442695020e+00, v52;
	(erf) = vpow2.f32 v49  }
0x29b: {  	v56 =	vsub.f32 v5, v16  }
0x29c: {  	v55 =	vmul.f32 $1.442695020e+00, v54;
	(erf) = vpow2.f32 v53  }
0x29d: {  	v58 =	vsub.f32 v6, v16;
	v57 =	vmul.f32 $1.442695020e+00, v56  }
0x29e: {  	(erf) = vpow2.f32 v55  }
0x29f: {  	v62 =	vsub.f32 v7, v16;
	v61 =	vmul.f32 $1.442695020e+00, v58;
	v59 =	vpop (erf);
	(erf) = vpow2.f32 v57;
	_ =	sdelay $0x1  }
0x2a0: {  	[tilespmem:$0x1FF90] =	vst v0;
	v0 =	vsub.f32 v8, v16;
	v63 =	vmul.f32 $1.442695020e+00, v62;
	v60 =	vpop (erf);
	(erf) = vpow2.f32 v61  }
0x2a1: {  	v51 =	vadd.f32 v60, v59  }
0x2a2: {  	[tilespmem:$0x1FFA0] =	vst v2;
	v2 =	vmul.f32 $1.442695020e+00, v0;
	v1 =	vpop (erf);
	(erf) = vpow2.f32 v63  }
0x2a3: {  	v19 =	vsub.f32 v9, v16;
	v51 =	vadd.f32 v51, v1  }
0x2a4: {  	v3 =	vpop (erf);
	(erf) = vpow2.f32 v2  }
0x2a5: {  	v58 =	vsub.f32 v10, v16;
	v57 =	vmul.f32 $1.442695020e+00, v19;
	v50 =	vadd.f32 v51, v3  }
0x2a6: {  	v61 =	vsub.f32 v11, v16;
	v56 =	vpop (erf)  }
0x2a7: {  	v60 =	vmul.f32 $1.442695020e+00, v58;
	v49 =	vadd.f32 v50, v56;
	v59 =	vpop (erf);
	(erf) = vpow2.f32 v57  }
0x2a8: {  	v0 =	vsub.f32 v12, v16  }
0x2a9: {  	v63 =	vmul.f32 $1.442695020e+00, v61;
	v49 =	vadd.f32 v49, v59;
	v62 =	vpop (erf);
	(erf) = vpow2.f32 v60  }
0x2aa: {  	v3 =	vsub.f32 v13, v16  }
0x2ab: {  	v2 =	vmul.f32 $1.442695020e+00, v0;
	v1 =	vpop (erf);
	(erf) = vpow2.f32 v63;
	v49 =	vadd.f32 v49, v62  }
0x2ac: {  	v56 =	vmul.f32 $1.442695020e+00, v3  }
0x2ad: {  	v57 =	vsub.f32 v15, v16;
	v19 =	vpop (erf);
	(erf) = vpow2.f32 v2;
	v49 =	vadd.f32 v49, v1  }
0x2ae: {  	v59 =	vsub.f32 v14, v16  }
0x2af: {  	v58 =	vmul.f32 $1.442695020e+00, v57;
	(erf) = vpow2.f32 v56;
	v49 =	vadd.f32 v49, v19  }
0x2b0: {  	v60 =	vpop (erf)  }
0x2b1: {  	v61 =	vmul.f32 $1.442695020e+00, v59;
	(erf) = vpow2.f32 v58;
	v49 =	vadd.f32 v49, v60  }
0x2b2: {  	v62 =	vpop (erf)  }
0x2b3: {  	(erf) = vpow2.f32 v61;
	v49 =	vadd.f32 v49, v62  }
0x2b4: {  	v51 =	vld [tilespmem:s1+$0x4010];
	v63 =	vpop (erf)  }
0x2b5: {  	v49 =	vadd.f32 v49, v63  }
0x2b6: {  	v0 =	vpop (erf)  }
0x2b7: {  	v56 =	vld [tilespmem:s1+$0x4090];
	v49 =	vadd.f32 v49, v0  }
0x2b8: {  	v1 =	vpop (erf)  }
0x2b9: {  	v34 =	vmul.f32 v51, v34;
	v49 =	vadd.f32 v49, v1  }
0x2ba: {  	v2 =	vpop (erf)  }
0x2bb: {  	v3 =	vand.u32 $0x7FFFFFFF, v34;
	v49 =	vadd.f32 v49, v2  }
0x2bc: {  	v50 =	vsub.f32 $0.0e+00, v3;
	v57 =	vmul.f32 v56, v24;
	v19 =	vpop (erf)  }
0x2bd: {  	v49 =	vadd.f32 v49, v19  }
0x2be: {  	v50 =	vmul.f32 $1.442695020e+00, v50;
	v24 =	vand.u32 $0x7FFFFFFF, v57  }
0x2bf: {  	v24 =	vsub.f32 $0.0e+00, v24;
	(erf) = vrcp.f32 v49  }
0x2c0: {  	(erf) = vpow2.f32 v50  }
0x2c1: {  	v24 =	vmul.f32 $1.442695020e+00, v24;
	_ =	sdelay $0x1  }
0x2c2: {  	(erf) = vpow2.f32 v24;
	_ =	sdelay $0x3  }
0x2c3: {  	v58 =	vld [tilespmem:s1+$0x4110]  }
0x2c4: {  	v24 =	vpop (erf)  }
0x2c5: {  	v52 =	vpop (erf)  }
0x2c6: {  	v54 =	vmul.f32 $6.074877460e-03, v52;
	_ =	sdelay $0x1  }
0x2c7: {  	v26 =	vmul.f32 v58, v26;
	v63 =	vld [tilespmem:$0x1FF60];
	v59 =	vpop (erf);
	v49 =	vsub.f32 $3.441859410e-02, v54  }
0x2c8: {  	v50 =	vld [tilespmem:s1+$0x4190];
	v61 =	vmul.f32 $6.074877460e-03, v59  }
0x2c9: {  	v55 =	vand.u32 $0x7FFFFFFF, v26;
	v49 =	vmul.f32 v49, v52  }
0x2ca: {  	v60 =	vsub.f32 $0.0e+00, v55;
	v54 =	vsub.f32 $3.441859410e-02, v61  }
0x2cb: {  	v49 =	vadd.f32 $-9.231376640e-02, v49  }
0x2cc: {  	v53 =	vmul.f32 $1.442695020e+00, v60;
	v62 =	vmul.f32 v54, v59  }
0x2cd: {  	v55 =	vmul.f32 v50, v63;
	v49 =	vmul.f32 v49, v52  }
0x2ce: {  	(erf) = vpow2.f32 v53;
	v53 =	vadd.f32 $-9.231376640e-02, v62  }
0x2cf: {  	v0 =	vand.u32 $0x7FFFFFFF, v55;
	v49 =	vadd.f32 $1.647834930e-01, v49  }
0x2d0: {  	v19 =	vld [tilespmem:s1+$0x4210];
	v54 =	vsub.f32 $0.0e+00, v0;
	v53 =	vmul.f32 v53, v59  }
0x2d1: {  	v49 =	vmul.f32 v49, v52  }
0x2d2: {  	v54 =	vmul.f32 $1.442695020e+00, v54;
	v53 =	vadd.f32 $1.647834930e-01, v53  }
0x2d3: {  	v49 =	vadd.f32 $-2.391907130e-01, v49  }
0x2d4: {  	(erf) = vpow2.f32 v54;
	v53 =	vmul.f32 v53, v59  }
0x2d5: {  	v1 =	vmul.f32 v49, v52;
	v49 =	vmul.f32 v19, v33;
	_ =	sdelay $0x1  }
0x2d6: {  	v60 =	vpop (erf);
	v53 =	vadd.f32 $-2.391907130e-01, v53;
	v3 =	vand.u32 $0x7FFFFFFF, v49  }
0x2d7: {  	v0 =	vmul.f32 $6.074877460e-03, v60;
	v2 =	vadd.f32 $3.313339950e-01, v1;
	v54 =	vsub.f32 $0.0e+00, v3  }
0x2d8: {  	v1 =	vmul.f32 v53, v59  }
0x2d9: {  	v61 =	vsub.f32 $3.441859410e-02, v0;
	v33 =	vmul.f32 v2, v52;
	v54 =	vmul.f32 $1.442695020e+00, v54  }
0x2da: {  	v2 =	vadd.f32 $3.313339950e-01, v1  }
0x2db: {  	v61 =	vmul.f32 v61, v60;
	v33 =	vadd.f32 $-4.998011590e-01, v33;
	(erf) = vpow2.f32 v54  }
0x2dc: {  	v53 =	vld [tilespmem:s1+$0x4290];
	v54 =	vmul.f32 v2, v59  }
0x2dd: {  	v61 =	vadd.f32 $-9.231376640e-02, v61;
	v62 =	vpop (erf);
	v33 =	vmul.f32 v33, v52  }
0x2de: {  	v63 =	vmul.f32 $6.074877460e-03, v62;
	v0 =	vadd.f32 $-4.998011590e-01, v54  }
0x2df: {  	v61 =	vmul.f32 v61, v60;
	v33 =	vadd.f32 $9.999914760e-01, v33  }
0x2e0: {  	v54 =	vmul.f32 v51, v23;
	v23 =	vsub.f32 $3.441859410e-02, v63;
	v0 =	vmul.f32 v0, v59  }
0x2e1: {  	s4 =	sadd.s32 $0x10, s21;
	v61 =	vadd.f32 $1.647834930e-01, v61;
	v33 =	vmul.f32 v33, v52;
	v52 =	vmul.f32 v53, v25  }
0x2e2: {  	s21 =	sor.u32 $0x4300, s4;
	v34 =	vmax.f32 v34, $0.0e+00;
	v63 =	vmul.f32 v23, v62;
	v0 =	vadd.f32 $9.999914760e-01, v0  }
0x2e3: {  	v25 =	vadd.f32 $9.083786520e-08, v33;
	v33 =	vmul.f32 v61, v60;
	v3 =	vand.u32 $0x7FFFFFFF, v52;
	v61 =	vld [tilespmem:s1+$0xC010]  }
0x2e4: {  	v63 =	vadd.f32 $-9.231376640e-02, v63;
	v51 =	vsub.f32 $0.0e+00, v3;
	v3 =	vld [tilespmem:s21+$0x0];
	v0 =	vmul.f32 v0, v59;
	v23 =	vpop (erf)  }
0x2e5: {  	v33 =	vadd.f32 $-2.391907130e-01, v33;
	v25 =	vadd.f32 v25, v34;
	v1 =	vmul.f32 $6.074877460e-03, v23  }
0x2e6: {  	v34 =	vmul.f32 v63, v62;
	v63 =	vmax.f32 v57, $0.0e+00;
	v51 =	vmul.f32 $1.442695020e+00, v51  }
0x2e7: {  	v0 =	vadd.f32 $9.083786520e-08, v0;
	v33 =	vmul.f32 v33, v60;
	v1 =	vsub.f32 $3.441859410e-02, v1  }
0x2e8: {  	v34 =	vadd.f32 $1.647834930e-01, v34;
	(erf) = vpow2.f32 v51;
	v59 =	vmul.f32 v25, v61;
	v25 =	vld [tilespmem:s1+$0xC090]  }
0x2e9: {  	v33 =	vadd.f32 $3.313339950e-01, v33;
	v51 =	vmul.f32 v3, v27;
	v1 =	vmul.f32 v1, v23  }
0x2ea: {  	s24 =	sor.u32 $0x4380, s4;
	v0 =	vadd.f32 v0, v63;
	v61 =	vmul.f32 v34, v62  }
0x2eb: {  	v57 =	vmul.f32 v33, v60;
	v33 =	vld [tilespmem:s24+$0x0];
	v63 =	vand.u32 $0x7FFFFFFF, v51;
	v1 =	vadd.f32 $-9.231376640e-02, v1  }
0x2ec: {  	v20 =	vmul.f32 v56, v20;
	v61 =	vadd.f32 $-2.391907130e-01, v61;
	v34 =	vsub.f32 $0.0e+00, v63  }
0x2ed: {  	v57 =	vadd.f32 $-4.998011590e-01, v57;
	v56 =	vmul.f32 v0, v25;
	v1 =	vmul.f32 v1, v23  }
0x2ee: {  	v0 =	vmul.f32 v61, v62;
	v34 =	vmul.f32 $1.442695020e+00, v34  }
0x2ef: {  	v63 =	vmul.f32 v57, v60;
	v1 =	vadd.f32 $1.647834930e-01, v1  }
0x2f0: {  	v0 =	vadd.f32 $3.313339950e-01, v0;
	v30 =	vmul.f32 v33, v30;
	(erf) = vpow2.f32 v34  }
0x2f1: {  	v25 =	vadd.f32 $9.999914760e-01, v63;
	v57 =	vpop (erf);
	v1 =	vmul.f32 v1, v23  }
0x2f2: {  	v0 =	vmul.f32 v0, v62;
	v27 =	vmul.f32 $6.074877460e-03, v57;
	v61 =	vand.u32 $0x7FFFFFFF, v30  }
0x2f3: {  	v63 =	vsub.f32 $0.0e+00, v61;
	v34 =	vmul.f32 v25, v60;
	v25 =	vld [tilespmem:s1+$0x6010];
	v1 =	vadd.f32 $-2.391907130e-01, v1  }
0x2f4: {  	v58 =	vmul.f32 v58, v29;
	v60 =	vld [tilespmem:s1+$0xC110];
	v0 =	vadd.f32 $-4.998011590e-01, v0;
	v27 =	vsub.f32 $3.441859410e-02, v27  }
0x2f5: {  	v29 =	vmul.f32 $1.442695020e+00, v63;
	v34 =	vadd.f32 $9.083786520e-08, v34;
	v1 =	vmul.f32 v1, v23  }
0x2f6: {  	v26 =	vmax.f32 v26, $0.0e+00;
	v0 =	vmul.f32 v0, v62;
	v27 =	vmul.f32 v27, v57  }
0x2f7: {  	(erf) = vpow2.f32 v29;
	v61 =	vadd.f32 v34, v26;
	v1 =	vadd.f32 $3.313339950e-01, v1  }
0x2f8: {  	v26 =	vld [tilespmem:s1+$0x6090];
	v63 =	vadd.f32 $-9.231376640e-02, v27;
	v27 =	vmul.f32 v25, v22  }
0x2f9: {  	v0 =	vadd.f32 $9.999914760e-01, v0;
	v22 =	vmul.f32 v61, v60;
	v60 =	vpop (erf);
	v1 =	vmul.f32 v1, v23  }
0x2fa: {  	v29 =	vmul.f32 v63, v57;
	v34 =	vmul.f32 $6.074877460e-03, v60;
	v61 =	vand.u32 $0x7FFFFFFF, v27  }
0x2fb: {  	v61 =	vsub.f32 $0.0e+00, v61;
	v1 =	vadd.f32 $-4.998011590e-01, v1  }
0x2fc: {  	v0 =	vmul.f32 v0, v62;
	v29 =	vadd.f32 $1.647834930e-01, v29;
	v62 =	vsub.f32 $3.441859410e-02, v34  }
0x2fd: {  	v34 =	vmul.f32 v26, v21;
	v1 =	vmul.f32 v1, v23  }
0x2fe: {  	v55 =	vmax.f32 v55, $0.0e+00;
	v21 =	vmul.f32 v29, v57;
	v29 =	vmul.f32 $1.442695020e+00, v61  }
0x2ff: {  	v2 =	vadd.f32 $9.083786520e-08, v0;
	v61 =	vmul.f32 v62, v60;
	v0 =	vand.u32 $0x7FFFFFFF, v34  }
0x300: {  	v63 =	vld [tilespmem:s1+$0xC190];
	v1 =	vadd.f32 $9.999914760e-01, v1;
	(erf) = vpow2.f32 v29;
	v29 =	vsub.f32 $0.0e+00, v0;
	v62 =	vpop (erf)  }
0x301: {  	v21 =	vadd.f32 $-2.391907130e-01, v21;
	v61 =	vadd.f32 $-9.231376640e-02, v61;
	v0 =	vmul.f32 $6.074877460e-03, v62  }
0x302: {  	v2 =	vadd.f32 v2, v55;
	v1 =	vmul.f32 v1, v23;
	v23 =	vmul.f32 $1.442695020e+00, v29  }
0x303: {  	v21 =	vmul.f32 v21, v57;
	v29 =	vmul.f32 v61, v60;
	v61 =	vmax.f32 v49, $0.0e+00;
	v49 =	vld [tilespmem:s1+$0x6110]  }
0x304: {  	v50 =	vmul.f32 v50, v18;
	v55 =	vld [tilespmem:s1+$0xC210];
	v0 =	vsub.f32 $3.441859410e-02, v0;
	v1 =	vadd.f32 $9.083786520e-08, v1  }
0x305: {  	v2 =	vmul.f32 v2, v63;
	v21 =	vadd.f32 $3.313339950e-01, v21;
	v29 =	vadd.f32 $1.647834930e-01, v29  }
0x306: {  	(erf) = vpow2.f32 v23;
	v0 =	vmul.f32 v0, v62  }
0x307: {  	v1 =	vadd.f32 v1, v61;
	v63 =	vmul.f32 v21, v57;
	v29 =	vmul.f32 v29, v60  }
0x308: {  	v23 =	vmul.f32 v19, v31;
	v0 =	vadd.f32 $-9.231376640e-02, v0;
	v48 =	vmul.f32 v49, v48  }
0x309: {  	v1 =	vmul.f32 v1, v55;
	v18 =	vadd.f32 $-4.998011590e-01, v63;
	v31 =	vadd.f32 $-2.391907130e-01, v29;
	v55 =	vpop (erf)  }
0x30a: {  	v0 =	vmul.f32 v0, v62;
	v63 =	vand.u32 $0x7FFFFFFF, v48;
	v61 =	vmul.f32 $6.074877460e-03, v55  }
0x30b: {  	v18 =	vmul.f32 v18, v57;
	v29 =	vsub.f32 $0.0e+00, v63  }
0x30c: {  	v19 =	vmul.f32 v31, v60;
	v0 =	vadd.f32 $1.647834930e-01, v0;
	v21 =	vsub.f32 $3.441859410e-02, v61  }
0x30d: {  	v31 =	vadd.f32 $9.999914760e-01, v18;
	v18 =	vadd.f32 v59, v54;
	v59 =	vmul.f32 $1.442695020e+00, v29  }
0x30e: {  	v53 =	vmul.f32 v53, v45;
	v19 =	vadd.f32 $3.313339950e-01, v19;
	v29 =	vld [tilespmem:s1+$0x6190];
	v0 =	vmul.f32 v0, v62  }
0x30f: {  	v21 =	vmul.f32 v21, v55;
	v61 =	vpop (erf);
	(erf) = vpow2.f32 v59  }
0x310: {  	v19 =	vmul.f32 v19, v60;
	v63 =	vmul.f32 $6.074877460e-03, v61;
	v0 =	vadd.f32 $-2.391907130e-01, v0  }
0x311: {  	v52 =	vmax.f32 v52, $0.0e+00;
	v31 =	vmul.f32 v31, v57;
	v21 =	vadd.f32 $-9.231376640e-02, v21  }
0x312: {  	v57 =	vld [tilespmem:s1+$0xC290];
	v19 =	vadd.f32 $-4.998011590e-01, v19;
	v59 =	vsub.f32 $3.441859410e-02, v63;
	v0 =	vmul.f32 v0, v62  }
0x313: {  	v31 =	vadd.f32 $9.083786520e-08, v31;
	v45 =	vmul.f32 v29, v46;
	v21 =	vmul.f32 v21, v55  }
0x314: {  	v19 =	vmul.f32 v19, v60;
	v54 =	vmul.f32 v59, v61;
	v0 =	vadd.f32 $3.313339950e-01, v0  }
0x315: {  	v31 =	vadd.f32 v31, v52;
	v59 =	vand.u32 $0x7FFFFFFF, v45;
	v21 =	vadd.f32 $1.647834930e-01, v21  }
0x316: {  	v19 =	vadd.f32 $9.999914760e-01, v19;
	v63 =	vadd.f32 $-9.231376640e-02, v54;
	v0 =	vmul.f32 v0, v62  }
0x317: {  	v52 =	vsub.f32 $0.0e+00, v59;
	v54 =	vmul.f32 v31, v57;
	v21 =	vmul.f32 v21, v55  }
0x318: {  	v51 =	vmax.f32 v51, $0.0e+00;
	v31 =	vmul.f32 v19, v60;
	v46 =	vmul.f32 v63, v61  }
0x319: {  	v52 =	vmul.f32 $1.442695020e+00, v52;
	v19 =	vadd.f32 v56, v20;
	v0 =	vadd.f32 $-4.998011590e-01, v0;
	v63 =	vld [tilespmem:s21+$0x8000];
	v56 =	vpop (erf)  }
0x31a: {  	v21 =	vadd.f32 $-2.391907130e-01, v21;
	v60 =	vmul.f32 $6.074877460e-03, v56;
	v46 =	vadd.f32 $1.647834930e-01, v46  }
0x31b: {  	(erf) = vpow2.f32 v52;
	v31 =	vadd.f32 $9.083786520e-08, v31;
	v0 =	vmul.f32 v0, v62  }
0x31c: {  	v21 =	vmul.f32 v21, v55;
	v52 =	vsub.f32 $3.441859410e-02, v60;
	v46 =	vmul.f32 v46, v61  }
0x31d: {  	v3 =	vmul.f32 v3, v38;
	v31 =	vadd.f32 v31, v51;
	v0 =	vadd.f32 $9.999914760e-01, v0  }
0x31e: {  	s3 =	sor.u32 $0x6300, s4;
	v38 =	vld [tilespmem:s1+$0x6210];
	v21 =	vadd.f32 $3.313339950e-01, v21;
	v52 =	vmul.f32 v52, v56;
	v46 =	vadd.f32 $-2.391907130e-01, v46  }
0x31f: {  	v20 =	vadd.f32 v22, v58;
	v57 =	vmul.f32 v31, v63;
	v31 =	vld [tilespmem:s3+$0x0];
	v0 =	vmul.f32 v0, v62  }
0x320: {  	v63 =	vmax.f32 v30, $0.0e+00;
	v30 =	vld [tilespmem:s1+$0x6290];
	v21 =	vmul.f32 v21, v55;
	v46 =	vmul.f32 v46, v61  }
0x321: {  	v60 =	vadd.f32 $-9.231376640e-02, v52;
	v0 =	vadd.f32 $9.083786520e-08, v0  }
0x322: {  	v51 =	vld [tilespmem:s24+$0x8000];
	v21 =	vadd.f32 $-4.998011590e-01, v21;
	v58 =	vadd.f32 $3.313339950e-01, v46  }
0x323: {  	v0 =	vadd.f32 v0, v63;
	v63 =	vmul.f32 v60, v56;
	v46 =	vmul.f32 v38, v32  }
0x324: {  	s4 =	sor.u32 $0x6380, s4;
	v37 =	vmul.f32 v31, v37;
	v59 =	vmul.f32 v21, v55  }
0x325: {  	v32 =	vld [tilespmem:s4+$0x0];
	v21 =	vadd.f32 v2, v50;
	v2 =	vmul.f32 v33, v28;
	v50 =	vpop (erf);
	v33 =	vmul.f32 v30, v36  }
0x326: {  	v62 =	vmul.f32 v58, v61;
	v58 =	vmul.f32 $6.074877460e-03, v50  }
0x327: {  	v0 =	vmul.f32 v0, v51;
	v22 =	vadd.f32 $9.999914760e-01, v59;
	v59 =	vadd.f32 $1.647834930e-01, v63  }
0x328: {  	v63 =	vand.u32 $0x7FFFFFFF, v33;
	v28 =	vadd.f32 $-4.998011590e-01, v62;
	v60 =	vsub.f32 $3.441859410e-02, v58  }
0x329: {  	v62 =	vand.u32 $0x7FFFFFFF, v46;
	v52 =	vmul.f32 v22, v55;
	v55 =	vmul.f32 v59, v56  }
0x32a: {  	v51 =	vsub.f32 $0.0e+00, v62;
	v62 =	vsub.f32 $0.0e+00, v63;
	v36 =	vmul.f32 v32, v40  }
0x32b: {  	v22 =	vadd.f32 v1, v23;
	v28 =	vmul.f32 v28, v61;
	v60 =	vmul.f32 v60, v50  }
0x32c: {  	v63 =	vmul.f32 $1.442695020e+00, v51;
	v58 =	vand.u32 $0x7FFFFFFF, v36;
	v59 =	vadd.f32 $-2.391907130e-01, v55  }
0x32d: {  	v23 =	vadd.f32 $-9.231376640e-02, v60;
	v60 =	vmul.f32 $1.442695020e+00, v62;
	v62 =	vand.u32 $0x7FFFFFFF, v37  }
0x32e: {  	v28 =	vadd.f32 $9.999914760e-01, v28;
	(erf) = vpow2.f32 v63;
	v63 =	vsub.f32 $0.0e+00, v62  }
0x32f: {  	v51 =	vsub.f32 $0.0e+00, v58;
	v40 =	vmul.f32 v59, v56  }
0x330: {  	v28 =	vmul.f32 v28, v61;
	v61 =	vld [tilespmem:s1+$0xE010];
	v1 =	vmul.f32 $1.442695020e+00, v63  }
0x331: {  	v52 =	vadd.f32 $9.083786520e-08, v52;
	(erf) = vpow2.f32 v60;
	v51 =	vmul.f32 $1.442695020e+00, v51  }
0x332: {  	v27 =	vmax.f32 v27, $0.0e+00;
	v60 =	vmul.f32 v23, v50;
	(erf) = vpow2.f32 v1  }
0x333: {  	v27 =	vadd.f32 v52, v27;
	v63 =	vld [tilespmem:s1+$0xE090];
	v40 =	vadd.f32 $3.313339950e-01, v40;
	(erf) = vpow2.f32 v51  }
0x334: {  	v17 =	vmul.f32 v25, v17;
	v62 =	vadd.f32 $1.647834930e-01, v60;
	v28 =	vadd.f32 $9.083786520e-08, v28  }
0x335: {  	v34 =	vmax.f32 v34, $0.0e+00;
	v40 =	vmul.f32 v40, v56;
	v1 =	vmul.f32 v27, v61  }
0x336: {  	v23 =	vadd.f32 v54, v53;
	v53 =	vmul.f32 v62, v50;
	v52 =	vadd.f32 v28, v34  }
0x337: {  	v48 =	vmax.f32 v48, $0.0e+00;
	v55 =	vmul.f32 v26, v35;
	v58 =	vadd.f32 $-4.998011590e-01, v40  }
0x338: {  	v26 =	vadd.f32 v57, v3;
	v54 =	vadd.f32 $-2.391907130e-01, v53;
	v59 =	vmul.f32 v52, v63  }
0x339: {  	v63 =	vmul.f32 v49, v41;
	v17 =	vadd.f32 v1, v17;
	v60 =	vmul.f32 v58, v56;
	v1 =	vpop (erf)  }
0x33a: {  	v27 =	vadd.f32 v0, v2;
	v28 =	vmul.f32 v54, v50;
	v62 =	vmul.f32 $6.074877460e-03, v1;
	v34 =	vpop (erf)  }
0x33b: {  	v25 =	vadd.f32 v59, v55;
	v0 =	vadd.f32 $9.999914760e-01, v60;
	v54 =	vmul.f32 $6.074877460e-03, v34;
	v40 =	vpop (erf)  }
0x33c: {  	v61 =	vadd.f32 $3.313339950e-01, v28;
	v3 =	vsub.f32 $3.441859410e-02, v62;
	v55 =	vmul.f32 $6.074877460e-03, v40;
	v49 =	vpop (erf)  }
0x33d: {  	v0 =	vmul.f32 v0, v56;
	v35 =	vsub.f32 $3.441859410e-02, v54;
	v56 =	vmul.f32 $6.074877460e-03, v49  }
0x33e: {  	v29 =	vmul.f32 v29, v47;
	v3 =	vmul.f32 v3, v1;
	v41 =	vsub.f32 $3.441859410e-02, v55  }
0x33f: {  	v2 =	vmul.f32 v61, v50;
	v35 =	vmul.f32 v35, v34;
	v51 =	vsub.f32 $3.441859410e-02, v56  }
0x340: {  	v45 =	vmax.f32 v45, $0.0e+00;
	v3 =	vadd.f32 $-9.231376640e-02, v3;
	v41 =	vmul.f32 v41, v40  }
0x341: {  	v2 =	vadd.f32 $-4.998011590e-01, v2;
	v35 =	vadd.f32 $-9.231376640e-02, v35;
	v51 =	vmul.f32 v51, v49  }
0x342: {  	v0 =	vadd.f32 $9.083786520e-08, v0;
	v3 =	vmul.f32 v3, v1;
	v41 =	vadd.f32 $-9.231376640e-02, v41  }
0x343: {  	v2 =	vmul.f32 v2, v50;
	v35 =	vmul.f32 v35, v34;
	v58 =	vadd.f32 $-9.231376640e-02, v51  }
0x344: {  	v0 =	vadd.f32 v0, v48;
	v3 =	vadd.f32 $1.647834930e-01, v3;
	v41 =	vmul.f32 v41, v40  }
0x345: {  	v2 =	vadd.f32 $9.999914760e-01, v2;
	v35 =	vadd.f32 $1.647834930e-01, v35;
	v48 =	vmul.f32 v58, v49  }
0x346: {  	v33 =	vmax.f32 v33, $0.0e+00;
	v3 =	vmul.f32 v3, v1;
	v41 =	vadd.f32 $1.647834930e-01, v41  }
0x347: {  	v2 =	vmul.f32 v2, v50;
	v35 =	vmul.f32 v35, v34;
	v48 =	vadd.f32 $1.647834930e-01, v48  }
0x348: {  	v61 =	vmax.f32 v18, v19;
	v3 =	vadd.f32 $-2.391907130e-01, v3;
	v41 =	vmul.f32 v41, v40  }
0x349: {  	v2 =	vadd.f32 $9.083786520e-08, v2;
	v35 =	vadd.f32 $-2.391907130e-01, v35;
	v60 =	vmul.f32 v48, v49  }
0x34a: {  	v47 =	vmax.f32 v61, v20;
	v3 =	vmul.f32 v3, v1;
	v41 =	vadd.f32 $-2.391907130e-01, v41  }
0x34b: {  	v2 =	vadd.f32 v2, v45;
	v35 =	vmul.f32 v35, v34;
	v45 =	vadd.f32 $-2.391907130e-01, v60  }
0x34c: {  	v61 =	vmax.f32 v37, $0.0e+00;
	v3 =	vadd.f32 $3.313339950e-01, v3;
	v41 =	vmul.f32 v41, v40  }
0x34d: {  	v57 =	vld [tilespmem:s1+$0xE110];
	v47 =	vmax.f32 v47, v21;
	v35 =	vadd.f32 $3.313339950e-01, v35;
	v45 =	vmul.f32 v45, v49  }
0x34e: {  	v47 =	vmax.f32 v47, v22;
	v3 =	vmul.f32 v3, v1;
	v41 =	vadd.f32 $3.313339950e-01, v41  }
0x34f: {  	v47 =	vmax.f32 v47, v23;
	v35 =	vmul.f32 v35, v34;
	v45 =	vadd.f32 $3.313339950e-01, v45  }
0x350: {  	v59 =	vld [tilespmem:s1+$0xE190];
	v56 =	vmul.f32 v38, v43;
	v3 =	vadd.f32 $-4.998011590e-01, v3;
	v41 =	vmul.f32 v41, v40  }
0x351: {  	v38 =	vmul.f32 v31, v42;
	v35 =	vadd.f32 $-4.998011590e-01, v35;
	v45 =	vmul.f32 v45, v49  }
0x352: {  	v0 =	vmul.f32 v0, v57;
	v3 =	vmul.f32 v3, v1;
	v41 =	vadd.f32 $-4.998011590e-01, v41  }
0x353: {  	v47 =	vmax.f32 v47, v26;
	v35 =	vmul.f32 v35, v34;
	v45 =	vadd.f32 $-4.998011590e-01, v45  }
0x354: {  	v28 =	vadd.f32 v0, v63;
	v62 =	vadd.f32 $9.999914760e-01, v3;
	v63 =	vmul.f32 v41, v40  }
0x355: {  	v2 =	vmul.f32 v2, v59;
	v48 =	vadd.f32 $9.999914760e-01, v35;
	v50 =	vmul.f32 v45, v49  }
0x356: {  	v47 =	vmax.f32 v47, v27;
	v0 =	vmul.f32 v62, v1;
	v52 =	vadd.f32 $9.999914760e-01, v63  }
0x357: {  	v54 =	vld [tilespmem:s1+$0xE210];
	v29 =	vadd.f32 v2, v29;
	v2 =	vmul.f32 v48, v34;
	v55 =	vadd.f32 $9.999914760e-01, v50  }
0x358: {  	v57 =	vld [tilespmem:s1+$0xE290];
	v47 =	vmax.f32 v47, v17;
	v0 =	vadd.f32 $9.083786520e-08, v0;
	v1 =	vmul.f32 v52, v40  }
0x359: {  	v58 =	vmax.f32 v46, $0.0e+00;
	v59 =	vld [tilespmem:s3+$0x8000];
	v2 =	vadd.f32 $9.083786520e-08, v2;
	v34 =	vmul.f32 v55, v49  }
0x35a: {  	v47 =	vmax.f32 v47, v25;
	v60 =	vld [tilespmem:s4+$0x8000];
	v0 =	vadd.f32 v0, v58;
	v1 =	vadd.f32 $9.083786520e-08, v1  }
0x35b: {  	v51 =	vmax.f32 v47, v28;
	v2 =	vadd.f32 v2, v33;
	v34 =	vadd.f32 $9.083786520e-08, v34  }
0x35c: {  	v62 =	vmax.f32 v36, $0.0e+00;
	v0 =	vmul.f32 v0, v54;
	v1 =	vadd.f32 v1, v61  }
0x35d: {  	v63 =	vmul.f32 v30, v39;
	v2 =	vmul.f32 v2, v57;
	v33 =	vadd.f32 v34, v62  }
0x35e: {  	v53 =	vmax.f32 v51, v29;
	v30 =	vadd.f32 v0, v56;
	v1 =	vmul.f32 v1, v59  }
0x35f: {  	v39 =	vmul.f32 v32, v44;
	v31 =	vadd.f32 v2, v63;
	v41 =	vmul.f32 v33, v60  }
0x360: {  	v3 =	vmax.f32 v53, v30;
	v33 =	vadd.f32 v1, v38  }
0x361: {  	v42 =	vmax.f32 v3, v31;
	v32 =	vadd.f32 v41, v39  }
0x362: {  	v0 =	vmax.f32 v42, v33  }
0x363: {  	v34 =	vmax.f32 v0, v32  }
0x364: {  	v0 =	vsub.f32 v18, v34;
	_ =	sdelay $0x1  }
0x365: {  	v43 =	vsub.f32 v19, v34;
	v0 =	vmul.f32 $1.442695020e+00, v0;
	_ =	sdelay $0x1  }
0x366: {  	v44 =	vsub.f32 v20, v34;
	v1 =	vmul.f32 $1.442695020e+00, v43;
	(erf) = vpow2.f32 v0;
	_ =	sdelay $0x1  }
0x367: {  	v45 =	vsub.f32 v21, v34;
	v0 =	vmul.f32 $1.442695020e+00, v44;
	(erf) = vpow2.f32 v1;
	_ =	sdelay $0x1  }
0x368: {  	v47 =	vsub.f32 v22, v34;
	v46 =	vmul.f32 $1.442695020e+00, v45;
	(erf) = vpow2.f32 v0  }
0x369: {  	v49 =	vsub.f32 v23, v34  }
0x36a: {  	v48 =	vmul.f32 $1.442695020e+00, v47;
	(erf) = vpow2.f32 v46  }
0x36b: {  	v51 =	vsub.f32 v26, v34;
	v50 =	vmul.f32 $1.442695020e+00, v49  }
0x36c: {  	(erf) = vpow2.f32 v48  }
0x36d: {  	v55 =	vsub.f32 v27, v34;
	v54 =	vmul.f32 $1.442695020e+00, v51;
	v52 =	vpop (erf);
	(erf) = vpow2.f32 v50;
	_ =	sdelay $0x1  }
0x36e: {  	v57 =	vsub.f32 v17, v34;
	v56 =	vmul.f32 $1.442695020e+00, v55;
	v53 =	vpop (erf);
	(erf) = vpow2.f32 v54  }
0x36f: {  	v2 =	vadd.f32 v53, v52  }
0x370: {  	v59 =	vmul.f32 $1.442695020e+00, v57;
	v58 =	vpop (erf);
	(erf) = vpow2.f32 v56  }
0x371: {  	v61 =	vsub.f32 v25, v34;
	v2 =	vadd.f32 v2, v58  }
0x372: {  	v60 =	vpop (erf);
	(erf) = vpow2.f32 v59  }
0x373: {  	v35 =	vsub.f32 v28, v34;
	v63 =	vmul.f32 $1.442695020e+00, v61;
	v1 =	vadd.f32 v2, v60  }
0x374: {  	v38 =	vsub.f32 v29, v34;
	v62 =	vpop (erf)  }
0x375: {  	v37 =	vmul.f32 $1.442695020e+00, v35;
	v0 =	vadd.f32 v1, v62;
	v36 =	vpop (erf);
	(erf) = vpow2.f32 v63  }
0x376: {  	v41 =	vsub.f32 v30, v34  }
0x377: {  	v40 =	vmul.f32 $1.442695020e+00, v38;
	v0 =	vadd.f32 v0, v36;
	v39 =	vpop (erf);
	(erf) = vpow2.f32 v37  }
0x378: {  	v43 =	vmul.f32 $1.442695020e+00, v41  }
0x379: {  	v44 =	vsub.f32 v31, v34;
	v42 =	vpop (erf);
	(erf) = vpow2.f32 v40;
	v0 =	vadd.f32 v0, v39  }
0x37a: {  	v47 =	vsub.f32 v33, v34  }
0x37b: {  	v46 =	vmul.f32 $1.442695020e+00, v44;
	v45 =	vpop (erf);
	(erf) = vpow2.f32 v43;
	v0 =	vadd.f32 v0, v42  }
0x37c: {  	v49 =	vsub.f32 v32, v34  }
0x37d: {  	v48 =	vmul.f32 $1.442695020e+00, v47;
	(erf) = vpow2.f32 v46;
	v0 =	vadd.f32 v0, v45  }
0x37e: {  	v50 =	vpop (erf)  }
0x37f: {  	v51 =	vmul.f32 $1.442695020e+00, v49;
	(erf) = vpow2.f32 v48;
	v0 =	vadd.f32 v0, v50  }
0x380: {  	v52 =	vpop (erf)  }
0x381: {  	(erf) = vpow2.f32 v51;
	v0 =	vadd.f32 v0, v52  }
0x382: {  	v57 =	vld [tilespmem:$0x1FF80];
	v53 =	vpop (erf)  }
0x383: {  	v56 =	vld [tilespmem:$0x1FF70];
	v0 =	vadd.f32 v0, v53  }
0x384: {  	v54 =	vpop (erf)  }
0x385: {  	v60 =	vld [tilespmem:$0x1FF90];
	v0 =	vadd.f32 v0, v54  }
0x386: {  	vm12 =	veq.f32 v4, v16;
	v62 =	vld [tilespmem:$0x1FFA0];
	v55 =	vpop (erf)  }
0x387: {  	v35 =	vnsel vm12, $0x0, v24;
	vm9 =	veq.f32 v57, v16;
	v0 =	vadd.f32 v0, v55  }
0x388: {  	[tilespmem:s1+$0x14200] =	vst v35;
	v59 =	vnsel vm9, $0x0, v24;
	vm0 =	veq.f32 v56, v16;
	v58 =	vpop (erf)  }
0x389: {  	vm13 =	veq.f32 v5, v16;
	[tilespmem:s1+$0x14080] =	vst v59;
	v2 =	vnsel vm0, $0x0, v24;
	v0 =	vadd.f32 v0, v58  }
0x38a: {  	[tilespmem:s1+$0x14000] =	vst v2;
	v36 =	vnsel vm13, $0x0, v24;
	vm10 =	veq.f32 v60, v16;
	v4 =	vpop (erf)  }
0x38b: {  	[tilespmem:s1+$0x14280] =	vst v36;
	v61 =	vnsel vm10, $0x0, v24;
	vm11 =	veq.f32 v62, v16;
	v0 =	vadd.f32 v0, v4  }
0x38c: {  	vm14 =	veq.f32 v6, v16;
	[tilespmem:s1+$0x14100] =	vst v61;
	v63 =	vnsel vm11, $0x0, v24  }
0x38d: {  	vm15 =	veq.f32 v7, v16;
	v37 =	vnsel vm14, $0x0, v24;
	[tilespmem:s1+$0x14180] =	vst v63;
	(erf) = vrcp.f32 v0  }
0x38e: {  	vm4 =	veq.f32 v8, v16;
	v38 =	vnsel vm15, $0x0, v24;
	[tilespmem:s15+$0x10000] =	vst v37  }
0x38f: {  	vm5 =	veq.f32 v9, v16;
	v39 =	vnsel vm4, $0x0, v24;
	[tilespmem:s16+$0x10000] =	vst v38  }
0x390: {  	vm6 =	veq.f32 v10, v16;
	v40 =	vnsel vm5, $0x0, v24;
	[tilespmem:s1+$0x16000] =	vst v39  }
0x391: {  	vm7 =	veq.f32 v11, v16;
	v41 =	vnsel vm6, $0x0, v24;
	[tilespmem:s1+$0x16080] =	vst v40  }
0x392: {  	vm8 =	veq.f32 v12, v16;
	v42 =	vnsel vm7, $0x0, v24;
	[tilespmem:s1+$0x16100] =	vst v41  }
0x393: {  	vm9 =	veq.f32 v13, v16;
	v43 =	vnsel vm8, $0x0, v24;
	[tilespmem:s1+$0x16180] =	vst v42  }
0x394: {  	v44 =	vnsel vm9, $0x0, v24;
	vm10 =	veq.f32 v15, v16;
	[tilespmem:s1+$0x16200] =	vst v43  }
0x395: {  	vm11 =	veq.f32 v14, v16;
	v45 =	vnsel vm10, $0x0, v24;
	[tilespmem:s1+$0x16280] =	vst v44  }
0x396: {  	vm12 =	veq.f32 v18, v34;
	v46 =	vnsel vm11, $0x0, v24;
	[tilespmem:s17+$0x10000] =	vst v45;
	v47 =	vpop (erf)  }
0x397: {  	vm13 =	veq.f32 v19, v34;
	[tilespmem:s19+$0x10000] =	vst v46;
	v48 =	vnsel vm12, $0x0, v47  }
0x398: {  	vm14 =	veq.f32 v20, v34;
	v49 =	vnsel vm13, $0x0, v47;
	[tilespmem:s1+$0x14010] =	vst v48  }
0x399: {  	vm15 =	veq.f32 v21, v34;
	v50 =	vnsel vm14, $0x0, v47;
	[tilespmem:s1+$0x14090] =	vst v49  }
0x39a: {  	vm4 =	veq.f32 v22, v34;
	v51 =	vnsel vm15, $0x0, v47;
	[tilespmem:s1+$0x14110] =	vst v50  }
0x39b: {  	vm5 =	veq.f32 v23, v34;
	v52 =	vnsel vm4, $0x0, v47;
	[tilespmem:s1+$0x14190] =	vst v51  }
0x39c: {  	vm6 =	veq.f32 v26, v34;
	v53 =	vnsel vm5, $0x0, v47;
	[tilespmem:s1+$0x14210] =	vst v52  }
0x39d: {  	vm7 =	veq.f32 v27, v34;
	v54 =	vnsel vm6, $0x0, v47;
	[tilespmem:s1+$0x14290] =	vst v53  }
0x39e: {  	vm8 =	veq.f32 v17, v34;
	v55 =	vnsel vm7, $0x0, v47;
	[tilespmem:s21+$0x10000] =	vst v54  }
0x39f: {  	vm9 =	veq.f32 v25, v34;
	v56 =	vnsel vm8, $0x0, v47;
	[tilespmem:s24+$0x10000] =	vst v55  }
0x3a0: {  	vm10 =	veq.f32 v28, v34;
	v57 =	vnsel vm9, $0x0, v47;
	[tilespmem:s1+$0x16010] =	vst v56  }
0x3a1: {  	s29 =	sadd.s32 $0x2, s29;
	vm11 =	veq.f32 v29, v34;
	v58 =	vnsel vm10, $0x0, v47;
	[tilespmem:s1+$0x16090] =	vst v57  }
0x3a2: {  	p0 =	slt.u32 s29, $0x3E;
	v59 =	vnsel vm11, $0x0, v47;
	vm12 =	veq.f32 v30, v34;
	[tilespmem:s1+$0x16110] =	vst v58  }
.Ltmp1:
0x3a3: {  	vm13 =	veq.f32 v31, v34;
	v60 =	vnsel vm12, $0x0, v47;
	[tilespmem:s1+$0x16190] =	vst v59;
	(pc) =	sbr.rel @p0 .LBB2_4-.Ltmp1, $4  }
0x3a4: {  	vm14 =	veq.f32 v33, v34;
	v61 =	vnsel vm13, $0x0, v47;
	[tilespmem:s1+$0x16210] =	vst v60  }
0x3a5: {  	vm15 =	veq.f32 v32, v34;
	v62 =	vnsel vm14, $0x0, v47;
	[tilespmem:s1+$0x16290] =	vst v61  }
0x3a6: {  	v63 =	vnsel vm15, $0x0, v47;
	[tilespmem:s3+$0x10000] =	vst v62  }
0x3a7: {  	s31 =	sadd.s32 $0x1, s31;
	s30 =	sadd.s32 $0x20, s30;
	s0 =	sadd.s32 $0x100, s0;
	[tilespmem:s4+$0x10000] =	vst v63  }
0x3a8: {  	s0 =	simm.s32 $0x14000;
	s28 =	sadd.s32 $0x1, s28  }
0x3a9: {  	[hbm4b:s11+s13] =	stream.strided.scatter [tilespmem:s0], [sflag:$0x6], $0x4000, s14, s13, $0x38;
	[tilespmem:$0x19000] =	vst v63  }
0x3aa: {  	p0 =	sne.s32 s28, s12;
	_ =	swait.ge [sflag:s25], $0x4000  }
.Ltmp2:
0x3ab: {  	[sflag:s25] =	ssyncset.done $0x0;
	(pc) =	sbr.rel @p0 .LBB2_1-.Ltmp2, $4  }
0x3ac: {  	[sflag:s25] =	ssyncadd.s32 $0xFFFFC000  }
0x3ad: {  	_ =	swait.ge [sflag:s26], $0x4000  }
0x3ae: {  	[sflag:s26] =	ssyncset.done $0x0  }
0x3af: {  	[sflag:s26] =	ssyncadd.s32 $0xFFFFC000  }
0x3b0: {  	_ =	sfence.sel $0x180000  }
0x3b1: {  	[bflag:$0x0] =	sbarrier.arrive $0xFFFF  }
0x3b2: {  	_ =	strace $0x90000047  }
0x3b3: {  	s0 =	stileid.u32;
	[bflag:$0x2] =	sbarrier.arrive $0xFFFF  }
0x3b4: {  	p0 =	sne.s32 s0, $0x0;
	s0 =	rddreg [dreg:$0x2]  }
0x3b5: {  	s0 =	sadd.s32 @!p0 $0x100000, s0  }
0x3b6: {  	[sflag:s0] =	ssyncadd.tile.s32 @!p0 $0x1;
	_ =	shalt  }
.Lfunc_end2:
_tile_overlayer_lowered:
.L_overlay_start_2:
0x3b7: {  	(tag) =	ssettag $0x2  }
0x3b8: {  	s0 =	rddreg [dreg:$0x0];
	s2 =	stileid.u32  }
0x3b9: {  	s1 =	rddreg [dreg:$0x1];
	p0 =	sne.s32 s2, $0x0  }
0x3ba: {  	s3 =	rddreg [dreg:$0x2];
	[bflag:$0x3] =	sbarrier.arrive $0xFFFF;
	s2 =	simm.s32 @!p0 $0x1C07  }
0x3bb: {  	[timem:s3], [sflag:s2] =	dma.local @!p0 [hbm:s0], s1  }
0x3bc: {  	s0 =	simm.s32 @!p0 $0x7  }
0x3bd: {  	_ =	swait.ge @!p0 [sflag:s0], s1  }
0x3be: {  	s1 =	ssub.s32 @!p0 $0x0, s1;
	[sflag:s0] =	ssyncset.done @!p0 $0x0  }
0x3bf: {  	[sflag:s0] =	ssyncadd.s32 @!p0 s1  }
0x3c0: {  	[bflag:$0x3] =	sbarrier.arrive $0xFFFF  }
0x3c1: {  	_ =	shalt  }

</sc_bundles>
